<compile_context>
chip_gen: v7x
topology: tpu7x:2x2x1
jax: 0.10.2.dev20260603
libtpu: 0.0.44.dev20260713+nightly
codegen_flags: <defaults>
</compile_context>

<pallas_src>
import functools

import jax
import jax.numpy as jnp
from jax import lax
from jax.experimental import pallas as pl
from jax.experimental.pallas import tpu as pltpu
from jax.experimental.pallas import tpu_sc as plsc

NUM_BINS = 256
H = W = 8192
N = H * W
NC, NS, L = 2, 16, 16
NW = NC * NS
PER_W = N // NW
CHUNK = 16384
NCH = PER_W // CHUNK
VPC = CHUNK // L
KU = 8

_mesh = plsc.VectorSubcoreMesh(core_axis_name="c", subcore_axis_name="s")
_params = pltpu.CompilerParams(needs_layout_passes=False)


def _quantize_staged(xs):
    ts = [x + 1.0 for x in xs]
    ts = [t * 127.5 for t in ts]
    ts = [jnp.maximum(t, 0.0) for t in ts]
    ts = [jnp.minimum(t, 255.0) for t in ts]
    return [t.astype(jnp.int32) for t in ts]


@functools.partial(
    pl.kernel,
    out_type=jax.ShapeDtypeStruct((NW * NUM_BINS,), jnp.float32),
    mesh=_mesh,
    compiler_params=_params,
    scratch_types=[
        pltpu.VMEM((2, CHUNK), jnp.float32),
        pltpu.VMEM((KU * L * NUM_BINS,), jnp.float32),
        pltpu.VMEM((NUM_BINS,), jnp.float32),
        pltpu.SemaphoreType.DMA,
        pltpu.SemaphoreType.DMA,
    ],
)
def _hist_kernel(x_hbm, parts_hbm, in_v, hist2, hist1, sem0, sem1):
    wid = lax.axis_index("s") * NC + lax.axis_index("c")
    base = wid * PER_W
    sems = (sem0, sem1)

    zeros16 = jnp.zeros((L,), jnp.float32)

    @pl.loop(0, KU * L * NUM_BINS // (L * KU))
    def _zero(i):
        for m in range(KU):
            hist2[pl.ds((i * KU + m) * L, L)] = zeros16

    lane_off = lax.iota(jnp.int32, L) * NUM_BINS
    ones = jnp.ones((L,), jnp.float32)
    SUB = L * NUM_BINS

    pltpu.async_copy(x_hbm.at[pl.ds(base, CHUNK)], in_v.at[0], sem0)
    pltpu.async_copy(x_hbm.at[pl.ds(base + CHUNK, CHUNK)], in_v.at[1], sem1)

    @pl.loop(0, NCH, step=2)
    def _chunks(g):
        for b in range(2):
            c = g + b
            pltpu.make_async_copy(
                x_hbm.at[pl.ds(base + c * CHUNK, CHUNK)], in_v.at[b], sems[b]
            ).wait()

            def _scatter_group(xs):
                idxs = _quantize_staged(list(xs))
                addrs = [idx + lane_off for idx in idxs]
                for j, a in enumerate(addrs):
                    plsc.addupdate_scatter(
                        hist2.at[pl.ds(j * SUB, SUB)], [a], ones
                    )

            first = tuple(in_v[b, pl.ds(j * L, L)] for j in range(KU))

            @pl.loop(1, VPC // KU, init_carry=first)
            def _last(i, xs_prev):
                o = i * (KU * L)
                xs_next = tuple(
                    in_v[b, pl.ds(o + j * L, L)] for j in range(KU)
                )
                _scatter_group(xs_prev)
                return xs_next

            _scatter_group(_last)

            @pl.when(c + 2 < NCH)
            def _refill():
                pltpu.async_copy(
                    x_hbm.at[pl.ds(base + (c + 2) * CHUNK, CHUNK)],
                    in_v.at[b],
                    sems[b],
                )

    @pl.loop(0, NUM_BINS // L)
    def _reduce(g):
        accs = [jnp.zeros((L,), jnp.float32) for _ in range(KU)]
        for k in range(KU * L):
            accs[k % KU] = accs[k % KU] + hist2[pl.ds(k * NUM_BINS + g * L, L)]
        acc = accs[0]
        for m in range(1, KU):
            acc = acc + accs[m]
        hist1[pl.ds(g * L, L)] = acc

    pltpu.sync_copy(hist1, parts_hbm.at[pl.ds(wid * NUM_BINS, NUM_BINS)])


@functools.partial(
    pl.kernel,
    out_type=jax.ShapeDtypeStruct((N,), jnp.float32),
    mesh=_mesh,
    compiler_params=_params,
    scratch_types=[
        pltpu.VMEM((2, CHUNK), jnp.float32),
        pltpu.VMEM((2, CHUNK), jnp.float32),
        pltpu.VMEM((NUM_BINS,), jnp.float32),
        pltpu.SemaphoreType.DMA,
        pltpu.SemaphoreType.DMA,
        pltpu.SemaphoreType.DMA,
        pltpu.SemaphoreType.DMA,
    ],
)
def _apply_kernel(x_hbm, table_hbm, y_hbm, in_v, out_v,
                  table_v, sem0, sem1, semo0, semo1):
    wid = lax.axis_index("s") * NC + lax.axis_index("c")
    base = wid * PER_W
    sems = (sem0, sem1)
    semos = (semo0, semo1)

    pltpu.async_copy(x_hbm.at[pl.ds(base, CHUNK)], in_v.at[0], sem0)
    pltpu.async_copy(x_hbm.at[pl.ds(base + CHUNK, CHUNK)], in_v.at[1], sem1)

    pltpu.sync_copy(table_hbm, table_v)

    @pl.loop(0, NCH, step=2)
    def _chunks(g):
        for b in range(2):
            c = g + b
            pltpu.make_async_copy(
                x_hbm.at[pl.ds(base + c * CHUNK, CHUNK)], in_v.at[b], sems[b]
            ).wait()

            @pl.when(c >= 2)
            def _drain_out():
                pltpu.make_async_copy(
                    out_v.at[b],
                    y_hbm.at[pl.ds(base + (c - 2) * CHUNK, CHUNK)],
                    semos[b],
                ).wait()

            @pl.loop(0, VPC // KU)
            def _vecs(i):
                o = i * (KU * L)
                xs = [in_v[b, pl.ds(o + j * L, L)] for j in range(KU)]
                idxs = _quantize_staged(xs)
                res = [plsc.load_gather(table_v, [idx]) for idx in idxs]
                for j in range(KU):
                    out_v[b, pl.ds(o + j * L, L)] = res[j]

            pltpu.async_copy(
                out_v.at[b], y_hbm.at[pl.ds(base + c * CHUNK, CHUNK)], semos[b]
            )

            @pl.when(c + 2 < NCH)
            def _refill():
                pltpu.async_copy(
                    x_hbm.at[pl.ds(base + (c + 2) * CHUNK, CHUNK)],
                    in_v.at[b],
                    sems[b],
                )

    for b in range(2):
        pltpu.make_async_copy(
            out_v.at[b],
            y_hbm.at[pl.ds(base + (NCH - 2 + b) * CHUNK, CHUNK)],
            semos[b],
        ).wait()


def kernel(source):
    x = source.reshape(-1)
    parts = _hist_kernel(x)

    hist = parts.reshape(NW, NUM_BINS).sum(axis=0)
    cdf = jnp.cumsum(hist)
    src_cdf = cdf / cdf[-1]
    nv = jnp.linspace(-1.0, 1.0, NUM_BINS)
    ncdf = jax.scipy.stats.norm.cdf(nv, loc=0.0, scale=0.2)
    ncdf = ncdf / ncdf[-1]
    lut = jnp.searchsorted(ncdf, src_cdf, side="left").astype(jnp.float32)
    table = (lut / (NUM_BINS - 1) * 2.0 - 1.0).astype(jnp.float32)

    y = _apply_kernel(x, table)
    return y.reshape(source.shape)

# --- scband reference (transcript-rebuilt; emitter-appended) ---
"""Pipeline reference for scband-match-histogram-15066745275095 (READ-ONLY COPY).

The authoritative reference and input builder live on the scoring server;
editing this copy changes nothing except your own understanding.
"""

import jax, jax.numpy as jnp
import numpy as np

MEAN = 0.0
STD = 0.2
NUM_BINS = 256


def setup_inputs(seed: int = 0) -> dict:
    key = jax.random.key(seed)
    source = jax.random.normal(key, (8192, 8192), dtype=jnp.float32)
    return {"source": source}


def reference(source):
    # source_normalized = ((source + 1) / 2 * 255).clamp(0, 255).long()
    vals = jnp.clip((source + 1.0) / 2.0 * 255.0, 0.0, 255.0)
    vals_int = vals.astype(jnp.int32)
    flat = vals_int.reshape(-1)

    # torch.histc(x.float(), bins=256, min=0, max=255): bin width 255/256,
    # integer value v -> bin floor(v*256/255), v=255 lands in last bin.
    bin_idx = jnp.minimum((flat * 256) // 255, NUM_BINS - 1)
    src_hist = jnp.zeros((NUM_BINS,), dtype=jnp.float32).at[bin_idx].add(1.0)

    # CDF of source histogram
    cdf = jnp.cumsum(src_hist)
    src_cdf = cdf / cdf[-1]

    # target normal CDF over linspace(-1, 1, num_bins)
    normal_values = jnp.linspace(-1.0, 1.0, NUM_BINS)
    normal_cdf = jax.scipy.stats.norm.cdf(normal_values, loc=MEAN, scale=STD)
    normal_cdf = normal_cdf / normal_cdf[-1]

    # lookup_table[src_pixel] = searchsorted(normal_cdf, src_cdf[src_pixel])
    lookup_table = jnp.searchsorted(normal_cdf, src_cdf, side="left").astype(jnp.float32)

    # gather through LUT
    matched_flat = lookup_table[flat]
    matched = matched_flat.reshape(source.shape)
    matched = matched / (NUM_BINS - 1) * 2.0 - 1.0
    return matched

if __name__ == "__main__":
    import jax
    _d = setup_inputs()
    print(jax.jit(kernel)(*tuple(_d.values())))

</pallas_src>

<mosaic_0001>
#map = affine_map<(d0, d1) -> (0)>
module attributes {stable_mosaic.version = 14 : i64} {
  func.func @_hist_kernel(%arg0: i32, %arg1: i32, %arg2: memref<67108864xf32, #tpu.memory_space<hbm>>, %arg3: memref<8192xf32, #tpu.memory_space<hbm>>, %arg4: memref<2x16384xf32, #tpu.memory_space<vmem>>, %arg5: memref<32768xf32, #tpu.memory_space<vmem>>, %arg6: memref<256xf32, #tpu.memory_space<vmem>>, %arg7: memref<!tpu.dma_semaphore, #tpu.memory_space<semaphore_mem>>, %arg8: memref<!tpu.dma_semaphore, #tpu.memory_space<semaphore_mem>>) attributes {dimension_semantics = [#tpu.dimension_semantics<core_parallel>, #tpu.dimension_semantics<subcore_parallel>], iteration_bounds = array<i64: 2, 16>, scalar_prefetch = 0 : i64, scratch_operands = 5 : i64, tpu.core_type = #tpu.core_type<sc_vector_subcore>, window_params = [{transform_indices = #map}, {transform_indices = #map}]} {
    %mul3A = arith.constant 2 : i32
    %mul3A_0 = arith.muli %arg1, %mul3A : i32
    %add3A = arith.addi %mul3A_0, %arg0 : i32
    %mul3A_1 = arith.constant 2097152 : i32
    %mul3A_2 = arith.muli %add3A, %mul3A_1 : i32
    %broadcast_in_dim3A = arith.constant 0.000000e+00 : f32
    %broadcast_in_dim3A_3 = vector.broadcast %broadcast_in_dim3A : f32 to vector<16xf32>
    %scan3A = arith.constant 0 : i32
    %scan3A_4 = arith.constant 256 : i32
    %scan3A_5 = arith.addi %scan3A, %scan3A_4 : i32
    %scan3A_6 = arith.constant 1 : i32
    scf.for %scan3A_44 = %scan3A to %scan3A_5 step %scan3A_6  : i32 {
      %mul3A_45 = arith.constant 1 : i32
      %mul3A_46 = arith.muli %scan3A_44, %mul3A_45 : i32
      %add3A_47 = arith.constant 0 : i32
      %add3A_48 = arith.addi %add3A_47, %mul3A_46 : i32
      %mul3A_49 = arith.constant 8 : i32
      %mul3A_50 = arith.muli %add3A_48, %mul3A_49 : i32
      %add3A_51 = arith.constant 0 : i32
      %add3A_52 = arith.addi %mul3A_50, %add3A_51 : i32
      %mul3A_53 = arith.constant 16 : i32
      %mul3A_54 = arith.muli %add3A_52, %mul3A_53 : i32
      %swap3A = arith.index_cast %mul3A_54 : i32 to index
      %swap3A_55 = tpu.vector_load %arg5[%swap3A] {strides = array<i32>} : memref<32768xf32, #tpu.memory_space<vmem>>, vector<16xf32>,
      tpu.vector_store %arg5[%swap3A], %broadcast_in_dim3A_3 {strides = array<i32>} : memref<32768xf32, #tpu.memory_space<vmem>>, vector<16xf32>,
      %mul3A_56 = arith.constant 8 : i32
      %mul3A_57 = arith.muli %add3A_48, %mul3A_56 : i32
      %add3A_58 = arith.constant 1 : i32
      %add3A_59 = arith.addi %mul3A_57, %add3A_58 : i32
      %mul3A_60 = arith.constant 16 : i32
      %mul3A_61 = arith.muli %add3A_59, %mul3A_60 : i32
      %swap3A_62 = arith.index_cast %mul3A_61 : i32 to index
      %swap3A_63 = tpu.vector_load %arg5[%swap3A_62] {strides = array<i32>} : memref<32768xf32, #tpu.memory_space<vmem>>, vector<16xf32>,
      tpu.vector_store %arg5[%swap3A_62], %broadcast_in_dim3A_3 {strides = array<i32>} : memref<32768xf32, #tpu.memory_space<vmem>>, vector<16xf32>,
      %mul3A_64 = arith.constant 8 : i32
      %mul3A_65 = arith.muli %add3A_48, %mul3A_64 : i32
      %add3A_66 = arith.constant 2 : i32
      %add3A_67 = arith.addi %mul3A_65, %add3A_66 : i32
      %mul3A_68 = arith.constant 16 : i32
      %mul3A_69 = arith.muli %add3A_67, %mul3A_68 : i32
      %swap3A_70 = arith.index_cast %mul3A_69 : i32 to index
      %swap3A_71 = tpu.vector_load %arg5[%swap3A_70] {strides = array<i32>} : memref<32768xf32, #tpu.memory_space<vmem>>, vector<16xf32>,
      tpu.vector_store %arg5[%swap3A_70], %broadcast_in_dim3A_3 {strides = array<i32>} : memref<32768xf32, #tpu.memory_space<vmem>>, vector<16xf32>,
      %mul3A_72 = arith.constant 8 : i32
      %mul3A_73 = arith.muli %add3A_48, %mul3A_72 : i32
      %add3A_74 = arith.constant 3 : i32
      %add3A_75 = arith.addi %mul3A_73, %add3A_74 : i32
      %mul3A_76 = arith.constant 16 : i32
      %mul3A_77 = arith.muli %add3A_75, %mul3A_76 : i32
      %swap3A_78 = arith.index_cast %mul3A_77 : i32 to index
      %swap3A_79 = tpu.vector_load %arg5[%swap3A_78] {strides = array<i32>} : memref<32768xf32, #tpu.memory_space<vmem>>, vector<16xf32>,
      tpu.vector_store %arg5[%swap3A_78], %broadcast_in_dim3A_3 {strides = array<i32>} : memref<32768xf32, #tpu.memory_space<vmem>>, vector<16xf32>,
      %mul3A_80 = arith.constant 8 : i32
      %mul3A_81 = arith.muli %add3A_48, %mul3A_80 : i32
      %add3A_82 = arith.constant 4 : i32
      %add3A_83 = arith.addi %mul3A_81, %add3A_82 : i32
      %mul3A_84 = arith.constant 16 : i32
      %mul3A_85 = arith.muli %add3A_83, %mul3A_84 : i32
      %swap3A_86 = arith.index_cast %mul3A_85 : i32 to index
      %swap3A_87 = tpu.vector_load %arg5[%swap3A_86] {strides = array<i32>} : memref<32768xf32, #tpu.memory_space<vmem>>, vector<16xf32>,
      tpu.vector_store %arg5[%swap3A_86], %broadcast_in_dim3A_3 {strides = array<i32>} : memref<32768xf32, #tpu.memory_space<vmem>>, vector<16xf32>,
      %mul3A_88 = arith.constant 8 : i32
      %mul3A_89 = arith.muli %add3A_48, %mul3A_88 : i32
      %add3A_90 = arith.constant 5 : i32
      %add3A_91 = arith.addi %mul3A_89, %add3A_90 : i32
      %mul3A_92 = arith.constant 16 : i32
      %mul3A_93 = arith.muli %add3A_91, %mul3A_92 : i32
      %swap3A_94 = arith.index_cast %mul3A_93 : i32 to index
      %swap3A_95 = tpu.vector_load %arg5[%swap3A_94] {strides = array<i32>} : memref<32768xf32, #tpu.memory_space<vmem>>, vector<16xf32>,
      tpu.vector_store %arg5[%swap3A_94], %broadcast_in_dim3A_3 {strides = array<i32>} : memref<32768xf32, #tpu.memory_space<vmem>>, vector<16xf32>,
      %mul3A_96 = arith.constant 8 : i32
      %mul3A_97 = arith.muli %add3A_48, %mul3A_96 : i32
      %add3A_98 = arith.constant 6 : i32
      %add3A_99 = arith.addi %mul3A_97, %add3A_98 : i32
      %mul3A_100 = arith.constant 16 : i32
      %mul3A_101 = arith.muli %add3A_99, %mul3A_100 : i32
      %swap3A_102 = arith.index_cast %mul3A_101 : i32 to index
      %swap3A_103 = tpu.vector_load %arg5[%swap3A_102] {strides = array<i32>} : memref<32768xf32, #tpu.memory_space<vmem>>, vector<16xf32>,
      tpu.vector_store %arg5[%swap3A_102], %broadcast_in_dim3A_3 {strides = array<i32>} : memref<32768xf32, #tpu.memory_space<vmem>>, vector<16xf32>,
      %mul3A_104 = arith.constant 8 : i32
      %mul3A_105 = arith.muli %add3A_48, %mul3A_104 : i32
      %add3A_106 = arith.constant 7 : i32
      %add3A_107 = arith.addi %mul3A_105, %add3A_106 : i32
      %mul3A_108 = arith.constant 16 : i32
      %mul3A_109 = arith.muli %add3A_107, %mul3A_108 : i32
      %swap3A_110 = arith.index_cast %mul3A_109 : i32 to index
      %swap3A_111 = tpu.vector_load %arg5[%swap3A_110] {strides = array<i32>} : memref<32768xf32, #tpu.memory_space<vmem>>, vector<16xf32>,
      tpu.vector_store %arg5[%swap3A_110], %broadcast_in_dim3A_3 {strides = array<i32>} : memref<32768xf32, #tpu.memory_space<vmem>>, vector<16xf32>,
    }
    %scan3A_7 = arith.constant 256 : i32
    %iota3A = tpu.iota {dimensions = array<i32: 0>} : vector<16xi32>
    %mul3A_8 = arith.constant 256 : i32
    %mul3A_9 = vector.broadcast %mul3A_8 : i32 to vector<16xi32>
    %mul3A_10 = arith.muli %iota3A, %mul3A_9 : vector<16xi32>
    %broadcast_in_dim3A_11 = arith.constant 1.000000e+00 : f32
    %broadcast_in_dim3A_12 = vector.broadcast %broadcast_in_dim3A_11 : f32 to vector<16xf32>
    %dma_start3A = arith.constant 0 : i32
    %dma_start3A_13 = arith.constant 0 : i32
    %dma_start3A_14 = tpu.memref_slice %arg4[%dma_start3A, %dma_start3A_13] : memref<2x16384xf32, #tpu.memory_space<vmem>> -> memref<1x16384xf32, #tpu.memory_space<vmem>>
    %dma_start3A_15 = tpu.memref_squeeze %dma_start3A_14 : memref<1x16384xf32, #tpu.memory_space<vmem>> -> memref<16384xf32, #tpu.memory_space<vmem>>
    %dma_start3A_16 = tpu.memref_slice %arg2[%mul3A_2] : memref<67108864xf32, #tpu.memory_space<hbm>> -> memref<16384xf32, #tpu.memory_space<hbm>>
    %dma_start3A_17 = arith.constant 0 : i32
    %dma_start3A_18 = tpu.memref_slice %arg4[%dma_start3A, %dma_start3A_17] : memref<2x16384xf32, #tpu.memory_space<vmem>> -> memref<1x16384xf32, #tpu.memory_space<vmem>>
    %dma_start3A_19 = tpu.memref_squeeze %dma_start3A_18 : memref<1x16384xf32, #tpu.memory_space<vmem>> -> memref<16384xf32, #tpu.memory_space<vmem>>
    %dma_start3A_20 = tpu.memref_slice %arg2[%mul3A_2] : memref<67108864xf32, #tpu.memory_space<hbm>> -> memref<16384xf32, #tpu.memory_space<hbm>>
    tpu.enqueue_dma source(%dma_start3A_20 : memref<16384xf32, #tpu.memory_space<hbm>>) target(%dma_start3A_19 : memref<16384xf32, #tpu.memory_space<vmem>>) target_semaphore(%arg7 : memref<!tpu.dma_semaphore, #tpu.memory_space<semaphore_mem>>)
    %add3A_21 = arith.constant 16384 : i32
    %add3A_22 = arith.addi %mul3A_2, %add3A_21 : i32
    %dma_start3A_23 = arith.constant 1 : i32
    %dma_start3A_24 = arith.constant 0 : i32
    %dma_start3A_25 = tpu.memref_slice %arg4[%dma_start3A_23, %dma_start3A_24] : memref<2x16384xf32, #tpu.memory_space<vmem>> -> memref<1x16384xf32, #tpu.memory_space<vmem>>
    %dma_start3A_26 = tpu.memref_squeeze %dma_start3A_25 : memref<1x16384xf32, #tpu.memory_space<vmem>> -> memref<16384xf32, #tpu.memory_space<vmem>>
    %dma_start3A_27 = tpu.memref_slice %arg2[%add3A_22] : memref<67108864xf32, #tpu.memory_space<hbm>> -> memref<16384xf32, #tpu.memory_space<hbm>>
    %dma_start3A_28 = arith.constant 0 : i32
    %dma_start3A_29 = tpu.memref_slice %arg4[%dma_start3A_23, %dma_start3A_28] : memref<2x16384xf32, #tpu.memory_space<vmem>> -> memref<1x16384xf32, #tpu.memory_space<vmem>>
    %dma_start3A_30 = tpu.memref_squeeze %dma_start3A_29 : memref<1x16384xf32, #tpu.memory_space<vmem>> -> memref<16384xf32, #tpu.memory_space<vmem>>
    %dma_start3A_31 = tpu.memref_slice %arg2[%add3A_22] : memref<67108864xf32, #tpu.memory_space<hbm>> -> memref<16384xf32, #tpu.memory_space<hbm>>
    tpu.enqueue_dma source(%dma_start3A_31 : memref<16384xf32, #tpu.memory_space<hbm>>) target(%dma_start3A_30 : memref<16384xf32, #tpu.memory_space<vmem>>) target_semaphore(%arg8 : memref<!tpu.dma_semaphore, #tpu.memory_space<semaphore_mem>>)
    %scan3A_32 = arith.constant 0 : i32
    %scan3A_33 = arith.constant 64 : i32
    %scan3A_34 = arith.addi %scan3A_32, %scan3A_33 : i32
    %scan3A_35 = arith.constant 1 : i32
    scf.for %scan3A_44 = %scan3A_32 to %scan3A_34 step %scan3A_35  : i32 {
      %mul3A_45 = arith.constant 2 : i32
      %mul3A_46 = arith.muli %scan3A_44, %mul3A_45 : i32
      %add3A_47 = arith.constant 0 : i32
      %add3A_48 = arith.addi %add3A_47, %mul3A_46 : i32
      %add3A_49 = arith.constant 0 : i32
      %add3A_50 = arith.addi %add3A_48, %add3A_49 : i32
      %mul3A_51 = arith.constant 16384 : i32
      %mul3A_52 = arith.muli %add3A_50, %mul3A_51 : i32
      %add3A_53 = arith.addi %mul3A_2, %mul3A_52 : i32
      %dma_wait3A = arith.constant 0 : i32
      %dma_wait3A_54 = arith.constant 0 : i32
      %dma_wait3A_55 = tpu.memref_slice %arg4[%dma_wait3A, %dma_wait3A_54] : memref<2x16384xf32, #tpu.memory_space<vmem>> -> memref<1x16384xf32, #tpu.memory_space<vmem>>
      %dma_wait3A_56 = tpu.memref_squeeze %dma_wait3A_55 : memref<1x16384xf32, #tpu.memory_space<vmem>> -> memref<16384xf32, #tpu.memory_space<vmem>>
      %dma_wait3A_57 = tpu.memref_slice %arg2[%add3A_53] : memref<67108864xf32, #tpu.memory_space<hbm>> -> memref<16384xf32, #tpu.memory_space<hbm>>
      %dma_wait3A_58 = arith.constant 0 : i32
      %dma_wait3A_59 = tpu.memref_slice %arg4[%dma_wait3A, %dma_wait3A_58] : memref<2x16384xf32, #tpu.memory_space<vmem>> -> memref<1x16384xf32, #tpu.memory_space<vmem>>
      %dma_wait3A_60 = tpu.memref_squeeze %dma_wait3A_59 : memref<1x16384xf32, #tpu.memory_space<vmem>> -> memref<16384xf32, #tpu.memory_space<vmem>>
      %dma_wait3A_61 = tpu.memref_slice %arg2[%add3A_53] : memref<67108864xf32, #tpu.memory_space<hbm>> -> memref<16384xf32, #tpu.memory_space<hbm>>
      tpu.wait_dma2 semaphore(%arg7 : memref<!tpu.dma_semaphore, #tpu.memory_space<semaphore_mem>>) src(%dma_wait3A_61 : memref<16384xf32, #tpu.memory_space<hbm>>) dst(%dma_wait3A_60 : memref<16384xf32, #tpu.memory_space<vmem>>)
      %get3A = arith.constant 0 : i32
      %get3A_62 = arith.index_cast %get3A : i32 to index
      %get3A_63 = arith.constant 0 : index
      %get3A_64 = tpu.vector_load %arg4[%get3A_62, %get3A_63] {strides = array<i32>} : memref<2x16384xf32, #tpu.memory_space<vmem>>, vector<16xf32>,
      %get3A_65 = arith.constant 0 : i32
      %get3A_66 = arith.index_cast %get3A_65 : i32 to index
      %get3A_67 = arith.constant 16 : index
      %get3A_68 = tpu.vector_load %arg4[%get3A_66, %get3A_67] {strides = array<i32>} : memref<2x16384xf32, #tpu.memory_space<vmem>>, vector<16xf32>,
      %get3A_69 = arith.constant 0 : i32
      %get3A_70 = arith.index_cast %get3A_69 : i32 to index
      %get3A_71 = arith.constant 32 : index
      %get3A_72 = tpu.vector_load %arg4[%get3A_70, %get3A_71] {strides = array<i32>} : memref<2x16384xf32, #tpu.memory_space<vmem>>, vector<16xf32>,
      %get3A_73 = arith.constant 0 : i32
      %get3A_74 = arith.index_cast %get3A_73 : i32 to index
      %get3A_75 = arith.constant 48 : index
      %get3A_76 = tpu.vector_load %arg4[%get3A_74, %get3A_75] {strides = array<i32>} : memref<2x16384xf32, #tpu.memory_space<vmem>>, vector<16xf32>,
      %get3A_77 = arith.constant 0 : i32
      %get3A_78 = arith.index_cast %get3A_77 : i32 to index
      %get3A_79 = arith.constant 64 : index
      %get3A_80 = tpu.vector_load %arg4[%get3A_78, %get3A_79] {strides = array<i32>} : memref<2x16384xf32, #tpu.memory_space<vmem>>, vector<16xf32>,
      %get3A_81 = arith.constant 0 : i32
      %get3A_82 = arith.index_cast %get3A_81 : i32 to index
      %get3A_83 = arith.constant 80 : index
      %get3A_84 = tpu.vector_load %arg4[%get3A_82, %get3A_83] {strides = array<i32>} : memref<2x16384xf32, #tpu.memory_space<vmem>>, vector<16xf32>,
      %get3A_85 = arith.constant 0 : i32
      %get3A_86 = arith.index_cast %get3A_85 : i32 to index
      %get3A_87 = arith.constant 96 : index
      %get3A_88 = tpu.vector_load %arg4[%get3A_86, %get3A_87] {strides = array<i32>} : memref<2x16384xf32, #tpu.memory_space<vmem>>, vector<16xf32>,
      %get3A_89 = arith.constant 0 : i32
      %get3A_90 = arith.index_cast %get3A_89 : i32 to index
      %get3A_91 = arith.constant 112 : index
      %get3A_92 = tpu.vector_load %arg4[%get3A_90, %get3A_91] {strides = array<i32>} : memref<2x16384xf32, #tpu.memory_space<vmem>>, vector<16xf32>,
      %scan3A_93 = arith.constant 0 : i32
      %scan3A_94 = arith.constant 127 : i32
      %scan3A_95 = arith.addi %scan3A_93, %scan3A_94 : i32
      %scan3A_96 = arith.constant 1 : i32
      %scan3A_97:8 = scf.for %scan3A_415 = %scan3A_93 to %scan3A_95 step %scan3A_96 iter_args(%scan3A_416 = %get3A_64, %scan3A_417 = %get3A_68, %scan3A_418 = %get3A_72, %scan3A_419 = %get3A_76, %scan3A_420 = %get3A_80, %scan3A_421 = %get3A_84, %scan3A_422 = %get3A_88, %scan3A_423 = %get3A_92) -> (vector<16xf32>, vector<16xf32>, vector<16xf32>, vector<16xf32>, vector<16xf32>, vector<16xf32>, vector<16xf32>, vector<16xf32>)  : i32 {
        %mul3A_424 = arith.constant 1 : i32
        %mul3A_425 = arith.muli %scan3A_415, %mul3A_424 : i32
        %add3A_426 = arith.constant 1 : i32
        %add3A_427 = arith.addi %add3A_426, %mul3A_425 : i32
        %mul3A_428 = arith.constant 128 : i32
        %mul3A_429 = arith.muli %add3A_427, %mul3A_428 : i32
        %add3A_430 = arith.constant 0 : i32
        %add3A_431 = arith.addi %mul3A_429, %add3A_430 : i32
        %get3A_432 = arith.constant 0 : i32
        %get3A_433 = arith.index_cast %get3A_432 : i32 to index
        %get3A_434 = arith.index_cast %add3A_431 : i32 to index
        %get3A_435 = tpu.vector_load %arg4[%get3A_433, %get3A_434] {strides = array<i32>} : memref<2x16384xf32, #tpu.memory_space<vmem>>, vector<16xf32>,
        %add3A_436 = arith.constant 16 : i32
        %add3A_437 = arith.addi %mul3A_429, %add3A_436 : i32
        %get3A_438 = arith.constant 0 : i32
        %get3A_439 = arith.index_cast %get3A_438 : i32 to index
        %get3A_440 = arith.index_cast %add3A_437 : i32 to index
        %get3A_441 = tpu.vector_load %arg4[%get3A_439, %get3A_440] {strides = array<i32>} : memref<2x16384xf32, #tpu.memory_space<vmem>>, vector<16xf32>,
        %add3A_442 = arith.constant 32 : i32
        %add3A_443 = arith.addi %mul3A_429, %add3A_442 : i32
        %get3A_444 = arith.constant 0 : i32
        %get3A_445 = arith.index_cast %get3A_444 : i32 to index
        %get3A_446 = arith.index_cast %add3A_443 : i32 to index
        %get3A_447 = tpu.vector_load %arg4[%get3A_445, %get3A_446] {strides = array<i32>} : memref<2x16384xf32, #tpu.memory_space<vmem>>, vector<16xf32>,
        %add3A_448 = arith.constant 48 : i32
        %add3A_449 = arith.addi %mul3A_429, %add3A_448 : i32
        %get3A_450 = arith.constant 0 : i32
        %get3A_451 = arith.index_cast %get3A_450 : i32 to index
        %get3A_452 = arith.index_cast %add3A_449 : i32 to index
        %get3A_453 = tpu.vector_load %arg4[%get3A_451, %get3A_452] {strides = array<i32>} : memref<2x16384xf32, #tpu.memory_space<vmem>>, vector<16xf32>,
        %add3A_454 = arith.constant 64 : i32
        %add3A_455 = arith.addi %mul3A_429, %add3A_454 : i32
        %get3A_456 = arith.constant 0 : i32
        %get3A_457 = arith.index_cast %get3A_456 : i32 to index
        %get3A_458 = arith.index_cast %add3A_455 : i32 to index
        %get3A_459 = tpu.vector_load %arg4[%get3A_457, %get3A_458] {strides = array<i32>} : memref<2x16384xf32, #tpu.memory_space<vmem>>, vector<16xf32>,
        %add3A_460 = arith.constant 80 : i32
        %add3A_461 = arith.addi %mul3A_429, %add3A_460 : i32
        %get3A_462 = arith.constant 0 : i32
        %get3A_463 = arith.index_cast %get3A_462 : i32 to index
        %get3A_464 = arith.index_cast %add3A_461 : i32 to index
        %get3A_465 = tpu.vector_load %arg4[%get3A_463, %get3A_464] {strides = array<i32>} : memref<2x16384xf32, #tpu.memory_space<vmem>>, vector<16xf32>,
        %add3A_466 = arith.constant 96 : i32
        %add3A_467 = arith.addi %mul3A_429, %add3A_466 : i32
        %get3A_468 = arith.constant 0 : i32
        %get3A_469 = arith.index_cast %get3A_468 : i32 to index
        %get3A_470 = arith.index_cast %add3A_467 : i32 to index
        %get3A_471 = tpu.vector_load %arg4[%get3A_469, %get3A_470] {strides = array<i32>} : memref<2x16384xf32, #tpu.memory_space<vmem>>, vector<16xf32>,
        %add3A_472 = arith.constant 112 : i32
        %add3A_473 = arith.addi %mul3A_429, %add3A_472 : i32
        %get3A_474 = arith.constant 0 : i32
        %get3A_475 = arith.index_cast %get3A_474 : i32 to index
        %get3A_476 = arith.index_cast %add3A_473 : i32 to index
        %get3A_477 = tpu.vector_load %arg4[%get3A_475, %get3A_476] {strides = array<i32>} : memref<2x16384xf32, #tpu.memory_space<vmem>>, vector<16xf32>,
        %add3A_478 = arith.constant 1.000000e+00 : f32
        %add3A_479 = vector.broadcast %add3A_478 : f32 to vector<16xf32>
        %add3A_480 = arith.addf %scan3A_416, %add3A_479 : vector<16xf32>
        %add3A_481 = arith.constant 1.000000e+00 : f32
        %add3A_482 = vector.broadcast %add3A_481 : f32 to vector<16xf32>
        %add3A_483 = arith.addf %scan3A_417, %add3A_482 : vector<16xf32>
        %add3A_484 = arith.constant 1.000000e+00 : f32
        %add3A_485 = vector.broadcast %add3A_484 : f32 to vector<16xf32>
        %add3A_486 = arith.addf %scan3A_418, %add3A_485 : vector<16xf32>
        %add3A_487 = arith.constant 1.000000e+00 : f32
        %add3A_488 = vector.broadcast %add3A_487 : f32 to vector<16xf32>
        %add3A_489 = arith.addf %scan3A_419, %add3A_488 : vector<16xf32>
        %add3A_490 = arith.constant 1.000000e+00 : f32
        %add3A_491 = vector.broadcast %add3A_490 : f32 to vector<16xf32>
        %add3A_492 = arith.addf %scan3A_420, %add3A_491 : vector<16xf32>
        %add3A_493 = arith.constant 1.000000e+00 : f32
        %add3A_494 = vector.broadcast %add3A_493 : f32 to vector<16xf32>
        %add3A_495 = arith.addf %scan3A_421, %add3A_494 : vector<16xf32>
        %add3A_496 = arith.constant 1.000000e+00 : f32
        %add3A_497 = vector.broadcast %add3A_496 : f32 to vector<16xf32>
        %add3A_498 = arith.addf %scan3A_422, %add3A_497 : vector<16xf32>
        %add3A_499 = arith.constant 1.000000e+00 : f32
        %add3A_500 = vector.broadcast %add3A_499 : f32 to vector<16xf32>
        %add3A_501 = arith.addf %scan3A_423, %add3A_500 : vector<16xf32>
        %mul3A_502 = arith.constant 1.275000e+02 : f32
        %mul3A_503 = vector.broadcast %mul3A_502 : f32 to vector<16xf32>
        %mul3A_504 = arith.mulf %add3A_480, %mul3A_503 : vector<16xf32>
        %mul3A_505 = arith.constant 1.275000e+02 : f32
        %mul3A_506 = vector.broadcast %mul3A_505 : f32 to vector<16xf32>
        %mul3A_507 = arith.mulf %add3A_483, %mul3A_506 : vector<16xf32>
        %mul3A_508 = arith.constant 1.275000e+02 : f32
        %mul3A_509 = vector.broadcast %mul3A_508 : f32 to vector<16xf32>
        %mul3A_510 = arith.mulf %add3A_486, %mul3A_509 : vector<16xf32>
        %mul3A_511 = arith.constant 1.275000e+02 : f32
        %mul3A_512 = vector.broadcast %mul3A_511 : f32 to vector<16xf32>
        %mul3A_513 = arith.mulf %add3A_489, %mul3A_512 : vector<16xf32>
        %mul3A_514 = arith.constant 1.275000e+02 : f32
        %mul3A_515 = vector.broadcast %mul3A_514 : f32 to vector<16xf32>
        %mul3A_516 = arith.mulf %add3A_492, %mul3A_515 : vector<16xf32>
        %mul3A_517 = arith.constant 1.275000e+02 : f32
        %mul3A_518 = vector.broadcast %mul3A_517 : f32 to vector<16xf32>
        %mul3A_519 = arith.mulf %add3A_495, %mul3A_518 : vector<16xf32>
        %mul3A_520 = arith.constant 1.275000e+02 : f32
        %mul3A_521 = vector.broadcast %mul3A_520 : f32 to vector<16xf32>
        %mul3A_522 = arith.mulf %add3A_498, %mul3A_521 : vector<16xf32>
        %mul3A_523 = arith.constant 1.275000e+02 : f32
        %mul3A_524 = vector.broadcast %mul3A_523 : f32 to vector<16xf32>
        %mul3A_525 = arith.mulf %add3A_501, %mul3A_524 : vector<16xf32>
        %max3A_526 = arith.constant 0.000000e+00 : f32
        %max3A_527 = vector.broadcast %max3A_526 : f32 to vector<16xf32>
        %max3A_528 = arith.maximumf %mul3A_504, %max3A_527 : vector<16xf32>
        %max3A_529 = arith.constant 0.000000e+00 : f32
        %max3A_530 = vector.broadcast %max3A_529 : f32 to vector<16xf32>
        %max3A_531 = arith.maximumf %mul3A_507, %max3A_530 : vector<16xf32>
        %max3A_532 = arith.constant 0.000000e+00 : f32
        %max3A_533 = vector.broadcast %max3A_532 : f32 to vector<16xf32>
        %max3A_534 = arith.maximumf %mul3A_510, %max3A_533 : vector<16xf32>
        %max3A_535 = arith.constant 0.000000e+00 : f32
        %max3A_536 = vector.broadcast %max3A_535 : f32 to vector<16xf32>
        %max3A_537 = arith.maximumf %mul3A_513, %max3A_536 : vector<16xf32>
        %max3A_538 = arith.constant 0.000000e+00 : f32
        %max3A_539 = vector.broadcast %max3A_538 : f32 to vector<16xf32>
        %max3A_540 = arith.maximumf %mul3A_516, %max3A_539 : vector<16xf32>
        %max3A_541 = arith.constant 0.000000e+00 : f32
        %max3A_542 = vector.broadcast %max3A_541 : f32 to vector<16xf32>
        %max3A_543 = arith.maximumf %mul3A_519, %max3A_542 : vector<16xf32>
        %max3A_544 = arith.constant 0.000000e+00 : f32
        %max3A_545 = vector.broadcast %max3A_544 : f32 to vector<16xf32>
        %max3A_546 = arith.maximumf %mul3A_522, %max3A_545 : vector<16xf32>
        %max3A_547 = arith.constant 0.000000e+00 : f32
        %max3A_548 = vector.broadcast %max3A_547 : f32 to vector<16xf32>
        %max3A_549 = arith.maximumf %mul3A_525, %max3A_548 : vector<16xf32>
        %min3A_550 = arith.constant 2.550000e+02 : f32
        %min3A_551 = vector.broadcast %min3A_550 : f32 to vector<16xf32>
        %min3A_552 = arith.minimumf %max3A_528, %min3A_551 : vector<16xf32>
        %min3A_553 = arith.constant 2.550000e+02 : f32
        %min3A_554 = vector.broadcast %min3A_553 : f32 to vector<16xf32>
        %min3A_555 = arith.minimumf %max3A_531, %min3A_554 : vector<16xf32>
        %min3A_556 = arith.constant 2.550000e+02 : f32
        %min3A_557 = vector.broadcast %min3A_556 : f32 to vector<16xf32>
        %min3A_558 = arith.minimumf %max3A_534, %min3A_557 : vector<16xf32>
        %min3A_559 = arith.constant 2.550000e+02 : f32
        %min3A_560 = vector.broadcast %min3A_559 : f32 to vector<16xf32>
        %min3A_561 = arith.minimumf %max3A_537, %min3A_560 : vector<16xf32>
        %min3A_562 = arith.constant 2.550000e+02 : f32
        %min3A_563 = vector.broadcast %min3A_562 : f32 to vector<16xf32>
        %min3A_564 = arith.minimumf %max3A_540, %min3A_563 : vector<16xf32>
        %min3A_565 = arith.constant 2.550000e+02 : f32
        %min3A_566 = vector.broadcast %min3A_565 : f32 to vector<16xf32>
        %min3A_567 = arith.minimumf %max3A_543, %min3A_566 : vector<16xf32>
        %min3A_568 = arith.constant 2.550000e+02 : f32
        %min3A_569 = vector.broadcast %min3A_568 : f32 to vector<16xf32>
        %min3A_570 = arith.minimumf %max3A_546, %min3A_569 : vector<16xf32>
        %min3A_571 = arith.constant 2.550000e+02 : f32
        %min3A_572 = vector.broadcast %min3A_571 : f32 to vector<16xf32>
        %min3A_573 = arith.minimumf %max3A_549, %min3A_572 : vector<16xf32>
        %convert_element_type3A_574 = arith.fptosi %min3A_552 : vector<16xf32> to vector<16xi32>
        %convert_element_type3A_575 = arith.fptosi %min3A_555 : vector<16xf32> to vector<16xi32>
        %convert_element_type3A_576 = arith.fptosi %min3A_558 : vector<16xf32> to vector<16xi32>
        %convert_element_type3A_577 = arith.fptosi %min3A_561 : vector<16xf32> to vector<16xi32>
        %convert_element_type3A_578 = arith.fptosi %min3A_564 : vector<16xf32> to vector<16xi32>
        %convert_element_type3A_579 = arith.fptosi %min3A_567 : vector<16xf32> to vector<16xi32>
        %convert_element_type3A_580 = arith.fptosi %min3A_570 : vector<16xf32> to vector<16xi32>
        %convert_element_type3A_581 = arith.fptosi %min3A_573 : vector<16xf32> to vector<16xi32>
        %add3A_582 = arith.addi %convert_element_type3A_574, %mul3A_10 : vector<16xi32>
        %add3A_583 = arith.addi %convert_element_type3A_575, %mul3A_10 : vector<16xi32>
        %add3A_584 = arith.addi %convert_element_type3A_576, %mul3A_10 : vector<16xi32>
        %add3A_585 = arith.addi %convert_element_type3A_577, %mul3A_10 : vector<16xi32>
        %add3A_586 = arith.addi %convert_element_type3A_578, %mul3A_10 : vector<16xi32>
        %add3A_587 = arith.addi %convert_element_type3A_579, %mul3A_10 : vector<16xi32>
        %add3A_588 = arith.addi %convert_element_type3A_580, %mul3A_10 : vector<16xi32>
        %add3A_589 = arith.addi %convert_element_type3A_581, %mul3A_10 : vector<16xi32>
        %scatter3A_590 = arith.constant 0 : i32
        %scatter3A_591 = tpu.memref_slice %arg5[%scatter3A_590] : memref<32768xf32, #tpu.memory_space<vmem>> -> memref<4096xf32, #tpu.memory_space<vmem>>
        tpu.vector_store_idx %scatter3A_591[%add3A_582], %broadcast_in_dim3A_12 {add = true} : memref<4096xf32, #tpu.memory_space<vmem>>[vector<16xi32>], vector<16xf32>,
        %scatter3A_592 = arith.constant 4096 : i32
        %scatter3A_593 = tpu.memref_slice %arg5[%scatter3A_592] : memref<32768xf32, #tpu.memory_space<vmem>> -> memref<4096xf32, #tpu.memory_space<vmem>>
        tpu.vector_store_idx %scatter3A_593[%add3A_583], %broadcast_in_dim3A_12 {add = true} : memref<4096xf32, #tpu.memory_space<vmem>>[vector<16xi32>], vector<16xf32>,
        %scatter3A_594 = arith.constant 8192 : i32
        %scatter3A_595 = tpu.memref_slice %arg5[%scatter3A_594] : memref<32768xf32, #tpu.memory_space<vmem>> -> memref<4096xf32, #tpu.memory_space<vmem>>
        tpu.vector_store_idx %scatter3A_595[%add3A_584], %broadcast_in_dim3A_12 {add = true} : memref<4096xf32, #tpu.memory_space<vmem>>[vector<16xi32>], vector<16xf32>,
        %scatter3A_596 = arith.constant 12288 : i32
        %scatter3A_597 = tpu.memref_slice %arg5[%scatter3A_596] : memref<32768xf32, #tpu.memory_space<vmem>> -> memref<4096xf32, #tpu.memory_space<vmem>>
        tpu.vector_store_idx %scatter3A_597[%add3A_585], %broadcast_in_dim3A_12 {add = true} : memref<4096xf32, #tpu.memory_space<vmem>>[vector<16xi32>], vector<16xf32>,
        %scatter3A_598 = arith.constant 16384 : i32
        %scatter3A_599 = tpu.memref_slice %arg5[%scatter3A_598] : memref<32768xf32, #tpu.memory_space<vmem>> -> memref<4096xf32, #tpu.memory_space<vmem>>
        tpu.vector_store_idx %scatter3A_599[%add3A_586], %broadcast_in_dim3A_12 {add = true} : memref<4096xf32, #tpu.memory_space<vmem>>[vector<16xi32>], vector<16xf32>,
        %scatter3A_600 = arith.constant 20480 : i32
        %scatter3A_601 = tpu.memref_slice %arg5[%scatter3A_600] : memref<32768xf32, #tpu.memory_space<vmem>> -> memref<4096xf32, #tpu.memory_space<vmem>>
        tpu.vector_store_idx %scatter3A_601[%add3A_587], %broadcast_in_dim3A_12 {add = true} : memref<4096xf32, #tpu.memory_space<vmem>>[vector<16xi32>], vector<16xf32>,
        %scatter3A_602 = arith.constant 24576 : i32
        %scatter3A_603 = tpu.memref_slice %arg5[%scatter3A_602] : memref<32768xf32, #tpu.memory_space<vmem>> -> memref<4096xf32, #tpu.memory_space<vmem>>
        tpu.vector_store_idx %scatter3A_603[%add3A_588], %broadcast_in_dim3A_12 {add = true} : memref<4096xf32, #tpu.memory_space<vmem>>[vector<16xi32>], vector<16xf32>,
        %scatter3A_604 = arith.constant 28672 : i32
        %scatter3A_605 = tpu.memref_slice %arg5[%scatter3A_604] : memref<32768xf32, #tpu.memory_space<vmem>> -> memref<4096xf32, #tpu.memory_space<vmem>>
        tpu.vector_store_idx %scatter3A_605[%add3A_589], %broadcast_in_dim3A_12 {add = true} : memref<4096xf32, #tpu.memory_space<vmem>>[vector<16xi32>], vector<16xf32>,
        scf.yield %get3A_435, %get3A_441, %get3A_447, %get3A_453, %get3A_459, %get3A_465, %get3A_471, %get3A_477 : vector<16xf32>, vector<16xf32>, vector<16xf32>, vector<16xf32>, vector<16xf32>, vector<16xf32>, vector<16xf32>, vector<16xf32>
      }
      %scan3A_98 = arith.constant 127 : i32
      %add3A_99 = arith.constant 1.000000e+00 : f32
      %add3A_100 = vector.broadcast %add3A_99 : f32 to vector<16xf32>
      %add3A_101 = arith.addf %scan3A_97#0, %add3A_100 : vector<16xf32>
      %add3A_102 = arith.constant 1.000000e+00 : f32
      %add3A_103 = vector.broadcast %add3A_102 : f32 to vector<16xf32>
      %add3A_104 = arith.addf %scan3A_97#1, %add3A_103 : vector<16xf32>
      %add3A_105 = arith.constant 1.000000e+00 : f32
      %add3A_106 = vector.broadcast %add3A_105 : f32 to vector<16xf32>
      %add3A_107 = arith.addf %scan3A_97#2, %add3A_106 : vector<16xf32>
      %add3A_108 = arith.constant 1.000000e+00 : f32
      %add3A_109 = vector.broadcast %add3A_108 : f32 to vector<16xf32>
      %add3A_110 = arith.addf %scan3A_97#3, %add3A_109 : vector<16xf32>
      %add3A_111 = arith.constant 1.000000e+00 : f32
      %add3A_112 = vector.broadcast %add3A_111 : f32 to vector<16xf32>
      %add3A_113 = arith.addf %scan3A_97#4, %add3A_112 : vector<16xf32>
      %add3A_114 = arith.constant 1.000000e+00 : f32
      %add3A_115 = vector.broadcast %add3A_114 : f32 to vector<16xf32>
      %add3A_116 = arith.addf %scan3A_97#5, %add3A_115 : vector<16xf32>
      %add3A_117 = arith.constant 1.000000e+00 : f32
      %add3A_118 = vector.broadcast %add3A_117 : f32 to vector<16xf32>
      %add3A_119 = arith.addf %scan3A_97#6, %add3A_118 : vector<16xf32>
      %add3A_120 = arith.constant 1.000000e+00 : f32
      %add3A_121 = vector.broadcast %add3A_120 : f32 to vector<16xf32>
      %add3A_122 = arith.addf %scan3A_97#7, %add3A_121 : vector<16xf32>
      %mul3A_123 = arith.constant 1.275000e+02 : f32
      %mul3A_124 = vector.broadcast %mul3A_123 : f32 to vector<16xf32>
      %mul3A_125 = arith.mulf %add3A_101, %mul3A_124 : vector<16xf32>
      %mul3A_126 = arith.constant 1.275000e+02 : f32
      %mul3A_127 = vector.broadcast %mul3A_126 : f32 to vector<16xf32>
      %mul3A_128 = arith.mulf %add3A_104, %mul3A_127 : vector<16xf32>
      %mul3A_129 = arith.constant 1.275000e+02 : f32
      %mul3A_130 = vector.broadcast %mul3A_129 : f32 to vector<16xf32>
      %mul3A_131 = arith.mulf %add3A_107, %mul3A_130 : vector<16xf32>
      %mul3A_132 = arith.constant 1.275000e+02 : f32
      %mul3A_133 = vector.broadcast %mul3A_132 : f32 to vector<16xf32>
      %mul3A_134 = arith.mulf %add3A_110, %mul3A_133 : vector<16xf32>
      %mul3A_135 = arith.constant 1.275000e+02 : f32
      %mul3A_136 = vector.broadcast %mul3A_135 : f32 to vector<16xf32>
      %mul3A_137 = arith.mulf %add3A_113, %mul3A_136 : vector<16xf32>
      %mul3A_138 = arith.constant 1.275000e+02 : f32
      %mul3A_139 = vector.broadcast %mul3A_138 : f32 to vector<16xf32>
      %mul3A_140 = arith.mulf %add3A_116, %mul3A_139 : vector<16xf32>
      %mul3A_141 = arith.constant 1.275000e+02 : f32
      %mul3A_142 = vector.broadcast %mul3A_141 : f32 to vector<16xf32>
      %mul3A_143 = arith.mulf %add3A_119, %mul3A_142 : vector<16xf32>
      %mul3A_144 = arith.constant 1.275000e+02 : f32
      %mul3A_145 = vector.broadcast %mul3A_144 : f32 to vector<16xf32>
      %mul3A_146 = arith.mulf %add3A_122, %mul3A_145 : vector<16xf32>
      %max3A = arith.constant 0.000000e+00 : f32
      %max3A_147 = vector.broadcast %max3A : f32 to vector<16xf32>
      %max3A_148 = arith.maximumf %mul3A_125, %max3A_147 : vector<16xf32>
      %max3A_149 = arith.constant 0.000000e+00 : f32
      %max3A_150 = vector.broadcast %max3A_149 : f32 to vector<16xf32>
      %max3A_151 = arith.maximumf %mul3A_128, %max3A_150 : vector<16xf32>
      %max3A_152 = arith.constant 0.000000e+00 : f32
      %max3A_153 = vector.broadcast %max3A_152 : f32 to vector<16xf32>
      %max3A_154 = arith.maximumf %mul3A_131, %max3A_153 : vector<16xf32>
      %max3A_155 = arith.constant 0.000000e+00 : f32
      %max3A_156 = vector.broadcast %max3A_155 : f32 to vector<16xf32>
      %max3A_157 = arith.maximumf %mul3A_134, %max3A_156 : vector<16xf32>
      %max3A_158 = arith.constant 0.000000e+00 : f32
      %max3A_159 = vector.broadcast %max3A_158 : f32 to vector<16xf32>
      %max3A_160 = arith.maximumf %mul3A_137, %max3A_159 : vector<16xf32>
      %max3A_161 = arith.constant 0.000000e+00 : f32
      %max3A_162 = vector.broadcast %max3A_161 : f32 to vector<16xf32>
      %max3A_163 = arith.maximumf %mul3A_140, %max3A_162 : vector<16xf32>
      %max3A_164 = arith.constant 0.000000e+00 : f32
      %max3A_165 = vector.broadcast %max3A_164 : f32 to vector<16xf32>
      %max3A_166 = arith.maximumf %mul3A_143, %max3A_165 : vector<16xf32>
      %max3A_167 = arith.constant 0.000000e+00 : f32
      %max3A_168 = vector.broadcast %max3A_167 : f32 to vector<16xf32>
      %max3A_169 = arith.maximumf %mul3A_146, %max3A_168 : vector<16xf32>
      %min3A = arith.constant 2.550000e+02 : f32
      %min3A_170 = vector.broadcast %min3A : f32 to vector<16xf32>
      %min3A_171 = arith.minimumf %max3A_148, %min3A_170 : vector<16xf32>
      %min3A_172 = arith.constant 2.550000e+02 : f32
      %min3A_173 = vector.broadcast %min3A_172 : f32 to vector<16xf32>
      %min3A_174 = arith.minimumf %max3A_151, %min3A_173 : vector<16xf32>
      %min3A_175 = arith.constant 2.550000e+02 : f32
      %min3A_176 = vector.broadcast %min3A_175 : f32 to vector<16xf32>
      %min3A_177 = arith.minimumf %max3A_154, %min3A_176 : vector<16xf32>
      %min3A_178 = arith.constant 2.550000e+02 : f32
      %min3A_179 = vector.broadcast %min3A_178 : f32 to vector<16xf32>
      %min3A_180 = arith.minimumf %max3A_157, %min3A_179 : vector<16xf32>
      %min3A_181 = arith.constant 2.550000e+02 : f32
      %min3A_182 = vector.broadcast %min3A_181 : f32 to vector<16xf32>
      %min3A_183 = arith.minimumf %max3A_160, %min3A_182 : vector<16xf32>
      %min3A_184 = arith.constant 2.550000e+02 : f32
      %min3A_185 = vector.broadcast %min3A_184 : f32 to vector<16xf32>
      %min3A_186 = arith.minimumf %max3A_163, %min3A_185 : vector<16xf32>
      %min3A_187 = arith.constant 2.550000e+02 : f32
      %min3A_188 = vector.broadcast %min3A_187 : f32 to vector<16xf32>
      %min3A_189 = arith.minimumf %max3A_166, %min3A_188 : vector<16xf32>
      %min3A_190 = arith.constant 2.550000e+02 : f32
      %min3A_191 = vector.broadcast %min3A_190 : f32 to vector<16xf32>
      %min3A_192 = arith.minimumf %max3A_169, %min3A_191 : vector<16xf32>
      %convert_element_type3A = arith.fptosi %min3A_171 : vector<16xf32> to vector<16xi32>
      %convert_element_type3A_193 = arith.fptosi %min3A_174 : vector<16xf32> to vector<16xi32>
      %convert_element_type3A_194 = arith.fptosi %min3A_177 : vector<16xf32> to vector<16xi32>
      %convert_element_type3A_195 = arith.fptosi %min3A_180 : vector<16xf32> to vector<16xi32>
      %convert_element_type3A_196 = arith.fptosi %min3A_183 : vector<16xf32> to vector<16xi32>
      %convert_element_type3A_197 = arith.fptosi %min3A_186 : vector<16xf32> to vector<16xi32>
      %convert_element_type3A_198 = arith.fptosi %min3A_189 : vector<16xf32> to vector<16xi32>
      %convert_element_type3A_199 = arith.fptosi %min3A_192 : vector<16xf32> to vector<16xi32>
      %add3A_200 = arith.addi %convert_element_type3A, %mul3A_10 : vector<16xi32>
      %add3A_201 = arith.addi %convert_element_type3A_193, %mul3A_10 : vector<16xi32>
      %add3A_202 = arith.addi %convert_element_type3A_194, %mul3A_10 : vector<16xi32>
      %add3A_203 = arith.addi %convert_element_type3A_195, %mul3A_10 : vector<16xi32>
      %add3A_204 = arith.addi %convert_element_type3A_196, %mul3A_10 : vector<16xi32>
      %add3A_205 = arith.addi %convert_element_type3A_197, %mul3A_10 : vector<16xi32>
      %add3A_206 = arith.addi %convert_element_type3A_198, %mul3A_10 : vector<16xi32>
      %add3A_207 = arith.addi %convert_element_type3A_199, %mul3A_10 : vector<16xi32>
      %scatter3A = arith.constant 0 : i32
      %scatter3A_208 = tpu.memref_slice %arg5[%scatter3A] : memref<32768xf32, #tpu.memory_space<vmem>> -> memref<4096xf32, #tpu.memory_space<vmem>>
      tpu.vector_store_idx %scatter3A_208[%add3A_200], %broadcast_in_dim3A_12 {add = true} : memref<4096xf32, #tpu.memory_space<vmem>>[vector<16xi32>], vector<16xf32>,
      %scatter3A_209 = arith.constant 4096 : i32
      %scatter3A_210 = tpu.memref_slice %arg5[%scatter3A_209] : memref<32768xf32, #tpu.memory_space<vmem>> -> memref<4096xf32, #tpu.memory_space<vmem>>
      tpu.vector_store_idx %scatter3A_210[%add3A_201], %broadcast_in_dim3A_12 {add = true} : memref<4096xf32, #tpu.memory_space<vmem>>[vector<16xi32>], vector<16xf32>,
      %scatter3A_211 = arith.constant 8192 : i32
      %scatter3A_212 = tpu.memref_slice %arg5[%scatter3A_211] : memref<32768xf32, #tpu.memory_space<vmem>> -> memref<4096xf32, #tpu.memory_space<vmem>>
      tpu.vector_store_idx %scatter3A_212[%add3A_202], %broadcast_in_dim3A_12 {add = true} : memref<4096xf32, #tpu.memory_space<vmem>>[vector<16xi32>], vector<16xf32>,
      %scatter3A_213 = arith.constant 12288 : i32
      %scatter3A_214 = tpu.memref_slice %arg5[%scatter3A_213] : memref<32768xf32, #tpu.memory_space<vmem>> -> memref<4096xf32, #tpu.memory_space<vmem>>
      tpu.vector_store_idx %scatter3A_214[%add3A_203], %broadcast_in_dim3A_12 {add = true} : memref<4096xf32, #tpu.memory_space<vmem>>[vector<16xi32>], vector<16xf32>,
      %scatter3A_215 = arith.constant 16384 : i32
      %scatter3A_216 = tpu.memref_slice %arg5[%scatter3A_215] : memref<32768xf32, #tpu.memory_space<vmem>> -> memref<4096xf32, #tpu.memory_space<vmem>>
      tpu.vector_store_idx %scatter3A_216[%add3A_204], %broadcast_in_dim3A_12 {add = true} : memref<4096xf32, #tpu.memory_space<vmem>>[vector<16xi32>], vector<16xf32>,
      %scatter3A_217 = arith.constant 20480 : i32
      %scatter3A_218 = tpu.memref_slice %arg5[%scatter3A_217] : memref<32768xf32, #tpu.memory_space<vmem>> -> memref<4096xf32, #tpu.memory_space<vmem>>
      tpu.vector_store_idx %scatter3A_218[%add3A_205], %broadcast_in_dim3A_12 {add = true} : memref<4096xf32, #tpu.memory_space<vmem>>[vector<16xi32>], vector<16xf32>,
      %scatter3A_219 = arith.constant 24576 : i32
      %scatter3A_220 = tpu.memref_slice %arg5[%scatter3A_219] : memref<32768xf32, #tpu.memory_space<vmem>> -> memref<4096xf32, #tpu.memory_space<vmem>>
      tpu.vector_store_idx %scatter3A_220[%add3A_206], %broadcast_in_dim3A_12 {add = true} : memref<4096xf32, #tpu.memory_space<vmem>>[vector<16xi32>], vector<16xf32>,
      %scatter3A_221 = arith.constant 28672 : i32
      %scatter3A_222 = tpu.memref_slice %arg5[%scatter3A_221] : memref<32768xf32, #tpu.memory_space<vmem>> -> memref<4096xf32, #tpu.memory_space<vmem>>
      tpu.vector_store_idx %scatter3A_222[%add3A_207], %broadcast_in_dim3A_12 {add = true} : memref<4096xf32, #tpu.memory_space<vmem>>[vector<16xi32>], vector<16xf32>,
      %add3A_223 = arith.constant 2 : i32
      %add3A_224 = arith.addi %add3A_50, %add3A_223 : i32
      %lt3A = arith.constant 128 : i32
      %lt3A_225 = arith.cmpi slt, %add3A_224, %lt3A : i32
      %convert_element_type3A_226 = arith.extui %lt3A_225 : i1 to i32
      %cond3A = arith.constant 0 : i32
      %cond3A_227 = arith.cmpi ne, %convert_element_type3A_226, %cond3A : i32
      scf.if %cond3A_227 {
        %add3A_415 = arith.constant 2 : i32
        %add3A_416 = arith.addi %add3A_50, %add3A_415 : i32
        %mul3A_417 = arith.constant 16384 : i32
        %mul3A_418 = arith.muli %add3A_416, %mul3A_417 : i32
        %add3A_419 = arith.addi %mul3A_2, %mul3A_418 : i32
        %dma_start3A_420 = arith.constant 0 : i32
        %dma_start3A_421 = arith.constant 0 : i32
        %dma_start3A_422 = tpu.memref_slice %arg4[%dma_start3A_420, %dma_start3A_421] : memref<2x16384xf32, #tpu.memory_space<vmem>> -> memref<1x16384xf32, #tpu.memory_space<vmem>>
        %dma_start3A_423 = tpu.memref_squeeze %dma_start3A_422 : memref<1x16384xf32, #tpu.memory_space<vmem>> -> memref<16384xf32, #tpu.memory_space<vmem>>
        %dma_start3A_424 = tpu.memref_slice %arg2[%add3A_419] : memref<67108864xf32, #tpu.memory_space<hbm>> -> memref<16384xf32, #tpu.memory_space<hbm>>
        %dma_start3A_425 = arith.constant 0 : i32
        %dma_start3A_426 = tpu.memref_slice %arg4[%dma_start3A_420, %dma_start3A_425] : memref<2x16384xf32, #tpu.memory_space<vmem>> -> memref<1x16384xf32, #tpu.memory_space<vmem>>
        %dma_start3A_427 = tpu.memref_squeeze %dma_start3A_426 : memref<1x16384xf32, #tpu.memory_space<vmem>> -> memref<16384xf32, #tpu.memory_space<vmem>>
        %dma_start3A_428 = tpu.memref_slice %arg2[%add3A_419] : memref<67108864xf32, #tpu.memory_space<hbm>> -> memref<16384xf32, #tpu.memory_space<hbm>>
        tpu.enqueue_dma source(%dma_start3A_428 : memref<16384xf32, #tpu.memory_space<hbm>>) target(%dma_start3A_427 : memref<16384xf32, #tpu.memory_space<vmem>>) target_semaphore(%arg7 : memref<!tpu.dma_semaphore, #tpu.memory_space<semaphore_mem>>)
      } else {
      }
      %add3A_228 = arith.constant 1 : i32
      %add3A_229 = arith.addi %add3A_48, %add3A_228 : i32
      %mul3A_230 = arith.constant 16384 : i32
      %mul3A_231 = arith.muli %add3A_229, %mul3A_230 : i32
      %add3A_232 = arith.addi %mul3A_2, %mul3A_231 : i32
      %dma_wait3A_233 = arith.constant 1 : i32
      %dma_wait3A_234 = arith.constant 0 : i32
      %dma_wait3A_235 = tpu.memref_slice %arg4[%dma_wait3A_233, %dma_wait3A_234] : memref<2x16384xf32, #tpu.memory_space<vmem>> -> memref<1x16384xf32, #tpu.memory_space<vmem>>
      %dma_wait3A_236 = tpu.memref_squeeze %dma_wait3A_235 : memref<1x16384xf32, #tpu.memory_space<vmem>> -> memref<16384xf32, #tpu.memory_space<vmem>>
      %dma_wait3A_237 = tpu.memref_slice %arg2[%add3A_232] : memref<67108864xf32, #tpu.memory_space<hbm>> -> memref<16384xf32, #tpu.memory_space<hbm>>
      %dma_wait3A_238 = arith.constant 0 : i32
      %dma_wait3A_239 = tpu.memref_slice %arg4[%dma_wait3A_233, %dma_wait3A_238] : memref<2x16384xf32, #tpu.memory_space<vmem>> -> memref<1x16384xf32, #tpu.memory_space<vmem>>
      %dma_wait3A_240 = tpu.memref_squeeze %dma_wait3A_239 : memref<1x16384xf32, #tpu.memory_space<vmem>> -> memref<16384xf32, #tpu.memory_space<vmem>>
      %dma_wait3A_241 = tpu.memref_slice %arg2[%add3A_232] : memref<67108864xf32, #tpu.memory_space<hbm>> -> memref<16384xf32, #tpu.memory_space<hbm>>
      tpu.wait_dma2 semaphore(%arg8 : memref<!tpu.dma_semaphore, #tpu.memory_space<semaphore_mem>>) src(%dma_wait3A_241 : memref<16384xf32, #tpu.memory_space<hbm>>) dst(%dma_wait3A_240 : memref<16384xf32, #tpu.memory_space<vmem>>)
      %get3A_242 = arith.constant 1 : i32
      %get3A_243 = arith.index_cast %get3A_242 : i32 to index
      %get3A_244 = arith.constant 0 : index
      %get3A_245 = tpu.vector_load %arg4[%get3A_243, %get3A_244] {strides = array<i32>} : memref<2x16384xf32, #tpu.memory_space<vmem>>, vector<16xf32>,
      %get3A_246 = arith.constant 1 : i32
      %get3A_247 = arith.index_cast %get3A_246 : i32 to index
      %get3A_248 = arith.constant 16 : index
      %get3A_249 = tpu.vector_load %arg4[%get3A_247, %get3A_248] {strides = array<i32>} : memref<2x16384xf32, #tpu.memory_space<vmem>>, vector<16xf32>,
      %get3A_250 = arith.constant 1 : i32
      %get3A_251 = arith.index_cast %get3A_250 : i32 to index
      %get3A_252 = arith.constant 32 : index
      %get3A_253 = tpu.vector_load %arg4[%get3A_251, %get3A_252] {strides = array<i32>} : memref<2x16384xf32, #tpu.memory_space<vmem>>, vector<16xf32>,
      %get3A_254 = arith.constant 1 : i32
      %get3A_255 = arith.index_cast %get3A_254 : i32 to index
      %get3A_256 = arith.constant 48 : index
      %get3A_257 = tpu.vector_load %arg4[%get3A_255, %get3A_256] {strides = array<i32>} : memref<2x16384xf32, #tpu.memory_space<vmem>>, vector<16xf32>,
      %get3A_258 = arith.constant 1 : i32
      %get3A_259 = arith.index_cast %get3A_258 : i32 to index
      %get3A_260 = arith.constant 64 : index
      %get3A_261 = tpu.vector_load %arg4[%get3A_259, %get3A_260] {strides = array<i32>} : memref<2x16384xf32, #tpu.memory_space<vmem>>, vector<16xf32>,
      %get3A_262 = arith.constant 1 : i32
      %get3A_263 = arith.index_cast %get3A_262 : i32 to index
      %get3A_264 = arith.constant 80 : index
      %get3A_265 = tpu.vector_load %arg4[%get3A_263, %get3A_264] {strides = array<i32>} : memref<2x16384xf32, #tpu.memory_space<vmem>>, vector<16xf32>,
      %get3A_266 = arith.constant 1 : i32
      %get3A_267 = arith.index_cast %get3A_266 : i32 to index
      %get3A_268 = arith.constant 96 : index
      %get3A_269 = tpu.vector_load %arg4[%get3A_267, %get3A_268] {strides = array<i32>} : memref<2x16384xf32, #tpu.memory_space<vmem>>, vector<16xf32>,
      %get3A_270 = arith.constant 1 : i32
      %get3A_271 = arith.index_cast %get3A_270 : i32 to index
      %get3A_272 = arith.constant 112 : index
      %get3A_273 = tpu.vector_load %arg4[%get3A_271, %get3A_272] {strides = array<i32>} : memref<2x16384xf32, #tpu.memory_space<vmem>>, vector<16xf32>,
      %scan3A_274 = arith.constant 0 : i32
      %scan3A_275 = arith.constant 127 : i32
      %scan3A_276 = arith.addi %scan3A_274, %scan3A_275 : i32
      %scan3A_277 = arith.constant 1 : i32
      %scan3A_278:8 = scf.for %scan3A_415 = %scan3A_274 to %scan3A_276 step %scan3A_277 iter_args(%scan3A_416 = %get3A_245, %scan3A_417 = %get3A_249, %scan3A_418 = %get3A_253, %scan3A_419 = %get3A_257, %scan3A_420 = %get3A_261, %scan3A_421 = %get3A_265, %scan3A_422 = %get3A_269, %scan3A_423 = %get3A_273) -> (vector<16xf32>, vector<16xf32>, vector<16xf32>, vector<16xf32>, vector<16xf32>, vector<16xf32>, vector<16xf32>, vector<16xf32>)  : i32 {
        %mul3A_424 = arith.constant 1 : i32
        %mul3A_425 = arith.muli %scan3A_415, %mul3A_424 : i32
        %add3A_426 = arith.constant 1 : i32
        %add3A_427 = arith.addi %add3A_426, %mul3A_425 : i32
        %mul3A_428 = arith.constant 128 : i32
        %mul3A_429 = arith.muli %add3A_427, %mul3A_428 : i32
        %add3A_430 = arith.constant 0 : i32
        %add3A_431 = arith.addi %mul3A_429, %add3A_430 : i32
        %get3A_432 = arith.constant 1 : i32
        %get3A_433 = arith.index_cast %get3A_432 : i32 to index
        %get3A_434 = arith.index_cast %add3A_431 : i32 to index
        %get3A_435 = tpu.vector_load %arg4[%get3A_433, %get3A_434] {strides = array<i32>} : memref<2x16384xf32, #tpu.memory_space<vmem>>, vector<16xf32>,
        %add3A_436 = arith.constant 16 : i32
        %add3A_437 = arith.addi %mul3A_429, %add3A_436 : i32
        %get3A_438 = arith.constant 1 : i32
        %get3A_439 = arith.index_cast %get3A_438 : i32 to index
        %get3A_440 = arith.index_cast %add3A_437 : i32 to index
        %get3A_441 = tpu.vector_load %arg4[%get3A_439, %get3A_440] {strides = array<i32>} : memref<2x16384xf32, #tpu.memory_space<vmem>>, vector<16xf32>,
        %add3A_442 = arith.constant 32 : i32
        %add3A_443 = arith.addi %mul3A_429, %add3A_442 : i32
        %get3A_444 = arith.constant 1 : i32
        %get3A_445 = arith.index_cast %get3A_444 : i32 to index
        %get3A_446 = arith.index_cast %add3A_443 : i32 to index
        %get3A_447 = tpu.vector_load %arg4[%get3A_445, %get3A_446] {strides = array<i32>} : memref<2x16384xf32, #tpu.memory_space<vmem>>, vector<16xf32>,
        %add3A_448 = arith.constant 48 : i32
        %add3A_449 = arith.addi %mul3A_429, %add3A_448 : i32
        %get3A_450 = arith.constant 1 : i32
        %get3A_451 = arith.index_cast %get3A_450 : i32 to index
        %get3A_452 = arith.index_cast %add3A_449 : i32 to index
        %get3A_453 = tpu.vector_load %arg4[%get3A_451, %get3A_452] {strides = array<i32>} : memref<2x16384xf32, #tpu.memory_space<vmem>>, vector<16xf32>,
        %add3A_454 = arith.constant 64 : i32
        %add3A_455 = arith.addi %mul3A_429, %add3A_454 : i32
        %get3A_456 = arith.constant 1 : i32
        %get3A_457 = arith.index_cast %get3A_456 : i32 to index
        %get3A_458 = arith.index_cast %add3A_455 : i32 to index
        %get3A_459 = tpu.vector_load %arg4[%get3A_457, %get3A_458] {strides = array<i32>} : memref<2x16384xf32, #tpu.memory_space<vmem>>, vector<16xf32>,
        %add3A_460 = arith.constant 80 : i32
        %add3A_461 = arith.addi %mul3A_429, %add3A_460 : i32
        %get3A_462 = arith.constant 1 : i32
        %get3A_463 = arith.index_cast %get3A_462 : i32 to index
        %get3A_464 = arith.index_cast %add3A_461 : i32 to index
        %get3A_465 = tpu.vector_load %arg4[%get3A_463, %get3A_464] {strides = array<i32>} : memref<2x16384xf32, #tpu.memory_space<vmem>>, vector<16xf32>,
        %add3A_466 = arith.constant 96 : i32
        %add3A_467 = arith.addi %mul3A_429, %add3A_466 : i32
        %get3A_468 = arith.constant 1 : i32
        %get3A_469 = arith.index_cast %get3A_468 : i32 to index
        %get3A_470 = arith.index_cast %add3A_467 : i32 to index
        %get3A_471 = tpu.vector_load %arg4[%get3A_469, %get3A_470] {strides = array<i32>} : memref<2x16384xf32, #tpu.memory_space<vmem>>, vector<16xf32>,
        %add3A_472 = arith.constant 112 : i32
        %add3A_473 = arith.addi %mul3A_429, %add3A_472 : i32
        %get3A_474 = arith.constant 1 : i32
        %get3A_475 = arith.index_cast %get3A_474 : i32 to index
        %get3A_476 = arith.index_cast %add3A_473 : i32 to index
        %get3A_477 = tpu.vector_load %arg4[%get3A_475, %get3A_476] {strides = array<i32>} : memref<2x16384xf32, #tpu.memory_space<vmem>>, vector<16xf32>,
        %add3A_478 = arith.constant 1.000000e+00 : f32
        %add3A_479 = vector.broadcast %add3A_478 : f32 to vector<16xf32>
        %add3A_480 = arith.addf %scan3A_416, %add3A_479 : vector<16xf32>
        %add3A_481 = arith.constant 1.000000e+00 : f32
        %add3A_482 = vector.broadcast %add3A_481 : f32 to vector<16xf32>
        %add3A_483 = arith.addf %scan3A_417, %add3A_482 : vector<16xf32>
        %add3A_484 = arith.constant 1.000000e+00 : f32
        %add3A_485 = vector.broadcast %add3A_484 : f32 to vector<16xf32>
        %add3A_486 = arith.addf %scan3A_418, %add3A_485 : vector<16xf32>
        %add3A_487 = arith.constant 1.000000e+00 : f32
        %add3A_488 = vector.broadcast %add3A_487 : f32 to vector<16xf32>
        %add3A_489 = arith.addf %scan3A_419, %add3A_488 : vector<16xf32>
        %add3A_490 = arith.constant 1.000000e+00 : f32
        %add3A_491 = vector.broadcast %add3A_490 : f32 to vector<16xf32>
        %add3A_492 = arith.addf %scan3A_420, %add3A_491 : vector<16xf32>
        %add3A_493 = arith.constant 1.000000e+00 : f32
        %add3A_494 = vector.broadcast %add3A_493 : f32 to vector<16xf32>
        %add3A_495 = arith.addf %scan3A_421, %add3A_494 : vector<16xf32>
        %add3A_496 = arith.constant 1.000000e+00 : f32
        %add3A_497 = vector.broadcast %add3A_496 : f32 to vector<16xf32>
        %add3A_498 = arith.addf %scan3A_422, %add3A_497 : vector<16xf32>
        %add3A_499 = arith.constant 1.000000e+00 : f32
        %add3A_500 = vector.broadcast %add3A_499 : f32 to vector<16xf32>
        %add3A_501 = arith.addf %scan3A_423, %add3A_500 : vector<16xf32>
        %mul3A_502 = arith.constant 1.275000e+02 : f32
        %mul3A_503 = vector.broadcast %mul3A_502 : f32 to vector<16xf32>
        %mul3A_504 = arith.mulf %add3A_480, %mul3A_503 : vector<16xf32>
        %mul3A_505 = arith.constant 1.275000e+02 : f32
        %mul3A_506 = vector.broadcast %mul3A_505 : f32 to vector<16xf32>
        %mul3A_507 = arith.mulf %add3A_483, %mul3A_506 : vector<16xf32>
        %mul3A_508 = arith.constant 1.275000e+02 : f32
        %mul3A_509 = vector.broadcast %mul3A_508 : f32 to vector<16xf32>
        %mul3A_510 = arith.mulf %add3A_486, %mul3A_509 : vector<16xf32>
        %mul3A_511 = arith.constant 1.275000e+02 : f32
        %mul3A_512 = vector.broadcast %mul3A_511 : f32 to vector<16xf32>
        %mul3A_513 = arith.mulf %add3A_489, %mul3A_512 : vector<16xf32>
        %mul3A_514 = arith.constant 1.275000e+02 : f32
        %mul3A_515 = vector.broadcast %mul3A_514 : f32 to vector<16xf32>
        %mul3A_516 = arith.mulf %add3A_492, %mul3A_515 : vector<16xf32>
        %mul3A_517 = arith.constant 1.275000e+02 : f32
        %mul3A_518 = vector.broadcast %mul3A_517 : f32 to vector<16xf32>
        %mul3A_519 = arith.mulf %add3A_495, %mul3A_518 : vector<16xf32>
        %mul3A_520 = arith.constant 1.275000e+02 : f32
        %mul3A_521 = vector.broadcast %mul3A_520 : f32 to vector<16xf32>
        %mul3A_522 = arith.mulf %add3A_498, %mul3A_521 : vector<16xf32>
        %mul3A_523 = arith.constant 1.275000e+02 : f32
        %mul3A_524 = vector.broadcast %mul3A_523 : f32 to vector<16xf32>
        %mul3A_525 = arith.mulf %add3A_501, %mul3A_524 : vector<16xf32>
        %max3A_526 = arith.constant 0.000000e+00 : f32
        %max3A_527 = vector.broadcast %max3A_526 : f32 to vector<16xf32>
        %max3A_528 = arith.maximumf %mul3A_504, %max3A_527 : vector<16xf32>
        %max3A_529 = arith.constant 0.000000e+00 : f32
        %max3A_530 = vector.broadcast %max3A_529 : f32 to vector<16xf32>
        %max3A_531 = arith.maximumf %mul3A_507, %max3A_530 : vector<16xf32>
        %max3A_532 = arith.constant 0.000000e+00 : f32
        %max3A_533 = vector.broadcast %max3A_532 : f32 to vector<16xf32>
        %max3A_534 = arith.maximumf %mul3A_510, %max3A_533 : vector<16xf32>
        %max3A_535 = arith.constant 0.000000e+00 : f32
        %max3A_536 = vector.broadcast %max3A_535 : f32 to vector<16xf32>
        %max3A_537 = arith.maximumf %mul3A_513, %max3A_536 : vector<16xf32>
        %max3A_538 = arith.constant 0.000000e+00 : f32
        %max3A_539 = vector.broadcast %max3A_538 : f32 to vector<16xf32>
        %max3A_540 = arith.maximumf %mul3A_516, %max3A_539 : vector<16xf32>
        %max3A_541 = arith.constant 0.000000e+00 : f32
        %max3A_542 = vector.broadcast %max3A_541 : f32 to vector<16xf32>
        %max3A_543 = arith.maximumf %mul3A_519, %max3A_542 : vector<16xf32>
        %max3A_544 = arith.constant 0.000000e+00 : f32
        %max3A_545 = vector.broadcast %max3A_544 : f32 to vector<16xf32>
        %max3A_546 = arith.maximumf %mul3A_522, %max3A_545 : vector<16xf32>
        %max3A_547 = arith.constant 0.000000e+00 : f32
        %max3A_548 = vector.broadcast %max3A_547 : f32 to vector<16xf32>
        %max3A_549 = arith.maximumf %mul3A_525, %max3A_548 : vector<16xf32>
        %min3A_550 = arith.constant 2.550000e+02 : f32
        %min3A_551 = vector.broadcast %min3A_550 : f32 to vector<16xf32>
        %min3A_552 = arith.minimumf %max3A_528, %min3A_551 : vector<16xf32>
        %min3A_553 = arith.constant 2.550000e+02 : f32
        %min3A_554 = vector.broadcast %min3A_553 : f32 to vector<16xf32>
        %min3A_555 = arith.minimumf %max3A_531, %min3A_554 : vector<16xf32>
        %min3A_556 = arith.constant 2.550000e+02 : f32
        %min3A_557 = vector.broadcast %min3A_556 : f32 to vector<16xf32>
        %min3A_558 = arith.minimumf %max3A_534, %min3A_557 : vector<16xf32>
        %min3A_559 = arith.constant 2.550000e+02 : f32
        %min3A_560 = vector.broadcast %min3A_559 : f32 to vector<16xf32>
        %min3A_561 = arith.minimumf %max3A_537, %min3A_560 : vector<16xf32>
        %min3A_562 = arith.constant 2.550000e+02 : f32
        %min3A_563 = vector.broadcast %min3A_562 : f32 to vector<16xf32>
        %min3A_564 = arith.minimumf %max3A_540, %min3A_563 : vector<16xf32>
        %min3A_565 = arith.constant 2.550000e+02 : f32
        %min3A_566 = vector.broadcast %min3A_565 : f32 to vector<16xf32>
        %min3A_567 = arith.minimumf %max3A_543, %min3A_566 : vector<16xf32>
        %min3A_568 = arith.constant 2.550000e+02 : f32
        %min3A_569 = vector.broadcast %min3A_568 : f32 to vector<16xf32>
        %min3A_570 = arith.minimumf %max3A_546, %min3A_569 : vector<16xf32>
        %min3A_571 = arith.constant 2.550000e+02 : f32
        %min3A_572 = vector.broadcast %min3A_571 : f32 to vector<16xf32>
        %min3A_573 = arith.minimumf %max3A_549, %min3A_572 : vector<16xf32>
        %convert_element_type3A_574 = arith.fptosi %min3A_552 : vector<16xf32> to vector<16xi32>
        %convert_element_type3A_575 = arith.fptosi %min3A_555 : vector<16xf32> to vector<16xi32>
        %convert_element_type3A_576 = arith.fptosi %min3A_558 : vector<16xf32> to vector<16xi32>
        %convert_element_type3A_577 = arith.fptosi %min3A_561 : vector<16xf32> to vector<16xi32>
        %convert_element_type3A_578 = arith.fptosi %min3A_564 : vector<16xf32> to vector<16xi32>
        %convert_element_type3A_579 = arith.fptosi %min3A_567 : vector<16xf32> to vector<16xi32>
        %convert_element_type3A_580 = arith.fptosi %min3A_570 : vector<16xf32> to vector<16xi32>
        %convert_element_type3A_581 = arith.fptosi %min3A_573 : vector<16xf32> to vector<16xi32>
        %add3A_582 = arith.addi %convert_element_type3A_574, %mul3A_10 : vector<16xi32>
        %add3A_583 = arith.addi %convert_element_type3A_575, %mul3A_10 : vector<16xi32>
        %add3A_584 = arith.addi %convert_element_type3A_576, %mul3A_10 : vector<16xi32>
        %add3A_585 = arith.addi %convert_element_type3A_577, %mul3A_10 : vector<16xi32>
        %add3A_586 = arith.addi %convert_element_type3A_578, %mul3A_10 : vector<16xi32>
        %add3A_587 = arith.addi %convert_element_type3A_579, %mul3A_10 : vector<16xi32>
        %add3A_588 = arith.addi %convert_element_type3A_580, %mul3A_10 : vector<16xi32>
        %add3A_589 = arith.addi %convert_element_type3A_581, %mul3A_10 : vector<16xi32>
        %scatter3A_590 = arith.constant 0 : i32
        %scatter3A_591 = tpu.memref_slice %arg5[%scatter3A_590] : memref<32768xf32, #tpu.memory_space<vmem>> -> memref<4096xf32, #tpu.memory_space<vmem>>
        tpu.vector_store_idx %scatter3A_591[%add3A_582], %broadcast_in_dim3A_12 {add = true} : memref<4096xf32, #tpu.memory_space<vmem>>[vector<16xi32>], vector<16xf32>,
        %scatter3A_592 = arith.constant 4096 : i32
        %scatter3A_593 = tpu.memref_slice %arg5[%scatter3A_592] : memref<32768xf32, #tpu.memory_space<vmem>> -> memref<4096xf32, #tpu.memory_space<vmem>>
        tpu.vector_store_idx %scatter3A_593[%add3A_583], %broadcast_in_dim3A_12 {add = true} : memref<4096xf32, #tpu.memory_space<vmem>>[vector<16xi32>], vector<16xf32>,
        %scatter3A_594 = arith.constant 8192 : i32
        %scatter3A_595 = tpu.memref_slice %arg5[%scatter3A_594] : memref<32768xf32, #tpu.memory_space<vmem>> -> memref<4096xf32, #tpu.memory_space<vmem>>
        tpu.vector_store_idx %scatter3A_595[%add3A_584], %broadcast_in_dim3A_12 {add = true} : memref<4096xf32, #tpu.memory_space<vmem>>[vector<16xi32>], vector<16xf32>,
        %scatter3A_596 = arith.constant 12288 : i32
        %scatter3A_597 = tpu.memref_slice %arg5[%scatter3A_596] : memref<32768xf32, #tpu.memory_space<vmem>> -> memref<4096xf32, #tpu.memory_space<vmem>>
        tpu.vector_store_idx %scatter3A_597[%add3A_585], %broadcast_in_dim3A_12 {add = true} : memref<4096xf32, #tpu.memory_space<vmem>>[vector<16xi32>], vector<16xf32>,
        %scatter3A_598 = arith.constant 16384 : i32
        %scatter3A_599 = tpu.memref_slice %arg5[%scatter3A_598] : memref<32768xf32, #tpu.memory_space<vmem>> -> memref<4096xf32, #tpu.memory_space<vmem>>
        tpu.vector_store_idx %scatter3A_599[%add3A_586], %broadcast_in_dim3A_12 {add = true} : memref<4096xf32, #tpu.memory_space<vmem>>[vector<16xi32>], vector<16xf32>,
        %scatter3A_600 = arith.constant 20480 : i32
        %scatter3A_601 = tpu.memref_slice %arg5[%scatter3A_600] : memref<32768xf32, #tpu.memory_space<vmem>> -> memref<4096xf32, #tpu.memory_space<vmem>>
        tpu.vector_store_idx %scatter3A_601[%add3A_587], %broadcast_in_dim3A_12 {add = true} : memref<4096xf32, #tpu.memory_space<vmem>>[vector<16xi32>], vector<16xf32>,
        %scatter3A_602 = arith.constant 24576 : i32
        %scatter3A_603 = tpu.memref_slice %arg5[%scatter3A_602] : memref<32768xf32, #tpu.memory_space<vmem>> -> memref<4096xf32, #tpu.memory_space<vmem>>
        tpu.vector_store_idx %scatter3A_603[%add3A_588], %broadcast_in_dim3A_12 {add = true} : memref<4096xf32, #tpu.memory_space<vmem>>[vector<16xi32>], vector<16xf32>,
        %scatter3A_604 = arith.constant 28672 : i32
        %scatter3A_605 = tpu.memref_slice %arg5[%scatter3A_604] : memref<32768xf32, #tpu.memory_space<vmem>> -> memref<4096xf32, #tpu.memory_space<vmem>>
        tpu.vector_store_idx %scatter3A_605[%add3A_589], %broadcast_in_dim3A_12 {add = true} : memref<4096xf32, #tpu.memory_space<vmem>>[vector<16xi32>], vector<16xf32>,
        scf.yield %get3A_435, %get3A_441, %get3A_447, %get3A_453, %get3A_459, %get3A_465, %get3A_471, %get3A_477 : vector<16xf32>, vector<16xf32>, vector<16xf32>, vector<16xf32>, vector<16xf32>, vector<16xf32>, vector<16xf32>, vector<16xf32>
      }
      %scan3A_279 = arith.constant 127 : i32
      %add3A_280 = arith.constant 1.000000e+00 : f32
      %add3A_281 = vector.broadcast %add3A_280 : f32 to vector<16xf32>
      %add3A_282 = arith.addf %scan3A_278#0, %add3A_281 : vector<16xf32>
      %add3A_283 = arith.constant 1.000000e+00 : f32
      %add3A_284 = vector.broadcast %add3A_283 : f32 to vector<16xf32>
      %add3A_285 = arith.addf %scan3A_278#1, %add3A_284 : vector<16xf32>
      %add3A_286 = arith.constant 1.000000e+00 : f32
      %add3A_287 = vector.broadcast %add3A_286 : f32 to vector<16xf32>
      %add3A_288 = arith.addf %scan3A_278#2, %add3A_287 : vector<16xf32>
      %add3A_289 = arith.constant 1.000000e+00 : f32
      %add3A_290 = vector.broadcast %add3A_289 : f32 to vector<16xf32>
      %add3A_291 = arith.addf %scan3A_278#3, %add3A_290 : vector<16xf32>
      %add3A_292 = arith.constant 1.000000e+00 : f32
      %add3A_293 = vector.broadcast %add3A_292 : f32 to vector<16xf32>
      %add3A_294 = arith.addf %scan3A_278#4, %add3A_293 : vector<16xf32>
      %add3A_295 = arith.constant 1.000000e+00 : f32
      %add3A_296 = vector.broadcast %add3A_295 : f32 to vector<16xf32>
      %add3A_297 = arith.addf %scan3A_278#5, %add3A_296 : vector<16xf32>
      %add3A_298 = arith.constant 1.000000e+00 : f32
      %add3A_299 = vector.broadcast %add3A_298 : f32 to vector<16xf32>
      %add3A_300 = arith.addf %scan3A_278#6, %add3A_299 : vector<16xf32>
      %add3A_301 = arith.constant 1.000000e+00 : f32
      %add3A_302 = vector.broadcast %add3A_301 : f32 to vector<16xf32>
      %add3A_303 = arith.addf %scan3A_278#7, %add3A_302 : vector<16xf32>
      %mul3A_304 = arith.constant 1.275000e+02 : f32
      %mul3A_305 = vector.broadcast %mul3A_304 : f32 to vector<16xf32>
      %mul3A_306 = arith.mulf %add3A_282, %mul3A_305 : vector<16xf32>
      %mul3A_307 = arith.constant 1.275000e+02 : f32
      %mul3A_308 = vector.broadcast %mul3A_307 : f32 to vector<16xf32>
      %mul3A_309 = arith.mulf %add3A_285, %mul3A_308 : vector<16xf32>
      %mul3A_310 = arith.constant 1.275000e+02 : f32
      %mul3A_311 = vector.broadcast %mul3A_310 : f32 to vector<16xf32>
      %mul3A_312 = arith.mulf %add3A_288, %mul3A_311 : vector<16xf32>
      %mul3A_313 = arith.constant 1.275000e+02 : f32
      %mul3A_314 = vector.broadcast %mul3A_313 : f32 to vector<16xf32>
      %mul3A_315 = arith.mulf %add3A_291, %mul3A_314 : vector<16xf32>
      %mul3A_316 = arith.constant 1.275000e+02 : f32
      %mul3A_317 = vector.broadcast %mul3A_316 : f32 to vector<16xf32>
      %mul3A_318 = arith.mulf %add3A_294, %mul3A_317 : vector<16xf32>
      %mul3A_319 = arith.constant 1.275000e+02 : f32
      %mul3A_320 = vector.broadcast %mul3A_319 : f32 to vector<16xf32>
      %mul3A_321 = arith.mulf %add3A_297, %mul3A_320 : vector<16xf32>
      %mul3A_322 = arith.constant 1.275000e+02 : f32
      %mul3A_323 = vector.broadcast %mul3A_322 : f32 to vector<16xf32>
      %mul3A_324 = arith.mulf %add3A_300, %mul3A_323 : vector<16xf32>
      %mul3A_325 = arith.constant 1.275000e+02 : f32
      %mul3A_326 = vector.broadcast %mul3A_325 : f32 to vector<16xf32>
      %mul3A_327 = arith.mulf %add3A_303, %mul3A_326 : vector<16xf32>
      %max3A_328 = arith.constant 0.000000e+00 : f32
      %max3A_329 = vector.broadcast %max3A_328 : f32 to vector<16xf32>
      %max3A_330 = arith.maximumf %mul3A_306, %max3A_329 : vector<16xf32>
      %max3A_331 = arith.constant 0.000000e+00 : f32
      %max3A_332 = vector.broadcast %max3A_331 : f32 to vector<16xf32>
      %max3A_333 = arith.maximumf %mul3A_309, %max3A_332 : vector<16xf32>
      %max3A_334 = arith.constant 0.000000e+00 : f32
      %max3A_335 = vector.broadcast %max3A_334 : f32 to vector<16xf32>
      %max3A_336 = arith.maximumf %mul3A_312, %max3A_335 : vector<16xf32>
      %max3A_337 = arith.constant 0.000000e+00 : f32
      %max3A_338 = vector.broadcast %max3A_337 : f32 to vector<16xf32>
      %max3A_339 = arith.maximumf %mul3A_315, %max3A_338 : vector<16xf32>
      %max3A_340 = arith.constant 0.000000e+00 : f32
      %max3A_341 = vector.broadcast %max3A_340 : f32 to vector<16xf32>
      %max3A_342 = arith.maximumf %mul3A_318, %max3A_341 : vector<16xf32>
      %max3A_343 = arith.constant 0.000000e+00 : f32
      %max3A_344 = vector.broadcast %max3A_343 : f32 to vector<16xf32>
      %max3A_345 = arith.maximumf %mul3A_321, %max3A_344 : vector<16xf32>
      %max3A_346 = arith.constant 0.000000e+00 : f32
      %max3A_347 = vector.broadcast %max3A_346 : f32 to vector<16xf32>
      %max3A_348 = arith.maximumf %mul3A_324, %max3A_347 : vector<16xf32>
      %max3A_349 = arith.constant 0.000000e+00 : f32
      %max3A_350 = vector.broadcast %max3A_349 : f32 to vector<16xf32>
      %max3A_351 = arith.maximumf %mul3A_327, %max3A_350 : vector<16xf32>
      %min3A_352 = arith.constant 2.550000e+02 : f32
      %min3A_353 = vector.broadcast %min3A_352 : f32 to vector<16xf32>
      %min3A_354 = arith.minimumf %max3A_330, %min3A_353 : vector<16xf32>
      %min3A_355 = arith.constant 2.550000e+02 : f32
      %min3A_356 = vector.broadcast %min3A_355 : f32 to vector<16xf32>
      %min3A_357 = arith.minimumf %max3A_333, %min3A_356 : vector<16xf32>
      %min3A_358 = arith.constant 2.550000e+02 : f32
      %min3A_359 = vector.broadcast %min3A_358 : f32 to vector<16xf32>
      %min3A_360 = arith.minimumf %max3A_336, %min3A_359 : vector<16xf32>
      %min3A_361 = arith.constant 2.550000e+02 : f32
      %min3A_362 = vector.broadcast %min3A_361 : f32 to vector<16xf32>
      %min3A_363 = arith.minimumf %max3A_339, %min3A_362 : vector<16xf32>
      %min3A_364 = arith.constant 2.550000e+02 : f32
      %min3A_365 = vector.broadcast %min3A_364 : f32 to vector<16xf32>
      %min3A_366 = arith.minimumf %max3A_342, %min3A_365 : vector<16xf32>
      %min3A_367 = arith.constant 2.550000e+02 : f32
      %min3A_368 = vector.broadcast %min3A_367 : f32 to vector<16xf32>
      %min3A_369 = arith.minimumf %max3A_345, %min3A_368 : vector<16xf32>
      %min3A_370 = arith.constant 2.550000e+02 : f32
      %min3A_371 = vector.broadcast %min3A_370 : f32 to vector<16xf32>
      %min3A_372 = arith.minimumf %max3A_348, %min3A_371 : vector<16xf32>
      %min3A_373 = arith.constant 2.550000e+02 : f32
      %min3A_374 = vector.broadcast %min3A_373 : f32 to vector<16xf32>
      %min3A_375 = arith.minimumf %max3A_351, %min3A_374 : vector<16xf32>
      %convert_element_type3A_376 = arith.fptosi %min3A_354 : vector<16xf32> to vector<16xi32>
      %convert_element_type3A_377 = arith.fptosi %min3A_357 : vector<16xf32> to vector<16xi32>
      %convert_element_type3A_378 = arith.fptosi %min3A_360 : vector<16xf32> to vector<16xi32>
      %convert_element_type3A_379 = arith.fptosi %min3A_363 : vector<16xf32> to vector<16xi32>
      %convert_element_type3A_380 = arith.fptosi %min3A_366 : vector<16xf32> to vector<16xi32>
      %convert_element_type3A_381 = arith.fptosi %min3A_369 : vector<16xf32> to vector<16xi32>
      %convert_element_type3A_382 = arith.fptosi %min3A_372 : vector<16xf32> to vector<16xi32>
      %convert_element_type3A_383 = arith.fptosi %min3A_375 : vector<16xf32> to vector<16xi32>
      %add3A_384 = arith.addi %convert_element_type3A_376, %mul3A_10 : vector<16xi32>
      %add3A_385 = arith.addi %convert_element_type3A_377, %mul3A_10 : vector<16xi32>
      %add3A_386 = arith.addi %convert_element_type3A_378, %mul3A_10 : vector<16xi32>
      %add3A_387 = arith.addi %convert_element_type3A_379, %mul3A_10 : vector<16xi32>
      %add3A_388 = arith.addi %convert_element_type3A_380, %mul3A_10 : vector<16xi32>
      %add3A_389 = arith.addi %convert_element_type3A_381, %mul3A_10 : vector<16xi32>
      %add3A_390 = arith.addi %convert_element_type3A_382, %mul3A_10 : vector<16xi32>
      %add3A_391 = arith.addi %convert_element_type3A_383, %mul3A_10 : vector<16xi32>
      %scatter3A_392 = arith.constant 0 : i32
      %scatter3A_393 = tpu.memref_slice %arg5[%scatter3A_392] : memref<32768xf32, #tpu.memory_space<vmem>> -> memref<4096xf32, #tpu.memory_space<vmem>>
      tpu.vector_store_idx %scatter3A_393[%add3A_384], %broadcast_in_dim3A_12 {add = true} : memref<4096xf32, #tpu.memory_space<vmem>>[vector<16xi32>], vector<16xf32>,
      %scatter3A_394 = arith.constant 4096 : i32
      %scatter3A_395 = tpu.memref_slice %arg5[%scatter3A_394] : memref<32768xf32, #tpu.memory_space<vmem>> -> memref<4096xf32, #tpu.memory_space<vmem>>
      tpu.vector_store_idx %scatter3A_395[%add3A_385], %broadcast_in_dim3A_12 {add = true} : memref<4096xf32, #tpu.memory_space<vmem>>[vector<16xi32>], vector<16xf32>,
      %scatter3A_396 = arith.constant 8192 : i32
      %scatter3A_397 = tpu.memref_slice %arg5[%scatter3A_396] : memref<32768xf32, #tpu.memory_space<vmem>> -> memref<4096xf32, #tpu.memory_space<vmem>>
      tpu.vector_store_idx %scatter3A_397[%add3A_386], %broadcast_in_dim3A_12 {add = true} : memref<4096xf32, #tpu.memory_space<vmem>>[vector<16xi32>], vector<16xf32>,
      %scatter3A_398 = arith.constant 12288 : i32
      %scatter3A_399 = tpu.memref_slice %arg5[%scatter3A_398] : memref<32768xf32, #tpu.memory_space<vmem>> -> memref<4096xf32, #tpu.memory_space<vmem>>
      tpu.vector_store_idx %scatter3A_399[%add3A_387], %broadcast_in_dim3A_12 {add = true} : memref<4096xf32, #tpu.memory_space<vmem>>[vector<16xi32>], vector<16xf32>,
      %scatter3A_400 = arith.constant 16384 : i32
      %scatter3A_401 = tpu.memref_slice %arg5[%scatter3A_400] : memref<32768xf32, #tpu.memory_space<vmem>> -> memref<4096xf32, #tpu.memory_space<vmem>>
      tpu.vector_store_idx %scatter3A_401[%add3A_388], %broadcast_in_dim3A_12 {add = true} : memref<4096xf32, #tpu.memory_space<vmem>>[vector<16xi32>], vector<16xf32>,
      %scatter3A_402 = arith.constant 20480 : i32
      %scatter3A_403 = tpu.memref_slice %arg5[%scatter3A_402] : memref<32768xf32, #tpu.memory_space<vmem>> -> memref<4096xf32, #tpu.memory_space<vmem>>
      tpu.vector_store_idx %scatter3A_403[%add3A_389], %broadcast_in_dim3A_12 {add = true} : memref<4096xf32, #tpu.memory_space<vmem>>[vector<16xi32>], vector<16xf32>,
      %scatter3A_404 = arith.constant 24576 : i32
      %scatter3A_405 = tpu.memref_slice %arg5[%scatter3A_404] : memref<32768xf32, #tpu.memory_space<vmem>> -> memref<4096xf32, #tpu.memory_space<vmem>>
      tpu.vector_store_idx %scatter3A_405[%add3A_390], %broadcast_in_dim3A_12 {add = true} : memref<4096xf32, #tpu.memory_space<vmem>>[vector<16xi32>], vector<16xf32>,
      %scatter3A_406 = arith.constant 28672 : i32
      %scatter3A_407 = tpu.memref_slice %arg5[%scatter3A_406] : memref<32768xf32, #tpu.memory_space<vmem>> -> memref<4096xf32, #tpu.memory_space<vmem>>
      tpu.vector_store_idx %scatter3A_407[%add3A_391], %broadcast_in_dim3A_12 {add = true} : memref<4096xf32, #tpu.memory_space<vmem>>[vector<16xi32>], vector<16xf32>,
      %add3A_408 = arith.constant 2 : i32
      %add3A_409 = arith.addi %add3A_229, %add3A_408 : i32
      %lt3A_410 = arith.constant 128 : i32
      %lt3A_411 = arith.cmpi slt, %add3A_409, %lt3A_410 : i32
      %convert_element_type3A_412 = arith.extui %lt3A_411 : i1 to i32
      %cond3A_413 = arith.constant 0 : i32
      %cond3A_414 = arith.cmpi ne, %convert_element_type3A_412, %cond3A_413 : i32
      scf.if %cond3A_414 {
        %add3A_415 = arith.constant 2 : i32
        %add3A_416 = arith.addi %add3A_229, %add3A_415 : i32
        %mul3A_417 = arith.constant 16384 : i32
        %mul3A_418 = arith.muli %add3A_416, %mul3A_417 : i32
        %add3A_419 = arith.addi %mul3A_2, %mul3A_418 : i32
        %dma_start3A_420 = arith.constant 1 : i32
        %dma_start3A_421 = arith.constant 0 : i32
        %dma_start3A_422 = tpu.memref_slice %arg4[%dma_start3A_420, %dma_start3A_421] : memref<2x16384xf32, #tpu.memory_space<vmem>> -> memref<1x16384xf32, #tpu.memory_space<vmem>>
        %dma_start3A_423 = tpu.memref_squeeze %dma_start3A_422 : memref<1x16384xf32, #tpu.memory_space<vmem>> -> memref<16384xf32, #tpu.memory_space<vmem>>
        %dma_start3A_424 = tpu.memref_slice %arg2[%add3A_419] : memref<67108864xf32, #tpu.memory_space<hbm>> -> memref<16384xf32, #tpu.memory_space<hbm>>
        %dma_start3A_425 = arith.constant 0 : i32
        %dma_start3A_426 = tpu.memref_slice %arg4[%dma_start3A_420, %dma_start3A_425] : memref<2x16384xf32, #tpu.memory_space<vmem>> -> memref<1x16384xf32, #tpu.memory_space<vmem>>
        %dma_start3A_427 = tpu.memref_squeeze %dma_start3A_426 : memref<1x16384xf32, #tpu.memory_space<vmem>> -> memref<16384xf32, #tpu.memory_space<vmem>>
        %dma_start3A_428 = tpu.memref_slice %arg2[%add3A_419] : memref<67108864xf32, #tpu.memory_space<hbm>> -> memref<16384xf32, #tpu.memory_space<hbm>>
        tpu.enqueue_dma source(%dma_start3A_428 : memref<16384xf32, #tpu.memory_space<hbm>>) target(%dma_start3A_427 : memref<16384xf32, #tpu.memory_space<vmem>>) target_semaphore(%arg8 : memref<!tpu.dma_semaphore, #tpu.memory_space<semaphore_mem>>)
      } else {
      }
    }
    %scan3A_36 = arith.constant 64 : i32
    %scan3A_37 = arith.constant 0 : i32
    %scan3A_38 = arith.constant 16 : i32
    %scan3A_39 = arith.addi %scan3A_37, %scan3A_38 : i32
    %scan3A_40 = arith.constant 1 : i32
    scf.for %scan3A_44 = %scan3A_37 to %scan3A_39 step %scan3A_40  : i32 {
      %mul3A_45 = arith.constant 1 : i32
      %mul3A_46 = arith.muli %scan3A_44, %mul3A_45 : i32
      %add3A_47 = arith.constant 0 : i32
      %add3A_48 = arith.addi %add3A_47, %mul3A_46 : i32
      %broadcast_in_dim3A_49 = arith.constant 0.000000e+00 : f32
      %broadcast_in_dim3A_50 = vector.broadcast %broadcast_in_dim3A_49 : f32 to vector<16xf32>
      %broadcast_in_dim3A_51 = arith.constant 0.000000e+00 : f32
      %broadcast_in_dim3A_52 = vector.broadcast %broadcast_in_dim3A_51 : f32 to vector<16xf32>
      %broadcast_in_dim3A_53 = arith.constant 0.000000e+00 : f32
      %broadcast_in_dim3A_54 = vector.broadcast %broadcast_in_dim3A_53 : f32 to vector<16xf32>
      %broadcast_in_dim3A_55 = arith.constant 0.000000e+00 : f32
      %broadcast_in_dim3A_56 = vector.broadcast %broadcast_in_dim3A_55 : f32 to vector<16xf32>
      %broadcast_in_dim3A_57 = arith.constant 0.000000e+00 : f32
      %broadcast_in_dim3A_58 = vector.broadcast %broadcast_in_dim3A_57 : f32 to vector<16xf32>
      %broadcast_in_dim3A_59 = arith.constant 0.000000e+00 : f32
      %broadcast_in_dim3A_60 = vector.broadcast %broadcast_in_dim3A_59 : f32 to vector<16xf32>
      %broadcast_in_dim3A_61 = arith.constant 0.000000e+00 : f32
      %broadcast_in_dim3A_62 = vector.broadcast %broadcast_in_dim3A_61 : f32 to vector<16xf32>
      %broadcast_in_dim3A_63 = arith.constant 0.000000e+00 : f32
      %broadcast_in_dim3A_64 = vector.broadcast %broadcast_in_dim3A_63 : f32 to vector<16xf32>
      %mul3A_65 = arith.constant 16 : i32
      %mul3A_66 = arith.muli %add3A_48, %mul3A_65 : i32
      %add3A_67 = arith.constant 0 : i32
      %add3A_68 = arith.addi %add3A_67, %mul3A_66 : i32
      %get3A = arith.index_cast %add3A_68 : i32 to index
      %get3A_69 = tpu.vector_load %arg5[%get3A] {strides = array<i32>} : memref<32768xf32, #tpu.memory_space<vmem>>, vector<16xf32>,
      %add3A_70 = arith.addf %broadcast_in_dim3A_50, %get3A_69 : vector<16xf32>
      %mul3A_71 = arith.constant 16 : i32
      %mul3A_72 = arith.muli %add3A_48, %mul3A_71 : i32
      %add3A_73 = arith.constant 256 : i32
      %add3A_74 = arith.addi %add3A_73, %mul3A_72 : i32
      %get3A_75 = arith.index_cast %add3A_74 : i32 to index
      %get3A_76 = tpu.vector_load %arg5[%get3A_75] {strides = array<i32>} : memref<32768xf32, #tpu.memory_space<vmem>>, vector<16xf32>,
      %add3A_77 = arith.addf %broadcast_in_dim3A_52, %get3A_76 : vector<16xf32>
      %mul3A_78 = arith.constant 16 : i32
      %mul3A_79 = arith.muli %add3A_48, %mul3A_78 : i32
      %add3A_80 = arith.constant 512 : i32
      %add3A_81 = arith.addi %add3A_80, %mul3A_79 : i32
      %get3A_82 = arith.index_cast %add3A_81 : i32 to index
      %get3A_83 = tpu.vector_load %arg5[%get3A_82] {strides = array<i32>} : memref<32768xf32, #tpu.memory_space<vmem>>, vector<16xf32>,
      %add3A_84 = arith.addf %broadcast_in_dim3A_54, %get3A_83 : vector<16xf32>
      %mul3A_85 = arith.constant 16 : i32
      %mul3A_86 = arith.muli %add3A_48, %mul3A_85 : i32
      %add3A_87 = arith.constant 768 : i32
      %add3A_88 = arith.addi %add3A_87, %mul3A_86 : i32
      %get3A_89 = arith.index_cast %add3A_88 : i32 to index
      %get3A_90 = tpu.vector_load %arg5[%get3A_89] {strides = array<i32>} : memref<32768xf32, #tpu.memory_space<vmem>>, vector<16xf32>,
      %add3A_91 = arith.addf %broadcast_in_dim3A_56, %get3A_90 : vector<16xf32>
      %mul3A_92 = arith.constant 16 : i32
      %mul3A_93 = arith.muli %add3A_48, %mul3A_92 : i32
      %add3A_94 = arith.constant 1024 : i32
      %add3A_95 = arith.addi %add3A_94, %mul3A_93 : i32
      %get3A_96 = arith.index_cast %add3A_95 : i32 to index
      %get3A_97 = tpu.vector_load %arg5[%get3A_96] {strides = array<i32>} : memref<32768xf32, #tpu.memory_space<vmem>>, vector<16xf32>,
      %add3A_98 = arith.addf %broadcast_in_dim3A_58, %get3A_97 : vector<16xf32>
      %mul3A_99 = arith.constant 16 : i32
      %mul3A_100 = arith.muli %add3A_48, %mul3A_99 : i32
      %add3A_101 = arith.constant 1280 : i32
      %add3A_102 = arith.addi %add3A_101, %mul3A_100 : i32
      %get3A_103 = arith.index_cast %add3A_102 : i32 to index
      %get3A_104 = tpu.vector_load %arg5[%get3A_103] {strides = array<i32>} : memref<32768xf32, #tpu.memory_space<vmem>>, vector<16xf32>,
      %add3A_105 = arith.addf %broadcast_in_dim3A_60, %get3A_104 : vector<16xf32>
      %mul3A_106 = arith.constant 16 : i32
      %mul3A_107 = arith.muli %add3A_48, %mul3A_106 : i32
      %add3A_108 = arith.constant 1536 : i32
      %add3A_109 = arith.addi %add3A_108, %mul3A_107 : i32
      %get3A_110 = arith.index_cast %add3A_109 : i32 to index
      %get3A_111 = tpu.vector_load %arg5[%get3A_110] {strides = array<i32>} : memref<32768xf32, #tpu.memory_space<vmem>>, vector<16xf32>,
      %add3A_112 = arith.addf %broadcast_in_dim3A_62, %get3A_111 : vector<16xf32>
      %mul3A_113 = arith.constant 16 : i32
      %mul3A_114 = arith.muli %add3A_48, %mul3A_113 : i32
      %add3A_115 = arith.constant 1792 : i32
      %add3A_116 = arith.addi %add3A_115, %mul3A_114 : i32
      %get3A_117 = arith.index_cast %add3A_116 : i32 to index
      %get3A_118 = tpu.vector_load %arg5[%get3A_117] {strides = array<i32>} : memref<32768xf32, #tpu.memory_space<vmem>>, vector<16xf32>,
      %add3A_119 = arith.addf %broadcast_in_dim3A_64, %get3A_118 : vector<16xf32>
      %mul3A_120 = arith.constant 16 : i32
      %mul3A_121 = arith.muli %add3A_48, %mul3A_120 : i32
      %add3A_122 = arith.constant 2048 : i32
      %add3A_123 = arith.addi %add3A_122, %mul3A_121 : i32
      %get3A_124 = arith.index_cast %add3A_123 : i32 to index
      %get3A_125 = tpu.vector_load %arg5[%get3A_124] {strides = array<i32>} : memref<32768xf32, #tpu.memory_space<vmem>>, vector<16xf32>,
      %add3A_126 = arith.addf %add3A_70, %get3A_125 : vector<16xf32>
      %mul3A_127 = arith.constant 16 : i32
      %mul3A_128 = arith.muli %add3A_48, %mul3A_127 : i32
      %add3A_129 = arith.constant 2304 : i32
      %add3A_130 = arith.addi %add3A_129, %mul3A_128 : i32
      %get3A_131 = arith.index_cast %add3A_130 : i32 to index
      %get3A_132 = tpu.vector_load %arg5[%get3A_131] {strides = array<i32>} : memref<32768xf32, #tpu.memory_space<vmem>>, vector<16xf32>,
      %add3A_133 = arith.addf %add3A_77, %get3A_132 : vector<16xf32>
      %mul3A_134 = arith.constant 16 : i32
      %mul3A_135 = arith.muli %add3A_48, %mul3A_134 : i32
      %add3A_136 = arith.constant 2560 : i32
      %add3A_137 = arith.addi %add3A_136, %mul3A_135 : i32
      %get3A_138 = arith.index_cast %add3A_137 : i32 to index
      %get3A_139 = tpu.vector_load %arg5[%get3A_138] {strides = array<i32>} : memref<32768xf32, #tpu.memory_space<vmem>>, vector<16xf32>,
      %add3A_140 = arith.addf %add3A_84, %get3A_139 : vector<16xf32>
      %mul3A_141 = arith.constant 16 : i32
      %mul3A_142 = arith.muli %add3A_48, %mul3A_141 : i32
      %add3A_143 = arith.constant 2816 : i32
      %add3A_144 = arith.addi %add3A_143, %mul3A_142 : i32
      %get3A_145 = arith.index_cast %add3A_144 : i32 to index
      %get3A_146 = tpu.vector_load %arg5[%get3A_145] {strides = array<i32>} : memref<32768xf32, #tpu.memory_space<vmem>>, vector<16xf32>,
      %add3A_147 = arith.addf %add3A_91, %get3A_146 : vector<16xf32>
      %mul3A_148 = arith.constant 16 : i32
      %mul3A_149 = arith.muli %add3A_48, %mul3A_148 : i32
      %add3A_150 = arith.constant 3072 : i32
      %add3A_151 = arith.addi %add3A_150, %mul3A_149 : i32
      %get3A_152 = arith.index_cast %add3A_151 : i32 to index
      %get3A_153 = tpu.vector_load %arg5[%get3A_152] {strides = array<i32>} : memref<32768xf32, #tpu.memory_space<vmem>>, vector<16xf32>,
      %add3A_154 = arith.addf %add3A_98, %get3A_153 : vector<16xf32>
      %mul3A_155 = arith.constant 16 : i32
      %mul3A_156 = arith.muli %add3A_48, %mul3A_155 : i32
      %add3A_157 = arith.constant 3328 : i32
      %add3A_158 = arith.addi %add3A_157, %mul3A_156 : i32
      %get3A_159 = arith.index_cast %add3A_158 : i32 to index
      %get3A_160 = tpu.vector_load %arg5[%get3A_159] {strides = array<i32>} : memref<32768xf32, #tpu.memory_space<vmem>>, vector<16xf32>,
      %add3A_161 = arith.addf %add3A_105, %get3A_160 : vector<16xf32>
      %mul3A_162 = arith.constant 16 : i32
      %mul3A_163 = arith.muli %add3A_48, %mul3A_162 : i32
      %add3A_164 = arith.constant 3584 : i32
      %add3A_165 = arith.addi %add3A_164, %mul3A_163 : i32
      %get3A_166 = arith.index_cast %add3A_165 : i32 to index
      %get3A_167 = tpu.vector_load %arg5[%get3A_166] {strides = array<i32>} : memref<32768xf32, #tpu.memory_space<vmem>>, vector<16xf32>,
      %add3A_168 = arith.addf %add3A_112, %get3A_167 : vector<16xf32>
      %mul3A_169 = arith.constant 16 : i32
      %mul3A_170 = arith.muli %add3A_48, %mul3A_169 : i32
      %add3A_171 = arith.constant 3840 : i32
      %add3A_172 = arith.addi %add3A_171, %mul3A_170 : i32
      %get3A_173 = arith.index_cast %add3A_172 : i32 to index
      %get3A_174 = tpu.vector_load %arg5[%get3A_173] {strides = array<i32>} : memref<32768xf32, #tpu.memory_space<vmem>>, vector<16xf32>,
      %add3A_175 = arith.addf %add3A_119, %get3A_174 : vector<16xf32>
      %mul3A_176 = arith.constant 16 : i32
      %mul3A_177 = arith.muli %add3A_48, %mul3A_176 : i32
      %add3A_178 = arith.constant 4096 : i32
      %add3A_179 = arith.addi %add3A_178, %mul3A_177 : i32
      %get3A_180 = arith.index_cast %add3A_179 : i32 to index
      %get3A_181 = tpu.vector_load %arg5[%get3A_180] {strides = array<i32>} : memref<32768xf32, #tpu.memory_space<vmem>>, vector<16xf32>,
      %add3A_182 = arith.addf %add3A_126, %get3A_181 : vector<16xf32>
      %mul3A_183 = arith.constant 16 : i32
      %mul3A_184 = arith.muli %add3A_48, %mul3A_183 : i32
      %add3A_185 = arith.constant 4352 : i32
      %add3A_186 = arith.addi %add3A_185, %mul3A_184 : i32
      %get3A_187 = arith.index_cast %add3A_186 : i32 to index
      %get3A_188 = tpu.vector_load %arg5[%get3A_187] {strides = array<i32>} : memref<32768xf32, #tpu.memory_space<vmem>>, vector<16xf32>,
      %add3A_189 = arith.addf %add3A_133, %get3A_188 : vector<16xf32>
      %mul3A_190 = arith.constant 16 : i32
      %mul3A_191 = arith.muli %add3A_48, %mul3A_190 : i32
      %add3A_192 = arith.constant 4608 : i32
      %add3A_193 = arith.addi %add3A_192, %mul3A_191 : i32
      %get3A_194 = arith.index_cast %add3A_193 : i32 to index
      %get3A_195 = tpu.vector_load %arg5[%get3A_194] {strides = array<i32>} : memref<32768xf32, #tpu.memory_space<vmem>>, vector<16xf32>,
      %add3A_196 = arith.addf %add3A_140, %get3A_195 : vector<16xf32>
      %mul3A_197 = arith.constant 16 : i32
      %mul3A_198 = arith.muli %add3A_48, %mul3A_197 : i32
      %add3A_199 = arith.constant 4864 : i32
      %add3A_200 = arith.addi %add3A_199, %mul3A_198 : i32
      %get3A_201 = arith.index_cast %add3A_200 : i32 to index
      %get3A_202 = tpu.vector_load %arg5[%get3A_201] {strides = array<i32>} : memref<32768xf32, #tpu.memory_space<vmem>>, vector<16xf32>,
      %add3A_203 = arith.addf %add3A_147, %get3A_202 : vector<16xf32>
      %mul3A_204 = arith.constant 16 : i32
      %mul3A_205 = arith.muli %add3A_48, %mul3A_204 : i32
      %add3A_206 = arith.constant 5120 : i32
      %add3A_207 = arith.addi %add3A_206, %mul3A_205 : i32
      %get3A_208 = arith.index_cast %add3A_207 : i32 to index
      %get3A_209 = tpu.vector_load %arg5[%get3A_208] {strides = array<i32>} : memref<32768xf32, #tpu.memory_space<vmem>>, vector<16xf32>,
      %add3A_210 = arith.addf %add3A_154, %get3A_209 : vector<16xf32>
      %mul3A_211 = arith.constant 16 : i32
      %mul3A_212 = arith.muli %add3A_48, %mul3A_211 : i32
      %add3A_213 = arith.constant 5376 : i32
      %add3A_214 = arith.addi %add3A_213, %mul3A_212 : i32
      %get3A_215 = arith.index_cast %add3A_214 : i32 to index
      %get3A_216 = tpu.vector_load %arg5[%get3A_215] {strides = array<i32>} : memref<32768xf32, #tpu.memory_space<vmem>>, vector<16xf32>,
      %add3A_217 = arith.addf %add3A_161, %get3A_216 : vector<16xf32>
      %mul3A_218 = arith.constant 16 : i32
      %mul3A_219 = arith.muli %add3A_48, %mul3A_218 : i32
      %add3A_220 = arith.constant 5632 : i32
      %add3A_221 = arith.addi %add3A_220, %mul3A_219 : i32
      %get3A_222 = arith.index_cast %add3A_221 : i32 to index
      %get3A_223 = tpu.vector_load %arg5[%get3A_222] {strides = array<i32>} : memref<32768xf32, #tpu.memory_space<vmem>>, vector<16xf32>,
      %add3A_224 = arith.addf %add3A_168, %get3A_223 : vector<16xf32>
      %mul3A_225 = arith.constant 16 : i32
      %mul3A_226 = arith.muli %add3A_48, %mul3A_225 : i32
      %add3A_227 = arith.constant 5888 : i32
      %add3A_228 = arith.addi %add3A_227, %mul3A_226 : i32
      %get3A_229 = arith.index_cast %add3A_228 : i32 to index
      %get3A_230 = tpu.vector_load %arg5[%get3A_229] {strides = array<i32>} : memref<32768xf32, #tpu.memory_space<vmem>>, vector<16xf32>,
      %add3A_231 = arith.addf %add3A_175, %get3A_230 : vector<16xf32>
      %mul3A_232 = arith.constant 16 : i32
      %mul3A_233 = arith.muli %add3A_48, %mul3A_232 : i32
      %add3A_234 = arith.constant 6144 : i32
      %add3A_235 = arith.addi %add3A_234, %mul3A_233 : i32
      %get3A_236 = arith.index_cast %add3A_235 : i32 to index
      %get3A_237 = tpu.vector_load %arg5[%get3A_236] {strides = array<i32>} : memref<32768xf32, #tpu.memory_space<vmem>>, vector<16xf32>,
      %add3A_238 = arith.addf %add3A_182, %get3A_237 : vector<16xf32>
      %mul3A_239 = arith.constant 16 : i32
      %mul3A_240 = arith.muli %add3A_48, %mul3A_239 : i32
      %add3A_241 = arith.constant 6400 : i32
      %add3A_242 = arith.addi %add3A_241, %mul3A_240 : i32
      %get3A_243 = arith.index_cast %add3A_242 : i32 to index
      %get3A_244 = tpu.vector_load %arg5[%get3A_243] {strides = array<i32>} : memref<32768xf32, #tpu.memory_space<vmem>>, vector<16xf32>,
      %add3A_245 = arith.addf %add3A_189, %get3A_244 : vector<16xf32>
      %mul3A_246 = arith.constant 16 : i32
      %mul3A_247 = arith.muli %add3A_48, %mul3A_246 : i32
      %add3A_248 = arith.constant 6656 : i32
      %add3A_249 = arith.addi %add3A_248, %mul3A_247 : i32
      %get3A_250 = arith.index_cast %add3A_249 : i32 to index
      %get3A_251 = tpu.vector_load %arg5[%get3A_250] {strides = array<i32>} : memref<32768xf32, #tpu.memory_space<vmem>>, vector<16xf32>,
      %add3A_252 = arith.addf %add3A_196, %get3A_251 : vector<16xf32>
      %mul3A_253 = arith.constant 16 : i32
      %mul3A_254 = arith.muli %add3A_48, %mul3A_253 : i32
      %add3A_255 = arith.constant 6912 : i32
      %add3A_256 = arith.addi %add3A_255, %mul3A_254 : i32
      %get3A_257 = arith.index_cast %add3A_256 : i32 to index
      %get3A_258 = tpu.vector_load %arg5[%get3A_257] {strides = array<i32>} : memref<32768xf32, #tpu.memory_space<vmem>>, vector<16xf32>,
      %add3A_259 = arith.addf %add3A_203, %get3A_258 : vector<16xf32>
      %mul3A_260 = arith.constant 16 : i32
      %mul3A_261 = arith.muli %add3A_48, %mul3A_260 : i32
      %add3A_262 = arith.constant 7168 : i32
      %add3A_263 = arith.addi %add3A_262, %mul3A_261 : i32
      %get3A_264 = arith.index_cast %add3A_263 : i32 to index
      %get3A_265 = tpu.vector_load %arg5[%get3A_264] {strides = array<i32>} : memref<32768xf32, #tpu.memory_space<vmem>>, vector<16xf32>,
      %add3A_266 = arith.addf %add3A_210, %get3A_265 : vector<16xf32>
      %mul3A_267 = arith.constant 16 : i32
      %mul3A_268 = arith.muli %add3A_48, %mul3A_267 : i32
      %add3A_269 = arith.constant 7424 : i32
      %add3A_270 = arith.addi %add3A_269, %mul3A_268 : i32
      %get3A_271 = arith.index_cast %add3A_270 : i32 to index
      %get3A_272 = tpu.vector_load %arg5[%get3A_271] {strides = array<i32>} : memref<32768xf32, #tpu.memory_space<vmem>>, vector<16xf32>,
      %add3A_273 = arith.addf %add3A_217, %get3A_272 : vector<16xf32>
      %mul3A_274 = arith.constant 16 : i32
      %mul3A_275 = arith.muli %add3A_48, %mul3A_274 : i32
      %add3A_276 = arith.constant 7680 : i32
      %add3A_277 = arith.addi %add3A_276, %mul3A_275 : i32
      %get3A_278 = arith.index_cast %add3A_277 : i32 to index
      %get3A_279 = tpu.vector_load %arg5[%get3A_278] {strides = array<i32>} : memref<32768xf32, #tpu.memory_space<vmem>>, vector<16xf32>,
      %add3A_280 = arith.addf %add3A_224, %get3A_279 : vector<16xf32>
      %mul3A_281 = arith.constant 16 : i32
      %mul3A_282 = arith.muli %add3A_48, %mul3A_281 : i32
      %add3A_283 = arith.constant 7936 : i32
      %add3A_284 = arith.addi %add3A_283, %mul3A_282 : i32
      %get3A_285 = arith.index_cast %add3A_284 : i32 to index
      %get3A_286 = tpu.vector_load %arg5[%get3A_285] {strides = array<i32>} : memref<32768xf32, #tpu.memory_space<vmem>>, vector<16xf32>,
      %add3A_287 = arith.addf %add3A_231, %get3A_286 : vector<16xf32>
      %mul3A_288 = arith.constant 16 : i32
      %mul3A_289 = arith.muli %add3A_48, %mul3A_288 : i32
      %add3A_290 = arith.constant 8192 : i32
      %add3A_291 = arith.addi %add3A_290, %mul3A_289 : i32
      %get3A_292 = arith.index_cast %add3A_291 : i32 to index
      %get3A_293 = tpu.vector_load %arg5[%get3A_292] {strides = array<i32>} : memref<32768xf32, #tpu.memory_space<vmem>>, vector<16xf32>,
      %add3A_294 = arith.addf %add3A_238, %get3A_293 : vector<16xf32>
      %mul3A_295 = arith.constant 16 : i32
      %mul3A_296 = arith.muli %add3A_48, %mul3A_295 : i32
      %add3A_297 = arith.constant 8448 : i32
      %add3A_298 = arith.addi %add3A_297, %mul3A_296 : i32
      %get3A_299 = arith.index_cast %add3A_298 : i32 to index
      %get3A_300 = tpu.vector_load %arg5[%get3A_299] {strides = array<i32>} : memref<32768xf32, #tpu.memory_space<vmem>>, vector<16xf32>,
      %add3A_301 = arith.addf %add3A_245, %get3A_300 : vector<16xf32>
      %mul3A_302 = arith.constant 16 : i32
      %mul3A_303 = arith.muli %add3A_48, %mul3A_302 : i32
      %add3A_304 = arith.constant 8704 : i32
      %add3A_305 = arith.addi %add3A_304, %mul3A_303 : i32
      %get3A_306 = arith.index_cast %add3A_305 : i32 to index
      %get3A_307 = tpu.vector_load %arg5[%get3A_306] {strides = array<i32>} : memref<32768xf32, #tpu.memory_space<vmem>>, vector<16xf32>,
      %add3A_308 = arith.addf %add3A_252, %get3A_307 : vector<16xf32>
      %mul3A_309 = arith.constant 16 : i32
      %mul3A_310 = arith.muli %add3A_48, %mul3A_309 : i32
      %add3A_311 = arith.constant 8960 : i32
      %add3A_312 = arith.addi %add3A_311, %mul3A_310 : i32
      %get3A_313 = arith.index_cast %add3A_312 : i32 to index
      %get3A_314 = tpu.vector_load %arg5[%get3A_313] {strides = array<i32>} : memref<32768xf32, #tpu.memory_space<vmem>>, vector<16xf32>,
      %add3A_315 = arith.addf %add3A_259, %get3A_314 : vector<16xf32>
      %mul3A_316 = arith.constant 16 : i32
      %mul3A_317 = arith.muli %add3A_48, %mul3A_316 : i32
      %add3A_318 = arith.constant 9216 : i32
      %add3A_319 = arith.addi %add3A_318, %mul3A_317 : i32
      %get3A_320 = arith.index_cast %add3A_319 : i32 to index
      %get3A_321 = tpu.vector_load %arg5[%get3A_320] {strides = array<i32>} : memref<32768xf32, #tpu.memory_space<vmem>>, vector<16xf32>,
      %add3A_322 = arith.addf %add3A_266, %get3A_321 : vector<16xf32>
      %mul3A_323 = arith.constant 16 : i32
      %mul3A_324 = arith.muli %add3A_48, %mul3A_323 : i32
      %add3A_325 = arith.constant 9472 : i32
      %add3A_326 = arith.addi %add3A_325, %mul3A_324 : i32
      %get3A_327 = arith.index_cast %add3A_326 : i32 to index
      %get3A_328 = tpu.vector_load %arg5[%get3A_327] {strides = array<i32>} : memref<32768xf32, #tpu.memory_space<vmem>>, vector<16xf32>,
      %add3A_329 = arith.addf %add3A_273, %get3A_328 : vector<16xf32>
      %mul3A_330 = arith.constant 16 : i32
      %mul3A_331 = arith.muli %add3A_48, %mul3A_330 : i32
      %add3A_332 = arith.constant 9728 : i32
      %add3A_333 = arith.addi %add3A_332, %mul3A_331 : i32
      %get3A_334 = arith.index_cast %add3A_333 : i32 to index
      %get3A_335 = tpu.vector_load %arg5[%get3A_334] {strides = array<i32>} : memref<32768xf32, #tpu.memory_space<vmem>>, vector<16xf32>,
      %add3A_336 = arith.addf %add3A_280, %get3A_335 : vector<16xf32>
      %mul3A_337 = arith.constant 16 : i32
      %mul3A_338 = arith.muli %add3A_48, %mul3A_337 : i32
      %add3A_339 = arith.constant 9984 : i32
      %add3A_340 = arith.addi %add3A_339, %mul3A_338 : i32
      %get3A_341 = arith.index_cast %add3A_340 : i32 to index
      %get3A_342 = tpu.vector_load %arg5[%get3A_341] {strides = array<i32>} : memref<32768xf32, #tpu.memory_space<vmem>>, vector<16xf32>,
      %add3A_343 = arith.addf %add3A_287, %get3A_342 : vector<16xf32>
      %mul3A_344 = arith.constant 16 : i32
      %mul3A_345 = arith.muli %add3A_48, %mul3A_344 : i32
      %add3A_346 = arith.constant 10240 : i32
      %add3A_347 = arith.addi %add3A_346, %mul3A_345 : i32
      %get3A_348 = arith.index_cast %add3A_347 : i32 to index
      %get3A_349 = tpu.vector_load %arg5[%get3A_348] {strides = array<i32>} : memref<32768xf32, #tpu.memory_space<vmem>>, vector<16xf32>,
      %add3A_350 = arith.addf %add3A_294, %get3A_349 : vector<16xf32>
      %mul3A_351 = arith.constant 16 : i32
      %mul3A_352 = arith.muli %add3A_48, %mul3A_351 : i32
      %add3A_353 = arith.constant 10496 : i32
      %add3A_354 = arith.addi %add3A_353, %mul3A_352 : i32
      %get3A_355 = arith.index_cast %add3A_354 : i32 to index
      %get3A_356 = tpu.vector_load %arg5[%get3A_355] {strides = array<i32>} : memref<32768xf32, #tpu.memory_space<vmem>>, vector<16xf32>,
      %add3A_357 = arith.addf %add3A_301, %get3A_356 : vector<16xf32>
      %mul3A_358 = arith.constant 16 : i32
      %mul3A_359 = arith.muli %add3A_48, %mul3A_358 : i32
      %add3A_360 = arith.constant 10752 : i32
      %add3A_361 = arith.addi %add3A_360, %mul3A_359 : i32
      %get3A_362 = arith.index_cast %add3A_361 : i32 to index
      %get3A_363 = tpu.vector_load %arg5[%get3A_362] {strides = array<i32>} : memref<32768xf32, #tpu.memory_space<vmem>>, vector<16xf32>,
      %add3A_364 = arith.addf %add3A_308, %get3A_363 : vector<16xf32>
      %mul3A_365 = arith.constant 16 : i32
      %mul3A_366 = arith.muli %add3A_48, %mul3A_365 : i32
      %add3A_367 = arith.constant 11008 : i32
      %add3A_368 = arith.addi %add3A_367, %mul3A_366 : i32
      %get3A_369 = arith.index_cast %add3A_368 : i32 to index
      %get3A_370 = tpu.vector_load %arg5[%get3A_369] {strides = array<i32>} : memref<32768xf32, #tpu.memory_space<vmem>>, vector<16xf32>,
      %add3A_371 = arith.addf %add3A_315, %get3A_370 : vector<16xf32>
      %mul3A_372 = arith.constant 16 : i32
      %mul3A_373 = arith.muli %add3A_48, %mul3A_372 : i32
      %add3A_374 = arith.constant 11264 : i32
      %add3A_375 = arith.addi %add3A_374, %mul3A_373 : i32
      %get3A_376 = arith.index_cast %add3A_375 : i32 to index
      %get3A_377 = tpu.vector_load %arg5[%get3A_376] {strides = array<i32>} : memref<32768xf32, #tpu.memory_space<vmem>>, vector<16xf32>,
      %add3A_378 = arith.addf %add3A_322, %get3A_377 : vector<16xf32>
      %mul3A_379 = arith.constant 16 : i32
      %mul3A_380 = arith.muli %add3A_48, %mul3A_379 : i32
      %add3A_381 = arith.constant 11520 : i32
      %add3A_382 = arith.addi %add3A_381, %mul3A_380 : i32
      %get3A_383 = arith.index_cast %add3A_382 : i32 to index
      %get3A_384 = tpu.vector_load %arg5[%get3A_383] {strides = array<i32>} : memref<32768xf32, #tpu.memory_space<vmem>>, vector<16xf32>,
      %add3A_385 = arith.addf %add3A_329, %get3A_384 : vector<16xf32>
      %mul3A_386 = arith.constant 16 : i32
      %mul3A_387 = arith.muli %add3A_48, %mul3A_386 : i32
      %add3A_388 = arith.constant 11776 : i32
      %add3A_389 = arith.addi %add3A_388, %mul3A_387 : i32
      %get3A_390 = arith.index_cast %add3A_389 : i32 to index
      %get3A_391 = tpu.vector_load %arg5[%get3A_390] {strides = array<i32>} : memref<32768xf32, #tpu.memory_space<vmem>>, vector<16xf32>,
      %add3A_392 = arith.addf %add3A_336, %get3A_391 : vector<16xf32>
      %mul3A_393 = arith.constant 16 : i32
      %mul3A_394 = arith.muli %add3A_48, %mul3A_393 : i32
      %add3A_395 = arith.constant 12032 : i32
      %add3A_396 = arith.addi %add3A_395, %mul3A_394 : i32
      %get3A_397 = arith.index_cast %add3A_396 : i32 to index
      %get3A_398 = tpu.vector_load %arg5[%get3A_397] {strides = array<i32>} : memref<32768xf32, #tpu.memory_space<vmem>>, vector<16xf32>,
      %add3A_399 = arith.addf %add3A_343, %get3A_398 : vector<16xf32>
      %mul3A_400 = arith.constant 16 : i32
      %mul3A_401 = arith.muli %add3A_48, %mul3A_400 : i32
      %add3A_402 = arith.constant 12288 : i32
      %add3A_403 = arith.addi %add3A_402, %mul3A_401 : i32
      %get3A_404 = arith.index_cast %add3A_403 : i32 to index
      %get3A_405 = tpu.vector_load %arg5[%get3A_404] {strides = array<i32>} : memref<32768xf32, #tpu.memory_space<vmem>>, vector<16xf32>,
      %add3A_406 = arith.addf %add3A_350, %get3A_405 : vector<16xf32>
      %mul3A_407 = arith.constant 16 : i32
      %mul3A_408 = arith.muli %add3A_48, %mul3A_407 : i32
      %add3A_409 = arith.constant 12544 : i32
      %add3A_410 = arith.addi %add3A_409, %mul3A_408 : i32
      %get3A_411 = arith.index_cast %add3A_410 : i32 to index
      %get3A_412 = tpu.vector_load %arg5[%get3A_411] {strides = array<i32>} : memref<32768xf32, #tpu.memory_space<vmem>>, vector<16xf32>,
      %add3A_413 = arith.addf %add3A_357, %get3A_412 : vector<16xf32>
      %mul3A_414 = arith.constant 16 : i32
      %mul3A_415 = arith.muli %add3A_48, %mul3A_414 : i32
      %add3A_416 = arith.constant 12800 : i32
      %add3A_417 = arith.addi %add3A_416, %mul3A_415 : i32
      %get3A_418 = arith.index_cast %add3A_417 : i32 to index
      %get3A_419 = tpu.vector_load %arg5[%get3A_418] {strides = array<i32>} : memref<32768xf32, #tpu.memory_space<vmem>>, vector<16xf32>,
      %add3A_420 = arith.addf %add3A_364, %get3A_419 : vector<16xf32>
      %mul3A_421 = arith.constant 16 : i32
      %mul3A_422 = arith.muli %add3A_48, %mul3A_421 : i32
      %add3A_423 = arith.constant 13056 : i32
      %add3A_424 = arith.addi %add3A_423, %mul3A_422 : i32
      %get3A_425 = arith.index_cast %add3A_424 : i32 to index
      %get3A_426 = tpu.vector_load %arg5[%get3A_425] {strides = array<i32>} : memref<32768xf32, #tpu.memory_space<vmem>>, vector<16xf32>,
      %add3A_427 = arith.addf %add3A_371, %get3A_426 : vector<16xf32>
      %mul3A_428 = arith.constant 16 : i32
      %mul3A_429 = arith.muli %add3A_48, %mul3A_428 : i32
      %add3A_430 = arith.constant 13312 : i32
      %add3A_431 = arith.addi %add3A_430, %mul3A_429 : i32
      %get3A_432 = arith.index_cast %add3A_431 : i32 to index
      %get3A_433 = tpu.vector_load %arg5[%get3A_432] {strides = array<i32>} : memref<32768xf32, #tpu.memory_space<vmem>>, vector<16xf32>,
      %add3A_434 = arith.addf %add3A_378, %get3A_433 : vector<16xf32>
      %mul3A_435 = arith.constant 16 : i32
      %mul3A_436 = arith.muli %add3A_48, %mul3A_435 : i32
      %add3A_437 = arith.constant 13568 : i32
      %add3A_438 = arith.addi %add3A_437, %mul3A_436 : i32
      %get3A_439 = arith.index_cast %add3A_438 : i32 to index
      %get3A_440 = tpu.vector_load %arg5[%get3A_439] {strides = array<i32>} : memref<32768xf32, #tpu.memory_space<vmem>>, vector<16xf32>,
      %add3A_441 = arith.addf %add3A_385, %get3A_440 : vector<16xf32>
      %mul3A_442 = arith.constant 16 : i32
      %mul3A_443 = arith.muli %add3A_48, %mul3A_442 : i32
      %add3A_444 = arith.constant 13824 : i32
      %add3A_445 = arith.addi %add3A_444, %mul3A_443 : i32
      %get3A_446 = arith.index_cast %add3A_445 : i32 to index
      %get3A_447 = tpu.vector_load %arg5[%get3A_446] {strides = array<i32>} : memref<32768xf32, #tpu.memory_space<vmem>>, vector<16xf32>,
      %add3A_448 = arith.addf %add3A_392, %get3A_447 : vector<16xf32>
      %mul3A_449 = arith.constant 16 : i32
      %mul3A_450 = arith.muli %add3A_48, %mul3A_449 : i32
      %add3A_451 = arith.constant 14080 : i32
      %add3A_452 = arith.addi %add3A_451, %mul3A_450 : i32
      %get3A_453 = arith.index_cast %add3A_452 : i32 to index
      %get3A_454 = tpu.vector_load %arg5[%get3A_453] {strides = array<i32>} : memref<32768xf32, #tpu.memory_space<vmem>>, vector<16xf32>,
      %add3A_455 = arith.addf %add3A_399, %get3A_454 : vector<16xf32>
      %mul3A_456 = arith.constant 16 : i32
      %mul3A_457 = arith.muli %add3A_48, %mul3A_456 : i32
      %add3A_458 = arith.constant 14336 : i32
      %add3A_459 = arith.addi %add3A_458, %mul3A_457 : i32
      %get3A_460 = arith.index_cast %add3A_459 : i32 to index
      %get3A_461 = tpu.vector_load %arg5[%get3A_460] {strides = array<i32>} : memref<32768xf32, #tpu.memory_space<vmem>>, vector<16xf32>,
      %add3A_462 = arith.addf %add3A_406, %get3A_461 : vector<16xf32>
      %mul3A_463 = arith.constant 16 : i32
      %mul3A_464 = arith.muli %add3A_48, %mul3A_463 : i32
      %add3A_465 = arith.constant 14592 : i32
      %add3A_466 = arith.addi %add3A_465, %mul3A_464 : i32
      %get3A_467 = arith.index_cast %add3A_466 : i32 to index
      %get3A_468 = tpu.vector_load %arg5[%get3A_467] {strides = array<i32>} : memref<32768xf32, #tpu.memory_space<vmem>>, vector<16xf32>,
      %add3A_469 = arith.addf %add3A_413, %get3A_468 : vector<16xf32>
      %mul3A_470 = arith.constant 16 : i32
      %mul3A_471 = arith.muli %add3A_48, %mul3A_470 : i32
      %add3A_472 = arith.constant 14848 : i32
      %add3A_473 = arith.addi %add3A_472, %mul3A_471 : i32
      %get3A_474 = arith.index_cast %add3A_473 : i32 to index
      %get3A_475 = tpu.vector_load %arg5[%get3A_474] {strides = array<i32>} : memref<32768xf32, #tpu.memory_space<vmem>>, vector<16xf32>,
      %add3A_476 = arith.addf %add3A_420, %get3A_475 : vector<16xf32>
      %mul3A_477 = arith.constant 16 : i32
      %mul3A_478 = arith.muli %add3A_48, %mul3A_477 : i32
      %add3A_479 = arith.constant 15104 : i32
      %add3A_480 = arith.addi %add3A_479, %mul3A_478 : i32
      %get3A_481 = arith.index_cast %add3A_480 : i32 to index
      %get3A_482 = tpu.vector_load %arg5[%get3A_481] {strides = array<i32>} : memref<32768xf32, #tpu.memory_space<vmem>>, vector<16xf32>,
      %add3A_483 = arith.addf %add3A_427, %get3A_482 : vector<16xf32>
      %mul3A_484 = arith.constant 16 : i32
      %mul3A_485 = arith.muli %add3A_48, %mul3A_484 : i32
      %add3A_486 = arith.constant 15360 : i32
      %add3A_487 = arith.addi %add3A_486, %mul3A_485 : i32
      %get3A_488 = arith.index_cast %add3A_487 : i32 to index
      %get3A_489 = tpu.vector_load %arg5[%get3A_488] {strides = array<i32>} : memref<32768xf32, #tpu.memory_space<vmem>>, vector<16xf32>,
      %add3A_490 = arith.addf %add3A_434, %get3A_489 : vector<16xf32>
      %mul3A_491 = arith.constant 16 : i32
      %mul3A_492 = arith.muli %add3A_48, %mul3A_491 : i32
      %add3A_493 = arith.constant 15616 : i32
      %add3A_494 = arith.addi %add3A_493, %mul3A_492 : i32
      %get3A_495 = arith.index_cast %add3A_494 : i32 to index
      %get3A_496 = tpu.vector_load %arg5[%get3A_495] {strides = array<i32>} : memref<32768xf32, #tpu.memory_space<vmem>>, vector<16xf32>,
      %add3A_497 = arith.addf %add3A_441, %get3A_496 : vector<16xf32>
      %mul3A_498 = arith.constant 16 : i32
      %mul3A_499 = arith.muli %add3A_48, %mul3A_498 : i32
      %add3A_500 = arith.constant 15872 : i32
      %add3A_501 = arith.addi %add3A_500, %mul3A_499 : i32
      %get3A_502 = arith.index_cast %add3A_501 : i32 to index
      %get3A_503 = tpu.vector_load %arg5[%get3A_502] {strides = array<i32>} : memref<32768xf32, #tpu.memory_space<vmem>>, vector<16xf32>,
      %add3A_504 = arith.addf %add3A_448, %get3A_503 : vector<16xf32>
      %mul3A_505 = arith.constant 16 : i32
      %mul3A_506 = arith.muli %add3A_48, %mul3A_505 : i32
      %add3A_507 = arith.constant 16128 : i32
      %add3A_508 = arith.addi %add3A_507, %mul3A_506 : i32
      %get3A_509 = arith.index_cast %add3A_508 : i32 to index
      %get3A_510 = tpu.vector_load %arg5[%get3A_509] {strides = array<i32>} : memref<32768xf32, #tpu.memory_space<vmem>>, vector<16xf32>,
      %add3A_511 = arith.addf %add3A_455, %get3A_510 : vector<16xf32>
      %mul3A_512 = arith.constant 16 : i32
      %mul3A_513 = arith.muli %add3A_48, %mul3A_512 : i32
      %add3A_514 = arith.constant 16384 : i32
      %add3A_515 = arith.addi %add3A_514, %mul3A_513 : i32
      %get3A_516 = arith.index_cast %add3A_515 : i32 to index
      %get3A_517 = tpu.vector_load %arg5[%get3A_516] {strides = array<i32>} : memref<32768xf32, #tpu.memory_space<vmem>>, vector<16xf32>,
      %add3A_518 = arith.addf %add3A_462, %get3A_517 : vector<16xf32>
      %mul3A_519 = arith.constant 16 : i32
      %mul3A_520 = arith.muli %add3A_48, %mul3A_519 : i32
      %add3A_521 = arith.constant 16640 : i32
      %add3A_522 = arith.addi %add3A_521, %mul3A_520 : i32
      %get3A_523 = arith.index_cast %add3A_522 : i32 to index
      %get3A_524 = tpu.vector_load %arg5[%get3A_523] {strides = array<i32>} : memref<32768xf32, #tpu.memory_space<vmem>>, vector<16xf32>,
      %add3A_525 = arith.addf %add3A_469, %get3A_524 : vector<16xf32>
      %mul3A_526 = arith.constant 16 : i32
      %mul3A_527 = arith.muli %add3A_48, %mul3A_526 : i32
      %add3A_528 = arith.constant 16896 : i32
      %add3A_529 = arith.addi %add3A_528, %mul3A_527 : i32
      %get3A_530 = arith.index_cast %add3A_529 : i32 to index
      %get3A_531 = tpu.vector_load %arg5[%get3A_530] {strides = array<i32>} : memref<32768xf32, #tpu.memory_space<vmem>>, vector<16xf32>,
      %add3A_532 = arith.addf %add3A_476, %get3A_531 : vector<16xf32>
      %mul3A_533 = arith.constant 16 : i32
      %mul3A_534 = arith.muli %add3A_48, %mul3A_533 : i32
      %add3A_535 = arith.constant 17152 : i32
      %add3A_536 = arith.addi %add3A_535, %mul3A_534 : i32
      %get3A_537 = arith.index_cast %add3A_536 : i32 to index
      %get3A_538 = tpu.vector_load %arg5[%get3A_537] {strides = array<i32>} : memref<32768xf32, #tpu.memory_space<vmem>>, vector<16xf32>,
      %add3A_539 = arith.addf %add3A_483, %get3A_538 : vector<16xf32>
      %mul3A_540 = arith.constant 16 : i32
      %mul3A_541 = arith.muli %add3A_48, %mul3A_540 : i32
      %add3A_542 = arith.constant 17408 : i32
      %add3A_543 = arith.addi %add3A_542, %mul3A_541 : i32
      %get3A_544 = arith.index_cast %add3A_543 : i32 to index
      %get3A_545 = tpu.vector_load %arg5[%get3A_544] {strides = array<i32>} : memref<32768xf32, #tpu.memory_space<vmem>>, vector<16xf32>,
      %add3A_546 = arith.addf %add3A_490, %get3A_545 : vector<16xf32>
      %mul3A_547 = arith.constant 16 : i32
      %mul3A_548 = arith.muli %add3A_48, %mul3A_547 : i32
      %add3A_549 = arith.constant 17664 : i32
      %add3A_550 = arith.addi %add3A_549, %mul3A_548 : i32
      %get3A_551 = arith.index_cast %add3A_550 : i32 to index
      %get3A_552 = tpu.vector_load %arg5[%get3A_551] {strides = array<i32>} : memref<32768xf32, #tpu.memory_space<vmem>>, vector<16xf32>,
      %add3A_553 = arith.addf %add3A_497, %get3A_552 : vector<16xf32>
      %mul3A_554 = arith.constant 16 : i32
      %mul3A_555 = arith.muli %add3A_48, %mul3A_554 : i32
      %add3A_556 = arith.constant 17920 : i32
      %add3A_557 = arith.addi %add3A_556, %mul3A_555 : i32
      %get3A_558 = arith.index_cast %add3A_557 : i32 to index
      %get3A_559 = tpu.vector_load %arg5[%get3A_558] {strides = array<i32>} : memref<32768xf32, #tpu.memory_space<vmem>>, vector<16xf32>,
      %add3A_560 = arith.addf %add3A_504, %get3A_559 : vector<16xf32>
      %mul3A_561 = arith.constant 16 : i32
      %mul3A_562 = arith.muli %add3A_48, %mul3A_561 : i32
      %add3A_563 = arith.constant 18176 : i32
      %add3A_564 = arith.addi %add3A_563, %mul3A_562 : i32
      %get3A_565 = arith.index_cast %add3A_564 : i32 to index
      %get3A_566 = tpu.vector_load %arg5[%get3A_565] {strides = array<i32>} : memref<32768xf32, #tpu.memory_space<vmem>>, vector<16xf32>,
      %add3A_567 = arith.addf %add3A_511, %get3A_566 : vector<16xf32>
      %mul3A_568 = arith.constant 16 : i32
      %mul3A_569 = arith.muli %add3A_48, %mul3A_568 : i32
      %add3A_570 = arith.constant 18432 : i32
      %add3A_571 = arith.addi %add3A_570, %mul3A_569 : i32
      %get3A_572 = arith.index_cast %add3A_571 : i32 to index
      %get3A_573 = tpu.vector_load %arg5[%get3A_572] {strides = array<i32>} : memref<32768xf32, #tpu.memory_space<vmem>>, vector<16xf32>,
      %add3A_574 = arith.addf %add3A_518, %get3A_573 : vector<16xf32>
      %mul3A_575 = arith.constant 16 : i32
      %mul3A_576 = arith.muli %add3A_48, %mul3A_575 : i32
      %add3A_577 = arith.constant 18688 : i32
      %add3A_578 = arith.addi %add3A_577, %mul3A_576 : i32
      %get3A_579 = arith.index_cast %add3A_578 : i32 to index
      %get3A_580 = tpu.vector_load %arg5[%get3A_579] {strides = array<i32>} : memref<32768xf32, #tpu.memory_space<vmem>>, vector<16xf32>,
      %add3A_581 = arith.addf %add3A_525, %get3A_580 : vector<16xf32>
      %mul3A_582 = arith.constant 16 : i32
      %mul3A_583 = arith.muli %add3A_48, %mul3A_582 : i32
      %add3A_584 = arith.constant 18944 : i32
      %add3A_585 = arith.addi %add3A_584, %mul3A_583 : i32
      %get3A_586 = arith.index_cast %add3A_585 : i32 to index
      %get3A_587 = tpu.vector_load %arg5[%get3A_586] {strides = array<i32>} : memref<32768xf32, #tpu.memory_space<vmem>>, vector<16xf32>,
      %add3A_588 = arith.addf %add3A_532, %get3A_587 : vector<16xf32>
      %mul3A_589 = arith.constant 16 : i32
      %mul3A_590 = arith.muli %add3A_48, %mul3A_589 : i32
      %add3A_591 = arith.constant 19200 : i32
      %add3A_592 = arith.addi %add3A_591, %mul3A_590 : i32
      %get3A_593 = arith.index_cast %add3A_592 : i32 to index
      %get3A_594 = tpu.vector_load %arg5[%get3A_593] {strides = array<i32>} : memref<32768xf32, #tpu.memory_space<vmem>>, vector<16xf32>,
      %add3A_595 = arith.addf %add3A_539, %get3A_594 : vector<16xf32>
      %mul3A_596 = arith.constant 16 : i32
      %mul3A_597 = arith.muli %add3A_48, %mul3A_596 : i32
      %add3A_598 = arith.constant 19456 : i32
      %add3A_599 = arith.addi %add3A_598, %mul3A_597 : i32
      %get3A_600 = arith.index_cast %add3A_599 : i32 to index
      %get3A_601 = tpu.vector_load %arg5[%get3A_600] {strides = array<i32>} : memref<32768xf32, #tpu.memory_space<vmem>>, vector<16xf32>,
      %add3A_602 = arith.addf %add3A_546, %get3A_601 : vector<16xf32>
      %mul3A_603 = arith.constant 16 : i32
      %mul3A_604 = arith.muli %add3A_48, %mul3A_603 : i32
      %add3A_605 = arith.constant 19712 : i32
      %add3A_606 = arith.addi %add3A_605, %mul3A_604 : i32
      %get3A_607 = arith.index_cast %add3A_606 : i32 to index
      %get3A_608 = tpu.vector_load %arg5[%get3A_607] {strides = array<i32>} : memref<32768xf32, #tpu.memory_space<vmem>>, vector<16xf32>,
      %add3A_609 = arith.addf %add3A_553, %get3A_608 : vector<16xf32>
      %mul3A_610 = arith.constant 16 : i32
      %mul3A_611 = arith.muli %add3A_48, %mul3A_610 : i32
      %add3A_612 = arith.constant 19968 : i32
      %add3A_613 = arith.addi %add3A_612, %mul3A_611 : i32
      %get3A_614 = arith.index_cast %add3A_613 : i32 to index
      %get3A_615 = tpu.vector_load %arg5[%get3A_614] {strides = array<i32>} : memref<32768xf32, #tpu.memory_space<vmem>>, vector<16xf32>,
      %add3A_616 = arith.addf %add3A_560, %get3A_615 : vector<16xf32>
      %mul3A_617 = arith.constant 16 : i32
      %mul3A_618 = arith.muli %add3A_48, %mul3A_617 : i32
      %add3A_619 = arith.constant 20224 : i32
      %add3A_620 = arith.addi %add3A_619, %mul3A_618 : i32
      %get3A_621 = arith.index_cast %add3A_620 : i32 to index
      %get3A_622 = tpu.vector_load %arg5[%get3A_621] {strides = array<i32>} : memref<32768xf32, #tpu.memory_space<vmem>>, vector<16xf32>,
      %add3A_623 = arith.addf %add3A_567, %get3A_622 : vector<16xf32>
      %mul3A_624 = arith.constant 16 : i32
      %mul3A_625 = arith.muli %add3A_48, %mul3A_624 : i32
      %add3A_626 = arith.constant 20480 : i32
      %add3A_627 = arith.addi %add3A_626, %mul3A_625 : i32
      %get3A_628 = arith.index_cast %add3A_627 : i32 to index
      %get3A_629 = tpu.vector_load %arg5[%get3A_628] {strides = array<i32>} : memref<32768xf32, #tpu.memory_space<vmem>>, vector<16xf32>,
      %add3A_630 = arith.addf %add3A_574, %get3A_629 : vector<16xf32>
      %mul3A_631 = arith.constant 16 : i32
      %mul3A_632 = arith.muli %add3A_48, %mul3A_631 : i32
      %add3A_633 = arith.constant 20736 : i32
      %add3A_634 = arith.addi %add3A_633, %mul3A_632 : i32
      %get3A_635 = arith.index_cast %add3A_634 : i32 to index
      %get3A_636 = tpu.vector_load %arg5[%get3A_635] {strides = array<i32>} : memref<32768xf32, #tpu.memory_space<vmem>>, vector<16xf32>,
      %add3A_637 = arith.addf %add3A_581, %get3A_636 : vector<16xf32>
      %mul3A_638 = arith.constant 16 : i32
      %mul3A_639 = arith.muli %add3A_48, %mul3A_638 : i32
      %add3A_640 = arith.constant 20992 : i32
      %add3A_641 = arith.addi %add3A_640, %mul3A_639 : i32
      %get3A_642 = arith.index_cast %add3A_641 : i32 to index
      %get3A_643 = tpu.vector_load %arg5[%get3A_642] {strides = array<i32>} : memref<32768xf32, #tpu.memory_space<vmem>>, vector<16xf32>,
      %add3A_644 = arith.addf %add3A_588, %get3A_643 : vector<16xf32>
      %mul3A_645 = arith.constant 16 : i32
      %mul3A_646 = arith.muli %add3A_48, %mul3A_645 : i32
      %add3A_647 = arith.constant 21248 : i32
      %add3A_648 = arith.addi %add3A_647, %mul3A_646 : i32
      %get3A_649 = arith.index_cast %add3A_648 : i32 to index
      %get3A_650 = tpu.vector_load %arg5[%get3A_649] {strides = array<i32>} : memref<32768xf32, #tpu.memory_space<vmem>>, vector<16xf32>,
      %add3A_651 = arith.addf %add3A_595, %get3A_650 : vector<16xf32>
      %mul3A_652 = arith.constant 16 : i32
      %mul3A_653 = arith.muli %add3A_48, %mul3A_652 : i32
      %add3A_654 = arith.constant 21504 : i32
      %add3A_655 = arith.addi %add3A_654, %mul3A_653 : i32
      %get3A_656 = arith.index_cast %add3A_655 : i32 to index
      %get3A_657 = tpu.vector_load %arg5[%get3A_656] {strides = array<i32>} : memref<32768xf32, #tpu.memory_space<vmem>>, vector<16xf32>,
      %add3A_658 = arith.addf %add3A_602, %get3A_657 : vector<16xf32>
      %mul3A_659 = arith.constant 16 : i32
      %mul3A_660 = arith.muli %add3A_48, %mul3A_659 : i32
      %add3A_661 = arith.constant 21760 : i32
      %add3A_662 = arith.addi %add3A_661, %mul3A_660 : i32
      %get3A_663 = arith.index_cast %add3A_662 : i32 to index
      %get3A_664 = tpu.vector_load %arg5[%get3A_663] {strides = array<i32>} : memref<32768xf32, #tpu.memory_space<vmem>>, vector<16xf32>,
      %add3A_665 = arith.addf %add3A_609, %get3A_664 : vector<16xf32>
      %mul3A_666 = arith.constant 16 : i32
      %mul3A_667 = arith.muli %add3A_48, %mul3A_666 : i32
      %add3A_668 = arith.constant 22016 : i32
      %add3A_669 = arith.addi %add3A_668, %mul3A_667 : i32
      %get3A_670 = arith.index_cast %add3A_669 : i32 to index
      %get3A_671 = tpu.vector_load %arg5[%get3A_670] {strides = array<i32>} : memref<32768xf32, #tpu.memory_space<vmem>>, vector<16xf32>,
      %add3A_672 = arith.addf %add3A_616, %get3A_671 : vector<16xf32>
      %mul3A_673 = arith.constant 16 : i32
      %mul3A_674 = arith.muli %add3A_48, %mul3A_673 : i32
      %add3A_675 = arith.constant 22272 : i32
      %add3A_676 = arith.addi %add3A_675, %mul3A_674 : i32
      %get3A_677 = arith.index_cast %add3A_676 : i32 to index
      %get3A_678 = tpu.vector_load %arg5[%get3A_677] {strides = array<i32>} : memref<32768xf32, #tpu.memory_space<vmem>>, vector<16xf32>,
      %add3A_679 = arith.addf %add3A_623, %get3A_678 : vector<16xf32>
      %mul3A_680 = arith.constant 16 : i32
      %mul3A_681 = arith.muli %add3A_48, %mul3A_680 : i32
      %add3A_682 = arith.constant 22528 : i32
      %add3A_683 = arith.addi %add3A_682, %mul3A_681 : i32
      %get3A_684 = arith.index_cast %add3A_683 : i32 to index
      %get3A_685 = tpu.vector_load %arg5[%get3A_684] {strides = array<i32>} : memref<32768xf32, #tpu.memory_space<vmem>>, vector<16xf32>,
      %add3A_686 = arith.addf %add3A_630, %get3A_685 : vector<16xf32>
      %mul3A_687 = arith.constant 16 : i32
      %mul3A_688 = arith.muli %add3A_48, %mul3A_687 : i32
      %add3A_689 = arith.constant 22784 : i32
      %add3A_690 = arith.addi %add3A_689, %mul3A_688 : i32
      %get3A_691 = arith.index_cast %add3A_690 : i32 to index
      %get3A_692 = tpu.vector_load %arg5[%get3A_691] {strides = array<i32>} : memref<32768xf32, #tpu.memory_space<vmem>>, vector<16xf32>,
      %add3A_693 = arith.addf %add3A_637, %get3A_692 : vector<16xf32>
      %mul3A_694 = arith.constant 16 : i32
      %mul3A_695 = arith.muli %add3A_48, %mul3A_694 : i32
      %add3A_696 = arith.constant 23040 : i32
      %add3A_697 = arith.addi %add3A_696, %mul3A_695 : i32
      %get3A_698 = arith.index_cast %add3A_697 : i32 to index
      %get3A_699 = tpu.vector_load %arg5[%get3A_698] {strides = array<i32>} : memref<32768xf32, #tpu.memory_space<vmem>>, vector<16xf32>,
      %add3A_700 = arith.addf %add3A_644, %get3A_699 : vector<16xf32>
      %mul3A_701 = arith.constant 16 : i32
      %mul3A_702 = arith.muli %add3A_48, %mul3A_701 : i32
      %add3A_703 = arith.constant 23296 : i32
      %add3A_704 = arith.addi %add3A_703, %mul3A_702 : i32
      %get3A_705 = arith.index_cast %add3A_704 : i32 to index
      %get3A_706 = tpu.vector_load %arg5[%get3A_705] {strides = array<i32>} : memref<32768xf32, #tpu.memory_space<vmem>>, vector<16xf32>,
      %add3A_707 = arith.addf %add3A_651, %get3A_706 : vector<16xf32>
      %mul3A_708 = arith.constant 16 : i32
      %mul3A_709 = arith.muli %add3A_48, %mul3A_708 : i32
      %add3A_710 = arith.constant 23552 : i32
      %add3A_711 = arith.addi %add3A_710, %mul3A_709 : i32
      %get3A_712 = arith.index_cast %add3A_711 : i32 to index
      %get3A_713 = tpu.vector_load %arg5[%get3A_712] {strides = array<i32>} : memref<32768xf32, #tpu.memory_space<vmem>>, vector<16xf32>,
      %add3A_714 = arith.addf %add3A_658, %get3A_713 : vector<16xf32>
      %mul3A_715 = arith.constant 16 : i32
      %mul3A_716 = arith.muli %add3A_48, %mul3A_715 : i32
      %add3A_717 = arith.constant 23808 : i32
      %add3A_718 = arith.addi %add3A_717, %mul3A_716 : i32
      %get3A_719 = arith.index_cast %add3A_718 : i32 to index
      %get3A_720 = tpu.vector_load %arg5[%get3A_719] {strides = array<i32>} : memref<32768xf32, #tpu.memory_space<vmem>>, vector<16xf32>,
      %add3A_721 = arith.addf %add3A_665, %get3A_720 : vector<16xf32>
      %mul3A_722 = arith.constant 16 : i32
      %mul3A_723 = arith.muli %add3A_48, %mul3A_722 : i32
      %add3A_724 = arith.constant 24064 : i32
      %add3A_725 = arith.addi %add3A_724, %mul3A_723 : i32
      %get3A_726 = arith.index_cast %add3A_725 : i32 to index
      %get3A_727 = tpu.vector_load %arg5[%get3A_726] {strides = array<i32>} : memref<32768xf32, #tpu.memory_space<vmem>>, vector<16xf32>,
      %add3A_728 = arith.addf %add3A_672, %get3A_727 : vector<16xf32>
      %mul3A_729 = arith.constant 16 : i32
      %mul3A_730 = arith.muli %add3A_48, %mul3A_729 : i32
      %add3A_731 = arith.constant 24320 : i32
      %add3A_732 = arith.addi %add3A_731, %mul3A_730 : i32
      %get3A_733 = arith.index_cast %add3A_732 : i32 to index
      %get3A_734 = tpu.vector_load %arg5[%get3A_733] {strides = array<i32>} : memref<32768xf32, #tpu.memory_space<vmem>>, vector<16xf32>,
      %add3A_735 = arith.addf %add3A_679, %get3A_734 : vector<16xf32>
      %mul3A_736 = arith.constant 16 : i32
      %mul3A_737 = arith.muli %add3A_48, %mul3A_736 : i32
      %add3A_738 = arith.constant 24576 : i32
      %add3A_739 = arith.addi %add3A_738, %mul3A_737 : i32
      %get3A_740 = arith.index_cast %add3A_739 : i32 to index
      %get3A_741 = tpu.vector_load %arg5[%get3A_740] {strides = array<i32>} : memref<32768xf32, #tpu.memory_space<vmem>>, vector<16xf32>,
      %add3A_742 = arith.addf %add3A_686, %get3A_741 : vector<16xf32>
      %mul3A_743 = arith.constant 16 : i32
      %mul3A_744 = arith.muli %add3A_48, %mul3A_743 : i32
      %add3A_745 = arith.constant 24832 : i32
      %add3A_746 = arith.addi %add3A_745, %mul3A_744 : i32
      %get3A_747 = arith.index_cast %add3A_746 : i32 to index
      %get3A_748 = tpu.vector_load %arg5[%get3A_747] {strides = array<i32>} : memref<32768xf32, #tpu.memory_space<vmem>>, vector<16xf32>,
      %add3A_749 = arith.addf %add3A_693, %get3A_748 : vector<16xf32>
      %mul3A_750 = arith.constant 16 : i32
      %mul3A_751 = arith.muli %add3A_48, %mul3A_750 : i32
      %add3A_752 = arith.constant 25088 : i32
      %add3A_753 = arith.addi %add3A_752, %mul3A_751 : i32
      %get3A_754 = arith.index_cast %add3A_753 : i32 to index
      %get3A_755 = tpu.vector_load %arg5[%get3A_754] {strides = array<i32>} : memref<32768xf32, #tpu.memory_space<vmem>>, vector<16xf32>,
      %add3A_756 = arith.addf %add3A_700, %get3A_755 : vector<16xf32>
      %mul3A_757 = arith.constant 16 : i32
      %mul3A_758 = arith.muli %add3A_48, %mul3A_757 : i32
      %add3A_759 = arith.constant 25344 : i32
      %add3A_760 = arith.addi %add3A_759, %mul3A_758 : i32
      %get3A_761 = arith.index_cast %add3A_760 : i32 to index
      %get3A_762 = tpu.vector_load %arg5[%get3A_761] {strides = array<i32>} : memref<32768xf32, #tpu.memory_space<vmem>>, vector<16xf32>,
      %add3A_763 = arith.addf %add3A_707, %get3A_762 : vector<16xf32>
      %mul3A_764 = arith.constant 16 : i32
      %mul3A_765 = arith.muli %add3A_48, %mul3A_764 : i32
      %add3A_766 = arith.constant 25600 : i32
      %add3A_767 = arith.addi %add3A_766, %mul3A_765 : i32
      %get3A_768 = arith.index_cast %add3A_767 : i32 to index
      %get3A_769 = tpu.vector_load %arg5[%get3A_768] {strides = array<i32>} : memref<32768xf32, #tpu.memory_space<vmem>>, vector<16xf32>,
      %add3A_770 = arith.addf %add3A_714, %get3A_769 : vector<16xf32>
      %mul3A_771 = arith.constant 16 : i32
      %mul3A_772 = arith.muli %add3A_48, %mul3A_771 : i32
      %add3A_773 = arith.constant 25856 : i32
      %add3A_774 = arith.addi %add3A_773, %mul3A_772 : i32
      %get3A_775 = arith.index_cast %add3A_774 : i32 to index
      %get3A_776 = tpu.vector_load %arg5[%get3A_775] {strides = array<i32>} : memref<32768xf32, #tpu.memory_space<vmem>>, vector<16xf32>,
      %add3A_777 = arith.addf %add3A_721, %get3A_776 : vector<16xf32>
      %mul3A_778 = arith.constant 16 : i32
      %mul3A_779 = arith.muli %add3A_48, %mul3A_778 : i32
      %add3A_780 = arith.constant 26112 : i32
      %add3A_781 = arith.addi %add3A_780, %mul3A_779 : i32
      %get3A_782 = arith.index_cast %add3A_781 : i32 to index
      %get3A_783 = tpu.vector_load %arg5[%get3A_782] {strides = array<i32>} : memref<32768xf32, #tpu.memory_space<vmem>>, vector<16xf32>,
      %add3A_784 = arith.addf %add3A_728, %get3A_783 : vector<16xf32>
      %mul3A_785 = arith.constant 16 : i32
      %mul3A_786 = arith.muli %add3A_48, %mul3A_785 : i32
      %add3A_787 = arith.constant 26368 : i32
      %add3A_788 = arith.addi %add3A_787, %mul3A_786 : i32
      %get3A_789 = arith.index_cast %add3A_788 : i32 to index
      %get3A_790 = tpu.vector_load %arg5[%get3A_789] {strides = array<i32>} : memref<32768xf32, #tpu.memory_space<vmem>>, vector<16xf32>,
      %add3A_791 = arith.addf %add3A_735, %get3A_790 : vector<16xf32>
      %mul3A_792 = arith.constant 16 : i32
      %mul3A_793 = arith.muli %add3A_48, %mul3A_792 : i32
      %add3A_794 = arith.constant 26624 : i32
      %add3A_795 = arith.addi %add3A_794, %mul3A_793 : i32
      %get3A_796 = arith.index_cast %add3A_795 : i32 to index
      %get3A_797 = tpu.vector_load %arg5[%get3A_796] {strides = array<i32>} : memref<32768xf32, #tpu.memory_space<vmem>>, vector<16xf32>,
      %add3A_798 = arith.addf %add3A_742, %get3A_797 : vector<16xf32>
      %mul3A_799 = arith.constant 16 : i32
      %mul3A_800 = arith.muli %add3A_48, %mul3A_799 : i32
      %add3A_801 = arith.constant 26880 : i32
      %add3A_802 = arith.addi %add3A_801, %mul3A_800 : i32
      %get3A_803 = arith.index_cast %add3A_802 : i32 to index
      %get3A_804 = tpu.vector_load %arg5[%get3A_803] {strides = array<i32>} : memref<32768xf32, #tpu.memory_space<vmem>>, vector<16xf32>,
      %add3A_805 = arith.addf %add3A_749, %get3A_804 : vector<16xf32>
      %mul3A_806 = arith.constant 16 : i32
      %mul3A_807 = arith.muli %add3A_48, %mul3A_806 : i32
      %add3A_808 = arith.constant 27136 : i32
      %add3A_809 = arith.addi %add3A_808, %mul3A_807 : i32
      %get3A_810 = arith.index_cast %add3A_809 : i32 to index
      %get3A_811 = tpu.vector_load %arg5[%get3A_810] {strides = array<i32>} : memref<32768xf32, #tpu.memory_space<vmem>>, vector<16xf32>,
      %add3A_812 = arith.addf %add3A_756, %get3A_811 : vector<16xf32>
      %mul3A_813 = arith.constant 16 : i32
      %mul3A_814 = arith.muli %add3A_48, %mul3A_813 : i32
      %add3A_815 = arith.constant 27392 : i32
      %add3A_816 = arith.addi %add3A_815, %mul3A_814 : i32
      %get3A_817 = arith.index_cast %add3A_816 : i32 to index
      %get3A_818 = tpu.vector_load %arg5[%get3A_817] {strides = array<i32>} : memref<32768xf32, #tpu.memory_space<vmem>>, vector<16xf32>,
      %add3A_819 = arith.addf %add3A_763, %get3A_818 : vector<16xf32>
      %mul3A_820 = arith.constant 16 : i32
      %mul3A_821 = arith.muli %add3A_48, %mul3A_820 : i32
      %add3A_822 = arith.constant 27648 : i32
      %add3A_823 = arith.addi %add3A_822, %mul3A_821 : i32
      %get3A_824 = arith.index_cast %add3A_823 : i32 to index
      %get3A_825 = tpu.vector_load %arg5[%get3A_824] {strides = array<i32>} : memref<32768xf32, #tpu.memory_space<vmem>>, vector<16xf32>,
      %add3A_826 = arith.addf %add3A_770, %get3A_825 : vector<16xf32>
      %mul3A_827 = arith.constant 16 : i32
      %mul3A_828 = arith.muli %add3A_48, %mul3A_827 : i32
      %add3A_829 = arith.constant 27904 : i32
      %add3A_830 = arith.addi %add3A_829, %mul3A_828 : i32
      %get3A_831 = arith.index_cast %add3A_830 : i32 to index
      %get3A_832 = tpu.vector_load %arg5[%get3A_831] {strides = array<i32>} : memref<32768xf32, #tpu.memory_space<vmem>>, vector<16xf32>,
      %add3A_833 = arith.addf %add3A_777, %get3A_832 : vector<16xf32>
      %mul3A_834 = arith.constant 16 : i32
      %mul3A_835 = arith.muli %add3A_48, %mul3A_834 : i32
      %add3A_836 = arith.constant 28160 : i32
      %add3A_837 = arith.addi %add3A_836, %mul3A_835 : i32
      %get3A_838 = arith.index_cast %add3A_837 : i32 to index
      %get3A_839 = tpu.vector_load %arg5[%get3A_838] {strides = array<i32>} : memref<32768xf32, #tpu.memory_space<vmem>>, vector<16xf32>,
      %add3A_840 = arith.addf %add3A_784, %get3A_839 : vector<16xf32>
      %mul3A_841 = arith.constant 16 : i32
      %mul3A_842 = arith.muli %add3A_48, %mul3A_841 : i32
      %add3A_843 = arith.constant 28416 : i32
      %add3A_844 = arith.addi %add3A_843, %mul3A_842 : i32
      %get3A_845 = arith.index_cast %add3A_844 : i32 to index
      %get3A_846 = tpu.vector_load %arg5[%get3A_845] {strides = array<i32>} : memref<32768xf32, #tpu.memory_space<vmem>>, vector<16xf32>,
      %add3A_847 = arith.addf %add3A_791, %get3A_846 : vector<16xf32>
      %mul3A_848 = arith.constant 16 : i32
      %mul3A_849 = arith.muli %add3A_48, %mul3A_848 : i32
      %add3A_850 = arith.constant 28672 : i32
      %add3A_851 = arith.addi %add3A_850, %mul3A_849 : i32
      %get3A_852 = arith.index_cast %add3A_851 : i32 to index
      %get3A_853 = tpu.vector_load %arg5[%get3A_852] {strides = array<i32>} : memref<32768xf32, #tpu.memory_space<vmem>>, vector<16xf32>,
      %add3A_854 = arith.addf %add3A_798, %get3A_853 : vector<16xf32>
      %mul3A_855 = arith.constant 16 : i32
      %mul3A_856 = arith.muli %add3A_48, %mul3A_855 : i32
      %add3A_857 = arith.constant 28928 : i32
      %add3A_858 = arith.addi %add3A_857, %mul3A_856 : i32
      %get3A_859 = arith.index_cast %add3A_858 : i32 to index
      %get3A_860 = tpu.vector_load %arg5[%get3A_859] {strides = array<i32>} : memref<32768xf32, #tpu.memory_space<vmem>>, vector<16xf32>,
      %add3A_861 = arith.addf %add3A_805, %get3A_860 : vector<16xf32>
      %mul3A_862 = arith.constant 16 : i32
      %mul3A_863 = arith.muli %add3A_48, %mul3A_862 : i32
      %add3A_864 = arith.constant 29184 : i32
      %add3A_865 = arith.addi %add3A_864, %mul3A_863 : i32
      %get3A_866 = arith.index_cast %add3A_865 : i32 to index
      %get3A_867 = tpu.vector_load %arg5[%get3A_866] {strides = array<i32>} : memref<32768xf32, #tpu.memory_space<vmem>>, vector<16xf32>,
      %add3A_868 = arith.addf %add3A_812, %get3A_867 : vector<16xf32>
      %mul3A_869 = arith.constant 16 : i32
      %mul3A_870 = arith.muli %add3A_48, %mul3A_869 : i32
      %add3A_871 = arith.constant 29440 : i32
      %add3A_872 = arith.addi %add3A_871, %mul3A_870 : i32
      %get3A_873 = arith.index_cast %add3A_872 : i32 to index
      %get3A_874 = tpu.vector_load %arg5[%get3A_873] {strides = array<i32>} : memref<32768xf32, #tpu.memory_space<vmem>>, vector<16xf32>,
      %add3A_875 = arith.addf %add3A_819, %get3A_874 : vector<16xf32>
      %mul3A_876 = arith.constant 16 : i32
      %mul3A_877 = arith.muli %add3A_48, %mul3A_876 : i32
      %add3A_878 = arith.constant 29696 : i32
      %add3A_879 = arith.addi %add3A_878, %mul3A_877 : i32
      %get3A_880 = arith.index_cast %add3A_879 : i32 to index
      %get3A_881 = tpu.vector_load %arg5[%get3A_880] {strides = array<i32>} : memref<32768xf32, #tpu.memory_space<vmem>>, vector<16xf32>,
      %add3A_882 = arith.addf %add3A_826, %get3A_881 : vector<16xf32>
      %mul3A_883 = arith.constant 16 : i32
      %mul3A_884 = arith.muli %add3A_48, %mul3A_883 : i32
      %add3A_885 = arith.constant 29952 : i32
      %add3A_886 = arith.addi %add3A_885, %mul3A_884 : i32
      %get3A_887 = arith.index_cast %add3A_886 : i32 to index
      %get3A_888 = tpu.vector_load %arg5[%get3A_887] {strides = array<i32>} : memref<32768xf32, #tpu.memory_space<vmem>>, vector<16xf32>,
      %add3A_889 = arith.addf %add3A_833, %get3A_888 : vector<16xf32>
      %mul3A_890 = arith.constant 16 : i32
      %mul3A_891 = arith.muli %add3A_48, %mul3A_890 : i32
      %add3A_892 = arith.constant 30208 : i32
      %add3A_893 = arith.addi %add3A_892, %mul3A_891 : i32
      %get3A_894 = arith.index_cast %add3A_893 : i32 to index
      %get3A_895 = tpu.vector_load %arg5[%get3A_894] {strides = array<i32>} : memref<32768xf32, #tpu.memory_space<vmem>>, vector<16xf32>,
      %add3A_896 = arith.addf %add3A_840, %get3A_895 : vector<16xf32>
      %mul3A_897 = arith.constant 16 : i32
      %mul3A_898 = arith.muli %add3A_48, %mul3A_897 : i32
      %add3A_899 = arith.constant 30464 : i32
      %add3A_900 = arith.addi %add3A_899, %mul3A_898 : i32
      %get3A_901 = arith.index_cast %add3A_900 : i32 to index
      %get3A_902 = tpu.vector_load %arg5[%get3A_901] {strides = array<i32>} : memref<32768xf32, #tpu.memory_space<vmem>>, vector<16xf32>,
      %add3A_903 = arith.addf %add3A_847, %get3A_902 : vector<16xf32>
      %mul3A_904 = arith.constant 16 : i32
      %mul3A_905 = arith.muli %add3A_48, %mul3A_904 : i32
      %add3A_906 = arith.constant 30720 : i32
      %add3A_907 = arith.addi %add3A_906, %mul3A_905 : i32
      %get3A_908 = arith.index_cast %add3A_907 : i32 to index
      %get3A_909 = tpu.vector_load %arg5[%get3A_908] {strides = array<i32>} : memref<32768xf32, #tpu.memory_space<vmem>>, vector<16xf32>,
      %add3A_910 = arith.addf %add3A_854, %get3A_909 : vector<16xf32>
      %mul3A_911 = arith.constant 16 : i32
      %mul3A_912 = arith.muli %add3A_48, %mul3A_911 : i32
      %add3A_913 = arith.constant 30976 : i32
      %add3A_914 = arith.addi %add3A_913, %mul3A_912 : i32
      %get3A_915 = arith.index_cast %add3A_914 : i32 to index
      %get3A_916 = tpu.vector_load %arg5[%get3A_915] {strides = array<i32>} : memref<32768xf32, #tpu.memory_space<vmem>>, vector<16xf32>,
      %add3A_917 = arith.addf %add3A_861, %get3A_916 : vector<16xf32>
      %mul3A_918 = arith.constant 16 : i32
      %mul3A_919 = arith.muli %add3A_48, %mul3A_918 : i32
      %add3A_920 = arith.constant 31232 : i32
      %add3A_921 = arith.addi %add3A_920, %mul3A_919 : i32
      %get3A_922 = arith.index_cast %add3A_921 : i32 to index
      %get3A_923 = tpu.vector_load %arg5[%get3A_922] {strides = array<i32>} : memref<32768xf32, #tpu.memory_space<vmem>>, vector<16xf32>,
      %add3A_924 = arith.addf %add3A_868, %get3A_923 : vector<16xf32>
      %mul3A_925 = arith.constant 16 : i32
      %mul3A_926 = arith.muli %add3A_48, %mul3A_925 : i32
      %add3A_927 = arith.constant 31488 : i32
      %add3A_928 = arith.addi %add3A_927, %mul3A_926 : i32
      %get3A_929 = arith.index_cast %add3A_928 : i32 to index
      %get3A_930 = tpu.vector_load %arg5[%get3A_929] {strides = array<i32>} : memref<32768xf32, #tpu.memory_space<vmem>>, vector<16xf32>,
      %add3A_931 = arith.addf %add3A_875, %get3A_930 : vector<16xf32>
      %mul3A_932 = arith.constant 16 : i32
      %mul3A_933 = arith.muli %add3A_48, %mul3A_932 : i32
      %add3A_934 = arith.constant 31744 : i32
      %add3A_935 = arith.addi %add3A_934, %mul3A_933 : i32
      %get3A_936 = arith.index_cast %add3A_935 : i32 to index
      %get3A_937 = tpu.vector_load %arg5[%get3A_936] {strides = array<i32>} : memref<32768xf32, #tpu.memory_space<vmem>>, vector<16xf32>,
      %add3A_938 = arith.addf %add3A_882, %get3A_937 : vector<16xf32>
      %mul3A_939 = arith.constant 16 : i32
      %mul3A_940 = arith.muli %add3A_48, %mul3A_939 : i32
      %add3A_941 = arith.constant 32000 : i32
      %add3A_942 = arith.addi %add3A_941, %mul3A_940 : i32
      %get3A_943 = arith.index_cast %add3A_942 : i32 to index
      %get3A_944 = tpu.vector_load %arg5[%get3A_943] {strides = array<i32>} : memref<32768xf32, #tpu.memory_space<vmem>>, vector<16xf32>,
      %add3A_945 = arith.addf %add3A_889, %get3A_944 : vector<16xf32>
      %mul3A_946 = arith.constant 16 : i32
      %mul3A_947 = arith.muli %add3A_48, %mul3A_946 : i32
      %add3A_948 = arith.constant 32256 : i32
      %add3A_949 = arith.addi %add3A_948, %mul3A_947 : i32
      %get3A_950 = arith.index_cast %add3A_949 : i32 to index
      %get3A_951 = tpu.vector_load %arg5[%get3A_950] {strides = array<i32>} : memref<32768xf32, #tpu.memory_space<vmem>>, vector<16xf32>,
      %add3A_952 = arith.addf %add3A_896, %get3A_951 : vector<16xf32>
      %mul3A_953 = arith.constant 16 : i32
      %mul3A_954 = arith.muli %add3A_48, %mul3A_953 : i32
      %add3A_955 = arith.constant 32512 : i32
      %add3A_956 = arith.addi %add3A_955, %mul3A_954 : i32
      %get3A_957 = arith.index_cast %add3A_956 : i32 to index
      %get3A_958 = tpu.vector_load %arg5[%get3A_957] {strides = array<i32>} : memref<32768xf32, #tpu.memory_space<vmem>>, vector<16xf32>,
      %add3A_959 = arith.addf %add3A_903, %get3A_958 : vector<16xf32>
      %add3A_960 = arith.addf %add3A_910, %add3A_917 : vector<16xf32>
      %add3A_961 = arith.addf %add3A_960, %add3A_924 : vector<16xf32>
      %add3A_962 = arith.addf %add3A_961, %add3A_931 : vector<16xf32>
      %add3A_963 = arith.addf %add3A_962, %add3A_938 : vector<16xf32>
      %add3A_964 = arith.addf %add3A_963, %add3A_945 : vector<16xf32>
      %add3A_965 = arith.addf %add3A_964, %add3A_952 : vector<16xf32>
      %add3A_966 = arith.addf %add3A_965, %add3A_959 : vector<16xf32>
      %mul3A_967 = arith.constant 16 : i32
      %mul3A_968 = arith.muli %add3A_48, %mul3A_967 : i32
      %swap3A = arith.index_cast %mul3A_968 : i32 to index
      %swap3A_969 = tpu.vector_load %arg6[%swap3A] {strides = array<i32>} : memref<256xf32, #tpu.memory_space<vmem>>, vector<16xf32>,
      tpu.vector_store %arg6[%swap3A], %add3A_966 {strides = array<i32>} : memref<256xf32, #tpu.memory_space<vmem>>, vector<16xf32>,
    }
    %scan3A_41 = arith.constant 16 : i32
    %mul3A_42 = arith.constant 256 : i32
    %mul3A_43 = arith.muli %add3A, %mul3A_42 : i32
    "tpu.region"() ({
      %run_scoped3A = tpu.sem_alloc : memref<!tpu.dma_semaphore, #tpu.memory_space<semaphore_mem>>
      %dma_start3A_44 = tpu.memref_slice %arg3[%mul3A_43] : memref<8192xf32, #tpu.memory_space<hbm>> -> memref<256xf32, #tpu.memory_space<hbm>>
      %dma_start3A_45 = tpu.memref_slice %arg3[%mul3A_43] : memref<8192xf32, #tpu.memory_space<hbm>> -> memref<256xf32, #tpu.memory_space<hbm>>
      tpu.enqueue_dma source(%arg6 : memref<256xf32, #tpu.memory_space<vmem>>) target(%dma_start3A_45 : memref<256xf32, #tpu.memory_space<hbm>>) target_semaphore(%run_scoped3A : memref<!tpu.dma_semaphore, #tpu.memory_space<semaphore_mem>>)
      %dma_wait3A = tpu.memref_slice %arg3[%mul3A_43] : memref<8192xf32, #tpu.memory_space<hbm>> -> memref<256xf32, #tpu.memory_space<hbm>>
      %dma_wait3A_46 = tpu.memref_slice %arg3[%mul3A_43] : memref<8192xf32, #tpu.memory_space<hbm>> -> memref<256xf32, #tpu.memory_space<hbm>>
      tpu.wait_dma2 semaphore(%run_scoped3A : memref<!tpu.dma_semaphore, #tpu.memory_space<semaphore_mem>>) src(%arg6 : memref<256xf32, #tpu.memory_space<vmem>>) dst(%dma_wait3A_46 : memref<256xf32, #tpu.memory_space<hbm>>)
      tpu.yield
    }) : () -> ()
    return
  }
}

#map = affine_map<(d0, d1) -> (0)>
module attributes {stable_mosaic.version = 14 : i64} {
  func.func @_apply_kernel(%arg0: i32, %arg1: i32, %arg2: memref<67108864xf32, #tpu.memory_space<hbm>>, %arg3: memref<256xf32, #tpu.memory_space<hbm>>, %arg4: memref<67108864xf32, #tpu.memory_space<hbm>>, %arg5: memref<2x16384xf32, #tpu.memory_space<vmem>>, %arg6: memref<2x16384xf32, #tpu.memory_space<vmem>>, %arg7: memref<256xf32, #tpu.memory_space<vmem>>, %arg8: memref<!tpu.dma_semaphore, #tpu.memory_space<semaphore_mem>>, %arg9: memref<!tpu.dma_semaphore, #tpu.memory_space<semaphore_mem>>, %arg10: memref<!tpu.dma_semaphore, #tpu.memory_space<semaphore_mem>>, %arg11: memref<!tpu.dma_semaphore, #tpu.memory_space<semaphore_mem>>) attributes {dimension_semantics = [#tpu.dimension_semantics<core_parallel>, #tpu.dimension_semantics<subcore_parallel>], iteration_bounds = array<i64: 2, 16>, scalar_prefetch = 0 : i64, scratch_operands = 7 : i64, tpu.core_type = #tpu.core_type<sc_vector_subcore>, window_params = [{transform_indices = #map}, {transform_indices = #map}, {transform_indices = #map}]} {
    %mul3A = arith.constant 2 : i32
    %mul3A_0 = arith.muli %arg1, %mul3A : i32
    %add3A = arith.addi %mul3A_0, %arg0 : i32
    %mul3A_1 = arith.constant 2097152 : i32
    %mul3A_2 = arith.muli %add3A, %mul3A_1 : i32
    %dma_start3A = arith.constant 0 : i32
    %dma_start3A_3 = arith.constant 0 : i32
    %dma_start3A_4 = tpu.memref_slice %arg5[%dma_start3A, %dma_start3A_3] : memref<2x16384xf32, #tpu.memory_space<vmem>> -> memref<1x16384xf32, #tpu.memory_space<vmem>>
    %dma_start3A_5 = tpu.memref_squeeze %dma_start3A_4 : memref<1x16384xf32, #tpu.memory_space<vmem>> -> memref<16384xf32, #tpu.memory_space<vmem>>
    %dma_start3A_6 = tpu.memref_slice %arg2[%mul3A_2] : memref<67108864xf32, #tpu.memory_space<hbm>> -> memref<16384xf32, #tpu.memory_space<hbm>>
    %dma_start3A_7 = arith.constant 0 : i32
    %dma_start3A_8 = tpu.memref_slice %arg5[%dma_start3A, %dma_start3A_7] : memref<2x16384xf32, #tpu.memory_space<vmem>> -> memref<1x16384xf32, #tpu.memory_space<vmem>>
    %dma_start3A_9 = tpu.memref_squeeze %dma_start3A_8 : memref<1x16384xf32, #tpu.memory_space<vmem>> -> memref<16384xf32, #tpu.memory_space<vmem>>
    %dma_start3A_10 = tpu.memref_slice %arg2[%mul3A_2] : memref<67108864xf32, #tpu.memory_space<hbm>> -> memref<16384xf32, #tpu.memory_space<hbm>>
    tpu.enqueue_dma source(%dma_start3A_10 : memref<16384xf32, #tpu.memory_space<hbm>>) target(%dma_start3A_9 : memref<16384xf32, #tpu.memory_space<vmem>>) target_semaphore(%arg8 : memref<!tpu.dma_semaphore, #tpu.memory_space<semaphore_mem>>)
    %add3A_11 = arith.constant 16384 : i32
    %add3A_12 = arith.addi %mul3A_2, %add3A_11 : i32
    %dma_start3A_13 = arith.constant 1 : i32
    %dma_start3A_14 = arith.constant 0 : i32
    %dma_start3A_15 = tpu.memref_slice %arg5[%dma_start3A_13, %dma_start3A_14] : memref<2x16384xf32, #tpu.memory_space<vmem>> -> memref<1x16384xf32, #tpu.memory_space<vmem>>
    %dma_start3A_16 = tpu.memref_squeeze %dma_start3A_15 : memref<1x16384xf32, #tpu.memory_space<vmem>> -> memref<16384xf32, #tpu.memory_space<vmem>>
    %dma_start3A_17 = tpu.memref_slice %arg2[%add3A_12] : memref<67108864xf32, #tpu.memory_space<hbm>> -> memref<16384xf32, #tpu.memory_space<hbm>>
    %dma_start3A_18 = arith.constant 0 : i32
    %dma_start3A_19 = tpu.memref_slice %arg5[%dma_start3A_13, %dma_start3A_18] : memref<2x16384xf32, #tpu.memory_space<vmem>> -> memref<1x16384xf32, #tpu.memory_space<vmem>>
    %dma_start3A_20 = tpu.memref_squeeze %dma_start3A_19 : memref<1x16384xf32, #tpu.memory_space<vmem>> -> memref<16384xf32, #tpu.memory_space<vmem>>
    %dma_start3A_21 = tpu.memref_slice %arg2[%add3A_12] : memref<67108864xf32, #tpu.memory_space<hbm>> -> memref<16384xf32, #tpu.memory_space<hbm>>
    tpu.enqueue_dma source(%dma_start3A_21 : memref<16384xf32, #tpu.memory_space<hbm>>) target(%dma_start3A_20 : memref<16384xf32, #tpu.memory_space<vmem>>) target_semaphore(%arg9 : memref<!tpu.dma_semaphore, #tpu.memory_space<semaphore_mem>>)
    "tpu.region"() ({
      %run_scoped3A = tpu.sem_alloc : memref<!tpu.dma_semaphore, #tpu.memory_space<semaphore_mem>>
      tpu.enqueue_dma source(%arg3 : memref<256xf32, #tpu.memory_space<hbm>>) target(%arg7 : memref<256xf32, #tpu.memory_space<vmem>>) target_semaphore(%run_scoped3A : memref<!tpu.dma_semaphore, #tpu.memory_space<semaphore_mem>>)
      tpu.wait_dma2 semaphore(%run_scoped3A : memref<!tpu.dma_semaphore, #tpu.memory_space<semaphore_mem>>) src(%arg3 : memref<256xf32, #tpu.memory_space<hbm>>) dst(%arg7 : memref<256xf32, #tpu.memory_space<vmem>>)
      tpu.yield
    }) : () -> ()
    %scan3A = arith.constant 0 : i32
    %scan3A_22 = arith.constant 64 : i32
    %scan3A_23 = arith.addi %scan3A, %scan3A_22 : i32
    %scan3A_24 = arith.constant 1 : i32
    scf.for %scan3A_47 = %scan3A to %scan3A_23 step %scan3A_24  : i32 {
      %mul3A_48 = arith.constant 2 : i32
      %mul3A_49 = arith.muli %scan3A_47, %mul3A_48 : i32
      %add3A_50 = arith.constant 0 : i32
      %add3A_51 = arith.addi %add3A_50, %mul3A_49 : i32
      %add3A_52 = arith.constant 0 : i32
      %add3A_53 = arith.addi %add3A_51, %add3A_52 : i32
      %mul3A_54 = arith.constant 16384 : i32
      %mul3A_55 = arith.muli %add3A_53, %mul3A_54 : i32
      %add3A_56 = arith.addi %mul3A_2, %mul3A_55 : i32
      %dma_wait3A_57 = arith.constant 0 : i32
      %dma_wait3A_58 = arith.constant 0 : i32
      %dma_wait3A_59 = tpu.memref_slice %arg5[%dma_wait3A_57, %dma_wait3A_58] : memref<2x16384xf32, #tpu.memory_space<vmem>> -> memref<1x16384xf32, #tpu.memory_space<vmem>>
      %dma_wait3A_60 = tpu.memref_squeeze %dma_wait3A_59 : memref<1x16384xf32, #tpu.memory_space<vmem>> -> memref<16384xf32, #tpu.memory_space<vmem>>
      %dma_wait3A_61 = tpu.memref_slice %arg2[%add3A_56] : memref<67108864xf32, #tpu.memory_space<hbm>> -> memref<16384xf32, #tpu.memory_space<hbm>>
      %dma_wait3A_62 = arith.constant 0 : i32
      %dma_wait3A_63 = tpu.memref_slice %arg5[%dma_wait3A_57, %dma_wait3A_62] : memref<2x16384xf32, #tpu.memory_space<vmem>> -> memref<1x16384xf32, #tpu.memory_space<vmem>>
      %dma_wait3A_64 = tpu.memref_squeeze %dma_wait3A_63 : memref<1x16384xf32, #tpu.memory_space<vmem>> -> memref<16384xf32, #tpu.memory_space<vmem>>
      %dma_wait3A_65 = tpu.memref_slice %arg2[%add3A_56] : memref<67108864xf32, #tpu.memory_space<hbm>> -> memref<16384xf32, #tpu.memory_space<hbm>>
      tpu.wait_dma2 semaphore(%arg8 : memref<!tpu.dma_semaphore, #tpu.memory_space<semaphore_mem>>) src(%dma_wait3A_65 : memref<16384xf32, #tpu.memory_space<hbm>>) dst(%dma_wait3A_64 : memref<16384xf32, #tpu.memory_space<vmem>>)
      %ge3A = arith.constant 2 : i32
      %ge3A_66 = arith.cmpi sge, %add3A_53, %ge3A : i32
      %convert_element_type3A = arith.extui %ge3A_66 : i1 to i32
      %cond3A = arith.constant 0 : i32
      %cond3A_67 = arith.cmpi ne, %convert_element_type3A, %cond3A : i32
      scf.if %cond3A_67 {
        %sub3A = arith.constant 2 : i32
        %sub3A_134 = arith.subi %add3A_53, %sub3A : i32
        %mul3A_135 = arith.constant 16384 : i32
        %mul3A_136 = arith.muli %sub3A_134, %mul3A_135 : i32
        %add3A_137 = arith.addi %mul3A_2, %mul3A_136 : i32
        %dma_wait3A_138 = arith.constant 0 : i32
        %dma_wait3A_139 = arith.constant 0 : i32
        %dma_wait3A_140 = tpu.memref_slice %arg6[%dma_wait3A_138, %dma_wait3A_139] : memref<2x16384xf32, #tpu.memory_space<vmem>> -> memref<1x16384xf32, #tpu.memory_space<vmem>>
        %dma_wait3A_141 = tpu.memref_squeeze %dma_wait3A_140 : memref<1x16384xf32, #tpu.memory_space<vmem>> -> memref<16384xf32, #tpu.memory_space<vmem>>
        %dma_wait3A_142 = tpu.memref_slice %arg4[%add3A_137] : memref<67108864xf32, #tpu.memory_space<hbm>> -> memref<16384xf32, #tpu.memory_space<hbm>>
        %dma_wait3A_143 = tpu.memref_slice %arg4[%add3A_137] : memref<67108864xf32, #tpu.memory_space<hbm>> -> memref<16384xf32, #tpu.memory_space<hbm>>
        %dma_wait3A_144 = arith.constant 0 : i32
        %dma_wait3A_145 = tpu.memref_slice %arg6[%dma_wait3A_138, %dma_wait3A_144] : memref<2x16384xf32, #tpu.memory_space<vmem>> -> memref<1x16384xf32, #tpu.memory_space<vmem>>
        %dma_wait3A_146 = tpu.memref_squeeze %dma_wait3A_145 : memref<1x16384xf32, #tpu.memory_space<vmem>> -> memref<16384xf32, #tpu.memory_space<vmem>>
        tpu.wait_dma2 semaphore(%arg10 : memref<!tpu.dma_semaphore, #tpu.memory_space<semaphore_mem>>) src(%dma_wait3A_146 : memref<16384xf32, #tpu.memory_space<vmem>>) dst(%dma_wait3A_143 : memref<16384xf32, #tpu.memory_space<hbm>>)
      } else {
      }
      %scan3A_68 = arith.constant 0 : i32
      %scan3A_69 = arith.constant 128 : i32
      %scan3A_70 = arith.addi %scan3A_68, %scan3A_69 : i32
      %scan3A_71 = arith.constant 1 : i32
      scf.for %scan3A_134 = %scan3A_68 to %scan3A_70 step %scan3A_71  : i32 {
        %mul3A_135 = arith.constant 1 : i32
        %mul3A_136 = arith.muli %scan3A_134, %mul3A_135 : i32
        %add3A_137 = arith.constant 0 : i32
        %add3A_138 = arith.addi %add3A_137, %mul3A_136 : i32
        %mul3A_139 = arith.constant 128 : i32
        %mul3A_140 = arith.muli %add3A_138, %mul3A_139 : i32
        %add3A_141 = arith.constant 0 : i32
        %add3A_142 = arith.addi %mul3A_140, %add3A_141 : i32
        %get3A = arith.constant 0 : i32
        %get3A_143 = arith.index_cast %get3A : i32 to index
        %get3A_144 = arith.index_cast %add3A_142 : i32 to index
        %get3A_145 = tpu.vector_load %arg5[%get3A_143, %get3A_144] {strides = array<i32>} : memref<2x16384xf32, #tpu.memory_space<vmem>>, vector<16xf32>,
        %add3A_146 = arith.constant 16 : i32
        %add3A_147 = arith.addi %mul3A_140, %add3A_146 : i32
        %get3A_148 = arith.constant 0 : i32
        %get3A_149 = arith.index_cast %get3A_148 : i32 to index
        %get3A_150 = arith.index_cast %add3A_147 : i32 to index
        %get3A_151 = tpu.vector_load %arg5[%get3A_149, %get3A_150] {strides = array<i32>} : memref<2x16384xf32, #tpu.memory_space<vmem>>, vector<16xf32>,
        %add3A_152 = arith.constant 32 : i32
        %add3A_153 = arith.addi %mul3A_140, %add3A_152 : i32
        %get3A_154 = arith.constant 0 : i32
        %get3A_155 = arith.index_cast %get3A_154 : i32 to index
        %get3A_156 = arith.index_cast %add3A_153 : i32 to index
        %get3A_157 = tpu.vector_load %arg5[%get3A_155, %get3A_156] {strides = array<i32>} : memref<2x16384xf32, #tpu.memory_space<vmem>>, vector<16xf32>,
        %add3A_158 = arith.constant 48 : i32
        %add3A_159 = arith.addi %mul3A_140, %add3A_158 : i32
        %get3A_160 = arith.constant 0 : i32
        %get3A_161 = arith.index_cast %get3A_160 : i32 to index
        %get3A_162 = arith.index_cast %add3A_159 : i32 to index
        %get3A_163 = tpu.vector_load %arg5[%get3A_161, %get3A_162] {strides = array<i32>} : memref<2x16384xf32, #tpu.memory_space<vmem>>, vector<16xf32>,
        %add3A_164 = arith.constant 64 : i32
        %add3A_165 = arith.addi %mul3A_140, %add3A_164 : i32
        %get3A_166 = arith.constant 0 : i32
        %get3A_167 = arith.index_cast %get3A_166 : i32 to index
        %get3A_168 = arith.index_cast %add3A_165 : i32 to index
        %get3A_169 = tpu.vector_load %arg5[%get3A_167, %get3A_168] {strides = array<i32>} : memref<2x16384xf32, #tpu.memory_space<vmem>>, vector<16xf32>,
        %add3A_170 = arith.constant 80 : i32
        %add3A_171 = arith.addi %mul3A_140, %add3A_170 : i32
        %get3A_172 = arith.constant 0 : i32
        %get3A_173 = arith.index_cast %get3A_172 : i32 to index
        %get3A_174 = arith.index_cast %add3A_171 : i32 to index
        %get3A_175 = tpu.vector_load %arg5[%get3A_173, %get3A_174] {strides = array<i32>} : memref<2x16384xf32, #tpu.memory_space<vmem>>, vector<16xf32>,
        %add3A_176 = arith.constant 96 : i32
        %add3A_177 = arith.addi %mul3A_140, %add3A_176 : i32
        %get3A_178 = arith.constant 0 : i32
        %get3A_179 = arith.index_cast %get3A_178 : i32 to index
        %get3A_180 = arith.index_cast %add3A_177 : i32 to index
        %get3A_181 = tpu.vector_load %arg5[%get3A_179, %get3A_180] {strides = array<i32>} : memref<2x16384xf32, #tpu.memory_space<vmem>>, vector<16xf32>,
        %add3A_182 = arith.constant 112 : i32
        %add3A_183 = arith.addi %mul3A_140, %add3A_182 : i32
        %get3A_184 = arith.constant 0 : i32
        %get3A_185 = arith.index_cast %get3A_184 : i32 to index
        %get3A_186 = arith.index_cast %add3A_183 : i32 to index
        %get3A_187 = tpu.vector_load %arg5[%get3A_185, %get3A_186] {strides = array<i32>} : memref<2x16384xf32, #tpu.memory_space<vmem>>, vector<16xf32>,
        %add3A_188 = arith.constant 1.000000e+00 : f32
        %add3A_189 = vector.broadcast %add3A_188 : f32 to vector<16xf32>
        %add3A_190 = arith.addf %get3A_145, %add3A_189 : vector<16xf32>
        %add3A_191 = arith.constant 1.000000e+00 : f32
        %add3A_192 = vector.broadcast %add3A_191 : f32 to vector<16xf32>
        %add3A_193 = arith.addf %get3A_151, %add3A_192 : vector<16xf32>
        %add3A_194 = arith.constant 1.000000e+00 : f32
        %add3A_195 = vector.broadcast %add3A_194 : f32 to vector<16xf32>
        %add3A_196 = arith.addf %get3A_157, %add3A_195 : vector<16xf32>
        %add3A_197 = arith.constant 1.000000e+00 : f32
        %add3A_198 = vector.broadcast %add3A_197 : f32 to vector<16xf32>
        %add3A_199 = arith.addf %get3A_163, %add3A_198 : vector<16xf32>
        %add3A_200 = arith.constant 1.000000e+00 : f32
        %add3A_201 = vector.broadcast %add3A_200 : f32 to vector<16xf32>
        %add3A_202 = arith.addf %get3A_169, %add3A_201 : vector<16xf32>
        %add3A_203 = arith.constant 1.000000e+00 : f32
        %add3A_204 = vector.broadcast %add3A_203 : f32 to vector<16xf32>
        %add3A_205 = arith.addf %get3A_175, %add3A_204 : vector<16xf32>
        %add3A_206 = arith.constant 1.000000e+00 : f32
        %add3A_207 = vector.broadcast %add3A_206 : f32 to vector<16xf32>
        %add3A_208 = arith.addf %get3A_181, %add3A_207 : vector<16xf32>
        %add3A_209 = arith.constant 1.000000e+00 : f32
        %add3A_210 = vector.broadcast %add3A_209 : f32 to vector<16xf32>
        %add3A_211 = arith.addf %get3A_187, %add3A_210 : vector<16xf32>
        %mul3A_212 = arith.constant 1.275000e+02 : f32
        %mul3A_213 = vector.broadcast %mul3A_212 : f32 to vector<16xf32>
        %mul3A_214 = arith.mulf %add3A_190, %mul3A_213 : vector<16xf32>
        %mul3A_215 = arith.constant 1.275000e+02 : f32
        %mul3A_216 = vector.broadcast %mul3A_215 : f32 to vector<16xf32>
        %mul3A_217 = arith.mulf %add3A_193, %mul3A_216 : vector<16xf32>
        %mul3A_218 = arith.constant 1.275000e+02 : f32
        %mul3A_219 = vector.broadcast %mul3A_218 : f32 to vector<16xf32>
        %mul3A_220 = arith.mulf %add3A_196, %mul3A_219 : vector<16xf32>
        %mul3A_221 = arith.constant 1.275000e+02 : f32
        %mul3A_222 = vector.broadcast %mul3A_221 : f32 to vector<16xf32>
        %mul3A_223 = arith.mulf %add3A_199, %mul3A_222 : vector<16xf32>
        %mul3A_224 = arith.constant 1.275000e+02 : f32
        %mul3A_225 = vector.broadcast %mul3A_224 : f32 to vector<16xf32>
        %mul3A_226 = arith.mulf %add3A_202, %mul3A_225 : vector<16xf32>
        %mul3A_227 = arith.constant 1.275000e+02 : f32
        %mul3A_228 = vector.broadcast %mul3A_227 : f32 to vector<16xf32>
        %mul3A_229 = arith.mulf %add3A_205, %mul3A_228 : vector<16xf32>
        %mul3A_230 = arith.constant 1.275000e+02 : f32
        %mul3A_231 = vector.broadcast %mul3A_230 : f32 to vector<16xf32>
        %mul3A_232 = arith.mulf %add3A_208, %mul3A_231 : vector<16xf32>
        %mul3A_233 = arith.constant 1.275000e+02 : f32
        %mul3A_234 = vector.broadcast %mul3A_233 : f32 to vector<16xf32>
        %mul3A_235 = arith.mulf %add3A_211, %mul3A_234 : vector<16xf32>
        %max3A = arith.constant 0.000000e+00 : f32
        %max3A_236 = vector.broadcast %max3A : f32 to vector<16xf32>
        %max3A_237 = arith.maximumf %mul3A_214, %max3A_236 : vector<16xf32>
        %max3A_238 = arith.constant 0.000000e+00 : f32
        %max3A_239 = vector.broadcast %max3A_238 : f32 to vector<16xf32>
        %max3A_240 = arith.maximumf %mul3A_217, %max3A_239 : vector<16xf32>
        %max3A_241 = arith.constant 0.000000e+00 : f32
        %max3A_242 = vector.broadcast %max3A_241 : f32 to vector<16xf32>
        %max3A_243 = arith.maximumf %mul3A_220, %max3A_242 : vector<16xf32>
        %max3A_244 = arith.constant 0.000000e+00 : f32
        %max3A_245 = vector.broadcast %max3A_244 : f32 to vector<16xf32>
        %max3A_246 = arith.maximumf %mul3A_223, %max3A_245 : vector<16xf32>
        %max3A_247 = arith.constant 0.000000e+00 : f32
        %max3A_248 = vector.broadcast %max3A_247 : f32 to vector<16xf32>
        %max3A_249 = arith.maximumf %mul3A_226, %max3A_248 : vector<16xf32>
        %max3A_250 = arith.constant 0.000000e+00 : f32
        %max3A_251 = vector.broadcast %max3A_250 : f32 to vector<16xf32>
        %max3A_252 = arith.maximumf %mul3A_229, %max3A_251 : vector<16xf32>
        %max3A_253 = arith.constant 0.000000e+00 : f32
        %max3A_254 = vector.broadcast %max3A_253 : f32 to vector<16xf32>
        %max3A_255 = arith.maximumf %mul3A_232, %max3A_254 : vector<16xf32>
        %max3A_256 = arith.constant 0.000000e+00 : f32
        %max3A_257 = vector.broadcast %max3A_256 : f32 to vector<16xf32>
        %max3A_258 = arith.maximumf %mul3A_235, %max3A_257 : vector<16xf32>
        %min3A = arith.constant 2.550000e+02 : f32
        %min3A_259 = vector.broadcast %min3A : f32 to vector<16xf32>
        %min3A_260 = arith.minimumf %max3A_237, %min3A_259 : vector<16xf32>
        %min3A_261 = arith.constant 2.550000e+02 : f32
        %min3A_262 = vector.broadcast %min3A_261 : f32 to vector<16xf32>
        %min3A_263 = arith.minimumf %max3A_240, %min3A_262 : vector<16xf32>
        %min3A_264 = arith.constant 2.550000e+02 : f32
        %min3A_265 = vector.broadcast %min3A_264 : f32 to vector<16xf32>
        %min3A_266 = arith.minimumf %max3A_243, %min3A_265 : vector<16xf32>
        %min3A_267 = arith.constant 2.550000e+02 : f32
        %min3A_268 = vector.broadcast %min3A_267 : f32 to vector<16xf32>
        %min3A_269 = arith.minimumf %max3A_246, %min3A_268 : vector<16xf32>
        %min3A_270 = arith.constant 2.550000e+02 : f32
        %min3A_271 = vector.broadcast %min3A_270 : f32 to vector<16xf32>
        %min3A_272 = arith.minimumf %max3A_249, %min3A_271 : vector<16xf32>
        %min3A_273 = arith.constant 2.550000e+02 : f32
        %min3A_274 = vector.broadcast %min3A_273 : f32 to vector<16xf32>
        %min3A_275 = arith.minimumf %max3A_252, %min3A_274 : vector<16xf32>
        %min3A_276 = arith.constant 2.550000e+02 : f32
        %min3A_277 = vector.broadcast %min3A_276 : f32 to vector<16xf32>
        %min3A_278 = arith.minimumf %max3A_255, %min3A_277 : vector<16xf32>
        %min3A_279 = arith.constant 2.550000e+02 : f32
        %min3A_280 = vector.broadcast %min3A_279 : f32 to vector<16xf32>
        %min3A_281 = arith.minimumf %max3A_258, %min3A_280 : vector<16xf32>
        %convert_element_type3A_282 = arith.fptosi %min3A_260 : vector<16xf32> to vector<16xi32>
        %convert_element_type3A_283 = arith.fptosi %min3A_263 : vector<16xf32> to vector<16xi32>
        %convert_element_type3A_284 = arith.fptosi %min3A_266 : vector<16xf32> to vector<16xi32>
        %convert_element_type3A_285 = arith.fptosi %min3A_269 : vector<16xf32> to vector<16xi32>
        %convert_element_type3A_286 = arith.fptosi %min3A_272 : vector<16xf32> to vector<16xi32>
        %convert_element_type3A_287 = arith.fptosi %min3A_275 : vector<16xf32> to vector<16xi32>
        %convert_element_type3A_288 = arith.fptosi %min3A_278 : vector<16xf32> to vector<16xi32>
        %convert_element_type3A_289 = arith.fptosi %min3A_281 : vector<16xf32> to vector<16xi32>
        %gather3A = tpu.vector_load_idx %arg7[%convert_element_type3A_282] : memref<256xf32, #tpu.memory_space<vmem>>[vector<16xi32>], vector<16xf32>,
        %gather3A_290 = tpu.vector_load_idx %arg7[%convert_element_type3A_283] : memref<256xf32, #tpu.memory_space<vmem>>[vector<16xi32>], vector<16xf32>,
        %gather3A_291 = tpu.vector_load_idx %arg7[%convert_element_type3A_284] : memref<256xf32, #tpu.memory_space<vmem>>[vector<16xi32>], vector<16xf32>,
        %gather3A_292 = tpu.vector_load_idx %arg7[%convert_element_type3A_285] : memref<256xf32, #tpu.memory_space<vmem>>[vector<16xi32>], vector<16xf32>,
        %gather3A_293 = tpu.vector_load_idx %arg7[%convert_element_type3A_286] : memref<256xf32, #tpu.memory_space<vmem>>[vector<16xi32>], vector<16xf32>,
        %gather3A_294 = tpu.vector_load_idx %arg7[%convert_element_type3A_287] : memref<256xf32, #tpu.memory_space<vmem>>[vector<16xi32>], vector<16xf32>,
        %gather3A_295 = tpu.vector_load_idx %arg7[%convert_element_type3A_288] : memref<256xf32, #tpu.memory_space<vmem>>[vector<16xi32>], vector<16xf32>,
        %gather3A_296 = tpu.vector_load_idx %arg7[%convert_element_type3A_289] : memref<256xf32, #tpu.memory_space<vmem>>[vector<16xi32>], vector<16xf32>,
        %add3A_297 = arith.constant 0 : i32
        %add3A_298 = arith.addi %mul3A_140, %add3A_297 : i32
        %swap3A = arith.constant 0 : i32
        %swap3A_299 = arith.index_cast %swap3A : i32 to index
        %swap3A_300 = arith.index_cast %add3A_298 : i32 to index
        %swap3A_301 = tpu.vector_load %arg6[%swap3A_299, %swap3A_300] {strides = array<i32>} : memref<2x16384xf32, #tpu.memory_space<vmem>>, vector<16xf32>,
        tpu.vector_store %arg6[%swap3A_299, %swap3A_300], %gather3A {strides = array<i32>} : memref<2x16384xf32, #tpu.memory_space<vmem>>, vector<16xf32>,
        %add3A_302 = arith.constant 16 : i32
        %add3A_303 = arith.addi %mul3A_140, %add3A_302 : i32
        %swap3A_304 = arith.constant 0 : i32
        %swap3A_305 = arith.index_cast %swap3A_304 : i32 to index
        %swap3A_306 = arith.index_cast %add3A_303 : i32 to index
        %swap3A_307 = tpu.vector_load %arg6[%swap3A_305, %swap3A_306] {strides = array<i32>} : memref<2x16384xf32, #tpu.memory_space<vmem>>, vector<16xf32>,
        tpu.vector_store %arg6[%swap3A_305, %swap3A_306], %gather3A_290 {strides = array<i32>} : memref<2x16384xf32, #tpu.memory_space<vmem>>, vector<16xf32>,
        %add3A_308 = arith.constant 32 : i32
        %add3A_309 = arith.addi %mul3A_140, %add3A_308 : i32
        %swap3A_310 = arith.constant 0 : i32
        %swap3A_311 = arith.index_cast %swap3A_310 : i32 to index
        %swap3A_312 = arith.index_cast %add3A_309 : i32 to index
        %swap3A_313 = tpu.vector_load %arg6[%swap3A_311, %swap3A_312] {strides = array<i32>} : memref<2x16384xf32, #tpu.memory_space<vmem>>, vector<16xf32>,
        tpu.vector_store %arg6[%swap3A_311, %swap3A_312], %gather3A_291 {strides = array<i32>} : memref<2x16384xf32, #tpu.memory_space<vmem>>, vector<16xf32>,
        %add3A_314 = arith.constant 48 : i32
        %add3A_315 = arith.addi %mul3A_140, %add3A_314 : i32
        %swap3A_316 = arith.constant 0 : i32
        %swap3A_317 = arith.index_cast %swap3A_316 : i32 to index
        %swap3A_318 = arith.index_cast %add3A_315 : i32 to index
        %swap3A_319 = tpu.vector_load %arg6[%swap3A_317, %swap3A_318] {strides = array<i32>} : memref<2x16384xf32, #tpu.memory_space<vmem>>, vector<16xf32>,
        tpu.vector_store %arg6[%swap3A_317, %swap3A_318], %gather3A_292 {strides = array<i32>} : memref<2x16384xf32, #tpu.memory_space<vmem>>, vector<16xf32>,
        %add3A_320 = arith.constant 64 : i32
        %add3A_321 = arith.addi %mul3A_140, %add3A_320 : i32
        %swap3A_322 = arith.constant 0 : i32
        %swap3A_323 = arith.index_cast %swap3A_322 : i32 to index
        %swap3A_324 = arith.index_cast %add3A_321 : i32 to index
        %swap3A_325 = tpu.vector_load %arg6[%swap3A_323, %swap3A_324] {strides = array<i32>} : memref<2x16384xf32, #tpu.memory_space<vmem>>, vector<16xf32>,
        tpu.vector_store %arg6[%swap3A_323, %swap3A_324], %gather3A_293 {strides = array<i32>} : memref<2x16384xf32, #tpu.memory_space<vmem>>, vector<16xf32>,
        %add3A_326 = arith.constant 80 : i32
        %add3A_327 = arith.addi %mul3A_140, %add3A_326 : i32
        %swap3A_328 = arith.constant 0 : i32
        %swap3A_329 = arith.index_cast %swap3A_328 : i32 to index
        %swap3A_330 = arith.index_cast %add3A_327 : i32 to index
        %swap3A_331 = tpu.vector_load %arg6[%swap3A_329, %swap3A_330] {strides = array<i32>} : memref<2x16384xf32, #tpu.memory_space<vmem>>, vector<16xf32>,
        tpu.vector_store %arg6[%swap3A_329, %swap3A_330], %gather3A_294 {strides = array<i32>} : memref<2x16384xf32, #tpu.memory_space<vmem>>, vector<16xf32>,
        %add3A_332 = arith.constant 96 : i32
        %add3A_333 = arith.addi %mul3A_140, %add3A_332 : i32
        %swap3A_334 = arith.constant 0 : i32
        %swap3A_335 = arith.index_cast %swap3A_334 : i32 to index
        %swap3A_336 = arith.index_cast %add3A_333 : i32 to index
        %swap3A_337 = tpu.vector_load %arg6[%swap3A_335, %swap3A_336] {strides = array<i32>} : memref<2x16384xf32, #tpu.memory_space<vmem>>, vector<16xf32>,
        tpu.vector_store %arg6[%swap3A_335, %swap3A_336], %gather3A_295 {strides = array<i32>} : memref<2x16384xf32, #tpu.memory_space<vmem>>, vector<16xf32>,
        %add3A_338 = arith.constant 112 : i32
        %add3A_339 = arith.addi %mul3A_140, %add3A_338 : i32
        %swap3A_340 = arith.constant 0 : i32
        %swap3A_341 = arith.index_cast %swap3A_340 : i32 to index
        %swap3A_342 = arith.index_cast %add3A_339 : i32 to index
        %swap3A_343 = tpu.vector_load %arg6[%swap3A_341, %swap3A_342] {strides = array<i32>} : memref<2x16384xf32, #tpu.memory_space<vmem>>, vector<16xf32>,
        tpu.vector_store %arg6[%swap3A_341, %swap3A_342], %gather3A_296 {strides = array<i32>} : memref<2x16384xf32, #tpu.memory_space<vmem>>, vector<16xf32>,
      }
      %scan3A_72 = arith.constant 128 : i32
      %mul3A_73 = arith.constant 16384 : i32
      %mul3A_74 = arith.muli %add3A_53, %mul3A_73 : i32
      %add3A_75 = arith.addi %mul3A_2, %mul3A_74 : i32
      %dma_start3A_76 = arith.constant 0 : i32
      %dma_start3A_77 = arith.constant 0 : i32
      %dma_start3A_78 = tpu.memref_slice %arg6[%dma_start3A_76, %dma_start3A_77] : memref<2x16384xf32, #tpu.memory_space<vmem>> -> memref<1x16384xf32, #tpu.memory_space<vmem>>
      %dma_start3A_79 = tpu.memref_squeeze %dma_start3A_78 : memref<1x16384xf32, #tpu.memory_space<vmem>> -> memref<16384xf32, #tpu.memory_space<vmem>>
      %dma_start3A_80 = tpu.memref_slice %arg4[%add3A_75] : memref<67108864xf32, #tpu.memory_space<hbm>> -> memref<16384xf32, #tpu.memory_space<hbm>>
      %dma_start3A_81 = tpu.memref_slice %arg4[%add3A_75] : memref<67108864xf32, #tpu.memory_space<hbm>> -> memref<16384xf32, #tpu.memory_space<hbm>>
      %dma_start3A_82 = arith.constant 0 : i32
      %dma_start3A_83 = tpu.memref_slice %arg6[%dma_start3A_76, %dma_start3A_82] : memref<2x16384xf32, #tpu.memory_space<vmem>> -> memref<1x16384xf32, #tpu.memory_space<vmem>>
      %dma_start3A_84 = tpu.memref_squeeze %dma_start3A_83 : memref<1x16384xf32, #tpu.memory_space<vmem>> -> memref<16384xf32, #tpu.memory_space<vmem>>
      tpu.enqueue_dma source(%dma_start3A_84 : memref<16384xf32, #tpu.memory_space<vmem>>) target(%dma_start3A_81 : memref<16384xf32, #tpu.memory_space<hbm>>) target_semaphore(%arg10 : memref<!tpu.dma_semaphore, #tpu.memory_space<semaphore_mem>>)
      %add3A_85 = arith.constant 2 : i32
      %add3A_86 = arith.addi %add3A_53, %add3A_85 : i32
      %lt3A = arith.constant 128 : i32
      %lt3A_87 = arith.cmpi slt, %add3A_86, %lt3A : i32
      %convert_element_type3A_88 = arith.extui %lt3A_87 : i1 to i32
      %cond3A_89 = arith.constant 0 : i32
      %cond3A_90 = arith.cmpi ne, %convert_element_type3A_88, %cond3A_89 : i32
      scf.if %cond3A_90 {
        %add3A_134 = arith.constant 2 : i32
        %add3A_135 = arith.addi %add3A_53, %add3A_134 : i32
        %mul3A_136 = arith.constant 16384 : i32
        %mul3A_137 = arith.muli %add3A_135, %mul3A_136 : i32
        %add3A_138 = arith.addi %mul3A_2, %mul3A_137 : i32
        %dma_start3A_139 = arith.constant 0 : i32
        %dma_start3A_140 = arith.constant 0 : i32
        %dma_start3A_141 = tpu.memref_slice %arg5[%dma_start3A_139, %dma_start3A_140] : memref<2x16384xf32, #tpu.memory_space<vmem>> -> memref<1x16384xf32, #tpu.memory_space<vmem>>
        %dma_start3A_142 = tpu.memref_squeeze %dma_start3A_141 : memref<1x16384xf32, #tpu.memory_space<vmem>> -> memref<16384xf32, #tpu.memory_space<vmem>>
        %dma_start3A_143 = tpu.memref_slice %arg2[%add3A_138] : memref<67108864xf32, #tpu.memory_space<hbm>> -> memref<16384xf32, #tpu.memory_space<hbm>>
        %dma_start3A_144 = arith.constant 0 : i32
        %dma_start3A_145 = tpu.memref_slice %arg5[%dma_start3A_139, %dma_start3A_144] : memref<2x16384xf32, #tpu.memory_space<vmem>> -> memref<1x16384xf32, #tpu.memory_space<vmem>>
        %dma_start3A_146 = tpu.memref_squeeze %dma_start3A_145 : memref<1x16384xf32, #tpu.memory_space<vmem>> -> memref<16384xf32, #tpu.memory_space<vmem>>
        %dma_start3A_147 = tpu.memref_slice %arg2[%add3A_138] : memref<67108864xf32, #tpu.memory_space<hbm>> -> memref<16384xf32, #tpu.memory_space<hbm>>
        tpu.enqueue_dma source(%dma_start3A_147 : memref<16384xf32, #tpu.memory_space<hbm>>) target(%dma_start3A_146 : memref<16384xf32, #tpu.memory_space<vmem>>) target_semaphore(%arg8 : memref<!tpu.dma_semaphore, #tpu.memory_space<semaphore_mem>>)
      } else {
      }
      %add3A_91 = arith.constant 1 : i32
      %add3A_92 = arith.addi %add3A_51, %add3A_91 : i32
      %mul3A_93 = arith.constant 16384 : i32
      %mul3A_94 = arith.muli %add3A_92, %mul3A_93 : i32
      %add3A_95 = arith.addi %mul3A_2, %mul3A_94 : i32
      %dma_wait3A_96 = arith.constant 1 : i32
      %dma_wait3A_97 = arith.constant 0 : i32
      %dma_wait3A_98 = tpu.memref_slice %arg5[%dma_wait3A_96, %dma_wait3A_97] : memref<2x16384xf32, #tpu.memory_space<vmem>> -> memref<1x16384xf32, #tpu.memory_space<vmem>>
      %dma_wait3A_99 = tpu.memref_squeeze %dma_wait3A_98 : memref<1x16384xf32, #tpu.memory_space<vmem>> -> memref<16384xf32, #tpu.memory_space<vmem>>
      %dma_wait3A_100 = tpu.memref_slice %arg2[%add3A_95] : memref<67108864xf32, #tpu.memory_space<hbm>> -> memref<16384xf32, #tpu.memory_space<hbm>>
      %dma_wait3A_101 = arith.constant 0 : i32
      %dma_wait3A_102 = tpu.memref_slice %arg5[%dma_wait3A_96, %dma_wait3A_101] : memref<2x16384xf32, #tpu.memory_space<vmem>> -> memref<1x16384xf32, #tpu.memory_space<vmem>>
      %dma_wait3A_103 = tpu.memref_squeeze %dma_wait3A_102 : memref<1x16384xf32, #tpu.memory_space<vmem>> -> memref<16384xf32, #tpu.memory_space<vmem>>
      %dma_wait3A_104 = tpu.memref_slice %arg2[%add3A_95] : memref<67108864xf32, #tpu.memory_space<hbm>> -> memref<16384xf32, #tpu.memory_space<hbm>>
      tpu.wait_dma2 semaphore(%arg9 : memref<!tpu.dma_semaphore, #tpu.memory_space<semaphore_mem>>) src(%dma_wait3A_104 : memref<16384xf32, #tpu.memory_space<hbm>>) dst(%dma_wait3A_103 : memref<16384xf32, #tpu.memory_space<vmem>>)
      %ge3A_105 = arith.constant 2 : i32
      %ge3A_106 = arith.cmpi sge, %add3A_92, %ge3A_105 : i32
      %convert_element_type3A_107 = arith.extui %ge3A_106 : i1 to i32
      %cond3A_108 = arith.constant 0 : i32
      %cond3A_109 = arith.cmpi ne, %convert_element_type3A_107, %cond3A_108 : i32
      scf.if %cond3A_109 {
        %sub3A = arith.constant 2 : i32
        %sub3A_134 = arith.subi %add3A_92, %sub3A : i32
        %mul3A_135 = arith.constant 16384 : i32
        %mul3A_136 = arith.muli %sub3A_134, %mul3A_135 : i32
        %add3A_137 = arith.addi %mul3A_2, %mul3A_136 : i32
        %dma_wait3A_138 = arith.constant 1 : i32
        %dma_wait3A_139 = arith.constant 0 : i32
        %dma_wait3A_140 = tpu.memref_slice %arg6[%dma_wait3A_138, %dma_wait3A_139] : memref<2x16384xf32, #tpu.memory_space<vmem>> -> memref<1x16384xf32, #tpu.memory_space<vmem>>
        %dma_wait3A_141 = tpu.memref_squeeze %dma_wait3A_140 : memref<1x16384xf32, #tpu.memory_space<vmem>> -> memref<16384xf32, #tpu.memory_space<vmem>>
        %dma_wait3A_142 = tpu.memref_slice %arg4[%add3A_137] : memref<67108864xf32, #tpu.memory_space<hbm>> -> memref<16384xf32, #tpu.memory_space<hbm>>
        %dma_wait3A_143 = tpu.memref_slice %arg4[%add3A_137] : memref<67108864xf32, #tpu.memory_space<hbm>> -> memref<16384xf32, #tpu.memory_space<hbm>>
        %dma_wait3A_144 = arith.constant 0 : i32
        %dma_wait3A_145 = tpu.memref_slice %arg6[%dma_wait3A_138, %dma_wait3A_144] : memref<2x16384xf32, #tpu.memory_space<vmem>> -> memref<1x16384xf32, #tpu.memory_space<vmem>>
        %dma_wait3A_146 = tpu.memref_squeeze %dma_wait3A_145 : memref<1x16384xf32, #tpu.memory_space<vmem>> -> memref<16384xf32, #tpu.memory_space<vmem>>
        tpu.wait_dma2 semaphore(%arg11 : memref<!tpu.dma_semaphore, #tpu.memory_space<semaphore_mem>>) src(%dma_wait3A_146 : memref<16384xf32, #tpu.memory_space<vmem>>) dst(%dma_wait3A_143 : memref<16384xf32, #tpu.memory_space<hbm>>)
      } else {
      }
      %scan3A_110 = arith.constant 0 : i32
      %scan3A_111 = arith.constant 128 : i32
      %scan3A_112 = arith.addi %scan3A_110, %scan3A_111 : i32
      %scan3A_113 = arith.constant 1 : i32
      scf.for %scan3A_134 = %scan3A_110 to %scan3A_112 step %scan3A_113  : i32 {
        %mul3A_135 = arith.constant 1 : i32
        %mul3A_136 = arith.muli %scan3A_134, %mul3A_135 : i32
        %add3A_137 = arith.constant 0 : i32
        %add3A_138 = arith.addi %add3A_137, %mul3A_136 : i32
        %mul3A_139 = arith.constant 128 : i32
        %mul3A_140 = arith.muli %add3A_138, %mul3A_139 : i32
        %add3A_141 = arith.constant 0 : i32
        %add3A_142 = arith.addi %mul3A_140, %add3A_141 : i32
        %get3A = arith.constant 1 : i32
        %get3A_143 = arith.index_cast %get3A : i32 to index
        %get3A_144 = arith.index_cast %add3A_142 : i32 to index
        %get3A_145 = tpu.vector_load %arg5[%get3A_143, %get3A_144] {strides = array<i32>} : memref<2x16384xf32, #tpu.memory_space<vmem>>, vector<16xf32>,
        %add3A_146 = arith.constant 16 : i32
        %add3A_147 = arith.addi %mul3A_140, %add3A_146 : i32
        %get3A_148 = arith.constant 1 : i32
        %get3A_149 = arith.index_cast %get3A_148 : i32 to index
        %get3A_150 = arith.index_cast %add3A_147 : i32 to index
        %get3A_151 = tpu.vector_load %arg5[%get3A_149, %get3A_150] {strides = array<i32>} : memref<2x16384xf32, #tpu.memory_space<vmem>>, vector<16xf32>,
        %add3A_152 = arith.constant 32 : i32
        %add3A_153 = arith.addi %mul3A_140, %add3A_152 : i32
        %get3A_154 = arith.constant 1 : i32
        %get3A_155 = arith.index_cast %get3A_154 : i32 to index
        %get3A_156 = arith.index_cast %add3A_153 : i32 to index
        %get3A_157 = tpu.vector_load %arg5[%get3A_155, %get3A_156] {strides = array<i32>} : memref<2x16384xf32, #tpu.memory_space<vmem>>, vector<16xf32>,
        %add3A_158 = arith.constant 48 : i32
        %add3A_159 = arith.addi %mul3A_140, %add3A_158 : i32
        %get3A_160 = arith.constant 1 : i32
        %get3A_161 = arith.index_cast %get3A_160 : i32 to index
        %get3A_162 = arith.index_cast %add3A_159 : i32 to index
        %get3A_163 = tpu.vector_load %arg5[%get3A_161, %get3A_162] {strides = array<i32>} : memref<2x16384xf32, #tpu.memory_space<vmem>>, vector<16xf32>,
        %add3A_164 = arith.constant 64 : i32
        %add3A_165 = arith.addi %mul3A_140, %add3A_164 : i32
        %get3A_166 = arith.constant 1 : i32
        %get3A_167 = arith.index_cast %get3A_166 : i32 to index
        %get3A_168 = arith.index_cast %add3A_165 : i32 to index
        %get3A_169 = tpu.vector_load %arg5[%get3A_167, %get3A_168] {strides = array<i32>} : memref<2x16384xf32, #tpu.memory_space<vmem>>, vector<16xf32>,
        %add3A_170 = arith.constant 80 : i32
        %add3A_171 = arith.addi %mul3A_140, %add3A_170 : i32
        %get3A_172 = arith.constant 1 : i32
        %get3A_173 = arith.index_cast %get3A_172 : i32 to index
        %get3A_174 = arith.index_cast %add3A_171 : i32 to index
        %get3A_175 = tpu.vector_load %arg5[%get3A_173, %get3A_174] {strides = array<i32>} : memref<2x16384xf32, #tpu.memory_space<vmem>>, vector<16xf32>,
        %add3A_176 = arith.constant 96 : i32
        %add3A_177 = arith.addi %mul3A_140, %add3A_176 : i32
        %get3A_178 = arith.constant 1 : i32
        %get3A_179 = arith.index_cast %get3A_178 : i32 to index
        %get3A_180 = arith.index_cast %add3A_177 : i32 to index
        %get3A_181 = tpu.vector_load %arg5[%get3A_179, %get3A_180] {strides = array<i32>} : memref<2x16384xf32, #tpu.memory_space<vmem>>, vector<16xf32>,
        %add3A_182 = arith.constant 112 : i32
        %add3A_183 = arith.addi %mul3A_140, %add3A_182 : i32
        %get3A_184 = arith.constant 1 : i32
        %get3A_185 = arith.index_cast %get3A_184 : i32 to index
        %get3A_186 = arith.index_cast %add3A_183 : i32 to index
        %get3A_187 = tpu.vector_load %arg5[%get3A_185, %get3A_186] {strides = array<i32>} : memref<2x16384xf32, #tpu.memory_space<vmem>>, vector<16xf32>,
        %add3A_188 = arith.constant 1.000000e+00 : f32
        %add3A_189 = vector.broadcast %add3A_188 : f32 to vector<16xf32>
        %add3A_190 = arith.addf %get3A_145, %add3A_189 : vector<16xf32>
        %add3A_191 = arith.constant 1.000000e+00 : f32
        %add3A_192 = vector.broadcast %add3A_191 : f32 to vector<16xf32>
        %add3A_193 = arith.addf %get3A_151, %add3A_192 : vector<16xf32>
        %add3A_194 = arith.constant 1.000000e+00 : f32
        %add3A_195 = vector.broadcast %add3A_194 : f32 to vector<16xf32>
        %add3A_196 = arith.addf %get3A_157, %add3A_195 : vector<16xf32>
        %add3A_197 = arith.constant 1.000000e+00 : f32
        %add3A_198 = vector.broadcast %add3A_197 : f32 to vector<16xf32>
        %add3A_199 = arith.addf %get3A_163, %add3A_198 : vector<16xf32>
        %add3A_200 = arith.constant 1.000000e+00 : f32
        %add3A_201 = vector.broadcast %add3A_200 : f32 to vector<16xf32>
        %add3A_202 = arith.addf %get3A_169, %add3A_201 : vector<16xf32>
        %add3A_203 = arith.constant 1.000000e+00 : f32
        %add3A_204 = vector.broadcast %add3A_203 : f32 to vector<16xf32>
        %add3A_205 = arith.addf %get3A_175, %add3A_204 : vector<16xf32>
        %add3A_206 = arith.constant 1.000000e+00 : f32
        %add3A_207 = vector.broadcast %add3A_206 : f32 to vector<16xf32>
        %add3A_208 = arith.addf %get3A_181, %add3A_207 : vector<16xf32>
        %add3A_209 = arith.constant 1.000000e+00 : f32
        %add3A_210 = vector.broadcast %add3A_209 : f32 to vector<16xf32>
        %add3A_211 = arith.addf %get3A_187, %add3A_210 : vector<16xf32>
        %mul3A_212 = arith.constant 1.275000e+02 : f32
        %mul3A_213 = vector.broadcast %mul3A_212 : f32 to vector<16xf32>
        %mul3A_214 = arith.mulf %add3A_190, %mul3A_213 : vector<16xf32>
        %mul3A_215 = arith.constant 1.275000e+02 : f32
        %mul3A_216 = vector.broadcast %mul3A_215 : f32 to vector<16xf32>
        %mul3A_217 = arith.mulf %add3A_193, %mul3A_216 : vector<16xf32>
        %mul3A_218 = arith.constant 1.275000e+02 : f32
        %mul3A_219 = vector.broadcast %mul3A_218 : f32 to vector<16xf32>
        %mul3A_220 = arith.mulf %add3A_196, %mul3A_219 : vector<16xf32>
        %mul3A_221 = arith.constant 1.275000e+02 : f32
        %mul3A_222 = vector.broadcast %mul3A_221 : f32 to vector<16xf32>
        %mul3A_223 = arith.mulf %add3A_199, %mul3A_222 : vector<16xf32>
        %mul3A_224 = arith.constant 1.275000e+02 : f32
        %mul3A_225 = vector.broadcast %mul3A_224 : f32 to vector<16xf32>
        %mul3A_226 = arith.mulf %add3A_202, %mul3A_225 : vector<16xf32>
        %mul3A_227 = arith.constant 1.275000e+02 : f32
        %mul3A_228 = vector.broadcast %mul3A_227 : f32 to vector<16xf32>
        %mul3A_229 = arith.mulf %add3A_205, %mul3A_228 : vector<16xf32>
        %mul3A_230 = arith.constant 1.275000e+02 : f32
        %mul3A_231 = vector.broadcast %mul3A_230 : f32 to vector<16xf32>
        %mul3A_232 = arith.mulf %add3A_208, %mul3A_231 : vector<16xf32>
        %mul3A_233 = arith.constant 1.275000e+02 : f32
        %mul3A_234 = vector.broadcast %mul3A_233 : f32 to vector<16xf32>
        %mul3A_235 = arith.mulf %add3A_211, %mul3A_234 : vector<16xf32>
        %max3A = arith.constant 0.000000e+00 : f32
        %max3A_236 = vector.broadcast %max3A : f32 to vector<16xf32>
        %max3A_237 = arith.maximumf %mul3A_214, %max3A_236 : vector<16xf32>
        %max3A_238 = arith.constant 0.000000e+00 : f32
        %max3A_239 = vector.broadcast %max3A_238 : f32 to vector<16xf32>
        %max3A_240 = arith.maximumf %mul3A_217, %max3A_239 : vector<16xf32>
        %max3A_241 = arith.constant 0.000000e+00 : f32
        %max3A_242 = vector.broadcast %max3A_241 : f32 to vector<16xf32>
        %max3A_243 = arith.maximumf %mul3A_220, %max3A_242 : vector<16xf32>
        %max3A_244 = arith.constant 0.000000e+00 : f32
        %max3A_245 = vector.broadcast %max3A_244 : f32 to vector<16xf32>
        %max3A_246 = arith.maximumf %mul3A_223, %max3A_245 : vector<16xf32>
        %max3A_247 = arith.constant 0.000000e+00 : f32
        %max3A_248 = vector.broadcast %max3A_247 : f32 to vector<16xf32>
        %max3A_249 = arith.maximumf %mul3A_226, %max3A_248 : vector<16xf32>
        %max3A_250 = arith.constant 0.000000e+00 : f32
        %max3A_251 = vector.broadcast %max3A_250 : f32 to vector<16xf32>
        %max3A_252 = arith.maximumf %mul3A_229, %max3A_251 : vector<16xf32>
        %max3A_253 = arith.constant 0.000000e+00 : f32
        %max3A_254 = vector.broadcast %max3A_253 : f32 to vector<16xf32>
        %max3A_255 = arith.maximumf %mul3A_232, %max3A_254 : vector<16xf32>
        %max3A_256 = arith.constant 0.000000e+00 : f32
        %max3A_257 = vector.broadcast %max3A_256 : f32 to vector<16xf32>
        %max3A_258 = arith.maximumf %mul3A_235, %max3A_257 : vector<16xf32>
        %min3A = arith.constant 2.550000e+02 : f32
        %min3A_259 = vector.broadcast %min3A : f32 to vector<16xf32>
        %min3A_260 = arith.minimumf %max3A_237, %min3A_259 : vector<16xf32>
        %min3A_261 = arith.constant 2.550000e+02 : f32
        %min3A_262 = vector.broadcast %min3A_261 : f32 to vector<16xf32>
        %min3A_263 = arith.minimumf %max3A_240, %min3A_262 : vector<16xf32>
        %min3A_264 = arith.constant 2.550000e+02 : f32
        %min3A_265 = vector.broadcast %min3A_264 : f32 to vector<16xf32>
        %min3A_266 = arith.minimumf %max3A_243, %min3A_265 : vector<16xf32>
        %min3A_267 = arith.constant 2.550000e+02 : f32
        %min3A_268 = vector.broadcast %min3A_267 : f32 to vector<16xf32>
        %min3A_269 = arith.minimumf %max3A_246, %min3A_268 : vector<16xf32>
        %min3A_270 = arith.constant 2.550000e+02 : f32
        %min3A_271 = vector.broadcast %min3A_270 : f32 to vector<16xf32>
        %min3A_272 = arith.minimumf %max3A_249, %min3A_271 : vector<16xf32>
        %min3A_273 = arith.constant 2.550000e+02 : f32
        %min3A_274 = vector.broadcast %min3A_273 : f32 to vector<16xf32>
        %min3A_275 = arith.minimumf %max3A_252, %min3A_274 : vector<16xf32>
        %min3A_276 = arith.constant 2.550000e+02 : f32
        %min3A_277 = vector.broadcast %min3A_276 : f32 to vector<16xf32>
        %min3A_278 = arith.minimumf %max3A_255, %min3A_277 : vector<16xf32>
        %min3A_279 = arith.constant 2.550000e+02 : f32
        %min3A_280 = vector.broadcast %min3A_279 : f32 to vector<16xf32>
        %min3A_281 = arith.minimumf %max3A_258, %min3A_280 : vector<16xf32>
        %convert_element_type3A_282 = arith.fptosi %min3A_260 : vector<16xf32> to vector<16xi32>
        %convert_element_type3A_283 = arith.fptosi %min3A_263 : vector<16xf32> to vector<16xi32>
        %convert_element_type3A_284 = arith.fptosi %min3A_266 : vector<16xf32> to vector<16xi32>
        %convert_element_type3A_285 = arith.fptosi %min3A_269 : vector<16xf32> to vector<16xi32>
        %convert_element_type3A_286 = arith.fptosi %min3A_272 : vector<16xf32> to vector<16xi32>
        %convert_element_type3A_287 = arith.fptosi %min3A_275 : vector<16xf32> to vector<16xi32>
        %convert_element_type3A_288 = arith.fptosi %min3A_278 : vector<16xf32> to vector<16xi32>
        %convert_element_type3A_289 = arith.fptosi %min3A_281 : vector<16xf32> to vector<16xi32>
        %gather3A = tpu.vector_load_idx %arg7[%convert_element_type3A_282] : memref<256xf32, #tpu.memory_space<vmem>>[vector<16xi32>], vector<16xf32>,
        %gather3A_290 = tpu.vector_load_idx %arg7[%convert_element_type3A_283] : memref<256xf32, #tpu.memory_space<vmem>>[vector<16xi32>], vector<16xf32>,
        %gather3A_291 = tpu.vector_load_idx %arg7[%convert_element_type3A_284] : memref<256xf32, #tpu.memory_space<vmem>>[vector<16xi32>], vector<16xf32>,
        %gather3A_292 = tpu.vector_load_idx %arg7[%convert_element_type3A_285] : memref<256xf32, #tpu.memory_space<vmem>>[vector<16xi32>], vector<16xf32>,
        %gather3A_293 = tpu.vector_load_idx %arg7[%convert_element_type3A_286] : memref<256xf32, #tpu.memory_space<vmem>>[vector<16xi32>], vector<16xf32>,
        %gather3A_294 = tpu.vector_load_idx %arg7[%convert_element_type3A_287] : memref<256xf32, #tpu.memory_space<vmem>>[vector<16xi32>], vector<16xf32>,
        %gather3A_295 = tpu.vector_load_idx %arg7[%convert_element_type3A_288] : memref<256xf32, #tpu.memory_space<vmem>>[vector<16xi32>], vector<16xf32>,
        %gather3A_296 = tpu.vector_load_idx %arg7[%convert_element_type3A_289] : memref<256xf32, #tpu.memory_space<vmem>>[vector<16xi32>], vector<16xf32>,
        %add3A_297 = arith.constant 0 : i32
        %add3A_298 = arith.addi %mul3A_140, %add3A_297 : i32
        %swap3A = arith.constant 1 : i32
        %swap3A_299 = arith.index_cast %swap3A : i32 to index
        %swap3A_300 = arith.index_cast %add3A_298 : i32 to index
        %swap3A_301 = tpu.vector_load %arg6[%swap3A_299, %swap3A_300] {strides = array<i32>} : memref<2x16384xf32, #tpu.memory_space<vmem>>, vector<16xf32>,
        tpu.vector_store %arg6[%swap3A_299, %swap3A_300], %gather3A {strides = array<i32>} : memref<2x16384xf32, #tpu.memory_space<vmem>>, vector<16xf32>,
        %add3A_302 = arith.constant 16 : i32
        %add3A_303 = arith.addi %mul3A_140, %add3A_302 : i32
        %swap3A_304 = arith.constant 1 : i32
        %swap3A_305 = arith.index_cast %swap3A_304 : i32 to index
        %swap3A_306 = arith.index_cast %add3A_303 : i32 to index
        %swap3A_307 = tpu.vector_load %arg6[%swap3A_305, %swap3A_306] {strides = array<i32>} : memref<2x16384xf32, #tpu.memory_space<vmem>>, vector<16xf32>,
        tpu.vector_store %arg6[%swap3A_305, %swap3A_306], %gather3A_290 {strides = array<i32>} : memref<2x16384xf32, #tpu.memory_space<vmem>>, vector<16xf32>,
        %add3A_308 = arith.constant 32 : i32
        %add3A_309 = arith.addi %mul3A_140, %add3A_308 : i32
        %swap3A_310 = arith.constant 1 : i32
        %swap3A_311 = arith.index_cast %swap3A_310 : i32 to index
        %swap3A_312 = arith.index_cast %add3A_309 : i32 to index
        %swap3A_313 = tpu.vector_load %arg6[%swap3A_311, %swap3A_312] {strides = array<i32>} : memref<2x16384xf32, #tpu.memory_space<vmem>>, vector<16xf32>,
        tpu.vector_store %arg6[%swap3A_311, %swap3A_312], %gather3A_291 {strides = array<i32>} : memref<2x16384xf32, #tpu.memory_space<vmem>>, vector<16xf32>,
        %add3A_314 = arith.constant 48 : i32
        %add3A_315 = arith.addi %mul3A_140, %add3A_314 : i32
        %swap3A_316 = arith.constant 1 : i32
        %swap3A_317 = arith.index_cast %swap3A_316 : i32 to index
        %swap3A_318 = arith.index_cast %add3A_315 : i32 to index
        %swap3A_319 = tpu.vector_load %arg6[%swap3A_317, %swap3A_318] {strides = array<i32>} : memref<2x16384xf32, #tpu.memory_space<vmem>>, vector<16xf32>,
        tpu.vector_store %arg6[%swap3A_317, %swap3A_318], %gather3A_292 {strides = array<i32>} : memref<2x16384xf32, #tpu.memory_space<vmem>>, vector<16xf32>,
        %add3A_320 = arith.constant 64 : i32
        %add3A_321 = arith.addi %mul3A_140, %add3A_320 : i32
        %swap3A_322 = arith.constant 1 : i32
        %swap3A_323 = arith.index_cast %swap3A_322 : i32 to index
        %swap3A_324 = arith.index_cast %add3A_321 : i32 to index
        %swap3A_325 = tpu.vector_load %arg6[%swap3A_323, %swap3A_324] {strides = array<i32>} : memref<2x16384xf32, #tpu.memory_space<vmem>>, vector<16xf32>,
        tpu.vector_store %arg6[%swap3A_323, %swap3A_324], %gather3A_293 {strides = array<i32>} : memref<2x16384xf32, #tpu.memory_space<vmem>>, vector<16xf32>,
        %add3A_326 = arith.constant 80 : i32
        %add3A_327 = arith.addi %mul3A_140, %add3A_326 : i32
        %swap3A_328 = arith.constant 1 : i32
        %swap3A_329 = arith.index_cast %swap3A_328 : i32 to index
        %swap3A_330 = arith.index_cast %add3A_327 : i32 to index
        %swap3A_331 = tpu.vector_load %arg6[%swap3A_329, %swap3A_330] {strides = array<i32>} : memref<2x16384xf32, #tpu.memory_space<vmem>>, vector<16xf32>,
        tpu.vector_store %arg6[%swap3A_329, %swap3A_330], %gather3A_294 {strides = array<i32>} : memref<2x16384xf32, #tpu.memory_space<vmem>>, vector<16xf32>,
        %add3A_332 = arith.constant 96 : i32
        %add3A_333 = arith.addi %mul3A_140, %add3A_332 : i32
        %swap3A_334 = arith.constant 1 : i32
        %swap3A_335 = arith.index_cast %swap3A_334 : i32 to index
        %swap3A_336 = arith.index_cast %add3A_333 : i32 to index
        %swap3A_337 = tpu.vector_load %arg6[%swap3A_335, %swap3A_336] {strides = array<i32>} : memref<2x16384xf32, #tpu.memory_space<vmem>>, vector<16xf32>,
        tpu.vector_store %arg6[%swap3A_335, %swap3A_336], %gather3A_295 {strides = array<i32>} : memref<2x16384xf32, #tpu.memory_space<vmem>>, vector<16xf32>,
        %add3A_338 = arith.constant 112 : i32
        %add3A_339 = arith.addi %mul3A_140, %add3A_338 : i32
        %swap3A_340 = arith.constant 1 : i32
        %swap3A_341 = arith.index_cast %swap3A_340 : i32 to index
        %swap3A_342 = arith.index_cast %add3A_339 : i32 to index
        %swap3A_343 = tpu.vector_load %arg6[%swap3A_341, %swap3A_342] {strides = array<i32>} : memref<2x16384xf32, #tpu.memory_space<vmem>>, vector<16xf32>,
        tpu.vector_store %arg6[%swap3A_341, %swap3A_342], %gather3A_296 {strides = array<i32>} : memref<2x16384xf32, #tpu.memory_space<vmem>>, vector<16xf32>,
      }
      %scan3A_114 = arith.constant 128 : i32
      %mul3A_115 = arith.constant 16384 : i32
      %mul3A_116 = arith.muli %add3A_92, %mul3A_115 : i32
      %add3A_117 = arith.addi %mul3A_2, %mul3A_116 : i32
      %dma_start3A_118 = arith.constant 1 : i32
      %dma_start3A_119 = arith.constant 0 : i32
      %dma_start3A_120 = tpu.memref_slice %arg6[%dma_start3A_118, %dma_start3A_119] : memref<2x16384xf32, #tpu.memory_space<vmem>> -> memref<1x16384xf32, #tpu.memory_space<vmem>>
      %dma_start3A_121 = tpu.memref_squeeze %dma_start3A_120 : memref<1x16384xf32, #tpu.memory_space<vmem>> -> memref<16384xf32, #tpu.memory_space<vmem>>
      %dma_start3A_122 = tpu.memref_slice %arg4[%add3A_117] : memref<67108864xf32, #tpu.memory_space<hbm>> -> memref<16384xf32, #tpu.memory_space<hbm>>
      %dma_start3A_123 = tpu.memref_slice %arg4[%add3A_117] : memref<67108864xf32, #tpu.memory_space<hbm>> -> memref<16384xf32, #tpu.memory_space<hbm>>
      %dma_start3A_124 = arith.constant 0 : i32
      %dma_start3A_125 = tpu.memref_slice %arg6[%dma_start3A_118, %dma_start3A_124] : memref<2x16384xf32, #tpu.memory_space<vmem>> -> memref<1x16384xf32, #tpu.memory_space<vmem>>
      %dma_start3A_126 = tpu.memref_squeeze %dma_start3A_125 : memref<1x16384xf32, #tpu.memory_space<vmem>> -> memref<16384xf32, #tpu.memory_space<vmem>>
      tpu.enqueue_dma source(%dma_start3A_126 : memref<16384xf32, #tpu.memory_space<vmem>>) target(%dma_start3A_123 : memref<16384xf32, #tpu.memory_space<hbm>>) target_semaphore(%arg11 : memref<!tpu.dma_semaphore, #tpu.memory_space<semaphore_mem>>)
      %add3A_127 = arith.constant 2 : i32
      %add3A_128 = arith.addi %add3A_92, %add3A_127 : i32
      %lt3A_129 = arith.constant 128 : i32
      %lt3A_130 = arith.cmpi slt, %add3A_128, %lt3A_129 : i32
      %convert_element_type3A_131 = arith.extui %lt3A_130 : i1 to i32
      %cond3A_132 = arith.constant 0 : i32
      %cond3A_133 = arith.cmpi ne, %convert_element_type3A_131, %cond3A_132 : i32
      scf.if %cond3A_133 {
        %add3A_134 = arith.constant 2 : i32
        %add3A_135 = arith.addi %add3A_92, %add3A_134 : i32
        %mul3A_136 = arith.constant 16384 : i32
        %mul3A_137 = arith.muli %add3A_135, %mul3A_136 : i32
        %add3A_138 = arith.addi %mul3A_2, %mul3A_137 : i32
        %dma_start3A_139 = arith.constant 1 : i32
        %dma_start3A_140 = arith.constant 0 : i32
        %dma_start3A_141 = tpu.memref_slice %arg5[%dma_start3A_139, %dma_start3A_140] : memref<2x16384xf32, #tpu.memory_space<vmem>> -> memref<1x16384xf32, #tpu.memory_space<vmem>>
        %dma_start3A_142 = tpu.memref_squeeze %dma_start3A_141 : memref<1x16384xf32, #tpu.memory_space<vmem>> -> memref<16384xf32, #tpu.memory_space<vmem>>
        %dma_start3A_143 = tpu.memref_slice %arg2[%add3A_138] : memref<67108864xf32, #tpu.memory_space<hbm>> -> memref<16384xf32, #tpu.memory_space<hbm>>
        %dma_start3A_144 = arith.constant 0 : i32
        %dma_start3A_145 = tpu.memref_slice %arg5[%dma_start3A_139, %dma_start3A_144] : memref<2x16384xf32, #tpu.memory_space<vmem>> -> memref<1x16384xf32, #tpu.memory_space<vmem>>
        %dma_start3A_146 = tpu.memref_squeeze %dma_start3A_145 : memref<1x16384xf32, #tpu.memory_space<vmem>> -> memref<16384xf32, #tpu.memory_space<vmem>>
        %dma_start3A_147 = tpu.memref_slice %arg2[%add3A_138] : memref<67108864xf32, #tpu.memory_space<hbm>> -> memref<16384xf32, #tpu.memory_space<hbm>>
        tpu.enqueue_dma source(%dma_start3A_147 : memref<16384xf32, #tpu.memory_space<hbm>>) target(%dma_start3A_146 : memref<16384xf32, #tpu.memory_space<vmem>>) target_semaphore(%arg9 : memref<!tpu.dma_semaphore, #tpu.memory_space<semaphore_mem>>)
      } else {
      }
    }
    %scan3A_25 = arith.constant 64 : i32
    %add3A_26 = arith.constant 2064384 : i32
    %add3A_27 = arith.addi %mul3A_2, %add3A_26 : i32
    %dma_wait3A = arith.constant 0 : i32
    %dma_wait3A_28 = arith.constant 0 : i32
    %dma_wait3A_29 = tpu.memref_slice %arg6[%dma_wait3A, %dma_wait3A_28] : memref<2x16384xf32, #tpu.memory_space<vmem>> -> memref<1x16384xf32, #tpu.memory_space<vmem>>
    %dma_wait3A_30 = tpu.memref_squeeze %dma_wait3A_29 : memref<1x16384xf32, #tpu.memory_space<vmem>> -> memref<16384xf32, #tpu.memory_space<vmem>>
    %dma_wait3A_31 = tpu.memref_slice %arg4[%add3A_27] : memref<67108864xf32, #tpu.memory_space<hbm>> -> memref<16384xf32, #tpu.memory_space<hbm>>
    %dma_wait3A_32 = tpu.memref_slice %arg4[%add3A_27] : memref<67108864xf32, #tpu.memory_space<hbm>> -> memref<16384xf32, #tpu.memory_space<hbm>>
    %dma_wait3A_33 = arith.constant 0 : i32
    %dma_wait3A_34 = tpu.memref_slice %arg6[%dma_wait3A, %dma_wait3A_33] : memref<2x16384xf32, #tpu.memory_space<vmem>> -> memref<1x16384xf32, #tpu.memory_space<vmem>>
    %dma_wait3A_35 = tpu.memref_squeeze %dma_wait3A_34 : memref<1x16384xf32, #tpu.memory_space<vmem>> -> memref<16384xf32, #tpu.memory_space<vmem>>
    tpu.wait_dma2 semaphore(%arg10 : memref<!tpu.dma_semaphore, #tpu.memory_space<semaphore_mem>>) src(%dma_wait3A_35 : memref<16384xf32, #tpu.memory_space<vmem>>) dst(%dma_wait3A_32 : memref<16384xf32, #tpu.memory_space<hbm>>)
    %add3A_36 = arith.constant 2080768 : i32
    %add3A_37 = arith.addi %mul3A_2, %add3A_36 : i32
    %dma_wait3A_38 = arith.constant 1 : i32
    %dma_wait3A_39 = arith.constant 0 : i32
    %dma_wait3A_40 = tpu.memref_slice %arg6[%dma_wait3A_38, %dma_wait3A_39] : memref<2x16384xf32, #tpu.memory_space<vmem>> -> memref<1x16384xf32, #tpu.memory_space<vmem>>
    %dma_wait3A_41 = tpu.memref_squeeze %dma_wait3A_40 : memref<1x16384xf32, #tpu.memory_space<vmem>> -> memref<16384xf32, #tpu.memory_space<vmem>>
    %dma_wait3A_42 = tpu.memref_slice %arg4[%add3A_37] : memref<67108864xf32, #tpu.memory_space<hbm>> -> memref<16384xf32, #tpu.memory_space<hbm>>
    %dma_wait3A_43 = tpu.memref_slice %arg4[%add3A_37] : memref<67108864xf32, #tpu.memory_space<hbm>> -> memref<16384xf32, #tpu.memory_space<hbm>>
    %dma_wait3A_44 = arith.constant 0 : i32
    %dma_wait3A_45 = tpu.memref_slice %arg6[%dma_wait3A_38, %dma_wait3A_44] : memref<2x16384xf32, #tpu.memory_space<vmem>> -> memref<1x16384xf32, #tpu.memory_space<vmem>>
    %dma_wait3A_46 = tpu.memref_squeeze %dma_wait3A_45 : memref<1x16384xf32, #tpu.memory_space<vmem>> -> memref<16384xf32, #tpu.memory_space<vmem>>
    tpu.wait_dma2 semaphore(%arg11 : memref<!tpu.dma_semaphore, #tpu.memory_space<semaphore_mem>>) src(%dma_wait3A_46 : memref<16384xf32, #tpu.memory_space<vmem>>) dst(%dma_wait3A_43 : memref<16384xf32, #tpu.memory_space<hbm>>)
    return
  }
}

</mosaic_0001>

<sc_bundles>
// kernel: kernel.4.cloned.1.call-start
scs
__scs_entry_jumppad:
0x0: {  	(pc) =	sbr.rel $0x88, $3  }
0x1: {  	(tag) =	ssettag $0x0;
	lr =	simm.s32 $0x1  }
0x2: {  	[smem:$0x3FA0] =	sst lr;
	_ =	strace $0xD0000000  }
0x3: {  	_ = 	snop  }
0x4: {  	_ = 	snop  }
0x5: {  	_ = 	snop  }
0x6: {  	_ = 	snop  }
0x7: {  	_ = 	snop  }
__scs_overlays_trampoline_lowered:
0x8: {  	[smem:$0x3FAF] =	sst s0  }
0x9: {  	[smem:$0x3FB0] =	sst s1  }
0xa: {  	[smem:$0x3FB1] =	sst s2  }
0xb: {  	[smem:$0x3FB2] =	sst s3  }
0xc: {  	[smem:$0x3FB3] =	sst s4  }
0xd: {  	[smem:$0x3FB4] =	sst s5  }
0xe: {  	[smem:$0x3FB5] =	sst s6  }
0xf: {  	[smem:$0x3FB6] =	sst s7  }
0x10: {  	[smem:$0x3FB7] =	sst s8  }
0x11: {  	[smem:$0x3FB8] =	sst s9;
	s0 =	simm.s32 @!p0 $0x0  }
0x12: {  	s1 =	sld [smem:$0x3F9E];
	s0 =	simm.s32 @p0 $0x1  }
0x13: {  	[smem:$0x3FB9] =	sst s0;
	s0 =	simm.s32 @!p1 $0x0  }
0x14: {  	s2 =	sld [smem:$0x3F9D];
	s0 =	simm.s32 @p1 $0x1  }
0x15: {  	[smem:$0x3FBA] =	sst s0;
	s0 =	simm.s32 @!p2 $0x0  }
0x16: {  	s3 =	sld [smem:$0x3FDB];
	s0 =	simm.s32 @p2 $0x1  }
0x17: {  	s4 =	simm.s32 $0x1BF5;
	[smem:$0x3FBC] =	sst s0  }
0x18: {  	s0 =	sld [smem:$0x3F9F];
	_ =	swait.ge [sflag:s4], $0x0  }
0x19: {  	s7 =	sld [smem:$0x3FA0]  }
0x1a: {  	s8 =	sadd.s32 $0xFFFFE003, lr  }
0x1b: {  	s9 =	sadd.s32 $0xFFFFFEF7, lr;
	s5 =	simm.s32 $0xFFFFFFFF;
	p2 =	slt.u32 s8, $0xFFFFF086  }
0x1c: {  	p1 =	slt.u32 s9, $0xF7A;
	s5 =	simm.s32 @!p2 $0x0  }
0x1d: {  	s5 =	simm.s32 @p1 $0x1;
	p0 =	seq.s32 s7, s2  }
0x1e: {  	s7 =	smul.u32 @!p0 $0xF7A, s2;
	p2 =	seq.s32 @!p0 s5, $0x0  }
0x1f: {  	s9 =	smul.u32 $0xF7A, s1;
	s8 =	simm.s32 @!p0 $0x1BF5;
	p2 =	por !p2, p0  }
0x20: {  	[sflag:s8] =	ssyncset.s32 @!p0 $0xFFFFF086;
	s6 =	sadd.s32 @!p0 s3, s7;
	s7 =	simm.s32 @!p0 $0x108  }
0x21: {  	s3 =	sadd.s32 s3, s9;
	s6 =	sadd.s32 @!p0 $0x88, s6;
	s7 =	simm.s32 @p2 $0x1082  }
0x22: {  	[simem:s7], [sflag:s8] =	dma.local @!p0 [hbm:s6], $0xF7A  }
0x23: {  	s9 =	sor.u32 $0xD0000000, s2;
	s6 =	simm.s32 $0x108;
	_ =	swait.ge @!p0 [sflag:s8], $0x0  }
0x24: {  	s3 =	sadd.s32 $0x88, s3;
	s6 =	simm.s32 @!p1 $0x1082;
	[sflag:s4] =	ssyncset.s32 $0xFFFFF086  }
0x25: {  	[simem:s6], [sflag:s4] =	dma.local [hbm:s3], $0xF7A  }
0x26: {  	[smem:$0x3FA0] =	sst s1;
	(tag) =	ssettag s2;
	_ =	strace s9  }
0x27: {  	s1 =	sld [smem:$0x3FB0]  }
0x28: {  	s2 =	sld [smem:$0x3FB1]  }
0x29: {  	s4 =	sld [smem:$0x3FB3]  }
0x2a: {  	p0 =	seq.s32 s5, $0x0;
	s5 =	sld [smem:$0x3FB4]  }
0x2b: {  	s6 =	sld [smem:$0x3FB5]  }
0x2c: {  	s7 =	sld [smem:$0x3FB6]  }
0x2d: {  	s3 =	simm.s32 $0x108;
	s8 =	sld [smem:$0x3FB7]  }
0x2e: {  	s3 =	simm.s32 @!p0 $0x1082;
	s9 =	sld [smem:$0x3FB8]  }
0x2f: {  	lr =	sadd.s32 s0, s3;
	s0 =	sld [smem:$0x3FAF]  }
0x30: {  	s3 =	sld [smem:$0x3FB2]  }
0x31: {  	[smem:$0x3FBB] =	sst s10  }
0x32: {  	s10 =	sld [smem:$0x3FB9];
	_ =	sdelay $0x3  }
0x33: {  	p0 =	seq.s32 s10, $0x1;
	s10 =	sld [smem:$0x3FBB];
	_ =	sdelay $0x3  }
0x34: {  	[smem:$0x3FBB] =	sst s10  }
0x35: {  	s10 =	sld [smem:$0x3FBA];
	_ =	sdelay $0x3  }
0x36: {  	p1 =	seq.s32 s10, $0x1;
	s10 =	sld [smem:$0x3FBB];
	_ =	sdelay $0x3  }
0x37: {  	[smem:$0x3FBB] =	sst s10  }
0x38: {  	s10 =	sld [smem:$0x3FBC]  }
0x39: {  	_ = 	snop;
	(pc) =	sbr.ind lr, $3  }
0x3a: {  	_ = 	snop  }
0x3b: {  	_ = 	snop  }
0x3c: {  	p2 =	seq.s32 s10, $0x1;
	s10 =	sld [smem:$0x3FBB]  }
0x3d: {  	_ =	shalt  }
0x3e: {  	_ =	shalt  }
0x3f: {  	_ =	shalt  }
0x40: {  	_ =	shalt  }
0x41: {  	_ =	shalt  }
0x42: {  	_ =	shalt  }
0x43: {  	_ =	shalt  }
0x44: {  	_ =	shalt  }
0x45: {  	_ =	shalt  }
0x46: {  	_ =	shalt  }
0x47: {  	_ =	shalt  }
0x48: {  	_ =	shalt  }
0x49: {  	_ =	shalt  }
0x4a: {  	_ =	shalt  }
0x4b: {  	_ =	shalt  }
0x4c: {  	_ =	shalt  }
0x4d: {  	_ =	shalt  }
0x4e: {  	_ =	shalt  }
0x4f: {  	_ =	shalt  }
0x50: {  	_ =	shalt  }
0x51: {  	_ =	shalt  }
0x52: {  	_ =	shalt  }
0x53: {  	_ =	shalt  }
0x54: {  	_ =	shalt  }
0x55: {  	_ =	shalt  }
0x56: {  	_ =	shalt  }
0x57: {  	_ =	shalt  }
0x58: {  	_ =	shalt  }
0x59: {  	_ =	shalt  }
0x5a: {  	_ =	shalt  }
0x5b: {  	_ =	shalt  }
0x5c: {  	_ =	shalt  }
0x5d: {  	_ =	shalt  }
0x5e: {  	_ =	shalt  }
0x5f: {  	_ =	shalt  }
0x60: {  	_ =	shalt  }
0x61: {  	_ =	shalt  }
0x62: {  	_ =	shalt  }
0x63: {  	_ =	shalt  }
0x64: {  	_ =	shalt  }
0x65: {  	_ =	shalt  }
0x66: {  	_ =	shalt  }
0x67: {  	_ =	shalt  }
0x68: {  	_ =	shalt  }
0x69: {  	_ =	shalt  }
0x6a: {  	_ =	shalt  }
0x6b: {  	_ =	shalt  }
0x6c: {  	_ =	shalt  }
0x6d: {  	_ =	shalt  }
0x6e: {  	_ =	shalt  }
0x6f: {  	_ =	shalt  }
0x70: {  	_ =	shalt  }
0x71: {  	_ =	shalt  }
0x72: {  	_ =	shalt  }
0x73: {  	_ =	shalt  }
0x74: {  	_ =	shalt  }
0x75: {  	_ =	shalt  }
0x76: {  	_ =	shalt  }
0x77: {  	_ =	shalt  }
0x78: {  	_ =	shalt  }
0x79: {  	_ =	shalt  }
0x7a: {  	_ =	shalt  }
0x7b: {  	_ =	shalt  }
0x7c: {  	_ =	shalt  }
0x7d: {  	_ =	shalt  }
0x7e: {  	_ =	shalt  }
0x7f: {  	_ =	shalt  }
0x80: {  	_ =	shalt  }
0x81: {  	_ =	shalt  }
0x82: {  	_ =	shalt  }
0x83: {  	_ =	shalt  }
0x84: {  	_ =	shalt  }
0x85: {  	_ =	shalt  }
0x86: {  	_ =	shalt  }
0x87: {  	_ =	shalt  }
.Lfunc_end0:
.L_simem_size_0:
called_computation.1_lowered:
.L_overlay_start_0:
0x88: {  	s2 =	sld [smem:$0x3FD9]  }
0x89: {  	s3 =	sld [smem:$0x3FFE];
	_ =	sdelay $0x1  }
0x8a: {  	s1 =	srdreg.scid  }
0x8b: {  	s0 =	sand.u32 $0x1, s1  }
0x8c: {  	s17 =	sshll.u32 s0, $0xA;
	s2 =	sadd.s32 s3, s2  }
0x8d: {  	s2 =	sadd.s32 s2, s17  }
0x8e: {  	[smem:$0x3FC7] =	sst s2  }
0x8f: {  	_ = 	snop  }
0x90: {  	s2 =	sld [smem:$0x3FD0];
	(tm) =	ssettm $0x1  }
0x91: {  	s18 =	sld [smem:$0x3FFB];
	_ =	sdelay $0x3  }
0x92: {  	_ =	strace s18  }
0x93: {  	s3 =	sld [smem:$0x3FFC];
	_ =	sdelay $0x3  }
0x94: {  	_ =	strace s3  }
0x95: {  	s3 =	sld [smem:$0x3FFD];
	_ =	sdelay $0x3  }
0x96: {  	_ =	strace s3  }
0x97: {  	_ =	strace $0x8FFFFFFF  }
0x98: {  	s19 =	sld [smem:$0x3FDB];
	_ =	sdelay $0x1  }
0x99: {  	s4 =	simm.s32 $_scs_section_size  }
0x9a: {  	s5 =	simm.s32 $_size__tile_overlayer_lowered;
	s6 =	simm.s32 $_tile_overlayer_lowered  }
0x9b: {  	s22 =	simm.s32 $0x1BFF;
	s21 =	sshll.u32 s6, $0x1;
	s3 =	sadd.s32 s4, s19  }
0x9c: {  	s7 =	simm.s32 $0x0;
	s20 =	sshll.u32 s5, $0x1;
	s5 =	sadd.s32 s21, s3  }
0x9d: {  	[timem:s7], [sflag:s22] =	dma.local [hbm:s5], s20  }
0x9e: {  	_ =	swait.ge [sflag:s22], s20  }
0x9f: {  	s4 =	ssub.s32 $0x0, s20;
	[sflag:s22] =	ssyncset.done $0x0  }
0xa0: {  	[sflag:s22] =	ssyncadd.s32 s4;
	_ =	sdelay $0x1  }
0xa1: {  	s23 =	simm.s32 $0x1B8B  }
0xa2: {  	_ =	swait.ge [sflag:s23], $0x1  }
0xa3: {  	[sflag:s23] =	ssyncset.done $0x0  }
0xa4: {  	s25 =	simm.s32 $0x1B8E;
	s24 =	sld [smem:$0x3FFE];
	[sflag:s23] =	ssyncadd.s32 $0xFFFFFFFF  }
0xa5: {  	s26 =	simm.s32 $execute0_lowered;
	[smem:$0x3FD2] =	sst s25  }
0xa6: {  	s5 =	sshll.u32 s26, $0x1;
	_ =	strace $0x80000049;
	[dreg:$0x1] =	wrdreg $0xFFFFFFFF  }
0xa7: {  	s28 =	simm.s32 $_size_execute0_lowered;
	s3 =	sadd.s32 s3, s5;
	[dreg:$0x0] =	wrdreg $0x0  }
0xa8: {  	s5 =	sshll.u32 s28, $0x1;
	[dreg:$0x2] =	wrdreg s3  }
0xa9: {  	[dreg:$0x3] =	wrdreg s5  }
0xaa: {  	[dreg:$0x4] =	wrdreg $0xC0  }
0xab: {  	_ =	task [dreg:s7], $0x5FFFF  }
0xac: {  	[dreg:$0x1] =	wrdreg $0xFFFFFFFF  }
0xad: {  	[dreg:$0x0] =	wrdreg $0x60  }
0xae: {  	[dreg:$0x2] =	wrdreg s2  }
0xaf: {  	[dreg:$0x3] =	wrdreg s24  }
0xb0: {  	[dreg:$0x4] =	wrdreg $0x9  }
0xb1: {  	_ =	task.clear_ibuf [dreg:s7], $0x5FFFF;
	_ =	strace $0x90000049  }
0xb2: {  	s29 =	simm.s32 $0x9;
	_ =	strace $0x8000004B  }
0xb3: {  	_ =	swait.ge [sflag:s29], $0x1  }
0xb4: {  	[sflag:s29] =	ssyncadd.s32 $0xFFFFFFFF  }
0xb5: {  	_ =	strace $0x9000004B  }
0xb6: {  	_ =	sfence  }
0xb7: {  	s30 =	sld [smem:$0x0];
	_ =	sdelay $0x2  }
0xb8: {  	s31 =	sshll.u32 s1, $0xD;
	s1 =	sshrl.u32 s1, $0x2  }
0xb9: {  	s3 =	sand.u32 $0x4000, s31;
	s1 =	sadd.s32 s1, s30  }
0xba: {  	s0 =	sor.u32 s3, s0;
	s1 =	sshll.u32 s1, $0x11  }
0xbb: {  	s0 =	sor.u32 s1, s0  }
0xbc: {  	s0 =	sadd.s32 $0x8F2B, s0  }
0xbd: {  	[sflag:s0] =	ssyncadd.remote.s32 $0x1  }
0xbe: {  	_ =	sfence.sel $0xFFFF  }
0xbf: {  	[dreg:$0x0] =	wrdreg $0xFFFFFFFF;
	(pc) =	sbr.abs _section_cstart, $3  }
0xc0: {  	[dreg:$0x1] =	wrdreg $0xFFFFFFFF  }
0xc1: {  	_ =	task.clear_ibuf [dreg:s7], $0x2FFFF;
	_ =	strace $0x9FFFFFFF  }
0xc2: {  	(tm) =	ssettm $0x7FFFFFFF  }
0xc3: {  	_ =	shalt  }
tec
execute0_lowered:
.L_overlay_start_1:
0x0: {  	(tag) =	ssettag $0x1  }
0x1: {  	s2 =	rddreg [dreg:$0x0]  }
0x2: {  	s1 =	srdreg.scid;
	s0 =	stileid.u32  }
0x3: {  	s8 =	rddreg [dreg:$0x1];
	s3 =	simm.s32 $0x0;
	s11 =	simm.s32 $0x8000  }
0x4: {  	s12 =	simm.s32 $0x9000;
	s13 =	simm.s32 $0xA000;
	s14 =	simm.s32 $0xB000  }
0x5: {  	s15 =	simm.s32 $0xC000;
	s16 =	simm.s32 $0xD000;
	s17 =	simm.s32 $0xE000  }
0x6: {  	s18 =	simm.s32 $0xF000;
	s19 =	simm.s32 $0x2;
	s20 =	simm.s32 $0x10000  }
0x7: {  	s21 =	simm.s32 $0x3;
	s4 =	sand.u32 $0x1, s1;
	s1 =	rddreg [dreg:$0x2]  }
0x8: {  	s22 =	simm.s32 $0x0;
	s5 =	sshll.u32 s0, $0x1;
	[smem:$0x7FF] =	sst s3  }
0x9: {  	s9 =	sor.u32 s4, s5;
	s30 =	ssub.s32 $0x2, s4;
	_ =	strace $0x8000004A  }
0xa: {  	s31 =	sshll.u32 s9, $0x12;
	s6 =	sshrl.u32 s30, $0x1;
	s7 =	sshll.u32 s9, $0x15  }
0xb: {  	s9 =	sshll.u32 s9, $0x5;
	s4 =	sadd.s32 s2, s31;
	s10 =	ssub.s32 s30, s6  }
0xc: {  	v2 =	vlaneseq.u32;
	s6 =	sor.u32 $0x8000, s7;
	s7 =	sor.u32 $0xC000, s7;
	s8 =	sadd.s32 s8, s9  }
0xd: {  	v0 =	vimm.f32 $0.0e+00;
	v1 =	vimm.f32 $1.000000000e+00;
	v2 =	vmul.u32 $0x100, v2;
	s5 =	sadd.s32 $0x800, s4;
	s9 =	smax.u32 s10, $0x1;
	s10 =	simm.s32 $0x1  }
.LBB2_1:
0xe: {  	s23 =	simm.s32 $0x0;
	s24 =	simm.s32 $0x200  }
.LBB2_2:
0xf: {  	p0 =	sne.s32 s24, $0x1FE00;
	[tilespmem:s23+$0x8070] =	vst v0  }
0x10: {  	[tilespmem:s23+$0x8000] =	vst v0  }
0x11: {  	[tilespmem:s23+$0x8010] =	vst v0  }
.Ltmp0:
0x12: {  	[tilespmem:s23+$0x8020] =	vst v0;
	(pc) =	sbr.rel @p0 .LBB2_2-.Ltmp0, $4  }
0x13: {  	[tilespmem:s23+$0x8030] =	vst v0  }
0x14: {  	[tilespmem:s23+$0x8040] =	vst v0  }
0x15: {  	[tilespmem:s23+$0x8050] =	vst v0  }
0x16: {  	[tilespmem:s23+$0x8060] =	vst v0;
	s23 =	sshra.s32 s24, $0x2;
	s24 =	sadd.s32 $0x200, s24  }
0x17: {  	[tilespmem:s23+$0x8070] =	vst v0  }
0x18: {  	[tilespmem:s23+$0x8000] =	vst v0  }
0x19: {  	[tilespmem:s23+$0x8010] =	vst v0  }
0x1a: {  	[tilespmem:s23+$0x8020] =	vst v0  }
0x1b: {  	[tilespmem:s23+$0x8030] =	vst v0  }
0x1c: {  	[tilespmem:s23+$0x8040] =	vst v0  }
0x1d: {  	[tilespmem:s23+$0x8050] =	vst v0;
	s24 =	simm.s32 $0x0  }
0x1e: {  	[tilespmem:s23+$0x8060] =	vst v0;
	s23 =	simm.s32 $0x10;
	s26 =	sadd.s32 $0x0, s4;
	s25 =	simm.s32 $0x100  }
.LBB2_4:
0x1f: {  	[tilespmem:s24], [sflag:$0x1] =	stream.linear.gather [hbm4b:s26+s3], $0x80, $0x38;
	[tilespmem:$0x10100] =	vst v63  }
0x20: {  	s26 =	smov.u32 s23;
	s24 =	smov.u32 s25;
	p0 =	sne.s32 s23, $0x7F0  }
.Ltmp1:
0x21: {  	s23 =	sadd.s32 $0x10, s23;
	(pc) =	sbr.rel @p0 .LBB2_4-.Ltmp1, $2  }
0x22: {  	_ =	sdelay $0x2  }
0x23: {  	s25 =	sadd.s32 $0x100, s25;
	s26 =	sadd.s32 s26, s4  }
0x24: {  	[tilespmem:s24], [sflag:$0x1] =	stream.linear.gather [hbm4b:s26+s3], $0x80, $0x38;
	[tilespmem:$0x10100] =	vst v63  }
0x25: {  	s23 =	simm.s32 $0x0;
	s24 =	simm.s32 $0x80  }
0x26: {  	s25 =	simm.s32 $0x10;
	s28 =	sadd.s32 $0x0, s5;
	s26 =	simm.s32 $0x180  }
.LBB2_6:
0x27: {  	[tilespmem:s24], [sflag:$0x2] =	stream.linear.gather [hbm4b:s28+s23], $0x80, $0x38;
	[tilespmem:$0x10100] =	vst v63  }
0x28: {  	s28 =	smov.u32 s25;
	s24 =	smov.u32 s26;
	p0 =	sne.s32 s25, $0x7F0  }
.Ltmp2:
0x29: {  	s25 =	sadd.s32 $0x10, s25;
	(pc) =	sbr.rel @p0 .LBB2_6-.Ltmp2, $2  }
0x2a: {  	_ =	sdelay $0x2  }
0x2b: {  	s26 =	sadd.s32 $0x100, s26;
	s28 =	sadd.s32 s28, s5  }
0x2c: {  	[tilespmem:s24], [sflag:$0x2] =	stream.linear.gather [hbm4b:s28+s23], $0x80, $0x38;
	[tilespmem:$0x10100] =	vst v63  }
.LBB2_8:
0x2d: {  	_ =	swait.ge [sflag:s10], $0x4000  }
0x2e: {  	[sflag:s10] =	ssyncset.done $0x0  }
0x2f: {  	[sflag:s10] =	ssyncadd.s32 $0xFFFFC000  }
0x30: {  	v3 =	vld [tilespmem:$0x10]  }
0x31: {  	v4 =	vld [tilespmem:$0x40]  }
0x32: {  	v5 =	vld [tilespmem:$0x60]  }
0x33: {  	v6 =	vld [tilespmem:$0x20]  }
0x34: {  	v7 =	vld [tilespmem:$0x30]  }
0x35: {  	v8 =	vld [tilespmem:$0x70]  }
0x36: {  	v9 =	vld [tilespmem:$0x50]  }
0x37: {  	s24 =	simm.s32 $0x0;
	v10 =	vld [tilespmem:$0x0]  }
0x38: {  	v11 =	vld [tilespmem:s24+$0x160]  }
0x39: {  	v12 =	vld [tilespmem:s24+$0x170];
	v5 =	vadd.f32 $1.000000000e+00, v5;
	v4 =	vadd.f32 $1.000000000e+00, v4  }
0x3a: {  	v14 =	vld [tilespmem:s24+$0x120];
	v6 =	vadd.f32 $1.000000000e+00, v6;
	v3 =	vadd.f32 $1.000000000e+00, v3  }
0x3b: {  	v13 =	vld [tilespmem:s24+$0x140];
	v7 =	vadd.f32 $1.000000000e+00, v7;
	v8 =	vadd.f32 $1.000000000e+00, v8  }
0x3c: {  	v9 =	vadd.f32 $1.000000000e+00, v9;
	v10 =	vadd.f32 $1.000000000e+00, v10;
	v5 =	vmul.f32 $1.275000000e+02, v5  }
0x3d: {  	v11 =	vadd.f32 $1.000000000e+00, v11;
	v4 =	vmul.f32 $1.275000000e+02, v4;
	v6 =	vmul.f32 $1.275000000e+02, v6  }
0x3e: {  	v12 =	vadd.f32 $1.000000000e+00, v12;
	v3 =	vmul.f32 $1.275000000e+02, v3;
	v7 =	vmul.f32 $1.275000000e+02, v7  }
0x3f: {  	v14 =	vadd.f32 $1.000000000e+00, v14;
	v9 =	vmul.f32 $1.275000000e+02, v9;
	v8 =	vmul.f32 $1.275000000e+02, v8  }
0x40: {  	v13 =	vadd.f32 $1.000000000e+00, v13;
	v10 =	vmul.f32 $1.275000000e+02, v10;
	v11 =	vmul.f32 $1.275000000e+02, v11  }
0x41: {  	v14 =	vmul.f32 $1.275000000e+02, v14;
	v4 =	vmax.f32 v4, $0.0e+00;
	v3 =	vmax.f32 v3, $0.0e+00  }
0x42: {  	v6 =	vmax.f32 v6, $0.0e+00;
	v5 =	vmax.f32 v5, $0.0e+00;
	v7 =	vmax.f32 v7, $0.0e+00  }
0x43: {  	v8 =	vmax.f32 v8, $0.0e+00;
	v10 =	vmax.f32 v10, $0.0e+00;
	v9 =	vmax.f32 v9, $0.0e+00  }
0x44: {  	v4 =	vmin.f32 v4, $2.550000000e+02;
	v3 =	vmin.f32 v3, $2.550000000e+02;
	v6 =	vmin.f32 v6, $2.550000000e+02  }
0x45: {  	v7 =	vmin.f32 v7, $2.550000000e+02;
	v10 =	vmin.f32 v10, $2.550000000e+02;
	v6 =	vtrunc.f32 v6  }
0x46: {  	v5 =	vmin.f32 v5, $2.550000000e+02;
	v7 =	vtrunc.f32 v7;
	v10 =	vtrunc.f32 v10  }
0x47: {  	v8 =	vmin.f32 v8, $2.550000000e+02;
	v3 =	vtrunc.f32 v3;
	v10 =	vcvt.f32.s32 v10  }
0x48: {  	v16 =	vld [tilespmem:s24+$0x130];
	v9 =	vmin.f32 v9, $2.550000000e+02;
	v4 =	vtrunc.f32 v4;
	v3 =	vcvt.f32.s32 v3  }
0x49: {  	v15 =	vld [tilespmem:s24+$0x110];
	v9 =	vtrunc.f32 v9;
	v6 =	vcvt.f32.s32 v6;
	v10 =	vadd.s32 v2, v10  }
0x4a: {  	v9 =	vcvt.f32.s32 v9;
	v7 =	vcvt.f32.s32 v7;
	v3 =	vadd.s32 v2, v3  }
0x4b: {  	v5 =	vtrunc.f32 v5;
	v4 =	vcvt.f32.s32 v4;
	v6 =	vadd.s32 v2, v6  }
0x4c: {  	v8 =	vtrunc.f32 v8;
	v18 =	vadd.s32 v2, v7;
	v19 =	vadd.s32 v2, v9;
	v9 =	vld [tilespmem:s24+$0x100]  }
0x4d: {  	v17 =	vld [tilespmem:s24+$0x150];
	v5 =	vcvt.f32.s32 v5;
	v61 =	vadd.s32 v2, v4;
	v4 =	vadd.f32 $1.000000000e+00, v16  }
0x4e: {  	v13 =	vmul.f32 $1.275000000e+02, v13;
	v8 =	vcvt.f32.s32 v8;
	v7 =	vadd.f32 $1.000000000e+00, v15;
	[tilespmem:v10+s11+$0x0] =	vst.idx.add.f32.msk $0xffff, v1  }
0x4f: {  	v11 =	vmax.f32 v11, $0.0e+00;
	v62 =	vadd.s32 v2, v5;
	v63 =	vmul.f32 $1.275000000e+02, v4;
	[tilespmem:v3+s12+$0x0] =	vst.idx.add.f32.msk $0xffff, v1  }
0x50: {  	v4 =	vmax.f32 v13, $0.0e+00;
	v10 =	vmul.f32 $1.275000000e+02, v7;
	v7 =	vadd.s32 v2, v8;
	[tilespmem:v6+s13+$0x0] =	vst.idx.add.f32.msk $0xffff, v1  }
0x51: {  	v11 =	vmin.f32 v11, $2.550000000e+02;
	v4 =	vmin.f32 v4, $2.550000000e+02;
	v9 =	vadd.f32 $1.000000000e+00, v9;
	[tilespmem:v18+s14+$0x0] =	vst.idx.add.f32.msk $0xffff, v1  }
0x52: {  	v8 =	vmul.f32 $1.275000000e+02, v12;
	v3 =	vadd.f32 $1.000000000e+00, v17;
	v6 =	vmax.f32 v14, $0.0e+00;
	[tilespmem:v61+s15+$0x0] =	vst.idx.add.f32.msk $0xffff, v1  }
0x53: {  	v5 =	vmax.f32 v10, $0.0e+00;
	v10 =	vmax.f32 v63, $0.0e+00;
	v6 =	vmin.f32 v6, $2.550000000e+02;
	[tilespmem:v19+s16+$0x0] =	vst.idx.add.f32.msk $0xffff, v1  }
0x54: {  	s25 =	simm.s32 $0x800;
	s24 =	simm.s32 $0x400;
	v3 =	vmul.f32 $1.275000000e+02, v3;
	v5 =	vmin.f32 v5, $2.550000000e+02;
	v6 =	vtrunc.f32 v6;
	[tilespmem:v62+s17+$0x0] =	vst.idx.add.f32.msk $0xffff, v1  }
.LBB2_9:
0x55: {  	p0 =	sne.s32 s25, $0x1F800;
	v9 =	vmul.f32 $1.275000000e+02, v9;
	v10 =	vmin.f32 v10, $2.550000000e+02;
	v11 =	vtrunc.f32 v11;
	[tilespmem:v7+s18+$0x0] =	vst.idx.add.f32.msk $0xffff, v1;
	s26 =	smov.u32 s25;
	s25 =	sadd.s32 $0x400, s25  }
0x56: {  	s28 =	sshra.s32 s24, $0x2;
	v7 =	vmax.f32 v8, $0.0e+00;
	v8 =	vtrunc.f32 v10;
	v10 =	vcvt.f32.s32 v11;
	s24 =	smov.u32 s26  }
0x57: {  	v4 =	vtrunc.f32 v4;
	v11 =	vld [tilespmem:s28+$0x160];
	v9 =	vmax.f32 v9, $0.0e+00;
	v7 =	vmin.f32 v7, $2.550000000e+02  }
0x58: {  	v5 =	vtrunc.f32 v5;
	v12 =	vld [tilespmem:s28+$0x170];
	v9 =	vmin.f32 v9, $2.550000000e+02;
	v7 =	vtrunc.f32 v7  }
0x59: {  	v3 =	vmax.f32 v3, $0.0e+00;
	v6 =	vcvt.f32.s32 v6;
	v13 =	vld [tilespmem:s28+$0x140];
	v9 =	vtrunc.f32 v9  }
0x5a: {  	v3 =	vmin.f32 v3, $2.550000000e+02;
	v7 =	vcvt.f32.s32 v7;
	v14 =	vld [tilespmem:s28+$0x120];
	v9 =	vcvt.f32.s32 v9  }
0x5b: {  	v5 =	vcvt.f32.s32 v5;
	v3 =	vtrunc.f32 v3;
	v15 =	vld [tilespmem:s28+$0x110]  }
0x5c: {  	v3 =	vcvt.f32.s32 v3;
	v11 =	vadd.f32 $1.000000000e+00, v11;
	v16 =	vld [tilespmem:s28+$0x130];
	v9 =	vadd.s32 v2, v9  }
0x5d: {  	v8 =	vcvt.f32.s32 v8;
	v5 =	vadd.s32 v2, v5;
	v12 =	vadd.f32 $1.000000000e+00, v12  }
0x5e: {  	v4 =	vcvt.f32.s32 v4;
	v6 =	vadd.s32 v2, v6;
	v13 =	vadd.f32 $1.000000000e+00, v13;
	v17 =	vld [tilespmem:s28+$0x150]  }
0x5f: {  	v8 =	vadd.s32 v2, v8;
	v18 =	vadd.s32 v2, v3;
	v14 =	vadd.f32 $1.000000000e+00, v14  }
0x60: {  	v19 =	vadd.s32 v2, v4;
	v11 =	vmul.f32 $1.275000000e+02, v11;
	v3 =	vadd.f32 $1.000000000e+00, v15;
	v15 =	vld [tilespmem:s28+$0x100]  }
0x61: {  	v13 =	vmul.f32 $1.275000000e+02, v13;
	v4 =	vadd.f32 $1.000000000e+00, v16;
	v14 =	vmul.f32 $1.275000000e+02, v14;
	[tilespmem:v9+s11+$0x0] =	vst.idx.add.f32.msk $0xffff, v1  }
0x62: {  	v7 =	vadd.s32 v2, v7;
	v16 =	vadd.s32 v2, v10;
	v3 =	vmul.f32 $1.275000000e+02, v3;
	[tilespmem:v5+s12+$0x0] =	vst.idx.add.f32.msk $0xffff, v1  }
.Ltmp3:
0x63: {  	v5 =	vadd.f32 $1.000000000e+00, v17;
	v10 =	vmul.f32 $1.275000000e+02, v4;
	v4 =	vmax.f32 v13, $0.0e+00;
	[tilespmem:v6+s13+$0x0] =	vst.idx.add.f32.msk $0xffff, v1;
	(pc) =	sbr.rel @p0 .LBB2_9-.Ltmp3, $4  }
0x64: {  	v9 =	vmax.f32 v14, $0.0e+00;
	v6 =	vmax.f32 v3, $0.0e+00;
	v4 =	vmin.f32 v4, $2.550000000e+02;
	[tilespmem:v8+s14+$0x0] =	vst.idx.add.f32.msk $0xffff, v1  }
0x65: {  	v3 =	vmul.f32 $1.275000000e+02, v5;
	v5 =	vmin.f32 v6, $2.550000000e+02;
	v6 =	vmin.f32 v9, $2.550000000e+02;
	[tilespmem:v19+s15+$0x0] =	vst.idx.add.f32.msk $0xffff, v1  }
0x66: {  	v11 =	vmax.f32 v11, $0.0e+00;
	v9 =	vadd.f32 $1.000000000e+00, v15;
	v6 =	vtrunc.f32 v6;
	[tilespmem:v18+s16+$0x0] =	vst.idx.add.f32.msk $0xffff, v1  }
0x67: {  	v11 =	vmin.f32 v11, $2.550000000e+02;
	v8 =	vmul.f32 $1.275000000e+02, v12;
	v10 =	vmax.f32 v10, $0.0e+00;
	[tilespmem:v16+s17+$0x0] =	vst.idx.add.f32.msk $0xffff, v1  }
0x68: {  	_ =	sdelay $0x3  }
0x69: {  	v9 =	vmul.f32 $1.275000000e+02, v9;
	v11 =	vtrunc.f32 v11;
	[tilespmem:v7+s18+$0x0] =	vst.idx.add.f32.msk $0xffff, v1;
	s24 =	sshra.s32 s24, $0x2  }
0x6a: {  	v10 =	vmin.f32 v10, $2.550000000e+02;
	v4 =	vtrunc.f32 v4;
	v5 =	vtrunc.f32 v5;
	v53 =	vld [tilespmem:s24+$0x140]  }
0x6b: {  	v3 =	vmax.f32 v3, $0.0e+00;
	v6 =	vcvt.f32.s32 v6;
	v50 =	vmax.f32 v8, $0.0e+00;
	v12 =	vld [tilespmem:s24+$0x120]  }
0x6c: {  	v51 =	vtrunc.f32 v10;
	v52 =	vcvt.f32.s32 v11;
	v13 =	vld [tilespmem:s24+$0x110];
	v3 =	vmin.f32 v3, $2.550000000e+02  }
0x6d: {  	v14 =	vld [tilespmem:s24+$0x100];
	v5 =	vcvt.f32.s32 v5;
	v4 =	vcvt.f32.s32 v4;
	v9 =	vmax.f32 v9, $0.0e+00  }
0x6e: {  	v15 =	vld [tilespmem:s24+$0x130];
	v7 =	vmin.f32 v50, $2.550000000e+02;
	v3 =	vtrunc.f32 v3;
	v8 =	vcvt.f32.s32 v51  }
0x6f: {  	v16 =	vld [tilespmem:s24+$0x150];
	v6 =	vadd.s32 v2, v6;
	v9 =	vmin.f32 v9, $2.550000000e+02;
	v7 =	vtrunc.f32 v7  }
0x70: {  	v17 =	vld [tilespmem:s24+$0x160];
	v3 =	vcvt.f32.s32 v3;
	v5 =	vadd.s32 v2, v5;
	v4 =	vadd.s32 v2, v4  }
0x71: {  	v18 =	vld [tilespmem:s24+$0x170];
	v10 =	vadd.s32 v2, v52;
	v9 =	vtrunc.f32 v9;
	v7 =	vcvt.f32.s32 v7  }
0x72: {  	v8 =	vadd.s32 v2, v8;
	v14 =	vadd.f32 $1.000000000e+00, v14;
	v13 =	vadd.f32 $1.000000000e+00, v13  }
0x73: {  	v9 =	vcvt.f32.s32 v9;
	v12 =	vadd.f32 $1.000000000e+00, v12;
	v15 =	vadd.f32 $1.000000000e+00, v15  }
0x74: {  	v3 =	vadd.s32 v2, v3;
	v11 =	vadd.f32 $1.000000000e+00, v53;
	v16 =	vadd.f32 $1.000000000e+00, v16  }
0x75: {  	v17 =	vadd.f32 $1.000000000e+00, v17;
	v14 =	vmul.f32 $1.275000000e+02, v14;
	v13 =	vmul.f32 $1.275000000e+02, v13  }
0x76: {  	v18 =	vadd.f32 $1.000000000e+00, v18;
	v12 =	vmul.f32 $1.275000000e+02, v12;
	v15 =	vmul.f32 $1.275000000e+02, v15  }
0x77: {  	v7 =	vadd.s32 v2, v7;
	v11 =	vmul.f32 $1.275000000e+02, v11;
	v16 =	vmul.f32 $1.275000000e+02, v16  }
0x78: {  	v9 =	vadd.s32 v2, v9;
	v17 =	vmul.f32 $1.275000000e+02, v17;
	v18 =	vmul.f32 $1.275000000e+02, v18  }
0x79: {  	v14 =	vmax.f32 v14, $0.0e+00;
	v13 =	vmax.f32 v13, $0.0e+00;
	v12 =	vmax.f32 v12, $0.0e+00  }
0x7a: {  	v15 =	vmax.f32 v15, $0.0e+00;
	v11 =	vmax.f32 v11, $0.0e+00;
	v16 =	vmax.f32 v16, $0.0e+00  }
0x7b: {  	v17 =	vmax.f32 v17, $0.0e+00;
	v18 =	vmax.f32 v18, $0.0e+00;
	v14 =	vmin.f32 v14, $2.550000000e+02  }
0x7c: {  	v13 =	vmin.f32 v13, $2.550000000e+02;
	v12 =	vmin.f32 v12, $2.550000000e+02;
	v15 =	vmin.f32 v15, $2.550000000e+02  }
0x7d: {  	v54 =	vmin.f32 v11, $2.550000000e+02;
	v55 =	vmin.f32 v16, $2.550000000e+02;
	[tilespmem:v9+s11+$0x0] =	vst.idx.add.f32.msk $0xffff, v1;
	v14 =	vtrunc.f32 v14  }
0x7e: {  	v56 =	vmin.f32 v17, $2.550000000e+02;
	v13 =	vtrunc.f32 v13;
	[tilespmem:v5+s12+$0x0] =	vst.idx.add.f32.msk $0xffff, v1;
	v14 =	vcvt.f32.s32 v14  }
0x7f: {  	v57 =	vmin.f32 v18, $2.550000000e+02;
	v12 =	vtrunc.f32 v12;
	v13 =	vcvt.f32.s32 v13;
	[tilespmem:v6+s13+$0x0] =	vst.idx.add.f32.msk $0xffff, v1  }
0x80: {  	v59 =	vtrunc.f32 v15;
	v58 =	vcvt.f32.s32 v12;
	[tilespmem:v8+s14+$0x0] =	vst.idx.add.f32.msk $0xffff, v1;
	v14 =	vadd.s32 v2, v14  }
0x81: {  	v9 =	vtrunc.f32 v54;
	v60 =	vcvt.f32.s32 v59;
	v61 =	vadd.s32 v2, v13;
	[tilespmem:v4+s15+$0x0] =	vst.idx.add.f32.msk $0xffff, v1  }
0x82: {  	v62 =	vtrunc.f32 v55;
	v8 =	vadd.s32 v2, v58;
	[tilespmem:v3+s16+$0x0] =	vst.idx.add.f32.msk $0xffff, v1;
	v3 =	vcvt.f32.s32 v9  }
0x83: {  	v5 =	vtrunc.f32 v56;
	v4 =	vadd.s32 v2, v60;
	v9 =	vcvt.f32.s32 v62;
	[tilespmem:v10+s17+$0x0] =	vst.idx.add.f32.msk $0xffff, v1  }
0x84: {  	v5 =	vcvt.f32.s32 v5;
	v6 =	vtrunc.f32 v57;
	[tilespmem:v7+s18+$0x0] =	vst.idx.add.f32.msk $0xffff, v1;
	v3 =	vadd.s32 v2, v3  }
0x85: {  	v6 =	vcvt.f32.s32 v6;
	v63 =	vadd.s32 v2, v9;
	[tilespmem:v14+s11+$0x0] =	vst.idx.add.f32.msk $0xffff, v1  }
0x86: {  	v5 =	vadd.s32 v2, v5;
	[tilespmem:v61+s12+$0x0] =	vst.idx.add.f32.msk $0xffff, v1  }
0x87: {  	p0 =	seq.s32 s23, $0x3F;
	v6 =	vadd.s32 v2, v6;
	[tilespmem:v8+s13+$0x0] =	vst.idx.add.f32.msk $0xffff, v1  }
.Ltmp4:
0x88: {  	[tilespmem:v4+s14+$0x0] =	vst.idx.add.f32.msk $0xffff, v1;
	(pc) =	sbr.rel @p0 .LBB2_14-.Ltmp4, $4  }
0x89: {  	[tilespmem:v3+s15+$0x0] =	vst.idx.add.f32.msk $0xffff, v1  }
0x8a: {  	[tilespmem:v63+s16+$0x0] =	vst.idx.add.f32.msk $0xffff, v1  }
0x8b: {  	[tilespmem:v5+s17+$0x0] =	vst.idx.add.f32.msk $0xffff, v1  }
0x8c: {  	s24 =	sshll.u32 s23, $0xF;
	[tilespmem:v6+s18+$0x0] =	vst.idx.add.f32.msk $0xffff, v1  }
0x8d: {  	s25 =	sadd.s32 s24, s6  }
0x8e: {  	s25 =	sshrl.u32 s25, $0x3  }
0x8f: {  	s26 =	simm.s32 $0x0;
	s25 =	sadd.s32 s2, s25  }
0x90: {  	s28 =	simm.s32 $0x10;
	s29 =	simm.s32 $0x100;
	s30 =	sadd.s32 $0x0, s25  }
.LBB2_12:
0x91: {  	[tilespmem:s26], [sflag:$0x1] =	stream.linear.gather [hbm4b:s30+s3], $0x80, $0x38;
	[tilespmem:$0x10100] =	vst v63  }
0x92: {  	s30 =	smov.u32 s28;
	s26 =	smov.u32 s29;
	p1 =	sne.s32 s28, $0x7F0  }
.Ltmp5:
0x93: {  	s28 =	sadd.s32 $0x10, s28;
	(pc) =	sbr.rel @p1 .LBB2_12-.Ltmp5, $2  }
0x94: {  	_ =	sdelay $0x2  }
0x95: {  	s29 =	sadd.s32 $0x100, s29;
	s30 =	sadd.s32 s30, s25  }
0x96: {  	[tilespmem:s26], [sflag:$0x1] =	stream.linear.gather [hbm4b:s30+s3], $0x80, $0x38;
	[tilespmem:$0x10100] =	vst v63  }
.LBB2_14:
0x97: {  	_ =	swait.ge [sflag:s19], $0x4000  }
0x98: {  	[sflag:s19] =	ssyncset.done $0x0  }
0x99: {  	[sflag:s19] =	ssyncadd.s32 $0xFFFFC000  }
0x9a: {  	v3 =	vld [tilespmem:$0x90]  }
0x9b: {  	v4 =	vld [tilespmem:$0xC0]  }
0x9c: {  	v5 =	vld [tilespmem:$0xE0]  }
0x9d: {  	v6 =	vld [tilespmem:$0xA0]  }
0x9e: {  	v7 =	vld [tilespmem:$0xB0]  }
0x9f: {  	v8 =	vld [tilespmem:$0xF0]  }
0xa0: {  	v9 =	vld [tilespmem:$0xD0]  }
0xa1: {  	s25 =	simm.s32 $0x0;
	v10 =	vld [tilespmem:$0x80]  }
0xa2: {  	v11 =	vld [tilespmem:s25+$0x1E0]  }
0xa3: {  	v12 =	vld [tilespmem:s25+$0x1F0];
	v5 =	vadd.f32 $1.000000000e+00, v5;
	v4 =	vadd.f32 $1.000000000e+00, v4  }
0xa4: {  	v14 =	vld [tilespmem:s25+$0x1A0];
	v6 =	vadd.f32 $1.000000000e+00, v6;
	v3 =	vadd.f32 $1.000000000e+00, v3  }
0xa5: {  	v13 =	vld [tilespmem:s25+$0x1C0];
	v7 =	vadd.f32 $1.000000000e+00, v7;
	v8 =	vadd.f32 $1.000000000e+00, v8  }
0xa6: {  	v9 =	vadd.f32 $1.000000000e+00, v9;
	v10 =	vadd.f32 $1.000000000e+00, v10;
	v5 =	vmul.f32 $1.275000000e+02, v5  }
0xa7: {  	v11 =	vadd.f32 $1.000000000e+00, v11;
	v4 =	vmul.f32 $1.275000000e+02, v4;
	v6 =	vmul.f32 $1.275000000e+02, v6  }
0xa8: {  	v12 =	vadd.f32 $1.000000000e+00, v12;
	v3 =	vmul.f32 $1.275000000e+02, v3;
	v7 =	vmul.f32 $1.275000000e+02, v7  }
0xa9: {  	v14 =	vadd.f32 $1.000000000e+00, v14;
	v9 =	vmul.f32 $1.275000000e+02, v9;
	v8 =	vmul.f32 $1.275000000e+02, v8  }
0xaa: {  	v13 =	vadd.f32 $1.000000000e+00, v13;
	v10 =	vmul.f32 $1.275000000e+02, v10;
	v11 =	vmul.f32 $1.275000000e+02, v11  }
0xab: {  	v14 =	vmul.f32 $1.275000000e+02, v14;
	v4 =	vmax.f32 v4, $0.0e+00;
	v3 =	vmax.f32 v3, $0.0e+00  }
0xac: {  	v6 =	vmax.f32 v6, $0.0e+00;
	v5 =	vmax.f32 v5, $0.0e+00;
	v7 =	vmax.f32 v7, $0.0e+00  }
0xad: {  	v8 =	vmax.f32 v8, $0.0e+00;
	v10 =	vmax.f32 v10, $0.0e+00;
	v9 =	vmax.f32 v9, $0.0e+00  }
0xae: {  	v4 =	vmin.f32 v4, $2.550000000e+02;
	v3 =	vmin.f32 v3, $2.550000000e+02;
	v6 =	vmin.f32 v6, $2.550000000e+02  }
0xaf: {  	v7 =	vmin.f32 v7, $2.550000000e+02;
	v10 =	vmin.f32 v10, $2.550000000e+02;
	v6 =	vtrunc.f32 v6  }
0xb0: {  	v5 =	vmin.f32 v5, $2.550000000e+02;
	v7 =	vtrunc.f32 v7;
	v10 =	vtrunc.f32 v10  }
0xb1: {  	v8 =	vmin.f32 v8, $2.550000000e+02;
	v3 =	vtrunc.f32 v3;
	v10 =	vcvt.f32.s32 v10  }
0xb2: {  	v16 =	vld [tilespmem:s25+$0x1B0];
	v9 =	vmin.f32 v9, $2.550000000e+02;
	v4 =	vtrunc.f32 v4;
	v3 =	vcvt.f32.s32 v3  }
0xb3: {  	v15 =	vld [tilespmem:s25+$0x190];
	v9 =	vtrunc.f32 v9;
	v6 =	vcvt.f32.s32 v6;
	v10 =	vadd.s32 v2, v10  }
0xb4: {  	v9 =	vcvt.f32.s32 v9;
	v7 =	vcvt.f32.s32 v7;
	v3 =	vadd.s32 v2, v3  }
0xb5: {  	v5 =	vtrunc.f32 v5;
	v4 =	vcvt.f32.s32 v4;
	v6 =	vadd.s32 v2, v6  }
0xb6: {  	v8 =	vtrunc.f32 v8;
	v18 =	vadd.s32 v2, v7;
	v19 =	vadd.s32 v2, v9;
	v9 =	vld [tilespmem:s25+$0x180]  }
0xb7: {  	v17 =	vld [tilespmem:s25+$0x1D0];
	v5 =	vcvt.f32.s32 v5;
	v61 =	vadd.s32 v2, v4;
	v4 =	vadd.f32 $1.000000000e+00, v16  }
0xb8: {  	v13 =	vmul.f32 $1.275000000e+02, v13;
	v8 =	vcvt.f32.s32 v8;
	v7 =	vadd.f32 $1.000000000e+00, v15;
	[tilespmem:v10+s11+$0x0] =	vst.idx.add.f32.msk $0xffff, v1  }
0xb9: {  	v11 =	vmax.f32 v11, $0.0e+00;
	v62 =	vadd.s32 v2, v5;
	v63 =	vmul.f32 $1.275000000e+02, v4;
	[tilespmem:v3+s12+$0x0] =	vst.idx.add.f32.msk $0xffff, v1  }
0xba: {  	v4 =	vmax.f32 v13, $0.0e+00;
	v10 =	vmul.f32 $1.275000000e+02, v7;
	v7 =	vadd.s32 v2, v8;
	[tilespmem:v6+s13+$0x0] =	vst.idx.add.f32.msk $0xffff, v1  }
0xbb: {  	v11 =	vmin.f32 v11, $2.550000000e+02;
	v4 =	vmin.f32 v4, $2.550000000e+02;
	v9 =	vadd.f32 $1.000000000e+00, v9;
	[tilespmem:v18+s14+$0x0] =	vst.idx.add.f32.msk $0xffff, v1  }
0xbc: {  	v8 =	vmul.f32 $1.275000000e+02, v12;
	v3 =	vadd.f32 $1.000000000e+00, v17;
	v6 =	vmax.f32 v14, $0.0e+00;
	[tilespmem:v61+s15+$0x0] =	vst.idx.add.f32.msk $0xffff, v1  }
0xbd: {  	v5 =	vmax.f32 v10, $0.0e+00;
	v10 =	vmax.f32 v63, $0.0e+00;
	v6 =	vmin.f32 v6, $2.550000000e+02;
	[tilespmem:v19+s16+$0x0] =	vst.idx.add.f32.msk $0xffff, v1  }
0xbe: {  	s26 =	simm.s32 $0x800;
	s25 =	simm.s32 $0x400;
	v3 =	vmul.f32 $1.275000000e+02, v3;
	v5 =	vmin.f32 v5, $2.550000000e+02;
	v6 =	vtrunc.f32 v6;
	[tilespmem:v62+s17+$0x0] =	vst.idx.add.f32.msk $0xffff, v1  }
.LBB2_15:
0xbf: {  	p1 =	sne.s32 s26, $0x1F800;
	v9 =	vmul.f32 $1.275000000e+02, v9;
	v10 =	vmin.f32 v10, $2.550000000e+02;
	v11 =	vtrunc.f32 v11;
	[tilespmem:v7+s18+$0x0] =	vst.idx.add.f32.msk $0xffff, v1;
	s28 =	smov.u32 s26;
	s26 =	sadd.s32 $0x400, s26  }
0xc0: {  	s29 =	sshra.s32 s25, $0x2;
	v7 =	vmax.f32 v8, $0.0e+00;
	v8 =	vtrunc.f32 v10;
	v10 =	vcvt.f32.s32 v11;
	s25 =	smov.u32 s28  }
0xc1: {  	v4 =	vtrunc.f32 v4;
	v11 =	vld [tilespmem:s29+$0x1E0];
	v9 =	vmax.f32 v9, $0.0e+00;
	v7 =	vmin.f32 v7, $2.550000000e+02  }
0xc2: {  	v5 =	vtrunc.f32 v5;
	v12 =	vld [tilespmem:s29+$0x1F0];
	v9 =	vmin.f32 v9, $2.550000000e+02;
	v7 =	vtrunc.f32 v7  }
0xc3: {  	v3 =	vmax.f32 v3, $0.0e+00;
	v6 =	vcvt.f32.s32 v6;
	v13 =	vld [tilespmem:s29+$0x1C0];
	v9 =	vtrunc.f32 v9  }
0xc4: {  	v3 =	vmin.f32 v3, $2.550000000e+02;
	v7 =	vcvt.f32.s32 v7;
	v14 =	vld [tilespmem:s29+$0x1A0];
	v9 =	vcvt.f32.s32 v9  }
0xc5: {  	v5 =	vcvt.f32.s32 v5;
	v3 =	vtrunc.f32 v3;
	v15 =	vld [tilespmem:s29+$0x190]  }
0xc6: {  	v3 =	vcvt.f32.s32 v3;
	v11 =	vadd.f32 $1.000000000e+00, v11;
	v16 =	vld [tilespmem:s29+$0x1B0];
	v9 =	vadd.s32 v2, v9  }
0xc7: {  	v8 =	vcvt.f32.s32 v8;
	v5 =	vadd.s32 v2, v5;
	v12 =	vadd.f32 $1.000000000e+00, v12  }
0xc8: {  	v4 =	vcvt.f32.s32 v4;
	v6 =	vadd.s32 v2, v6;
	v13 =	vadd.f32 $1.000000000e+00, v13;
	v17 =	vld [tilespmem:s29+$0x1D0]  }
0xc9: {  	v8 =	vadd.s32 v2, v8;
	v18 =	vadd.s32 v2, v3;
	v14 =	vadd.f32 $1.000000000e+00, v14  }
0xca: {  	v19 =	vadd.s32 v2, v4;
	v11 =	vmul.f32 $1.275000000e+02, v11;
	v3 =	vadd.f32 $1.000000000e+00, v15;
	v15 =	vld [tilespmem:s29+$0x180]  }
0xcb: {  	v13 =	vmul.f32 $1.275000000e+02, v13;
	v4 =	vadd.f32 $1.000000000e+00, v16;
	v14 =	vmul.f32 $1.275000000e+02, v14;
	[tilespmem:v9+s11+$0x0] =	vst.idx.add.f32.msk $0xffff, v1  }
0xcc: {  	v7 =	vadd.s32 v2, v7;
	v16 =	vadd.s32 v2, v10;
	v3 =	vmul.f32 $1.275000000e+02, v3;
	[tilespmem:v5+s12+$0x0] =	vst.idx.add.f32.msk $0xffff, v1  }
.Ltmp6:
0xcd: {  	v5 =	vadd.f32 $1.000000000e+00, v17;
	v10 =	vmul.f32 $1.275000000e+02, v4;
	v4 =	vmax.f32 v13, $0.0e+00;
	[tilespmem:v6+s13+$0x0] =	vst.idx.add.f32.msk $0xffff, v1;
	(pc) =	sbr.rel @p1 .LBB2_15-.Ltmp6, $4  }
0xce: {  	v9 =	vmax.f32 v14, $0.0e+00;
	v6 =	vmax.f32 v3, $0.0e+00;
	v4 =	vmin.f32 v4, $2.550000000e+02;
	[tilespmem:v8+s14+$0x0] =	vst.idx.add.f32.msk $0xffff, v1  }
0xcf: {  	v3 =	vmul.f32 $1.275000000e+02, v5;
	v5 =	vmin.f32 v6, $2.550000000e+02;
	v6 =	vmin.f32 v9, $2.550000000e+02;
	[tilespmem:v19+s15+$0x0] =	vst.idx.add.f32.msk $0xffff, v1  }
0xd0: {  	v11 =	vmax.f32 v11, $0.0e+00;
	v9 =	vadd.f32 $1.000000000e+00, v15;
	v6 =	vtrunc.f32 v6;
	[tilespmem:v18+s16+$0x0] =	vst.idx.add.f32.msk $0xffff, v1  }
0xd1: {  	v11 =	vmin.f32 v11, $2.550000000e+02;
	v8 =	vmul.f32 $1.275000000e+02, v12;
	v10 =	vmax.f32 v10, $0.0e+00;
	[tilespmem:v16+s17+$0x0] =	vst.idx.add.f32.msk $0xffff, v1  }
0xd2: {  	_ =	sdelay $0x3  }
0xd3: {  	v9 =	vmul.f32 $1.275000000e+02, v9;
	v11 =	vtrunc.f32 v11;
	[tilespmem:v7+s18+$0x0] =	vst.idx.add.f32.msk $0xffff, v1;
	s25 =	sshra.s32 s25, $0x2  }
0xd4: {  	v10 =	vmin.f32 v10, $2.550000000e+02;
	v4 =	vtrunc.f32 v4;
	v5 =	vtrunc.f32 v5;
	v53 =	vld [tilespmem:s25+$0x1C0]  }
0xd5: {  	v3 =	vmax.f32 v3, $0.0e+00;
	v6 =	vcvt.f32.s32 v6;
	v50 =	vmax.f32 v8, $0.0e+00;
	v12 =	vld [tilespmem:s25+$0x1A0]  }
0xd6: {  	v51 =	vtrunc.f32 v10;
	v52 =	vcvt.f32.s32 v11;
	v13 =	vld [tilespmem:s25+$0x190];
	v3 =	vmin.f32 v3, $2.550000000e+02  }
0xd7: {  	v14 =	vld [tilespmem:s25+$0x180];
	v5 =	vcvt.f32.s32 v5;
	v4 =	vcvt.f32.s32 v4;
	v9 =	vmax.f32 v9, $0.0e+00  }
0xd8: {  	v15 =	vld [tilespmem:s25+$0x1B0];
	v7 =	vmin.f32 v50, $2.550000000e+02;
	v3 =	vtrunc.f32 v3;
	v8 =	vcvt.f32.s32 v51  }
0xd9: {  	v16 =	vld [tilespmem:s25+$0x1D0];
	v6 =	vadd.s32 v2, v6;
	v9 =	vmin.f32 v9, $2.550000000e+02;
	v7 =	vtrunc.f32 v7  }
0xda: {  	v17 =	vld [tilespmem:s25+$0x1E0];
	v3 =	vcvt.f32.s32 v3;
	v5 =	vadd.s32 v2, v5;
	v4 =	vadd.s32 v2, v4  }
0xdb: {  	v18 =	vld [tilespmem:s25+$0x1F0];
	v10 =	vadd.s32 v2, v52;
	v9 =	vtrunc.f32 v9;
	v7 =	vcvt.f32.s32 v7  }
0xdc: {  	v8 =	vadd.s32 v2, v8;
	v14 =	vadd.f32 $1.000000000e+00, v14;
	v13 =	vadd.f32 $1.000000000e+00, v13  }
0xdd: {  	v9 =	vcvt.f32.s32 v9;
	v12 =	vadd.f32 $1.000000000e+00, v12;
	v15 =	vadd.f32 $1.000000000e+00, v15  }
0xde: {  	v3 =	vadd.s32 v2, v3;
	v11 =	vadd.f32 $1.000000000e+00, v53;
	v16 =	vadd.f32 $1.000000000e+00, v16  }
0xdf: {  	v17 =	vadd.f32 $1.000000000e+00, v17;
	v14 =	vmul.f32 $1.275000000e+02, v14;
	v13 =	vmul.f32 $1.275000000e+02, v13  }
0xe0: {  	v18 =	vadd.f32 $1.000000000e+00, v18;
	v12 =	vmul.f32 $1.275000000e+02, v12;
	v15 =	vmul.f32 $1.275000000e+02, v15  }
0xe1: {  	v7 =	vadd.s32 v2, v7;
	v11 =	vmul.f32 $1.275000000e+02, v11;
	v16 =	vmul.f32 $1.275000000e+02, v16  }
0xe2: {  	v9 =	vadd.s32 v2, v9;
	v17 =	vmul.f32 $1.275000000e+02, v17;
	v18 =	vmul.f32 $1.275000000e+02, v18  }
0xe3: {  	v14 =	vmax.f32 v14, $0.0e+00;
	v13 =	vmax.f32 v13, $0.0e+00;
	v12 =	vmax.f32 v12, $0.0e+00  }
0xe4: {  	v15 =	vmax.f32 v15, $0.0e+00;
	v11 =	vmax.f32 v11, $0.0e+00;
	v16 =	vmax.f32 v16, $0.0e+00  }
0xe5: {  	v17 =	vmax.f32 v17, $0.0e+00;
	v18 =	vmax.f32 v18, $0.0e+00;
	v14 =	vmin.f32 v14, $2.550000000e+02  }
0xe6: {  	v13 =	vmin.f32 v13, $2.550000000e+02;
	v12 =	vmin.f32 v12, $2.550000000e+02;
	v15 =	vmin.f32 v15, $2.550000000e+02  }
0xe7: {  	v54 =	vmin.f32 v11, $2.550000000e+02;
	v55 =	vmin.f32 v16, $2.550000000e+02;
	[tilespmem:v9+s11+$0x0] =	vst.idx.add.f32.msk $0xffff, v1;
	v14 =	vtrunc.f32 v14  }
0xe8: {  	v56 =	vmin.f32 v17, $2.550000000e+02;
	v13 =	vtrunc.f32 v13;
	[tilespmem:v5+s12+$0x0] =	vst.idx.add.f32.msk $0xffff, v1;
	v14 =	vcvt.f32.s32 v14  }
0xe9: {  	v57 =	vmin.f32 v18, $2.550000000e+02;
	v12 =	vtrunc.f32 v12;
	v13 =	vcvt.f32.s32 v13;
	[tilespmem:v6+s13+$0x0] =	vst.idx.add.f32.msk $0xffff, v1  }
0xea: {  	v59 =	vtrunc.f32 v15;
	v58 =	vcvt.f32.s32 v12;
	[tilespmem:v8+s14+$0x0] =	vst.idx.add.f32.msk $0xffff, v1;
	v14 =	vadd.s32 v2, v14  }
0xeb: {  	v9 =	vtrunc.f32 v54;
	v60 =	vcvt.f32.s32 v59;
	v61 =	vadd.s32 v2, v13;
	[tilespmem:v4+s15+$0x0] =	vst.idx.add.f32.msk $0xffff, v1  }
0xec: {  	v62 =	vtrunc.f32 v55;
	v8 =	vadd.s32 v2, v58;
	[tilespmem:v3+s16+$0x0] =	vst.idx.add.f32.msk $0xffff, v1;
	v3 =	vcvt.f32.s32 v9  }
0xed: {  	v5 =	vtrunc.f32 v56;
	v4 =	vadd.s32 v2, v60;
	v9 =	vcvt.f32.s32 v62;
	[tilespmem:v10+s17+$0x0] =	vst.idx.add.f32.msk $0xffff, v1  }
0xee: {  	s25 =	simm.s32 $0x8000;
	v5 =	vcvt.f32.s32 v5;
	v6 =	vtrunc.f32 v57;
	[tilespmem:v7+s18+$0x0] =	vst.idx.add.f32.msk $0xffff, v1;
	v3 =	vadd.s32 v2, v3  }
0xef: {  	v6 =	vcvt.f32.s32 v6;
	v63 =	vadd.s32 v2, v9;
	[tilespmem:v14+s25+$0x0] =	vst.idx.add.f32.msk $0xffff, v1  }
0xf0: {  	v5 =	vadd.s32 v2, v5;
	[tilespmem:v61+s12+$0x0] =	vst.idx.add.f32.msk $0xffff, v1  }
0xf1: {  	v6 =	vadd.s32 v2, v6;
	[tilespmem:v8+s13+$0x0] =	vst.idx.add.f32.msk $0xffff, v1  }
.Ltmp7:
0xf2: {  	[tilespmem:v4+s14+$0x0] =	vst.idx.add.f32.msk $0xffff, v1;
	(pc) =	sbr.rel @p0 .LBB2_17-.Ltmp7, $4  }
0xf3: {  	[tilespmem:v3+s15+$0x0] =	vst.idx.add.f32.msk $0xffff, v1  }
0xf4: {  	[tilespmem:v63+s16+$0x0] =	vst.idx.add.f32.msk $0xffff, v1  }
0xf5: {  	[tilespmem:v5+s17+$0x0] =	vst.idx.add.f32.msk $0xffff, v1  }
0xf6: {  	[tilespmem:v6+s18+$0x0] =	vst.idx.add.f32.msk $0xffff, v1  }
0xf7: {  	s24 =	sadd.s32 s24, s7  }
0xf8: {  	s24 =	sshrl.u32 s24, $0x3  }
0xf9: {  	s25 =	simm.s32 $0x80;
	s24 =	sadd.s32 s2, s24  }
0xfa: {  	s26 =	simm.s32 $0x10;
	s28 =	simm.s32 $0x180;
	s29 =	sadd.s32 $0x0, s24  }
.LBB2_22:
0xfb: {  	[tilespmem:s25], [sflag:$0x2] =	stream.linear.gather [hbm4b:s29+s3], $0x80, $0x38;
	[tilespmem:$0x10100] =	vst v63  }
0xfc: {  	s29 =	smov.u32 s26;
	s25 =	smov.u32 s28;
	p0 =	sne.s32 s26, $0x7F0  }
.Ltmp8:
0xfd: {  	s26 =	sadd.s32 $0x10, s26;
	(pc) =	sbr.rel @p0 .LBB2_22-.Ltmp8, $2  }
0xfe: {  	_ =	sdelay $0x2  }
0xff: {  	s28 =	sadd.s32 $0x100, s28;
	s29 =	sadd.s32 s29, s24  }
.Ltmp9:
0x100: {  	(pc) =	sbr.rel .LBB2_8-.Ltmp9, $3  }
0x101: {  	_ =	sdelay $0x1  }
0x102: {  	[tilespmem:s25], [sflag:$0x2] =	stream.linear.gather [hbm4b:s29+s3], $0x80, $0x38;
	[tilespmem:$0x10100] =	vst v63  }
0x103: {  	s23 =	sadd.s32 $0x1, s23  }
.LBB2_17:
0x104: {  	s24 =	simm.s32 $0x0  }
0x105: {  	s24 =	sand.u32 $0xF0, s24  }
0x106: {  	v21 =	vld [tilespmem:s24+$0xE700]  }
0x107: {  	v3 =	vld [tilespmem:s24+$0xEE00]  }
0x108: {  	v25 =	vld [tilespmem:s24+$0xDF00]  }
0x109: {  	v23 =	vld [tilespmem:s24+$0xE600]  }
0x10a: {  	v26 =	vld [tilespmem:s24+$0xD700]  }
0x10b: {  	v27 =	vld [tilespmem:s24+$0xDE00]  }
0x10c: {  	v24 =	vld [tilespmem:s24+$0xE500]  }
0x10d: {  	v28 =	vld [tilespmem:s24+$0xCF00]  }
0x10e: {  	v29 =	vld [tilespmem:s24+$0xD600]  }
0x10f: {  	v30 =	vld [tilespmem:s24+$0xDD00]  }
0x110: {  	v22 =	vld [tilespmem:s24+$0xE400]  }
0x111: {  	v31 =	vld [tilespmem:s24+$0xC700]  }
0x112: {  	v32 =	vld [tilespmem:s24+$0xCE00]  }
0x113: {  	v33 =	vld [tilespmem:s24+$0xD500]  }
0x114: {  	v34 =	vld [tilespmem:s24+$0xDC00]  }
0x115: {  	v9 =	vld [tilespmem:s24+$0xE300]  }
0x116: {  	v10 =	vld [tilespmem:s24+$0xEA00]  }
0x117: {  	v35 =	vld [tilespmem:s24+$0xBF00]  }
0x118: {  	v36 =	vld [tilespmem:s24+$0xC600]  }
0x119: {  	v37 =	vld [tilespmem:s24+$0xCD00]  }
0x11a: {  	v38 =	vld [tilespmem:s24+$0xD400]  }
0x11b: {  	v11 =	vld [tilespmem:s24+$0xDB00]  }
0x11c: {  	v12 =	vld [tilespmem:s24+$0xE200]  }
0x11d: {  	v39 =	vld [tilespmem:s24+$0xB700]  }
0x11e: {  	v40 =	vld [tilespmem:s24+$0xBE00]  }
0x11f: {  	v41 =	vld [tilespmem:s24+$0xC500]  }
0x120: {  	v42 =	vld [tilespmem:s24+$0xCC00]  }
0x121: {  	v43 =	vld [tilespmem:s24+$0xAF00]  }
0x122: {  	v44 =	vld [tilespmem:s24+$0xB600]  }
0x123: {  	v45 =	vld [tilespmem:s24+$0xBD00]  }
0x124: {  	v46 =	vld [tilespmem:s24+$0xC400]  }
0x125: {  	v47 =	vld [tilespmem:s24+$0xA700]  }
0x126: {  	v48 =	vld [tilespmem:s24+$0xAE00]  }
0x127: {  	v49 =	vld [tilespmem:s24+$0xB500]  }
0x128: {  	[tilespmem:$0x1FFA0] =	vst v3;
	v3 =	vld [tilespmem:s24+$0xED00]  }
0x129: {  	v50 =	vld [tilespmem:s24+$0xBC00]  }
0x12a: {  	v51 =	vld [tilespmem:s24+$0x9F00]  }
0x12b: {  	v61 =	vld [tilespmem:s24+$0x8700]  }
0x12c: {  	v59 =	vld [tilespmem:s24+$0x8F00]  }
0x12d: {  	[tilespmem:$0x1FF90] =	vst v3;
	v3 =	vld [tilespmem:s24+$0xEC00]  }
0x12e: {  	v52 =	vld [tilespmem:s24+$0xA600]  }
0x12f: {  	v55 =	vld [tilespmem:s24+$0x9700]  }
0x130: {  	v53 =	vld [tilespmem:s24+$0xAD00];
	v61 =	vadd.f32 $0.0e+00, v61  }
0x131: {  	v54 =	vld [tilespmem:s24+$0xB400]  }
0x132: {  	v59 =	vadd.f32 v59, v61;
	[tilespmem:$0x1FF80] =	vst v3;
	v3 =	vld [tilespmem:s24+$0xEB00]  }
0x133: {  	v19 =	vld [tilespmem:s24+$0xBB00]  }
0x134: {  	v20 =	vld [tilespmem:s24+$0xC200];
	v55 =	vadd.f32 v55, v59  }
0x135: {  	v56 =	vld [tilespmem:s24+$0x9E00]  }
0x136: {  	v57 =	vld [tilespmem:s24+$0xA500];
	v51 =	vadd.f32 v51, v55  }
0x137: {  	[tilespmem:$0x1FF60] =	vst v3;
	v3 =	vld [tilespmem:s24+$0xF200]  }
0x138: {  	v58 =	vld [tilespmem:s24+$0xAC00];
	v47 =	vadd.f32 v47, v51  }
0x139: {  	v60 =	vld [tilespmem:s24+$0x9600]  }
0x13a: {  	v62 =	vld [tilespmem:s24+$0x8E00];
	v43 =	vadd.f32 v43, v47  }
0x13b: {  	v63 =	vld [tilespmem:s24+$0x8600]  }
0x13c: {  	v39 =	vadd.f32 v39, v43;
	[tilespmem:$0x1FF70] =	vst v3;
	v3 =	vld [tilespmem:s24+$0x8500]  }
0x13d: {  	v4 =	vld [tilespmem:s24+$0x8D00]  }
0x13e: {  	v5 =	vld [tilespmem:s24+$0x8400];
	v35 =	vadd.f32 v35, v39  }
0x13f: {  	v7 =	vld [tilespmem:s24+$0x9500]  }
0x140: {  	v6 =	vld [tilespmem:s24+$0x8C00];
	v63 =	vadd.f32 $0.0e+00, v63;
	v31 =	vadd.f32 v31, v35  }
0x141: {  	v8 =	vld [tilespmem:s24+$0x9D00];
	v3 =	vadd.f32 $0.0e+00, v3  }
0x142: {  	v62 =	vadd.f32 v62, v63;
	v61 =	vld [tilespmem:s24+$0x9400];
	v28 =	vadd.f32 v28, v31  }
0x143: {  	v63 =	vld [tilespmem:s24+$0xA400];
	v3 =	vadd.f32 v4, v3;
	v4 =	vadd.f32 $0.0e+00, v5  }
0x144: {  	v60 =	vadd.f32 v60, v62;
	v62 =	vld [tilespmem:s24+$0x9C00];
	v26 =	vadd.f32 v26, v28  }
0x145: {  	v28 =	vld [tilespmem:s24+$0x8100];
	v4 =	vadd.f32 v6, v4  }
0x146: {  	v59 =	vld [tilespmem:s25+$0x0];
	v25 =	vadd.f32 v25, v26;
	v3 =	vadd.f32 v7, v3  }
0x147: {  	v55 =	vld [tilespmem:s24+$0x9200];
	v7 =	vadd.f32 v56, v60;
	v4 =	vadd.f32 v61, v4  }
0x148: {  	v51 =	vld [tilespmem:s24+$0xB200];
	v21 =	vadd.f32 v21, v25;
	v3 =	vadd.f32 v8, v3  }
0x149: {  	v31 =	vld [tilespmem:s24+$0x8200];
	v7 =	vadd.f32 v52, v7;
	v4 =	vadd.f32 v62, v4  }
0x14a: {  	v26 =	vld [tilespmem:s24+$0x8900];
	v25 =	vadd.f32 $0.0e+00, v28;
	v3 =	vadd.f32 v57, v3  }
0x14b: {  	v28 =	vld [tilespmem:s24+$0x9800];
	v7 =	vadd.f32 v48, v7;
	v4 =	vadd.f32 v63, v4  }
0x14c: {  	v5 =	vld [tilespmem:s24+$0xB300];
	v3 =	vadd.f32 v53, v3  }
0x14d: {  	v6 =	vld [tilespmem:s24+$0xBA00];
	v7 =	vadd.f32 v44, v7;
	v4 =	vadd.f32 v58, v4  }
0x14e: {  	v60 =	vld [tilespmem:s24+$0xAA00];
	v3 =	vadd.f32 v49, v3  }
0x14f: {  	v8 =	vld [tilespmem:s24+$0xAB00];
	v7 =	vadd.f32 v40, v7;
	v4 =	vadd.f32 v54, v4  }
0x150: {  	v52 =	vld [tilespmem:s24+$0xA300];
	v3 =	vadd.f32 v45, v3  }
0x151: {  	v61 =	vld [tilespmem:s24+$0x9B00];
	v7 =	vadd.f32 v36, v7;
	v4 =	vadd.f32 v50, v4  }
0x152: {  	v62 =	vld [tilespmem:s24+$0xA200];
	v3 =	vadd.f32 v41, v3  }
0x153: {  	v57 =	vld [tilespmem:s24+$0x8300];
	v7 =	vadd.f32 v32, v7;
	v4 =	vadd.f32 v46, v4  }
0x154: {  	v63 =	vld [tilespmem:s24+$0x9300];
	v3 =	vadd.f32 v37, v3  }
0x155: {  	v53 =	vld [tilespmem:s24+$0x8B00];
	v7 =	vadd.f32 v29, v7;
	v4 =	vadd.f32 v42, v4  }
0x156: {  	v58 =	vld [tilespmem:s24+$0x8A00];
	v3 =	vadd.f32 v33, v3  }
0x157: {  	v29 =	vld [tilespmem:s24+$0x8800];
	v7 =	vadd.f32 v27, v7;
	v4 =	vadd.f32 v38, v4  }
0x158: {  	v27 =	vld [tilespmem:s24+$0x9000];
	v3 =	vadd.f32 v30, v3  }
0x159: {  	v7 =	vadd.f32 v23, v7;
	v23 =	vld [tilespmem:s24+$0x9100];
	v4 =	vadd.f32 v34, v4  }
0x15a: {  	v49 =	vld [tilespmem:s24+$0x9A00];
	v3 =	vadd.f32 v24, v3;
	v24 =	vadd.f32 $0.0e+00, v59  }
0x15b: {  	v30 =	vadd.f32 $0.0e+00, v31;
	v31 =	vld [tilespmem:s24+$0x9900];
	v4 =	vadd.f32 v22, v4  }
0x15c: {  	v22 =	vadd.f32 v29, v24;
	v24 =	vadd.f32 v26, v25;
	v25 =	vld [tilespmem:s24+$0xA000]  }
0x15d: {  	v26 =	vadd.f32 $0.0e+00, v57;
	v29 =	vadd.f32 v58, v30;
	v30 =	vld [tilespmem:s24+$0xA100]  }
0x15e: {  	v22 =	vadd.f32 v27, v22;
	v23 =	vadd.f32 v23, v24;
	v24 =	vld [tilespmem:s24+$0xA800]  }
0x15f: {  	v26 =	vadd.f32 v53, v26;
	v27 =	vadd.f32 v55, v29;
	v29 =	vld [tilespmem:s24+$0xA900]  }
0x160: {  	v22 =	vadd.f32 v28, v22;
	v23 =	vadd.f32 v31, v23;
	v28 =	vld [tilespmem:s24+$0xB000]  }
0x161: {  	v26 =	vadd.f32 v63, v26;
	v27 =	vadd.f32 v49, v27;
	v31 =	vld [tilespmem:s24+$0xB100]  }
0x162: {  	v22 =	vadd.f32 v25, v22;
	v23 =	vadd.f32 v30, v23;
	v25 =	vld [tilespmem:s24+$0xB800]  }
0x163: {  	v26 =	vadd.f32 v61, v26;
	v27 =	vadd.f32 v62, v27;
	v30 =	vld [tilespmem:s24+$0xB900]  }
0x164: {  	v22 =	vadd.f32 v24, v22;
	v23 =	vadd.f32 v29, v23;
	v24 =	vld [tilespmem:s24+$0xC000]  }
0x165: {  	v26 =	vadd.f32 v52, v26;
	v27 =	vadd.f32 v60, v27;
	v29 =	vld [tilespmem:s24+$0xC100]  }
0x166: {  	v22 =	vadd.f32 v28, v22;
	v23 =	vadd.f32 v31, v23;
	v28 =	vld [tilespmem:s24+$0xC800]  }
0x167: {  	v8 =	vadd.f32 v8, v26;
	v26 =	vadd.f32 v51, v27;
	v27 =	vld [tilespmem:s24+$0xC900]  }
0x168: {  	v17 =	vld [tilespmem:s24+$0xC300];
	v22 =	vadd.f32 v25, v22;
	v23 =	vadd.f32 v30, v23  }
0x169: {  	v5 =	vadd.f32 v5, v8;
	v6 =	vadd.f32 v6, v26;
	v8 =	vld [tilespmem:s24+$0xD100]  }
0x16a: {  	v15 =	vld [tilespmem:s24+$0xCB00];
	v22 =	vadd.f32 v24, v22;
	v23 =	vadd.f32 v29, v23  }
0x16b: {  	v5 =	vadd.f32 v19, v5;
	v6 =	vadd.f32 v20, v6;
	v19 =	vld [tilespmem:s24+$0xD900]  }
0x16c: {  	v13 =	vld [tilespmem:s24+$0xD300];
	v20 =	vadd.f32 v28, v22;
	v22 =	vadd.f32 v27, v23  }
0x16d: {  	v5 =	vadd.f32 v17, v5;
	v17 =	vld [tilespmem:s24+$0xE100]  }
0x16e: {  	v18 =	vld [tilespmem:s24+$0xCA00];
	v8 =	vadd.f32 v8, v22  }
0x16f: {  	v5 =	vadd.f32 v15, v5;
	v15 =	vld [tilespmem:s24+$0xE900]  }
0x170: {  	v25 =	vld [tilespmem:s24+$0xD000];
	v8 =	vadd.f32 v19, v8  }
0x171: {  	v5 =	vadd.f32 v13, v5;
	v13 =	vld [tilespmem:s24+$0xF100]  }
0x172: {  	v16 =	vld [tilespmem:s24+$0xD200];
	v8 =	vadd.f32 v17, v8  }
0x173: {  	v24 =	vld [tilespmem:s24+$0xD800]  }
0x174: {  	v14 =	vld [tilespmem:s24+$0xDA00];
	v8 =	vadd.f32 v15, v8  }
0x175: {  	v23 =	vld [tilespmem:s24+$0xE000];
	v6 =	vadd.f32 v18, v6  }
0x176: {  	v18 =	vadd.f32 v25, v20;
	v8 =	vadd.f32 v13, v8;
	v13 =	vld [tilespmem:$0x1FF60]  }
0x177: {  	v20 =	vld [tilespmem:s24+$0xE800];
	v6 =	vadd.f32 v16, v6;
	v5 =	vadd.f32 v11, v5  }
0x178: {  	v16 =	vadd.f32 v24, v18;
	v18 =	vld [tilespmem:s24+$0xF000]  }
0x179: {  	v6 =	vadd.f32 v14, v6;
	v11 =	vld [tilespmem:s24+$0xF900];
	v5 =	vadd.f32 v9, v5  }
0x17a: {  	v14 =	vadd.f32 v23, v16;
	v16 =	vld [tilespmem:s24+$0xF800]  }
0x17b: {  	v6 =	vadd.f32 v12, v6;
	v5 =	vadd.f32 v13, v5;
	v13 =	vld [tilespmem:$0x1FF70]  }
0x17c: {  	v0 =	vld [tilespmem:s24+$0xEF00];
	v12 =	vadd.f32 v20, v14  }
0x17d: {  	v6 =	vadd.f32 v10, v6;
	v9 =	vld [tilespmem:s24+$0xFA00]  }
0x17e: {  	v10 =	vadd.f32 v18, v12;
	v8 =	vadd.f32 v11, v8;
	v11 =	vld [tilespmem:$0x1FF80]  }
0x17f: {  	v14 =	vld [tilespmem:s24+$0xF300]  }
0x180: {  	v12 =	vld [tilespmem:s24+$0xF400];
	v10 =	vadd.f32 v16, v10;
	v6 =	vadd.f32 v13, v6  }
0x181: {  	v13 =	vld [tilespmem:s24+$0xFB00]  }
0x182: {  	v8 =	vadd.f32 v8, v10;
	v6 =	vadd.f32 v9, v6;
	v9 =	vld [tilespmem:$0x1FF90]  }
0x183: {  	v4 =	vadd.f32 v11, v4;
	v11 =	vld [tilespmem:s24+$0xFC00]  }
0x184: {  	v6 =	vadd.f32 v6, v8;
	v8 =	vld [tilespmem:$0x1FFA0]  }
0x185: {  	v15 =	vld [tilespmem:s24+$0xF500];
	v5 =	vadd.f32 v14, v5  }
0x186: {  	v14 =	vld [tilespmem:s24+$0xF600];
	v4 =	vadd.f32 v12, v4  }
0x187: {  	v5 =	vadd.f32 v13, v5;
	v3 =	vadd.f32 v9, v3;
	v9 =	vld [tilespmem:s24+$0xFD00]  }
0x188: {  	v10 =	vld [tilespmem:s24+$0xF700];
	v4 =	vadd.f32 v11, v4  }
0x189: {  	v5 =	vadd.f32 v5, v6;
	v7 =	vadd.f32 v8, v7;
	v8 =	vld [tilespmem:s24+$0xFE00]  }
0x18a: {  	v3 =	vadd.f32 v15, v3  }
0x18b: {  	v11 =	vld [tilespmem:s24+$0xFF00];
	v6 =	vadd.f32 v0, v21;
	v4 =	vadd.f32 v4, v5  }
0x18c: {  	v7 =	vadd.f32 v14, v7;
	v3 =	vadd.f32 v9, v3  }
0x18d: {  	v60 =	vadd.f32 v10, v6  }
0x18e: {  	v6 =	vadd.f32 v8, v7;
	v3 =	vadd.f32 v3, v4;
	_ =	sdelay $0x1  }
0x18f: {  	v61 =	vadd.f32 v11, v60;
	v3 =	vadd.f32 v6, v3;
	_ =	sdelay $0x1  }
0x190: {  	v3 =	vadd.f32 v61, v3  }
0x191: {  	s23 =	simm.s32 $0x10000;
	s31 =	simm.s32 $0x10  }
0x192: {  	s24 =	sand.u32 $0xF0, s31;
	[tilespmem:s23+$0x0] =	vst v3  }
0x193: {  	v0 =	vld [tilespmem:s24+$0xEF00]  }
0x194: {  	v19 =	vld [tilespmem:s24+$0xE700]  }
0x195: {  	v25 =	vld [tilespmem:s24+$0xDF00]  }
0x196: {  	v20 =	vld [tilespmem:s24+$0xE600]  }
0x197: {  	v3 =	vld [tilespmem:s24+$0xD700]  }
0x198: {  	v26 =	vld [tilespmem:s24+$0xDE00]  }
0x199: {  	v21 =	vld [tilespmem:s24+$0xE500]  }
0x19a: {  	v5 =	vld [tilespmem:s24+$0xCF00]  }
0x19b: {  	v4 =	vld [tilespmem:s24+$0xD600]  }
0x19c: {  	v27 =	vld [tilespmem:s24+$0xDD00]  }
0x19d: {  	v22 =	vld [tilespmem:s24+$0xE400]  }
0x19e: {  	v8 =	vld [tilespmem:s24+$0xF200]  }
0x19f: {  	v7 =	vld [tilespmem:s24+$0xC700]  }
0x1a0: {  	v29 =	vld [tilespmem:s24+$0xD500]  }
0x1a1: {  	v28 =	vld [tilespmem:s24+$0xDC00]  }
0x1a2: {  	v9 =	vld [tilespmem:s24+$0xE300]  }
0x1a3: {  	v10 =	vld [tilespmem:s24+$0xEA00]  }
0x1a4: {  	v46 =	vld [tilespmem:s24+$0xBF00]  }
0x1a5: {  	v51 =	vld [tilespmem:s24+$0xC600]  }
0x1a6: {  	v6 =	vld [tilespmem:s24+$0xCD00]  }
0x1a7: {  	v30 =	vld [tilespmem:s24+$0xD400]  }
0x1a8: {  	v11 =	vld [tilespmem:s24+$0xDB00]  }
0x1a9: {  	v12 =	vld [tilespmem:s24+$0xE200]  }
0x1aa: {  	v45 =	vld [tilespmem:s24+$0xB700]  }
0x1ab: {  	v48 =	vld [tilespmem:s24+$0xBE00]  }
0x1ac: {  	v50 =	vld [tilespmem:s24+$0xC500]  }
0x1ad: {  	v33 =	vld [tilespmem:s24+$0xCC00]  }
0x1ae: {  	v13 =	vld [tilespmem:s24+$0xD300]  }
0x1af: {  	v14 =	vld [tilespmem:s24+$0xDA00]  }
0x1b0: {  	v44 =	vld [tilespmem:s24+$0xAF00]  }
0x1b1: {  	v47 =	vld [tilespmem:s24+$0xB600]  }
0x1b2: {  	v52 =	vld [tilespmem:s24+$0xBD00]  }
0x1b3: {  	v53 =	vld [tilespmem:s24+$0xC400]  }
0x1b4: {  	v15 =	vld [tilespmem:s24+$0xCB00]  }
0x1b5: {  	v16 =	vld [tilespmem:s24+$0xD200]  }
0x1b6: {  	v42 =	vld [tilespmem:s24+$0xA700]  }
0x1b7: {  	v43 =	vld [tilespmem:s24+$0xAE00]  }
0x1b8: {  	v49 =	vld [tilespmem:s24+$0xB500]  }
0x1b9: {  	v54 =	vld [tilespmem:s24+$0xBC00]  }
0x1ba: {  	v17 =	vld [tilespmem:s24+$0xC300]  }
0x1bb: {  	v18 =	vld [tilespmem:s24+$0xCA00]  }
0x1bc: {  	v40 =	vld [tilespmem:s24+$0x9F00]  }
0x1bd: {  	v41 =	vld [tilespmem:s24+$0xA600]  }
0x1be: {  	v55 =	vld [tilespmem:s24+$0xAD00]  }
0x1bf: {  	v56 =	vld [tilespmem:s24+$0xB400]  }
0x1c0: {  	v23 =	vld [tilespmem:s24+$0xBB00]  }
0x1c1: {  	v24 =	vld [tilespmem:s24+$0xC200]  }
0x1c2: {  	v39 =	vld [tilespmem:s24+$0x9700]  }
0x1c3: {  	v57 =	vld [tilespmem:s24+$0x9E00]  }
0x1c4: {  	v58 =	vld [tilespmem:s24+$0xA500]  }
0x1c5: {  	v59 =	vld [tilespmem:s24+$0xAC00]  }
0x1c6: {  	v36 =	vld [tilespmem:s24+$0x8F00]  }
0x1c7: {  	v60 =	vld [tilespmem:s24+$0x9600]  }
0x1c8: {  	v61 =	vld [tilespmem:s24+$0x8700]  }
0x1c9: {  	v62 =	vld [tilespmem:s24+$0x8E00]  }
0x1ca: {  	v63 =	vld [tilespmem:s24+$0x8600]  }
0x1cb: {  	v31 =	vld [tilespmem:s24+$0x8500]  }
0x1cc: {  	v32 =	vld [tilespmem:s24+$0x8D00]  }
0x1cd: {  	[tilespmem:$0x1FFB0] =	vst v0;
	v0 =	vld [tilespmem:s24+$0xEE00]  }
0x1ce: {  	v34 =	vld [tilespmem:s24+$0x8400]  }
0x1cf: {  	v37 =	vld [tilespmem:s24+$0x9500]  }
0x1d0: {  	v35 =	vld [tilespmem:s24+$0x8C00]  }
0x1d1: {  	v38 =	vld [tilespmem:s24+$0x9D00];
	v61 =	vadd.f32 $0.0e+00, v61  }
0x1d2: {  	v31 =	vadd.f32 $0.0e+00, v31;
	[tilespmem:$0x1FFC0] =	vst v0;
	v0 =	vld [tilespmem:s24+$0xED00]  }
0x1d3: {  	v63 =	vadd.f32 $0.0e+00, v63;
	v36 =	vadd.f32 v36, v61;
	v61 =	vld [tilespmem:s24+$0x9400]  }
0x1d4: {  	v34 =	vadd.f32 $0.0e+00, v34;
	v32 =	vadd.f32 v32, v31;
	v31 =	vld [tilespmem:s24+$0xB300]  }
0x1d5: {  	v62 =	vadd.f32 v62, v63;
	v36 =	vadd.f32 v39, v36;
	v39 =	vld [tilespmem:s24+$0x9C00]  }
0x1d6: {  	v34 =	vadd.f32 v35, v34;
	v35 =	vadd.f32 v37, v32;
	v32 =	vld [tilespmem:s24+$0xBA00]  }
0x1d7: {  	[tilespmem:$0x1FFD0] =	vst v0;
	v0 =	vld [tilespmem:s24+$0xEC00]  }
0x1d8: {  	v60 =	vadd.f32 v60, v62;
	v36 =	vadd.f32 v40, v36;
	v40 =	vld [tilespmem:s24+$0xA400]  }
0x1d9: {  	v38 =	vadd.f32 v38, v35;
	v35 =	vld [tilespmem:s24+$0xB200]  }
0x1da: {  	v62 =	vadd.f32 v57, v60;
	v63 =	vadd.f32 v61, v34;
	v34 =	vld [tilespmem:s24+$0xAB00]  }
0x1db: {  	v60 =	vadd.f32 v42, v36;
	v36 =	vld [tilespmem:s24+$0xA300]  }
0x1dc: {  	v37 =	vadd.f32 v41, v62;
	[tilespmem:$0x1FFE0] =	vst v0;
	v0 =	vld [tilespmem:s24+$0xEB00]  }
0x1dd: {  	v61 =	vadd.f32 v58, v38;
	v38 =	vld [tilespmem:s24+$0xAA00];
	v39 =	vadd.f32 v39, v63  }
0x1de: {  	v41 =	vld [tilespmem:s24+$0x9B00];
	v37 =	vadd.f32 v43, v37;
	v62 =	vadd.f32 v44, v60  }
0x1df: {  	v42 =	vld [tilespmem:s24+$0xA200];
	v63 =	vadd.f32 v55, v61;
	v39 =	vadd.f32 v40, v39  }
0x1e0: {  	v44 =	vld [tilespmem:s24+$0x8300];
	v37 =	vadd.f32 v47, v37;
	v43 =	vadd.f32 v45, v62  }
0x1e1: {  	v40 =	vadd.f32 v49, v63;
	v39 =	vadd.f32 v59, v39;
	[tilespmem:$0x1FFF0] =	vst v0;
	v0 =	vld [tilespmem:s24+$0xCE00]  }
0x1e2: {  	v47 =	vld [tilespmem:s24+$0x9300];
	v37 =	vadd.f32 v48, v37;
	v43 =	vadd.f32 v46, v43  }
0x1e3: {  	v49 =	vld [tilespmem:s24+$0x9A00];
	v40 =	vadd.f32 v52, v40;
	v39 =	vadd.f32 v56, v39  }
0x1e4: {  	v48 =	vld [tilespmem:s24+$0x8B00];
	v37 =	vadd.f32 v51, v37;
	v43 =	vadd.f32 v7, v43  }
0x1e5: {  	v52 =	vld [tilespmem:s24+$0x9200];
	v40 =	vadd.f32 v50, v40;
	v39 =	vadd.f32 v54, v39  }
0x1e6: {  	v46 =	vld [tilespmem:s24+$0x8A00];
	v43 =	vadd.f32 v5, v43;
	v37 =	vadd.f32 v0, v37  }
0x1e7: {  	s25 =	simm.s32 $0x8010;
	v45 =	vadd.f32 v6, v40;
	v40 =	vld [tilespmem:s24+$0x8200];
	v50 =	vadd.f32 v53, v39  }
0x1e8: {  	s26 =	simm.s32 $0x20;
	v39 =	vadd.f32 v4, v37;
	v37 =	vadd.f32 v3, v43;
	v43 =	vld [tilespmem:s25+$0x0]  }
.LBB2_18:
0x1e9: {  	v33 =	vadd.f32 v33, v50  }
0x1ea: {  	v29 =	vadd.f32 v29, v45  }
0x1eb: {  	v5 =	vld [tilespmem:s24+$0x8800];
	v26 =	vadd.f32 v26, v39;
	v30 =	vadd.f32 v30, v33  }
0x1ec: {  	v27 =	vadd.f32 v27, v29  }
0x1ed: {  	v29 =	vld [tilespmem:s24+$0x9000];
	v20 =	vadd.f32 v20, v26;
	v26 =	vadd.f32 v28, v30  }
0x1ee: {  	v21 =	vadd.f32 v21, v27;
	v27 =	vadd.f32 $0.0e+00, v43  }
0x1ef: {  	v54 =	vadd.f32 $0.0e+00, v44  }
0x1f0: {  	v51 =	vld [tilespmem:s24+$0x8100];
	v22 =	vadd.f32 v22, v26;
	v26 =	vadd.f32 v5, v27  }
0x1f1: {  	v53 =	vld [tilespmem:s24+$0x9900];
	v25 =	vadd.f32 v25, v37  }
0x1f2: {  	v50 =	vld [tilespmem:s24+$0x8900];
	v26 =	vadd.f32 v29, v26;
	v29 =	vadd.f32 v48, v54  }
0x1f3: {  	v55 =	vld [tilespmem:s24+$0xA100]  }
0x1f4: {  	v19 =	vadd.f32 v19, v25;
	v25 =	vld [tilespmem:s24+$0x9100];
	v29 =	vadd.f32 v47, v29  }
0x1f5: {  	v28 =	vadd.f32 $0.0e+00, v51;
	v30 =	vld [tilespmem:s24+$0x9800];
	v51 =	vadd.f32 $0.0e+00, v40  }
0x1f6: {  	v56 =	vld [tilespmem:s24+$0xA900];
	v29 =	vadd.f32 v41, v29  }
0x1f7: {  	v27 =	vadd.f32 v50, v28;
	v28 =	vld [tilespmem:s24+$0xA000];
	v33 =	vadd.f32 v46, v51  }
0x1f8: {  	v57 =	vld [tilespmem:s24+$0xB100];
	v29 =	vadd.f32 v36, v29  }
0x1f9: {  	v25 =	vadd.f32 v25, v27;
	v27 =	vld [tilespmem:s24+$0xA800];
	v33 =	vadd.f32 v52, v33  }
0x1fa: {  	v58 =	vld [tilespmem:s24+$0xB900];
	v26 =	vadd.f32 v30, v26;
	v29 =	vadd.f32 v34, v29  }
0x1fb: {  	v25 =	vadd.f32 v53, v25;
	v30 =	vld [tilespmem:s24+$0xB000];
	v33 =	vadd.f32 v49, v33  }
0x1fc: {  	v59 =	vld [tilespmem:s24+$0xC100];
	v26 =	vadd.f32 v28, v26;
	v29 =	vadd.f32 v31, v29  }
0x1fd: {  	v25 =	vadd.f32 v55, v25;
	v28 =	vld [tilespmem:s24+$0xB800];
	v33 =	vadd.f32 v42, v33  }
0x1fe: {  	v60 =	vld [tilespmem:s24+$0xC900];
	v26 =	vadd.f32 v27, v26;
	v23 =	vadd.f32 v23, v29  }
0x1ff: {  	v25 =	vadd.f32 v56, v25;
	v27 =	vld [tilespmem:s24+$0xC000];
	v33 =	vadd.f32 v38, v33  }
0x200: {  	v61 =	vld [tilespmem:s24+$0xD100];
	v26 =	vadd.f32 v30, v26;
	v17 =	vadd.f32 v17, v23  }
0x201: {  	v25 =	vadd.f32 v57, v25;
	v30 =	vld [tilespmem:s24+$0xC800];
	v33 =	vadd.f32 v35, v33  }
0x202: {  	v0 =	vld [tilespmem:$0x1FFF0];
	v26 =	vadd.f32 v28, v26;
	v15 =	vadd.f32 v15, v17  }
0x203: {  	v25 =	vadd.f32 v58, v25;
	v28 =	vld [tilespmem:s24+$0xD000];
	v31 =	vadd.f32 v32, v33  }
0x204: {  	v26 =	vadd.f32 v27, v26;
	v27 =	vld [tilespmem:s24+$0xD800];
	v13 =	vadd.f32 v13, v15  }
0x205: {  	v25 =	vadd.f32 v59, v25;
	v24 =	vadd.f32 v24, v31;
	v29 =	vld [tilespmem:s24+$0xD900]  }
0x206: {  	v26 =	vadd.f32 v30, v26;
	v30 =	vld [tilespmem:s24+$0xE000];
	v11 =	vadd.f32 v11, v13  }
0x207: {  	v25 =	vadd.f32 v60, v25;
	v18 =	vadd.f32 v18, v24;
	v23 =	vld [tilespmem:s24+$0xE100]  }
0x208: {  	v24 =	vadd.f32 v28, v26;
	v26 =	vld [tilespmem:s24+$0xE800];
	v9 =	vadd.f32 v9, v11  }
0x209: {  	v25 =	vadd.f32 v61, v25;
	v17 =	vld [tilespmem:s24+$0xE900]  }
0x20a: {  	v16 =	vadd.f32 v16, v18;
	v7 =	vadd.f32 v0, v9;
	v0 =	vld [tilespmem:$0x1FFE0]  }
0x20b: {  	v18 =	vadd.f32 v27, v24;
	v24 =	vadd.f32 v29, v25;
	v25 =	vld [tilespmem:s24+$0xF000]  }
0x20c: {  	v14 =	vadd.f32 v14, v16;
	v15 =	vld [tilespmem:s24+$0xF100]  }
0x20d: {  	v16 =	vadd.f32 v30, v18;
	v18 =	vadd.f32 v23, v24;
	v23 =	vld [tilespmem:s24+$0xF800]  }
0x20e: {  	v12 =	vadd.f32 v12, v14;
	v13 =	vld [tilespmem:s24+$0xF900]  }
0x20f: {  	v14 =	vadd.f32 v26, v16;
	v6 =	vadd.f32 v0, v22;
	v0 =	vld [tilespmem:$0x1FFD0]  }
0x210: {  	v16 =	vadd.f32 v17, v18;
	v17 =	vld [tilespmem:s24+$0xF300]  }
0x211: {  	v10 =	vadd.f32 v10, v12;
	v11 =	vld [tilespmem:s24+$0xFA00];
	v12 =	vadd.f32 v25, v14  }
0x212: {  	v14 =	vadd.f32 v15, v16;
	v15 =	vld [tilespmem:s24+$0xF400]  }
0x213: {  	v8 =	vadd.f32 v8, v10;
	v9 =	vld [tilespmem:s24+$0xFB00];
	v12 =	vadd.f32 v23, v12  }
0x214: {  	v13 =	vadd.f32 v13, v14;
	v5 =	vadd.f32 v0, v21;
	v0 =	vld [tilespmem:$0x1FFC0]  }
0x215: {  	v10 =	vld [tilespmem:s24+$0xF500];
	v7 =	vadd.f32 v17, v7  }
0x216: {  	v14 =	vld [tilespmem:s24+$0xFC00];
	v8 =	vadd.f32 v11, v8;
	v11 =	vadd.f32 v13, v12  }
0x217: {  	v16 =	vld [tilespmem:s24+$0xF600]  }
0x218: {  	v12 =	vld [tilespmem:s24+$0xFD00];
	v7 =	vadd.f32 v9, v7;
	v8 =	vadd.f32 v8, v11  }
0x219: {  	v6 =	vadd.f32 v15, v6;
	v4 =	vadd.f32 v0, v20;
	v0 =	vld [tilespmem:$0x1FFB0]  }
0x21a: {  	v13 =	vld [tilespmem:s24+$0xF700];
	v7 =	vadd.f32 v7, v8  }
0x21b: {  	v9 =	vld [tilespmem:s24+$0xFE00];
	v6 =	vadd.f32 v14, v6;
	v5 =	vadd.f32 v10, v5;
	_ =	sdelay $0x1  }
0x21c: {  	v8 =	vld [tilespmem:s24+$0xFF00];
	v6 =	vadd.f32 v6, v7;
	v5 =	vadd.f32 v12, v5  }
0x21d: {  	v4 =	vadd.f32 v16, v4;
	v3 =	vadd.f32 v0, v19  }
0x21e: {  	v5 =	vadd.f32 v5, v6  }
0x21f: {  	v4 =	vadd.f32 v9, v4;
	v3 =	vadd.f32 v13, v3;
	_ =	sdelay $0x1  }
0x220: {  	v4 =	vadd.f32 v4, v5;
	v3 =	vadd.f32 v8, v3;
	_ =	sdelay $0x1  }
0x221: {  	v3 =	vadd.f32 v3, v4  }
0x222: {  	s23 =	sadd.s32 $0x10, s23  }
0x223: {  	s24 =	sand.u32 $0xF0, s26;
	[tilespmem:s23+$0x0] =	vst v3  }
0x224: {  	v0 =	vld [tilespmem:s24+$0xEF00]  }
0x225: {  	v19 =	vld [tilespmem:s24+$0xE700]  }
0x226: {  	v25 =	vld [tilespmem:s24+$0xDF00]  }
0x227: {  	v20 =	vld [tilespmem:s24+$0xE600]  }
0x228: {  	v37 =	vld [tilespmem:s24+$0xD700]  }
0x229: {  	v26 =	vld [tilespmem:s24+$0xDE00]  }
0x22a: {  	v21 =	vld [tilespmem:s24+$0xE500]  }
0x22b: {  	v40 =	vld [tilespmem:s24+$0xCF00]  }
0x22c: {  	v39 =	vld [tilespmem:s24+$0xD600]  }
0x22d: {  	v27 =	vld [tilespmem:s24+$0xDD00]  }
0x22e: {  	v22 =	vld [tilespmem:s24+$0xE400]  }
0x22f: {  	v8 =	vld [tilespmem:s24+$0xF200]  }
0x230: {  	v44 =	vld [tilespmem:s24+$0xC700]  }
0x231: {  	v43 =	vld [tilespmem:s24+$0xCE00]  }
0x232: {  	v29 =	vld [tilespmem:s24+$0xD500]  }
0x233: {  	v28 =	vld [tilespmem:s24+$0xDC00]  }
0x234: {  	v9 =	vld [tilespmem:s24+$0xE300]  }
0x235: {  	v10 =	vld [tilespmem:s24+$0xEA00]  }
0x236: {  	v48 =	vld [tilespmem:s24+$0xBF00]  }
0x237: {  	v46 =	vld [tilespmem:s24+$0xC600]  }
0x238: {  	v45 =	vld [tilespmem:s24+$0xCD00]  }
0x239: {  	v30 =	vld [tilespmem:s24+$0xD400]  }
0x23a: {  	v11 =	vld [tilespmem:s24+$0xDB00]  }
0x23b: {  	v12 =	vld [tilespmem:s24+$0xE200]  }
0x23c: {  	v47 =	vld [tilespmem:s24+$0xB700]  }
0x23d: {  	v52 =	vld [tilespmem:s24+$0xBE00]  }
0x23e: {  	v50 =	vld [tilespmem:s24+$0xC500]  }
0x23f: {  	v33 =	vld [tilespmem:s24+$0xCC00]  }
0x240: {  	v13 =	vld [tilespmem:s24+$0xD300]  }
0x241: {  	v14 =	vld [tilespmem:s24+$0xDA00]  }
0x242: {  	v41 =	vld [tilespmem:s24+$0xAF00]  }
0x243: {  	v49 =	vld [tilespmem:s24+$0xB600]  }
0x244: {  	v53 =	vld [tilespmem:s24+$0xBD00]  }
0x245: {  	v51 =	vld [tilespmem:s24+$0xC400]  }
0x246: {  	v15 =	vld [tilespmem:s24+$0xCB00]  }
0x247: {  	v16 =	vld [tilespmem:s24+$0xD200]  }
0x248: {  	v35 =	vld [tilespmem:s24+$0xA700]  }
0x249: {  	v42 =	vld [tilespmem:s24+$0xAE00]  }
0x24a: {  	v54 =	vld [tilespmem:s24+$0xB500]  }
0x24b: {  	v55 =	vld [tilespmem:s24+$0xBC00]  }
0x24c: {  	v17 =	vld [tilespmem:s24+$0xC300]  }
0x24d: {  	[tilespmem:$0x1FFB0] =	vst v0;
	v0 =	vld [tilespmem:s24+$0xEE00]  }
0x24e: {  	v18 =	vld [tilespmem:s24+$0xCA00]  }
0x24f: {  	v34 =	vld [tilespmem:s24+$0x9F00]  }
0x250: {  	v36 =	vld [tilespmem:s24+$0xA600]  }
0x251: {  	v56 =	vld [tilespmem:s24+$0xAD00]  }
0x252: {  	[tilespmem:$0x1FFC0] =	vst v0;
	v0 =	vld [tilespmem:s24+$0xED00]  }
0x253: {  	v57 =	vld [tilespmem:s24+$0xB400]  }
0x254: {  	v23 =	vld [tilespmem:s24+$0xBB00]  }
0x255: {  	v24 =	vld [tilespmem:s24+$0xC200]  }
0x256: {  	v32 =	vld [tilespmem:s24+$0x9700]  }
0x257: {  	[tilespmem:$0x1FFD0] =	vst v0;
	v0 =	vld [tilespmem:s24+$0xEC00]  }
0x258: {  	v38 =	vld [tilespmem:s24+$0x9E00]  }
0x259: {  	v58 =	vld [tilespmem:s24+$0xA500]  }
0x25a: {  	v59 =	vld [tilespmem:s24+$0xAC00]  }
0x25b: {  	v31 =	vld [tilespmem:s24+$0x8F00]  }
0x25c: {  	[tilespmem:$0x1FFE0] =	vst v0;
	v0 =	vld [tilespmem:s24+$0xEB00]  }
0x25d: {  	v60 =	vld [tilespmem:s24+$0x9600]  }
0x25e: {  	v61 =	vld [tilespmem:s24+$0x8700]  }
0x25f: {  	v62 =	vld [tilespmem:s24+$0x8E00]  }
0x260: {  	v63 =	vld [tilespmem:s24+$0x8600]  }
0x261: {  	[tilespmem:$0x1FFF0] =	vst v0;
	v0 =	vld [tilespmem:s24+$0x8500]  }
0x262: {  	v3 =	vld [tilespmem:s24+$0x8D00]  }
0x263: {  	v4 =	vld [tilespmem:s24+$0x8400]  }
0x264: {  	v5 =	vld [tilespmem:s24+$0x9500]  }
0x265: {  	v6 =	vld [tilespmem:s24+$0x8C00];
	v63 =	vadd.f32 $0.0e+00, v63;
	v61 =	vadd.f32 $0.0e+00, v61  }
0x266: {  	v7 =	vld [tilespmem:s24+$0x9D00];
	v0 =	vadd.f32 $0.0e+00, v0  }
0x267: {  	v62 =	vadd.f32 v62, v63;
	v61 =	vadd.f32 v31, v61;
	v63 =	vld [tilespmem:s24+$0x9400]  }
0x268: {  	v4 =	vadd.f32 $0.0e+00, v4;
	v31 =	vld [tilespmem:s24+$0xB300];
	v0 =	vadd.f32 v3, v0  }
0x269: {  	v3 =	vadd.f32 v60, v62;
	v60 =	vadd.f32 v32, v61;
	v61 =	vld [tilespmem:s24+$0x9C00]  }
0x26a: {  	v4 =	vadd.f32 v6, v4;
	v6 =	vld [tilespmem:s24+$0xA400];
	v0 =	vadd.f32 v5, v0  }
0x26b: {  	v32 =	vld [tilespmem:s24+$0xBA00];
	v3 =	vadd.f32 v38, v3;
	v62 =	vadd.f32 v34, v60  }
0x26c: {  	v4 =	vadd.f32 v63, v4;
	v34 =	vld [tilespmem:s24+$0xAB00];
	v0 =	vadd.f32 v7, v0  }
0x26d: {  	v38 =	vld [tilespmem:s24+$0xAA00];
	v3 =	vadd.f32 v36, v3;
	v5 =	vadd.f32 v35, v62  }
0x26e: {  	v35 =	vld [tilespmem:s24+$0xB200];
	v4 =	vadd.f32 v61, v4;
	v0 =	vadd.f32 v58, v0  }
0x26f: {  	v36 =	vld [tilespmem:s24+$0xA300];
	v3 =	vadd.f32 v42, v3;
	v5 =	vadd.f32 v41, v5  }
0x270: {  	v41 =	vld [tilespmem:s24+$0x9B00];
	v4 =	vadd.f32 v6, v4;
	v0 =	vadd.f32 v56, v0  }
0x271: {  	v42 =	vld [tilespmem:s24+$0xA200];
	v3 =	vadd.f32 v49, v3;
	v5 =	vadd.f32 v47, v5  }
0x272: {  	v47 =	vld [tilespmem:s24+$0x9300];
	v4 =	vadd.f32 v59, v4;
	v0 =	vadd.f32 v54, v0  }
0x273: {  	v49 =	vld [tilespmem:s24+$0x9A00];
	v3 =	vadd.f32 v52, v3;
	v5 =	vadd.f32 v48, v5  }
0x274: {  	p0 =	sne.s32 s26, $0xF0;
	v48 =	vld [tilespmem:s24+$0x8B00];
	v4 =	vadd.f32 v57, v4;
	v0 =	vadd.f32 v53, v0  }
.Ltmp10:
0x275: {  	v52 =	vld [tilespmem:s24+$0x9200];
	v3 =	vadd.f32 v46, v3;
	v5 =	vadd.f32 v44, v5;
	(pc) =	sbr.rel @p0 .LBB2_18-.Ltmp10, $4  }
0x276: {  	v44 =	vld [tilespmem:s24+$0x8300];
	v4 =	vadd.f32 v55, v4;
	v0 =	vadd.f32 v50, v0  }
0x277: {  	v46 =	vld [tilespmem:s24+$0x8A00];
	v3 =	vadd.f32 v43, v3;
	v5 =	vadd.f32 v40, v5  }
0x278: {  	s25 =	sadd.s32 $0x10, s25;
	v40 =	vld [tilespmem:s24+$0x8200];
	v50 =	vadd.f32 v51, v4;
	v45 =	vadd.f32 v45, v0  }
0x279: {  	s26 =	sadd.s32 $0x10, s26;
	v43 =	vld [tilespmem:s25+$0x0];
	v39 =	vadd.f32 v39, v3;
	v37 =	vadd.f32 v37, v5  }
0x27a: {  	v0 =	vld [tilespmem:s24+$0x8100]  }
0x27b: {  	v5 =	vld [tilespmem:s24+$0x8800]  }
0x27c: {  	v62 =	vld [tilespmem:s24+$0x8900]  }
0x27d: {  	v63 =	vld [tilespmem:s24+$0x9000]  }
0x27e: {  	v3 =	vadd.f32 v33, v50;
	v33 =	vld [tilespmem:s24+$0x9100]  }
0x27f: {  	v4 =	vadd.f32 v29, v45;
	v45 =	vld [tilespmem:s24+$0x9900]  }
0x280: {  	v50 =	vld [tilespmem:s24+$0xA000];
	v6 =	vadd.f32 v26, v39;
	v7 =	vadd.f32 v25, v37  }
0x281: {  	v54 =	vld [tilespmem:s24+$0xA100];
	v51 =	vadd.f32 $0.0e+00, v44;
	v3 =	vadd.f32 v30, v3  }
0x282: {  	v55 =	vld [tilespmem:s24+$0xA800];
	v4 =	vadd.f32 v27, v4;
	v6 =	vadd.f32 v20, v6  }
0x283: {  	v56 =	vld [tilespmem:s24+$0xA900];
	v7 =	vadd.f32 v19, v7;
	v3 =	vadd.f32 v28, v3  }
0x284: {  	v57 =	vld [tilespmem:s24+$0xB000];
	v37 =	vadd.f32 $0.0e+00, v43;
	v0 =	vadd.f32 $0.0e+00, v0  }
0x285: {  	v39 =	vld [tilespmem:s24+$0x9800];
	v4 =	vadd.f32 v21, v4;
	v43 =	vadd.f32 $0.0e+00, v40  }
0x286: {  	v58 =	vld [tilespmem:s24+$0xB100];
	v5 =	vadd.f32 v5, v37;
	v0 =	vadd.f32 v62, v0  }
0x287: {  	v59 =	vld [tilespmem:s24+$0xB800];
	v3 =	vadd.f32 v22, v3;
	v53 =	vadd.f32 v46, v43  }
0x288: {  	v60 =	vld [tilespmem:s24+$0xB900];
	v5 =	vadd.f32 v63, v5;
	v0 =	vadd.f32 v33, v0  }
0x289: {  	v61 =	vld [tilespmem:s24+$0xC000];
	v22 =	vadd.f32 v48, v51;
	v25 =	vadd.f32 v52, v53  }
0x28a: {  	v44 =	vld [tilespmem:s24+$0xF100];
	v5 =	vadd.f32 v39, v5;
	v0 =	vadd.f32 v45, v0  }
0x28b: {  	v40 =	vld [tilespmem:s24+$0xE100];
	v22 =	vadd.f32 v47, v22;
	v25 =	vadd.f32 v49, v25  }
0x28c: {  	v43 =	vld [tilespmem:s24+$0xF000];
	v5 =	vadd.f32 v50, v5;
	v0 =	vadd.f32 v54, v0  }
0x28d: {  	v46 =	vld [tilespmem:s24+$0xF900];
	v22 =	vadd.f32 v41, v22;
	v25 =	vadd.f32 v42, v25  }
0x28e: {  	v48 =	vld [tilespmem:s24+$0xFA00];
	v5 =	vadd.f32 v55, v5;
	v0 =	vadd.f32 v56, v0  }
0x28f: {  	v62 =	vld [tilespmem:s24+$0xC100];
	v22 =	vadd.f32 v36, v22;
	v25 =	vadd.f32 v38, v25  }
0x290: {  	v63 =	vld [tilespmem:s24+$0xC800];
	v5 =	vadd.f32 v57, v5;
	v0 =	vadd.f32 v58, v0  }
0x291: {  	v33 =	vld [tilespmem:s24+$0xC900];
	v22 =	vadd.f32 v34, v22;
	v25 =	vadd.f32 v35, v25  }
0x292: {  	v34 =	vld [tilespmem:s24+$0xD000];
	v5 =	vadd.f32 v59, v5;
	v0 =	vadd.f32 v60, v0  }
0x293: {  	v22 =	vadd.f32 v31, v22;
	v35 =	vld [tilespmem:s24+$0xD100];
	v25 =	vadd.f32 v32, v25  }
0x294: {  	v36 =	vld [tilespmem:s24+$0xD800];
	v5 =	vadd.f32 v61, v5;
	v0 =	vadd.f32 v62, v0  }
0x295: {  	v38 =	vld [tilespmem:s24+$0xD900];
	v22 =	vadd.f32 v23, v22;
	v37 =	vadd.f32 v24, v25  }
0x296: {  	v51 =	vld [tilespmem:s24+$0xFB00];
	v5 =	vadd.f32 v63, v5;
	v0 =	vadd.f32 v33, v0  }
0x297: {  	v39 =	vld [tilespmem:s24+$0xE000];
	v17 =	vadd.f32 v17, v22;
	v18 =	vadd.f32 v18, v37  }
0x298: {  	v41 =	vld [tilespmem:s24+$0xE800];
	v5 =	vadd.f32 v34, v5;
	v0 =	vadd.f32 v35, v0  }
0x299: {  	v42 =	vld [tilespmem:s24+$0xE900];
	v15 =	vadd.f32 v15, v17;
	v16 =	vadd.f32 v16, v18  }
0x29a: {  	v47 =	vld [tilespmem:s24+$0xF300];
	v5 =	vadd.f32 v36, v5;
	v0 =	vadd.f32 v38, v0  }
0x29b: {  	v52 =	vld [tilespmem:s24+$0xF500];
	v13 =	vadd.f32 v13, v15;
	v14 =	vadd.f32 v14, v16  }
0x29c: {  	v50 =	vld [tilespmem:$0x1FFF0];
	v5 =	vadd.f32 v39, v5;
	v0 =	vadd.f32 v40, v0  }
0x29d: {  	v45 =	vld [tilespmem:s24+$0xF800];
	v11 =	vadd.f32 v11, v13;
	v12 =	vadd.f32 v12, v14  }
0x29e: {  	v53 =	vld [tilespmem:$0x1FFE0];
	v5 =	vadd.f32 v41, v5;
	v0 =	vadd.f32 v42, v0  }
0x29f: {  	v49 =	vld [tilespmem:s24+$0xF400];
	v9 =	vadd.f32 v9, v11;
	v10 =	vadd.f32 v10, v12  }
0x2a0: {  	v56 =	vld [tilespmem:$0x1FFD0];
	v5 =	vadd.f32 v43, v5;
	v0 =	vadd.f32 v44, v0  }
0x2a1: {  	v54 =	vld [tilespmem:s24+$0xFC00];
	v9 =	vadd.f32 v50, v9;
	v8 =	vadd.f32 v8, v10  }
0x2a2: {  	v59 =	vld [tilespmem:$0x1FFC0];
	v5 =	vadd.f32 v45, v5;
	v0 =	vadd.f32 v46, v0  }
0x2a3: {  	v3 =	vadd.f32 v53, v3;
	v55 =	vld [tilespmem:s24+$0xF600];
	v9 =	vadd.f32 v47, v9  }
0x2a4: {  	v57 =	vld [tilespmem:s24+$0xFD00];
	v8 =	vadd.f32 v48, v8;
	v0 =	vadd.f32 v0, v5  }
0x2a5: {  	v3 =	vadd.f32 v49, v3;
	v4 =	vadd.f32 v56, v4;
	v61 =	vld [tilespmem:$0x1FFB0]  }
0x2a6: {  	v60 =	vld [tilespmem:s24+$0xFE00];
	v9 =	vadd.f32 v51, v9;
	v0 =	vadd.f32 v8, v0  }
0x2a7: {  	v58 =	vld [tilespmem:s24+$0xF700];
	v4 =	vadd.f32 v52, v4;
	v6 =	vadd.f32 v59, v6  }
0x2a8: {  	v3 =	vadd.f32 v54, v3;
	v0 =	vadd.f32 v9, v0  }
0x2a9: {  	v62 =	vld [tilespmem:s24+$0xFF00];
	v4 =	vadd.f32 v57, v4;
	v6 =	vadd.f32 v55, v6  }
0x2aa: {  	v7 =	vadd.f32 v61, v7;
	v0 =	vadd.f32 v3, v0  }
0x2ab: {  	v63 =	vadd.f32 v60, v6  }
0x2ac: {  	v3 =	vadd.f32 v58, v7;
	v0 =	vadd.f32 v4, v0;
	_ =	sdelay $0x1  }
0x2ad: {  	v3 =	vadd.f32 v62, v3;
	v0 =	vadd.f32 v63, v0;
	_ =	sdelay $0x1  }
0x2ae: {  	s22 =	sadd.s32 $0x1, s22;
	v0 =	vadd.f32 v3, v0  }
0x2af: {  	s23 =	sadd.s32 $0x10, s23;
	p0 =	sne.s32 s22, s9  }
.Ltmp11:
0x2b0: {  	[tilespmem:s23+$0x0] =	vst v0;
	(pc) =	sbr.rel @p0 .LBB2_1-.Ltmp11, $4  }
0x2b1: {  	[hbm4b:s8+s3] =	stream.linear.scatter [tilespmem:s20], [sflag:$0x3], $0x100, $0x38;
	[tilespmem:$0x10100] =	vst v63  }
0x2b2: {  	_ =	swait.ge [sflag:s21], $0x100  }
0x2b3: {  	[sflag:s21] =	ssyncset.done $0x0  }
0x2b4: {  	v0 =	vimm.f32 $0.0e+00;
	[sflag:s21] =	ssyncadd.s32 $0xFFFFFF00  }
0x2b5: {  	_ =	sfence.sel $0x180000  }
0x2b6: {  	[bflag:$0x0] =	sbarrier.arrive $0xFFFF  }
0x2b7: {  	p0 =	sne.s32 s0, $0x0;
	_ =	strace $0x9000004A  }
0x2b8: {  	s0 =	sadd.s32 @!p0 $0x100000, s1;
	[bflag:$0x2] =	sbarrier.arrive $0xFFFF  }
0x2b9: {  	[sflag:s0] =	ssyncadd.tile.s32 @!p0 $0x1;
	_ =	shalt  }
.Lfunc_end2:
_tile_overlayer_lowered:
.L_overlay_start_2:
0x2ba: {  	(tag) =	ssettag $0x2  }
0x2bb: {  	s0 =	rddreg [dreg:$0x0];
	s2 =	stileid.u32  }
0x2bc: {  	s1 =	rddreg [dreg:$0x1];
	p0 =	sne.s32 s2, $0x0  }
0x2bd: {  	s3 =	rddreg [dreg:$0x2];
	[bflag:$0x3] =	sbarrier.arrive $0xFFFF;
	s2 =	simm.s32 @!p0 $0x1C03  }
0x2be: {  	[timem:s3], [sflag:s2] =	dma.local @!p0 [hbm:s0], s1  }
0x2bf: {  	s0 =	simm.s32 @!p0 $0x3  }
0x2c0: {  	_ =	swait.ge @!p0 [sflag:s0], s1  }
0x2c1: {  	s1 =	ssub.s32 @!p0 $0x0, s1;
	[sflag:s0] =	ssyncset.done @!p0 $0x0  }
0x2c2: {  	[sflag:s0] =	ssyncadd.s32 @!p0 s1  }
0x2c3: {  	[bflag:$0x3] =	sbarrier.arrive $0xFFFF  }
0x2c4: {  	_ =	shalt  }

// kernel: kernel.7.cloned.1.call-start
scs
__scs_entry_jumppad:
0x0: {  	(pc) =	sbr.rel $0x88, $3  }
0x1: {  	(tag) =	ssettag $0x0;
	lr =	simm.s32 $0x1  }
0x2: {  	[smem:$0x3FA0] =	sst lr;
	_ =	strace $0xD0000000  }
0x3: {  	_ = 	snop  }
0x4: {  	_ = 	snop  }
0x5: {  	_ = 	snop  }
0x6: {  	_ = 	snop  }
0x7: {  	_ = 	snop  }
__scs_overlays_trampoline_lowered:
0x8: {  	[smem:$0x3FAF] =	sst s0  }
0x9: {  	[smem:$0x3FB0] =	sst s1  }
0xa: {  	[smem:$0x3FB1] =	sst s2  }
0xb: {  	[smem:$0x3FB2] =	sst s3  }
0xc: {  	[smem:$0x3FB3] =	sst s4  }
0xd: {  	[smem:$0x3FB4] =	sst s5  }
0xe: {  	[smem:$0x3FB5] =	sst s6  }
0xf: {  	[smem:$0x3FB6] =	sst s7  }
0x10: {  	[smem:$0x3FB7] =	sst s8  }
0x11: {  	[smem:$0x3FB8] =	sst s9;
	s0 =	simm.s32 @!p0 $0x0  }
0x12: {  	s1 =	sld [smem:$0x3F9E];
	s0 =	simm.s32 @p0 $0x1  }
0x13: {  	[smem:$0x3FB9] =	sst s0;
	s0 =	simm.s32 @!p1 $0x0  }
0x14: {  	s2 =	sld [smem:$0x3F9D];
	s0 =	simm.s32 @p1 $0x1  }
0x15: {  	[smem:$0x3FBA] =	sst s0;
	s0 =	simm.s32 @!p2 $0x0  }
0x16: {  	s3 =	sld [smem:$0x3FDB];
	s0 =	simm.s32 @p2 $0x1  }
0x17: {  	s4 =	simm.s32 $0x1BF5;
	[smem:$0x3FBC] =	sst s0  }
0x18: {  	s0 =	sld [smem:$0x3F9F];
	_ =	swait.ge [sflag:s4], $0x0  }
0x19: {  	s7 =	sld [smem:$0x3FA0]  }
0x1a: {  	s8 =	sadd.s32 $0xFFFFE003, lr  }
0x1b: {  	s9 =	sadd.s32 $0xFFFFFEF7, lr;
	s5 =	simm.s32 $0xFFFFFFFF;
	p2 =	slt.u32 s8, $0xFFFFF086  }
0x1c: {  	p1 =	slt.u32 s9, $0xF7A;
	s5 =	simm.s32 @!p2 $0x0  }
0x1d: {  	s5 =	simm.s32 @p1 $0x1;
	p0 =	seq.s32 s7, s2  }
0x1e: {  	s7 =	smul.u32 @!p0 $0xF7A, s2;
	p2 =	seq.s32 @!p0 s5, $0x0  }
0x1f: {  	s9 =	smul.u32 $0xF7A, s1;
	s8 =	simm.s32 @!p0 $0x1BF5;
	p2 =	por !p2, p0  }
0x20: {  	[sflag:s8] =	ssyncset.s32 @!p0 $0xFFFFF086;
	s6 =	sadd.s32 @!p0 s3, s7;
	s7 =	simm.s32 @!p0 $0x108  }
0x21: {  	s3 =	sadd.s32 s3, s9;
	s6 =	sadd.s32 @!p0 $0x88, s6;
	s7 =	simm.s32 @p2 $0x1082  }
0x22: {  	[simem:s7], [sflag:s8] =	dma.local @!p0 [hbm:s6], $0xF7A  }
0x23: {  	s9 =	sor.u32 $0xD0000000, s2;
	s6 =	simm.s32 $0x108;
	_ =	swait.ge @!p0 [sflag:s8], $0x0  }
0x24: {  	s3 =	sadd.s32 $0x88, s3;
	s6 =	simm.s32 @!p1 $0x1082;
	[sflag:s4] =	ssyncset.s32 $0xFFFFF086  }
0x25: {  	[simem:s6], [sflag:s4] =	dma.local [hbm:s3], $0xF7A  }
0x26: {  	[smem:$0x3FA0] =	sst s1;
	(tag) =	ssettag s2;
	_ =	strace s9  }
0x27: {  	s1 =	sld [smem:$0x3FB0]  }
0x28: {  	s2 =	sld [smem:$0x3FB1]  }
0x29: {  	s4 =	sld [smem:$0x3FB3]  }
0x2a: {  	p0 =	seq.s32 s5, $0x0;
	s5 =	sld [smem:$0x3FB4]  }
0x2b: {  	s6 =	sld [smem:$0x3FB5]  }
0x2c: {  	s7 =	sld [smem:$0x3FB6]  }
0x2d: {  	s3 =	simm.s32 $0x108;
	s8 =	sld [smem:$0x3FB7]  }
0x2e: {  	s3 =	simm.s32 @!p0 $0x1082;
	s9 =	sld [smem:$0x3FB8]  }
0x2f: {  	lr =	sadd.s32 s0, s3;
	s0 =	sld [smem:$0x3FAF]  }
0x30: {  	s3 =	sld [smem:$0x3FB2]  }
0x31: {  	[smem:$0x3FBB] =	sst s10  }
0x32: {  	s10 =	sld [smem:$0x3FB9];
	_ =	sdelay $0x3  }
0x33: {  	p0 =	seq.s32 s10, $0x1;
	s10 =	sld [smem:$0x3FBB];
	_ =	sdelay $0x3  }
0x34: {  	[smem:$0x3FBB] =	sst s10  }
0x35: {  	s10 =	sld [smem:$0x3FBA];
	_ =	sdelay $0x3  }
0x36: {  	p1 =	seq.s32 s10, $0x1;
	s10 =	sld [smem:$0x3FBB];
	_ =	sdelay $0x3  }
0x37: {  	[smem:$0x3FBB] =	sst s10  }
0x38: {  	s10 =	sld [smem:$0x3FBC]  }
0x39: {  	_ = 	snop;
	(pc) =	sbr.ind lr, $3  }
0x3a: {  	_ = 	snop  }
0x3b: {  	_ = 	snop  }
0x3c: {  	p2 =	seq.s32 s10, $0x1;
	s10 =	sld [smem:$0x3FBB]  }
0x3d: {  	_ =	shalt  }
0x3e: {  	_ =	shalt  }
0x3f: {  	_ =	shalt  }
0x40: {  	_ =	shalt  }
0x41: {  	_ =	shalt  }
0x42: {  	_ =	shalt  }
0x43: {  	_ =	shalt  }
0x44: {  	_ =	shalt  }
0x45: {  	_ =	shalt  }
0x46: {  	_ =	shalt  }
0x47: {  	_ =	shalt  }
0x48: {  	_ =	shalt  }
0x49: {  	_ =	shalt  }
0x4a: {  	_ =	shalt  }
0x4b: {  	_ =	shalt  }
0x4c: {  	_ =	shalt  }
0x4d: {  	_ =	shalt  }
0x4e: {  	_ =	shalt  }
0x4f: {  	_ =	shalt  }
0x50: {  	_ =	shalt  }
0x51: {  	_ =	shalt  }
0x52: {  	_ =	shalt  }
0x53: {  	_ =	shalt  }
0x54: {  	_ =	shalt  }
0x55: {  	_ =	shalt  }
0x56: {  	_ =	shalt  }
0x57: {  	_ =	shalt  }
0x58: {  	_ =	shalt  }
0x59: {  	_ =	shalt  }
0x5a: {  	_ =	shalt  }
0x5b: {  	_ =	shalt  }
0x5c: {  	_ =	shalt  }
0x5d: {  	_ =	shalt  }
0x5e: {  	_ =	shalt  }
0x5f: {  	_ =	shalt  }
0x60: {  	_ =	shalt  }
0x61: {  	_ =	shalt  }
0x62: {  	_ =	shalt  }
0x63: {  	_ =	shalt  }
0x64: {  	_ =	shalt  }
0x65: {  	_ =	shalt  }
0x66: {  	_ =	shalt  }
0x67: {  	_ =	shalt  }
0x68: {  	_ =	shalt  }
0x69: {  	_ =	shalt  }
0x6a: {  	_ =	shalt  }
0x6b: {  	_ =	shalt  }
0x6c: {  	_ =	shalt  }
0x6d: {  	_ =	shalt  }
0x6e: {  	_ =	shalt  }
0x6f: {  	_ =	shalt  }
0x70: {  	_ =	shalt  }
0x71: {  	_ =	shalt  }
0x72: {  	_ =	shalt  }
0x73: {  	_ =	shalt  }
0x74: {  	_ =	shalt  }
0x75: {  	_ =	shalt  }
0x76: {  	_ =	shalt  }
0x77: {  	_ =	shalt  }
0x78: {  	_ =	shalt  }
0x79: {  	_ =	shalt  }
0x7a: {  	_ =	shalt  }
0x7b: {  	_ =	shalt  }
0x7c: {  	_ =	shalt  }
0x7d: {  	_ =	shalt  }
0x7e: {  	_ =	shalt  }
0x7f: {  	_ =	shalt  }
0x80: {  	_ =	shalt  }
0x81: {  	_ =	shalt  }
0x82: {  	_ =	shalt  }
0x83: {  	_ =	shalt  }
0x84: {  	_ =	shalt  }
0x85: {  	_ =	shalt  }
0x86: {  	_ =	shalt  }
0x87: {  	_ =	shalt  }
.Lfunc_end0:
.L_simem_size_0:
called_computation.2_lowered:
.L_overlay_start_0:
0x88: {  	s2 =	sld [smem:$0x3FD9]  }
0x89: {  	s3 =	sld [smem:$0x3FFE];
	_ =	sdelay $0x1  }
0x8a: {  	s1 =	srdreg.scid  }
0x8b: {  	s0 =	sand.u32 $0x1, s1  }
0x8c: {  	s17 =	sshll.u32 s0, $0xA;
	s2 =	sadd.s32 s3, s2  }
0x8d: {  	s2 =	sadd.s32 s2, s17  }
0x8e: {  	[smem:$0x3FC7] =	sst s2  }
0x8f: {  	_ = 	snop  }
0x90: {  	s2 =	sld [smem:$0x3FD0];
	(tm) =	ssettm $0x1  }
0x91: {  	s18 =	sld [smem:$0x3FFB];
	_ =	sdelay $0x3  }
0x92: {  	_ =	strace s18  }
0x93: {  	s3 =	sld [smem:$0x3FFC];
	_ =	sdelay $0x3  }
0x94: {  	_ =	strace s3  }
0x95: {  	s3 =	sld [smem:$0x3FFD];
	_ =	sdelay $0x3  }
0x96: {  	_ =	strace s3  }
0x97: {  	_ =	strace $0x8FFFFFFF  }
0x98: {  	s19 =	sld [smem:$0x3FDB];
	_ =	sdelay $0x1  }
0x99: {  	s4 =	simm.s32 $_scs_section_size  }
0x9a: {  	s5 =	simm.s32 $_size__tile_overlayer_lowered;
	s6 =	simm.s32 $_tile_overlayer_lowered  }
0x9b: {  	s22 =	simm.s32 $0x1BFF;
	s21 =	sshll.u32 s6, $0x1;
	s3 =	sadd.s32 s4, s19  }
0x9c: {  	s7 =	simm.s32 $0x0;
	s20 =	sshll.u32 s5, $0x1;
	s5 =	sadd.s32 s21, s3  }
0x9d: {  	[timem:s7], [sflag:s22] =	dma.local [hbm:s5], s20  }
0x9e: {  	_ =	swait.ge [sflag:s22], s20  }
0x9f: {  	s4 =	ssub.s32 $0x0, s20;
	[sflag:s22] =	ssyncset.done $0x0  }
0xa0: {  	[sflag:s22] =	ssyncadd.s32 s4;
	_ =	sdelay $0x1  }
0xa1: {  	s23 =	simm.s32 $0x1B8B  }
0xa2: {  	_ =	swait.ge [sflag:s23], $0x1  }
0xa3: {  	[sflag:s23] =	ssyncset.done $0x0  }
0xa4: {  	s25 =	simm.s32 $0x1B8E;
	s24 =	sld [smem:$0x3FFE];
	[sflag:s23] =	ssyncadd.s32 $0xFFFFFFFF  }
0xa5: {  	s26 =	simm.s32 $execute0_lowered;
	[smem:$0x3FD2] =	sst s25  }
0xa6: {  	s5 =	sshll.u32 s26, $0x1;
	_ =	strace $0x8000004C;
	[dreg:$0x1] =	wrdreg $0xFFFFFFFF  }
0xa7: {  	s28 =	simm.s32 $_size_execute0_lowered;
	s3 =	sadd.s32 s3, s5;
	[dreg:$0x0] =	wrdreg $0x0  }
0xa8: {  	s5 =	sshll.u32 s28, $0x1;
	[dreg:$0x2] =	wrdreg s3  }
0xa9: {  	[dreg:$0x3] =	wrdreg s5  }
0xaa: {  	[dreg:$0x4] =	wrdreg $0xC0  }
0xab: {  	_ =	task [dreg:s7], $0x5FFFF  }
0xac: {  	[dreg:$0x1] =	wrdreg $0xFFFFFFFF  }
0xad: {  	[dreg:$0x0] =	wrdreg $0x60  }
0xae: {  	[dreg:$0x2] =	wrdreg s2  }
0xaf: {  	[dreg:$0x3] =	wrdreg s24  }
0xb0: {  	[dreg:$0x4] =	wrdreg $0x9  }
0xb1: {  	_ =	task.clear_ibuf [dreg:s7], $0x5FFFF;
	_ =	strace $0x9000004C  }
0xb2: {  	s29 =	simm.s32 $0x9;
	_ =	strace $0x8000004E  }
0xb3: {  	_ =	swait.ge [sflag:s29], $0x1  }
0xb4: {  	[sflag:s29] =	ssyncadd.s32 $0xFFFFFFFF  }
0xb5: {  	_ =	strace $0x9000004E  }
0xb6: {  	_ =	sfence  }
0xb7: {  	s30 =	sld [smem:$0x0];
	_ =	sdelay $0x2  }
0xb8: {  	s31 =	sshll.u32 s1, $0xD;
	s1 =	sshrl.u32 s1, $0x2  }
0xb9: {  	s3 =	sand.u32 $0x4000, s31;
	s1 =	sadd.s32 s1, s30  }
0xba: {  	s0 =	sor.u32 s3, s0;
	s1 =	sshll.u32 s1, $0x11  }
0xbb: {  	s0 =	sor.u32 s1, s0  }
0xbc: {  	s0 =	sadd.s32 $0x8F2B, s0  }
0xbd: {  	[sflag:s0] =	ssyncadd.remote.s32 $0x1  }
0xbe: {  	_ =	sfence.sel $0xFFFF  }
0xbf: {  	[dreg:$0x0] =	wrdreg $0xFFFFFFFF;
	(pc) =	sbr.abs _section_cstart, $3  }
0xc0: {  	[dreg:$0x1] =	wrdreg $0xFFFFFFFF  }
0xc1: {  	_ =	task.clear_ibuf [dreg:s7], $0x2FFFF;
	_ =	strace $0x9FFFFFFF  }
0xc2: {  	(tm) =	ssettm $0x7FFFFFFF  }
0xc3: {  	_ =	shalt  }
tec
execute0_lowered:
.L_overlay_start_1:
0x0: {  	(tag) =	ssettag $0x1  }
0x1: {  	s2 =	rddreg [dreg:$0x0]  }
0x2: {  	s3 =	rddreg [dreg:$0x1];
	s4 =	srdreg.scid  }
0x3: {  	s0 =	rddreg [dreg:$0x2];
	s1 =	stileid.u32;
	s12 =	simm.s32 $0x10000  }
0x4: {  	s13 =	simm.s32 $0x5;
	s14 =	simm.s32 $0x1;
	s15 =	simm.s32 $0x2  }
0x5: {  	s16 =	simm.s32 $0x4;
	s17 =	simm.s32 $0x3;
	s18 =	simm.s32 $0x0  }
0x6: {  	s6 =	sand.u32 $0x1, s4;
	s4 =	simm.s32 $0x0;
	s5 =	sshll.u32 s1, $0x16  }
.Ltmp0:
0x7: {  	s7 =	sshll.u32 s6, $0x15;
	[smem:$0x7FF] =	sst s4;
	(pc) =	sbr.rel .LBB2_1-.Ltmp0, $4  }
0x8: {  	s8 =	ssub.s32 $0x2, s6;
	s6 =	sadd.s32 $0x200, s3;
	s5 =	sor.u32 s7, s5  }
0x9: {  	_ =	strace $0x8000004D;
	s9 =	sshrl.u32 s8, $0x1;
	s7 =	sshrl.u32 s5, $0x3  }
0xa: {  	s11 =	ssub.s32 s8, s9;
	s9 =	sor.u32 $0x8000, s5;
	s7 =	sadd.s32 s2, s7  }
0xb: {  	s10 =	sor.u32 $0xC000, s5;
	s11 =	smax.u32 s11, $0x1;
	s8 =	sadd.s32 $0x800, s7  }
.LBB2_24:
0xc: {  	s18 =	sadd.s32 $0x1, s18  }
0xd: {  	_ =	swait.ge [sflag:s17], $0x4000;
	p0 =	sne.s32 s18, s11  }
.Ltmp1:
0xe: {  	[sflag:s17] =	ssyncset.done $0x0;
	(pc) =	sbr.rel @!p0 .LBB2_25-.Ltmp1, $4  }
0xf: {  	[sflag:s17] =	ssyncadd.s32 $0xFFFFC000  }
0x10: {  	_ =	swait.ge [sflag:s16], $0x4000  }
0x11: {  	[sflag:s16] =	ssyncset.done $0x0  }
0x12: {  	[sflag:s16] =	ssyncadd.s32 $0xFFFFC000  }
.LBB2_1:
0x13: {  	s19 =	simm.s32 $0x10  }
0x14: {  	s22 =	sadd.s32 $0x0, s7;
	s20 =	simm.s32 $0x100;
	s21 =	simm.s32 $0x0  }
.LBB2_2:
0x15: {  	[tilespmem:s21], [sflag:$0x1] =	stream.linear.gather [hbm4b:s22+s4], $0x80, $0x38;
	[tilespmem:$0x10100] =	vst v63  }
0x16: {  	s22 =	smov.u32 s19;
	s21 =	smov.u32 s20;
	p0 =	sne.s32 s19, $0x7F0  }
.Ltmp2:
0x17: {  	s19 =	sadd.s32 $0x10, s19;
	(pc) =	sbr.rel @p0 .LBB2_2-.Ltmp2, $2  }
0x18: {  	_ =	sdelay $0x2  }
0x19: {  	s20 =	sadd.s32 $0x100, s20;
	s22 =	sadd.s32 s22, s7  }
0x1a: {  	[tilespmem:s21], [sflag:$0x1] =	stream.linear.gather [hbm4b:s22+s4], $0x80, $0x38;
	[tilespmem:$0x10100] =	vst v63  }
0x1b: {  	s19 =	simm.s32 $0x80  }
0x1c: {  	s20 =	simm.s32 $0x10;
	s22 =	sadd.s32 $0x0, s8;
	s21 =	simm.s32 $0x180  }
.LBB2_4:
0x1d: {  	[tilespmem:s19], [sflag:$0x2] =	stream.linear.gather [hbm4b:s22+s4], $0x80, $0x38;
	[tilespmem:$0x10100] =	vst v63  }
0x1e: {  	s22 =	smov.u32 s20;
	s19 =	smov.u32 s21;
	p0 =	sne.s32 s20, $0x7F0  }
.Ltmp3:
0x1f: {  	s20 =	sadd.s32 $0x10, s20;
	(pc) =	sbr.rel @p0 .LBB2_4-.Ltmp3, $2  }
0x20: {  	_ =	sdelay $0x2  }
0x21: {  	s21 =	sadd.s32 $0x100, s21;
	s22 =	sadd.s32 s22, s8  }
0x22: {  	[tilespmem:s19], [sflag:$0x2] =	stream.linear.gather [hbm4b:s22+s4], $0x80, $0x38;
	[tilespmem:$0x10100] =	vst v63  }
0x23: {  	s19 =	simm.s32 $0x0  }
0x24: {  	[tilespmem:s12], [sflag:$0x5] =	stream.linear.gather [hbm4b:s3+s19], $0x100, $0x38;
	[tilespmem:$0x10100] =	vst v63  }
0x25: {  	_ =	swait.ge [sflag:s13], $0x100  }
0x26: {  	[sflag:s13] =	ssyncset.done $0x0  }
0x27: {  	[sflag:s13] =	ssyncadd.s32 $0xFFFFFF00  }
.LBB2_6:
0x28: {  	_ =	swait.ge [sflag:s14], $0x4000  }
0x29: {  	p0 =	seq.s32 s19, $0x0;
	[sflag:s14] =	ssyncset.done $0x0  }
0x2a: {  	s20 =	simm.s32 @!p0 $0x3;
	[sflag:s14] =	ssyncadd.s32 $0xFFFFC000  }
0x2b: {  	_ =	swait.ge @!p0 [sflag:s20], $0x4000  }
0x2c: {  	[sflag:s20] =	ssyncset.done @!p0 $0x0  }
0x2d: {  	s23 =	simm.s32 $0x0;
	[sflag:s20] =	ssyncadd.s32 @!p0 $0xFFFFC000  }
0x2e: {  	v0 =	vld [tilespmem:s23+$0x0]  }
0x2f: {  	v1 =	vld [tilespmem:s23+$0x70]  }
0x30: {  	v2 =	vld [tilespmem:s23+$0x40]  }
0x31: {  	v3 =	vld [tilespmem:s23+$0x50]  }
0x32: {  	v4 =	vld [tilespmem:s23+$0x10]  }
0x33: {  	v5 =	vld [tilespmem:s23+$0x60]  }
0x34: {  	v6 =	vld [tilespmem:s23+$0x30]  }
0x35: {  	s21 =	simm.s32 $0x100;
	v7 =	vld [tilespmem:s23+$0x20]  }
0x36: {  	v8 =	vld [tilespmem:s21+$0x0]  }
0x37: {  	v10 =	vld [tilespmem:s21+$0x60];
	v0 =	vadd.f32 $1.000000000e+00, v0;
	v2 =	vadd.f32 $1.000000000e+00, v2  }
0x38: {  	s22 =	simm.s32 $0x200;
	v12 =	vld [tilespmem:s21+$0x50];
	v3 =	vadd.f32 $1.000000000e+00, v3;
	v4 =	vadd.f32 $1.000000000e+00, v4  }
0x39: {  	v18 =	vld [tilespmem:s22+$0x0];
	v1 =	vadd.f32 $1.000000000e+00, v1;
	v5 =	vadd.f32 $1.000000000e+00, v5  }
0x3a: {  	v6 =	vadd.f32 $1.000000000e+00, v6;
	v7 =	vadd.f32 $1.000000000e+00, v7;
	v0 =	vmul.f32 $1.275000000e+02, v0  }
0x3b: {  	v8 =	vadd.f32 $1.000000000e+00, v8;
	v2 =	vmul.f32 $1.275000000e+02, v2;
	v3 =	vmul.f32 $1.275000000e+02, v3  }
0x3c: {  	v10 =	vadd.f32 $1.000000000e+00, v10;
	v1 =	vmul.f32 $1.275000000e+02, v1;
	v5 =	vmul.f32 $1.275000000e+02, v5  }
0x3d: {  	v12 =	vadd.f32 $1.000000000e+00, v12;
	v6 =	vmul.f32 $1.275000000e+02, v6;
	v8 =	vmul.f32 $1.275000000e+02, v8  }
0x3e: {  	v18 =	vadd.f32 $1.000000000e+00, v18;
	v7 =	vmul.f32 $1.275000000e+02, v7;
	v10 =	vmul.f32 $1.275000000e+02, v10  }
0x3f: {  	v4 =	vmul.f32 $1.275000000e+02, v4;
	v0 =	vmax.f32 v0, $0.0e+00;
	v3 =	vmax.f32 v3, $0.0e+00  }
0x40: {  	v9 =	vld [tilespmem:s21+$0x10];
	v1 =	vmax.f32 v1, $0.0e+00;
	v5 =	vmax.f32 v5, $0.0e+00;
	v2 =	vmax.f32 v2, $0.0e+00  }
0x41: {  	v8 =	vmax.f32 v8, $0.0e+00;
	v4 =	vmax.f32 v4, $0.0e+00;
	v0 =	vmin.f32 v0, $2.550000000e+02  }
0x42: {  	v3 =	vmin.f32 v3, $2.550000000e+02;
	v1 =	vmin.f32 v1, $2.550000000e+02;
	v5 =	vmin.f32 v5, $2.550000000e+02  }
0x43: {  	v11 =	vld [tilespmem:s21+$0x40];
	v8 =	vmin.f32 v8, $2.550000000e+02;
	v2 =	vmin.f32 v2, $2.550000000e+02;
	v0 =	vtrunc.f32 v0  }
0x44: {  	v14 =	vld [tilespmem:s21+$0x70];
	v4 =	vmin.f32 v4, $2.550000000e+02;
	v3 =	vtrunc.f32 v3;
	v13 =	vtrunc.f32 v1  }
0x45: {  	v1 =	vadd.f32 $1.000000000e+00, v9;
	v9 =	vld [tilespmem:s21+$0x30];
	v5 =	vtrunc.f32 v5;
	v8 =	vtrunc.f32 v8  }
0x46: {  	v6 =	vmax.f32 v6, $0.0e+00;
	v20 =	vtrunc.f32 v2;
	v4 =	vtrunc.f32 v4  }
0x47: {  	v7 =	vmax.f32 v7, $0.0e+00;
	v0 =	vcvt.f32.s32 v0;
	v24 =	vcvt.f32.s32 v3  }
0x48: {  	v3 =	vadd.f32 $1.000000000e+00, v11;
	v11 =	vmin.f32 v6, $2.550000000e+02;
	v5 =	vcvt.f32.s32 v5  }
0x49: {  	v26 =	vld [tilespmem:s22+$0x60];
	v6 =	vcvt.f32.s32 v13;
	v13 =	vadd.f32 $1.000000000e+00, v14;
	v19 =	vcvt.f32.s32 v4  }
0x4a: {  	v20 =	vcvt.f32.s32 v20;
	v16 =	vadd.f32 $1.000000000e+00, v9;
	v9 =	vmul.f32 $1.275000000e+02, v12;
	v12 =	vld [tilespmem:s21+$0x20]  }
0x4b: {  	v21 =	vld [tilespmem:s22+$0x10];
	v7 =	vmin.f32 v7, $2.550000000e+02;
	v11 =	vtrunc.f32 v11;
	v13 =	vmul.f32 $1.275000000e+02, v13  }
0x4c: {  	v2 =	vld [tilespmem:s22+$0x70];
	v3 =	vmul.f32 $1.275000000e+02, v3;
	v11 =	vcvt.f32.s32 v11;
	v9 =	vmax.f32 v9, $0.0e+00  }
0x4d: {  	v14 =	vld [tilespmem:s22+$0x40];
	v13 =	vmax.f32 v13, $0.0e+00;
	v23 =	vmul.f32 $1.275000000e+02, v16;
	v9 =	vmin.f32 v9, $2.550000000e+02  }
0x4e: {  	v4 =	vld [tilespmem:s22+$0x20];
	v25 =	vtrunc.f32 v9;
	v9 =	vcvt.f32.s32 v8;
	v8 =	vmin.f32 v13, $2.550000000e+02  }
0x4f: {  	v16 =	vadd.f32 $1.000000000e+00, v26;
	v13 =	vld [tilespmem:s22+$0x50];
	v17 =	vadd.f32 $1.000000000e+00, v12;
	v15 =	vtrunc.f32 v8  }
0x50: {  	s20 =	sshll.u32 s19, $0xF;
	v8 =	vtrunc.f32 v7;
	v12 =	vld [tilespmem:s22+$0x30];
	v7 =	vmax.f32 v10, $0.0e+00;
	v10 =	vadd.f32 $1.000000000e+00, v21  }
0x51: {  	s25 =	simm.s32 $0xC00;
	s24 =	sor.u32 s5, s20;
	v22 =	vmin.f32 v7, $2.550000000e+02;
	v7 =	vcvt.f32.s32 v25;
	v21 =	vcvt.f32.s32 v8;
	v8 =	vld.idx.msk [tilespmem:v24+s12+$0x0], $0xffff  }
.LBB2_7:
0x52: {  	s26 =	sshra.s32 s25, $0x2;
	p1 =	sne.s32 s25, $0x1FC00;
	s25 =	sadd.s32 $0x400, s25;
	v14 =	vadd.f32 $1.000000000e+00, v14;
	v23 =	vmax.f32 v23, $0.0e+00;
	v22 =	vtrunc.f32 v22;
	v24 =	vld.idx.msk [tilespmem:v11+s12+$0x0], $0xffff  }
0x53: {  	v11 =	vmul.f32 $1.275000000e+02, v18;
	v18 =	vmin.f32 v23, $2.550000000e+02;
	v22 =	vcvt.f32.s32 v22;
	v19 =	vld.idx.msk [tilespmem:v19+s12+$0x0], $0xffff  }
0x54: {  	v15 =	vcvt.f32.s32 v15;
	v13 =	vadd.f32 $1.000000000e+00, v13;
	v23 =	vmax.f32 v3, $0.0e+00;
	v25 =	vld.idx.msk [tilespmem:v0+s12+$0x0], $0xffff;
	v0 =	vmovc v9  }
0x55: {  	v3 =	vmul.f32 $1.275000000e+02, v14;
	v9 =	vmax.f32 v11, $0.0e+00;
	v14 =	vmul.f32 $1.275000000e+02, v17;
	v17 =	vld.idx.msk [tilespmem:v20+s12+$0x0], $0xffff  }
0x56: {  	v11 =	vtrunc.f32 v18;
	v20 =	vadd.f32 $1.000000000e+00, v12;
	v12 =	vmul.f32 $1.275000000e+02, v13;
	v13 =	vld.idx.msk [tilespmem:v5+s12+$0x0], $0xffff;
	v5 =	vmovc v22  }
0x57: {  	v16 =	vmul.f32 $1.275000000e+02, v16;
	v9 =	vmin.f32 v9, $2.550000000e+02;
	v11 =	vcvt.f32.s32 v11;
	v18 =	vld.idx.msk [tilespmem:v6+s12+$0x0], $0xffff;
	v6 =	vmovc v15  }
0x58: {  	v22 =	vmul.f32 $1.275000000e+02, v1;
	v1 =	vmovc v10;
	v15 =	vadd.f32 $1.000000000e+00, v2;
	v2 =	vmin.f32 v23, $2.550000000e+02;
	v21 =	vld.idx.msk [tilespmem:v21+s12+$0x0], $0xffff  }
0x59: {  	v9 =	vtrunc.f32 v9;
	v12 =	vmax.f32 v12, $0.0e+00;
	v26 =	vtrunc.f32 v2;
	v10 =	vld [tilespmem:s26+$0x0];
	[tilespmem:s23+$0x8010] =	vst v19  }
0x5a: {  	v12 =	vmin.f32 v12, $2.550000000e+02;
	v15 =	vmul.f32 $1.275000000e+02, v15;
	v19 =	vmax.f32 v22, $0.0e+00;
	v2 =	vld [tilespmem:s26+$0x70];
	[tilespmem:s23+$0x8000] =	vst v25  }
0x5b: {  	v25 =	vtrunc.f32 v12;
	v12 =	vmax.f32 v14, $0.0e+00;
	v14 =	vmin.f32 v19, $2.550000000e+02;
	v22 =	vld [tilespmem:s26+$0x10];
	[tilespmem:s23+$0x8040] =	vst v17  }
0x5c: {  	v9 =	vcvt.f32.s32 v9;
	v15 =	vmax.f32 v15, $0.0e+00;
	v17 =	vtrunc.f32 v14;
	v27 =	vld [tilespmem:s26+$0x60];
	[tilespmem:s23+$0x8060] =	vst v13  }
.Ltmp4:
0x5d: {  	v12 =	vmin.f32 v12, $2.550000000e+02;
	v15 =	vmin.f32 v15, $2.550000000e+02;
	v19 =	vcvt.f32.s32 v17;
	v14 =	vld [tilespmem:s26+$0x40];
	[tilespmem:s23+$0x8070] =	vst v18;
	(pc) =	sbr.rel @p1 .LBB2_7-.Ltmp4, $4  }
0x5e: {  	v17 =	vadd.f32 $1.000000000e+00, v4;
	v28 =	vtrunc.f32 v12;
	v15 =	vtrunc.f32 v15;
	v13 =	vld [tilespmem:s26+$0x50];
	[tilespmem:s23+$0x8020] =	vst v21  }
0x5f: {  	v16 =	vmax.f32 v16, $0.0e+00;
	v23 =	vmul.f32 $1.275000000e+02, v20;
	v20 =	vcvt.f32.s32 v26;
	v12 =	vld [tilespmem:s26+$0x30];
	[tilespmem:s23+$0x8030] =	vst v24  }
0x60: {  	v18 =	vadd.f32 $1.000000000e+00, v10;
	v4 =	vld [tilespmem:s26+$0x20];
	v10 =	vadd.f32 $1.000000000e+00, v22;
	v22 =	vmin.f32 v16, $2.550000000e+02;
	[tilespmem:s23+$0x8050] =	vst v8;
	s23 =	smov.u32 s21;
	s21 =	smov.u32 s22;
	s22 =	smov.u32 s26  }
0x61: {  	v21 =	vcvt.f32.s32 v28;
	v16 =	vadd.f32 $1.000000000e+00, v27;
	v8 =	vld.idx.msk [tilespmem:v7+s12+$0x0], $0xffff;
	v7 =	vcvt.f32.s32 v25  }
0x62: {  	_ =	sdelay $0x3  }
0x63: {  	v11 =	vld.idx.msk [tilespmem:v11+s12+$0x0], $0xffff  }
0x64: {  	v19 =	vld.idx.msk [tilespmem:v19+s12+$0x0], $0xffff  }
0x65: {  	v0 =	vld.idx.msk [tilespmem:v0+s12+$0x0], $0xffff  }
0x66: {  	v20 =	vld.idx.msk [tilespmem:v20+s12+$0x0], $0xffff  }
0x67: {  	v5 =	vld.idx.msk [tilespmem:v5+s12+$0x0], $0xffff  }
0x68: {  	v6 =	vld.idx.msk [tilespmem:v6+s12+$0x0], $0xffff  }
0x69: {  	v21 =	vld.idx.msk [tilespmem:v21+s12+$0x0], $0xffff;
	[tilespmem:s23+$0x8050] =	vst v8  }
0x6a: {  	v1 =	vmul.f32 $1.275000000e+02, v1;
	[tilespmem:s23+$0x8010] =	vst v19  }
0x6b: {  	v23 =	vmax.f32 v23, $0.0e+00;
	v3 =	vmax.f32 v3, $0.0e+00;
	v50 =	vmul.f32 $1.275000000e+02, v17;
	[tilespmem:s23+$0x8000] =	vst v0  }
0x6c: {  	v51 =	vtrunc.f32 v22;
	v52 =	vcvt.f32.s32 v15;
	v3 =	vmin.f32 v3, $2.550000000e+02;
	[tilespmem:s23+$0x8040] =	vst v20  }
0x6d: {  	v48 =	vmin.f32 v23, $2.550000000e+02;
	v1 =	vmax.f32 v1, $0.0e+00;
	v3 =	vtrunc.f32 v3;
	[tilespmem:s23+$0x8060] =	vst v5  }
0x6e: {  	v49 =	vtrunc.f32 v48;
	v1 =	vmin.f32 v1, $2.550000000e+02;
	v3 =	vcvt.f32.s32 v3;
	[tilespmem:s23+$0x8070] =	vst v6  }
0x6f: {  	v1 =	vtrunc.f32 v1;
	v0 =	vcvt.f32.s32 v49;
	v5 =	vmax.f32 v50, $0.0e+00;
	[tilespmem:s23+$0x8030] =	vst v11  }
0x70: {  	v54 =	vmul.f32 $1.275000000e+02, v18;
	v1 =	vcvt.f32.s32 v1;
	[tilespmem:s23+$0x8020] =	vst v21;
	v5 =	vmin.f32 v5, $2.550000000e+02  }
0x71: {  	v53 =	vadd.f32 $1.000000000e+00, v14;
	v6 =	vcvt.f32.s32 v51;
	v5 =	vtrunc.f32 v5;
	v7 =	vld.idx.msk [tilespmem:v7+s12+$0x0], $0xffff  }
0x72: {  	v2 =	vadd.f32 $1.000000000e+00, v2;
	v10 =	vmul.f32 $1.275000000e+02, v10;
	v9 =	vld.idx.msk [tilespmem:v9+s12+$0x0], $0xffff;
	v5 =	vcvt.f32.s32 v5  }
0x73: {  	v13 =	vadd.f32 $1.000000000e+00, v13;
	v55 =	vmul.f32 $1.275000000e+02, v16;
	v14 =	vmax.f32 v54, $0.0e+00;
	v8 =	vld.idx.msk [tilespmem:v52+s12+$0x0], $0xffff  }
0x74: {  	v12 =	vadd.f32 $1.000000000e+00, v12;
	v2 =	vmul.f32 $1.275000000e+02, v2;
	v10 =	vmax.f32 v10, $0.0e+00;
	v3 =	vld.idx.msk [tilespmem:v3+s12+$0x0], $0xffff  }
0x75: {  	v13 =	vmul.f32 $1.275000000e+02, v13;
	v14 =	vmin.f32 v14, $2.550000000e+02;
	v4 =	vadd.f32 $1.000000000e+00, v4;
	v0 =	vld.idx.msk [tilespmem:v0+s12+$0x0], $0xffff  }
0x76: {  	v10 =	vmin.f32 v10, $2.550000000e+02;
	v14 =	vtrunc.f32 v14;
	v12 =	vmul.f32 $1.275000000e+02, v12;
	v1 =	vld.idx.msk [tilespmem:v1+s12+$0x0], $0xffff  }
0x77: {  	v10 =	vtrunc.f32 v10;
	v11 =	vmul.f32 $1.275000000e+02, v53;
	v13 =	vmax.f32 v13, $0.0e+00;
	v6 =	vld.idx.msk [tilespmem:v6+s12+$0x0], $0xffff  }
0x78: {  	v14 =	vcvt.f32.s32 v14;
	v13 =	vmin.f32 v13, $2.550000000e+02;
	v12 =	vmax.f32 v12, $0.0e+00;
	v5 =	vld.idx.msk [tilespmem:v5+s12+$0x0], $0xffff;
	[tilespmem:s21+$0x8000] =	vst v9  }
0x79: {  	v4 =	vmul.f32 $1.275000000e+02, v4;
	v13 =	vtrunc.f32 v13;
	v12 =	vmin.f32 v12, $2.550000000e+02;
	[tilespmem:s21+$0x8040] =	vst v3  }
0x7a: {  	v2 =	vmax.f32 v2, $0.0e+00;
	v57 =	vcvt.f32.s32 v13;
	v12 =	vtrunc.f32 v12;
	[tilespmem:s21+$0x8070] =	vst v8  }
0x7b: {  	v60 =	vcvt.f32.s32 v10;
	v4 =	vmax.f32 v4, $0.0e+00;
	v59 =	vcvt.f32.s32 v12;
	[tilespmem:s21+$0x8050] =	vst v7  }
0x7c: {  	v2 =	vmin.f32 v2, $2.550000000e+02;
	v58 =	vmax.f32 v11, $0.0e+00;
	v62 =	vmin.f32 v4, $2.550000000e+02;
	[tilespmem:s21+$0x8010] =	vst v1  }
0x7d: {  	v61 =	vtrunc.f32 v2;
	v2 =	vtrunc.f32 v62;
	v3 =	vmin.f32 v58, $2.550000000e+02;
	[tilespmem:s21+$0x8060] =	vst v6  }
0x7e: {  	v56 =	vmax.f32 v55, $0.0e+00;
	v2 =	vcvt.f32.s32 v2;
	v3 =	vtrunc.f32 v3;
	[tilespmem:s21+$0x8030] =	vst v0  }
0x7f: {  	v1 =	vmin.f32 v56, $2.550000000e+02;
	v3 =	vcvt.f32.s32 v3;
	[tilespmem:s21+$0x8020] =	vst v5  }
0x80: {  	v0 =	vcvt.f32.s32 v61;
	v1 =	vtrunc.f32 v1;
	v63 =	vld.idx.msk [tilespmem:v57+s12+$0x0], $0xffff  }
0x81: {  	v1 =	vcvt.f32.s32 v1;
	v5 =	vld.idx.msk [tilespmem:v59+s12+$0x0], $0xffff  }
0x82: {  	v6 =	vld.idx.msk [tilespmem:v60+s12+$0x0], $0xffff  }
0x83: {  	v7 =	vld.idx.msk [tilespmem:v14+s12+$0x0], $0xffff  }
0x84: {  	v2 =	vld.idx.msk [tilespmem:v2+s12+$0x0], $0xffff  }
0x85: {  	v3 =	vld.idx.msk [tilespmem:v3+s12+$0x0], $0xffff  }
0x86: {  	v0 =	vld.idx.msk [tilespmem:v0+s12+$0x0], $0xffff  }
0x87: {  	v1 =	vld.idx.msk [tilespmem:v1+s12+$0x0], $0xffff;
	[tilespmem:s22+$0x8010] =	vst v6  }
0x88: {  	[tilespmem:s22+$0x8000] =	vst v7  }
0x89: {  	[tilespmem:s22+$0x8020] =	vst v2  }
0x8a: {  	[tilespmem:s22+$0x8030] =	vst v5  }
0x8b: {  	[tilespmem:s22+$0x8050] =	vst v63  }
0x8c: {  	s21 =	sshrl.u32 s24, $0x3;
	[tilespmem:s22+$0x8040] =	vst v3  }
0x8d: {  	s25 =	simm.s32 $0x8100;
	s23 =	sadd.s32 s6, s21;
	[tilespmem:s22+$0x8070] =	vst v0  }
0x8e: {  	s24 =	simm.s32 $0x8000;
	s26 =	sadd.s32 $0x0, s23;
	[tilespmem:s22+$0x8060] =	vst v1;
	s22 =	simm.s32 $0x10  }
.LBB2_9:
0x8f: {  	[hbm4b:s26+s4] =	stream.linear.scatter [tilespmem:s24], [sflag:$0x3], $0x80, $0x38;
	[tilespmem:$0x10100] =	vst v63  }
0x90: {  	s26 =	smov.u32 s22;
	s24 =	smov.u32 s25;
	p1 =	sne.s32 s22, $0x7F0  }
.Ltmp5:
0x91: {  	s22 =	sadd.s32 $0x10, s22;
	(pc) =	sbr.rel @p1 .LBB2_9-.Ltmp5, $2  }
0x92: {  	_ =	sdelay $0x2  }
0x93: {  	s25 =	sadd.s32 $0x100, s25;
	s26 =	sadd.s32 s26, s23  }
0x94: {  	p1 =	sne.s32 s19, $0x3F  }
.Ltmp6:
0x95: {  	_ = 	snop;
	(pc) =	sbr.rel @p1 .LBB2_12-.Ltmp6, $2  }
0x96: {  	_ =	sdelay $0x2  }
0x97: {  	[hbm4b:s26+s4] =	stream.linear.scatter [tilespmem:s24], [sflag:$0x3], $0x80, $0x38;
	[tilespmem:$0x10100] =	vst v63  }
.Ltmp7:
0x98: {  	(pc) =	sbr.rel .LBB2_15-.Ltmp7, $4  }
0x99: {  	_ = 	snop  }
0x9a: {  	_ =	swait.ge [sflag:s15], $0x4000  }
0x9b: {  	[sflag:s15] =	ssyncset.done $0x0  }
0x9c: {  	[sflag:s15] =	ssyncadd.s32 $0xFFFFC000  }
.LBB2_12:
0x9d: {  	s22 =	sadd.s32 s20, s9  }
0x9e: {  	s22 =	sshrl.u32 s22, $0x3  }
0x9f: {  	s23 =	simm.s32 $0x0;
	s22 =	sadd.s32 s2, s22  }
0xa0: {  	s24 =	simm.s32 $0x10;
	s25 =	simm.s32 $0x100;
	s26 =	sadd.s32 $0x0, s22  }
.LBB2_13:
0xa1: {  	[tilespmem:s23], [sflag:$0x1] =	stream.linear.gather [hbm4b:s26+s4], $0x80, $0x38;
	[tilespmem:$0x10100] =	vst v63  }
0xa2: {  	s26 =	smov.u32 s24;
	s23 =	smov.u32 s25;
	p1 =	sne.s32 s24, $0x7F0  }
.Ltmp8:
0xa3: {  	s24 =	sadd.s32 $0x10, s24;
	(pc) =	sbr.rel @p1 .LBB2_13-.Ltmp8, $2  }
0xa4: {  	_ =	sdelay $0x2  }
0xa5: {  	s25 =	sadd.s32 $0x100, s25;
	s26 =	sadd.s32 s26, s22  }
.Ltmp9:
0xa6: {  	(pc) =	sbr.rel @p0 .LBB2_16-.Ltmp9, $4  }
0xa7: {  	[tilespmem:s23], [sflag:$0x1] =	stream.linear.gather [hbm4b:s26+s4], $0x80, $0x38;
	[tilespmem:$0x10100] =	vst v63  }
0xa8: {  	_ =	swait.ge [sflag:s15], $0x4000  }
0xa9: {  	[sflag:s15] =	ssyncset.done $0x0  }
0xaa: {  	[sflag:s15] =	ssyncadd.s32 $0xFFFFC000  }
.LBB2_15:
0xab: {  	_ =	swait.ge [sflag:s16], $0x4000  }
0xac: {  	[sflag:s16] =	ssyncset.done $0x0  }
0xad: {  	[sflag:s16] =	ssyncadd.s32 $0xFFFFC000  }
.LBB2_16:
0xae: {  	s24 =	simm.s32 $0x0  }
0xaf: {  	v0 =	vld [tilespmem:s24+$0x80]  }
0xb0: {  	v1 =	vld [tilespmem:s24+$0xF0]  }
0xb1: {  	v2 =	vld [tilespmem:s24+$0xC0]  }
0xb2: {  	v3 =	vld [tilespmem:s24+$0xD0]  }
0xb3: {  	v4 =	vld [tilespmem:s24+$0x90]  }
0xb4: {  	v5 =	vld [tilespmem:s24+$0xE0]  }
0xb5: {  	v6 =	vld [tilespmem:s24+$0xB0]  }
0xb6: {  	s22 =	simm.s32 $0x100;
	v7 =	vld [tilespmem:s24+$0xA0]  }
0xb7: {  	v8 =	vld [tilespmem:s22+$0x80]  }
0xb8: {  	v10 =	vld [tilespmem:s22+$0xE0];
	v0 =	vadd.f32 $1.000000000e+00, v0;
	v2 =	vadd.f32 $1.000000000e+00, v2  }
0xb9: {  	s23 =	simm.s32 $0x200;
	v12 =	vld [tilespmem:s22+$0xD0];
	v3 =	vadd.f32 $1.000000000e+00, v3;
	v4 =	vadd.f32 $1.000000000e+00, v4  }
0xba: {  	v18 =	vld [tilespmem:s23+$0x80];
	v1 =	vadd.f32 $1.000000000e+00, v1;
	v5 =	vadd.f32 $1.000000000e+00, v5  }
0xbb: {  	v6 =	vadd.f32 $1.000000000e+00, v6;
	v7 =	vadd.f32 $1.000000000e+00, v7;
	v0 =	vmul.f32 $1.275000000e+02, v0  }
0xbc: {  	v8 =	vadd.f32 $1.000000000e+00, v8;
	v2 =	vmul.f32 $1.275000000e+02, v2;
	v3 =	vmul.f32 $1.275000000e+02, v3  }
0xbd: {  	v10 =	vadd.f32 $1.000000000e+00, v10;
	v1 =	vmul.f32 $1.275000000e+02, v1;
	v5 =	vmul.f32 $1.275000000e+02, v5  }
0xbe: {  	v12 =	vadd.f32 $1.000000000e+00, v12;
	v6 =	vmul.f32 $1.275000000e+02, v6;
	v8 =	vmul.f32 $1.275000000e+02, v8  }
0xbf: {  	v18 =	vadd.f32 $1.000000000e+00, v18;
	v7 =	vmul.f32 $1.275000000e+02, v7;
	v10 =	vmul.f32 $1.275000000e+02, v10  }
0xc0: {  	v4 =	vmul.f32 $1.275000000e+02, v4;
	v0 =	vmax.f32 v0, $0.0e+00;
	v3 =	vmax.f32 v3, $0.0e+00  }
0xc1: {  	v9 =	vld [tilespmem:s22+$0x90];
	v1 =	vmax.f32 v1, $0.0e+00;
	v5 =	vmax.f32 v5, $0.0e+00;
	v2 =	vmax.f32 v2, $0.0e+00  }
0xc2: {  	v8 =	vmax.f32 v8, $0.0e+00;
	v4 =	vmax.f32 v4, $0.0e+00;
	v0 =	vmin.f32 v0, $2.550000000e+02  }
0xc3: {  	v3 =	vmin.f32 v3, $2.550000000e+02;
	v1 =	vmin.f32 v1, $2.550000000e+02;
	v5 =	vmin.f32 v5, $2.550000000e+02  }
0xc4: {  	v11 =	vld [tilespmem:s22+$0xC0];
	v8 =	vmin.f32 v8, $2.550000000e+02;
	v2 =	vmin.f32 v2, $2.550000000e+02;
	v0 =	vtrunc.f32 v0  }
0xc5: {  	v14 =	vld [tilespmem:s22+$0xF0];
	v4 =	vmin.f32 v4, $2.550000000e+02;
	v3 =	vtrunc.f32 v3;
	v13 =	vtrunc.f32 v1  }
0xc6: {  	v1 =	vadd.f32 $1.000000000e+00, v9;
	v9 =	vld [tilespmem:s22+$0xB0];
	v5 =	vtrunc.f32 v5;
	v8 =	vtrunc.f32 v8  }
0xc7: {  	v6 =	vmax.f32 v6, $0.0e+00;
	v20 =	vtrunc.f32 v2;
	v4 =	vtrunc.f32 v4  }
0xc8: {  	v7 =	vmax.f32 v7, $0.0e+00;
	v0 =	vcvt.f32.s32 v0;
	v24 =	vcvt.f32.s32 v3  }
0xc9: {  	v3 =	vadd.f32 $1.000000000e+00, v11;
	v11 =	vmin.f32 v6, $2.550000000e+02;
	v5 =	vcvt.f32.s32 v5  }
0xca: {  	v26 =	vld [tilespmem:s23+$0xE0];
	v6 =	vcvt.f32.s32 v13;
	v13 =	vadd.f32 $1.000000000e+00, v14;
	v19 =	vcvt.f32.s32 v4  }
0xcb: {  	v20 =	vcvt.f32.s32 v20;
	v16 =	vadd.f32 $1.000000000e+00, v9;
	v9 =	vmul.f32 $1.275000000e+02, v12;
	v12 =	vld [tilespmem:s22+$0xA0]  }
0xcc: {  	v21 =	vld [tilespmem:s23+$0x90];
	v7 =	vmin.f32 v7, $2.550000000e+02;
	v11 =	vtrunc.f32 v11;
	v13 =	vmul.f32 $1.275000000e+02, v13  }
0xcd: {  	v2 =	vld [tilespmem:s23+$0xF0];
	v3 =	vmul.f32 $1.275000000e+02, v3;
	v11 =	vcvt.f32.s32 v11;
	v9 =	vmax.f32 v9, $0.0e+00  }
0xce: {  	v14 =	vld [tilespmem:s23+$0xC0];
	v13 =	vmax.f32 v13, $0.0e+00;
	v23 =	vmul.f32 $1.275000000e+02, v16;
	v9 =	vmin.f32 v9, $2.550000000e+02  }
0xcf: {  	v4 =	vld [tilespmem:s23+$0xA0];
	v25 =	vtrunc.f32 v9;
	v9 =	vcvt.f32.s32 v8;
	v8 =	vmin.f32 v13, $2.550000000e+02  }
0xd0: {  	v16 =	vadd.f32 $1.000000000e+00, v26;
	v13 =	vld [tilespmem:s23+$0xD0];
	v17 =	vadd.f32 $1.000000000e+00, v12;
	v15 =	vtrunc.f32 v8  }
0xd1: {  	v8 =	vtrunc.f32 v7;
	v12 =	vld [tilespmem:s23+$0xB0];
	v7 =	vmax.f32 v10, $0.0e+00;
	v10 =	vadd.f32 $1.000000000e+00, v21  }
0xd2: {  	s25 =	simm.s32 $0xC00;
	v22 =	vmin.f32 v7, $2.550000000e+02;
	v7 =	vcvt.f32.s32 v25;
	v21 =	vcvt.f32.s32 v8;
	v8 =	vld.idx.msk [tilespmem:v24+s12+$0x0], $0xffff  }
.LBB2_17:
0xd3: {  	s26 =	sshra.s32 s25, $0x2;
	p0 =	sne.s32 s25, $0x1FC00;
	s25 =	sadd.s32 $0x400, s25;
	v14 =	vadd.f32 $1.000000000e+00, v14;
	v23 =	vmax.f32 v23, $0.0e+00;
	v22 =	vtrunc.f32 v22;
	v24 =	vld.idx.msk [tilespmem:v11+s12+$0x0], $0xffff  }
0xd4: {  	v11 =	vmul.f32 $1.275000000e+02, v18;
	v18 =	vmin.f32 v23, $2.550000000e+02;
	v22 =	vcvt.f32.s32 v22;
	v19 =	vld.idx.msk [tilespmem:v19+s12+$0x0], $0xffff  }
0xd5: {  	v15 =	vcvt.f32.s32 v15;
	v13 =	vadd.f32 $1.000000000e+00, v13;
	v23 =	vmax.f32 v3, $0.0e+00;
	v25 =	vld.idx.msk [tilespmem:v0+s12+$0x0], $0xffff;
	v0 =	vmovc v9  }
0xd6: {  	v3 =	vmul.f32 $1.275000000e+02, v14;
	v9 =	vmax.f32 v11, $0.0e+00;
	v14 =	vmul.f32 $1.275000000e+02, v17;
	v17 =	vld.idx.msk [tilespmem:v20+s12+$0x0], $0xffff  }
0xd7: {  	v11 =	vtrunc.f32 v18;
	v20 =	vadd.f32 $1.000000000e+00, v12;
	v12 =	vmul.f32 $1.275000000e+02, v13;
	v13 =	vld.idx.msk [tilespmem:v5+s12+$0x0], $0xffff;
	v5 =	vmovc v22  }
0xd8: {  	v16 =	vmul.f32 $1.275000000e+02, v16;
	v9 =	vmin.f32 v9, $2.550000000e+02;
	v11 =	vcvt.f32.s32 v11;
	v18 =	vld.idx.msk [tilespmem:v6+s12+$0x0], $0xffff;
	v6 =	vmovc v15  }
0xd9: {  	v22 =	vmul.f32 $1.275000000e+02, v1;
	v1 =	vmovc v10;
	v15 =	vadd.f32 $1.000000000e+00, v2;
	v2 =	vmin.f32 v23, $2.550000000e+02;
	v21 =	vld.idx.msk [tilespmem:v21+s12+$0x0], $0xffff  }
0xda: {  	v9 =	vtrunc.f32 v9;
	v12 =	vmax.f32 v12, $0.0e+00;
	v26 =	vtrunc.f32 v2;
	v10 =	vld [tilespmem:s26+$0x80];
	[tilespmem:s24+$0x8090] =	vst v19  }
0xdb: {  	v12 =	vmin.f32 v12, $2.550000000e+02;
	v15 =	vmul.f32 $1.275000000e+02, v15;
	v19 =	vmax.f32 v22, $0.0e+00;
	v2 =	vld [tilespmem:s26+$0xF0];
	[tilespmem:s24+$0x8080] =	vst v25  }
0xdc: {  	v25 =	vtrunc.f32 v12;
	v12 =	vmax.f32 v14, $0.0e+00;
	v14 =	vmin.f32 v19, $2.550000000e+02;
	v22 =	vld [tilespmem:s26+$0x90];
	[tilespmem:s24+$0x80C0] =	vst v17  }
0xdd: {  	v9 =	vcvt.f32.s32 v9;
	v15 =	vmax.f32 v15, $0.0e+00;
	v17 =	vtrunc.f32 v14;
	v27 =	vld [tilespmem:s26+$0xE0];
	[tilespmem:s24+$0x80E0] =	vst v13  }
.Ltmp10:
0xde: {  	v12 =	vmin.f32 v12, $2.550000000e+02;
	v15 =	vmin.f32 v15, $2.550000000e+02;
	v19 =	vcvt.f32.s32 v17;
	v14 =	vld [tilespmem:s26+$0xC0];
	[tilespmem:s24+$0x80F0] =	vst v18;
	(pc) =	sbr.rel @p0 .LBB2_17-.Ltmp10, $4  }
0xdf: {  	v17 =	vadd.f32 $1.000000000e+00, v4;
	v28 =	vtrunc.f32 v12;
	v15 =	vtrunc.f32 v15;
	v13 =	vld [tilespmem:s26+$0xD0];
	[tilespmem:s24+$0x80A0] =	vst v21  }
0xe0: {  	v16 =	vmax.f32 v16, $0.0e+00;
	v23 =	vmul.f32 $1.275000000e+02, v20;
	v20 =	vcvt.f32.s32 v26;
	v12 =	vld [tilespmem:s26+$0xB0];
	[tilespmem:s24+$0x80B0] =	vst v24  }
0xe1: {  	v18 =	vadd.f32 $1.000000000e+00, v10;
	v4 =	vld [tilespmem:s26+$0xA0];
	v10 =	vadd.f32 $1.000000000e+00, v22;
	v22 =	vmin.f32 v16, $2.550000000e+02;
	[tilespmem:s24+$0x80D0] =	vst v8;
	s24 =	smov.u32 s22;
	s22 =	smov.u32 s23;
	s23 =	smov.u32 s26  }
0xe2: {  	v21 =	vcvt.f32.s32 v28;
	v16 =	vadd.f32 $1.000000000e+00, v27;
	v8 =	vld.idx.msk [tilespmem:v7+s12+$0x0], $0xffff;
	v7 =	vcvt.f32.s32 v25  }
0xe3: {  	_ =	sdelay $0x3  }
0xe4: {  	v11 =	vld.idx.msk [tilespmem:v11+s12+$0x0], $0xffff  }
0xe5: {  	v19 =	vld.idx.msk [tilespmem:v19+s12+$0x0], $0xffff  }
0xe6: {  	v0 =	vld.idx.msk [tilespmem:v0+s12+$0x0], $0xffff  }
0xe7: {  	v20 =	vld.idx.msk [tilespmem:v20+s12+$0x0], $0xffff  }
0xe8: {  	v5 =	vld.idx.msk [tilespmem:v5+s12+$0x0], $0xffff  }
0xe9: {  	v6 =	vld.idx.msk [tilespmem:v6+s12+$0x0], $0xffff  }
0xea: {  	v21 =	vld.idx.msk [tilespmem:v21+s12+$0x0], $0xffff;
	[tilespmem:s24+$0x80D0] =	vst v8  }
0xeb: {  	v1 =	vmul.f32 $1.275000000e+02, v1;
	[tilespmem:s24+$0x8090] =	vst v19  }
0xec: {  	v23 =	vmax.f32 v23, $0.0e+00;
	v3 =	vmax.f32 v3, $0.0e+00;
	v50 =	vmul.f32 $1.275000000e+02, v17;
	[tilespmem:s24+$0x8080] =	vst v0  }
0xed: {  	v51 =	vtrunc.f32 v22;
	v52 =	vcvt.f32.s32 v15;
	v3 =	vmin.f32 v3, $2.550000000e+02;
	[tilespmem:s24+$0x80C0] =	vst v20  }
0xee: {  	v48 =	vmin.f32 v23, $2.550000000e+02;
	v1 =	vmax.f32 v1, $0.0e+00;
	v3 =	vtrunc.f32 v3;
	[tilespmem:s24+$0x80E0] =	vst v5  }
0xef: {  	v49 =	vtrunc.f32 v48;
	v1 =	vmin.f32 v1, $2.550000000e+02;
	v3 =	vcvt.f32.s32 v3;
	[tilespmem:s24+$0x80F0] =	vst v6  }
0xf0: {  	v1 =	vtrunc.f32 v1;
	v0 =	vcvt.f32.s32 v49;
	v5 =	vmax.f32 v50, $0.0e+00;
	[tilespmem:s24+$0x80B0] =	vst v11  }
0xf1: {  	v54 =	vmul.f32 $1.275000000e+02, v18;
	v1 =	vcvt.f32.s32 v1;
	[tilespmem:s24+$0x80A0] =	vst v21;
	v5 =	vmin.f32 v5, $2.550000000e+02  }
0xf2: {  	v53 =	vadd.f32 $1.000000000e+00, v14;
	v6 =	vcvt.f32.s32 v51;
	v5 =	vtrunc.f32 v5;
	v7 =	vld.idx.msk [tilespmem:v7+s12+$0x0], $0xffff  }
0xf3: {  	v2 =	vadd.f32 $1.000000000e+00, v2;
	v10 =	vmul.f32 $1.275000000e+02, v10;
	v9 =	vld.idx.msk [tilespmem:v9+s12+$0x0], $0xffff;
	v5 =	vcvt.f32.s32 v5  }
0xf4: {  	v13 =	vadd.f32 $1.000000000e+00, v13;
	v55 =	vmul.f32 $1.275000000e+02, v16;
	v14 =	vmax.f32 v54, $0.0e+00;
	v8 =	vld.idx.msk [tilespmem:v52+s12+$0x0], $0xffff  }
0xf5: {  	v12 =	vadd.f32 $1.000000000e+00, v12;
	v2 =	vmul.f32 $1.275000000e+02, v2;
	v10 =	vmax.f32 v10, $0.0e+00;
	v3 =	vld.idx.msk [tilespmem:v3+s12+$0x0], $0xffff  }
0xf6: {  	v13 =	vmul.f32 $1.275000000e+02, v13;
	v14 =	vmin.f32 v14, $2.550000000e+02;
	v4 =	vadd.f32 $1.000000000e+00, v4;
	v0 =	vld.idx.msk [tilespmem:v0+s12+$0x0], $0xffff  }
0xf7: {  	v10 =	vmin.f32 v10, $2.550000000e+02;
	v14 =	vtrunc.f32 v14;
	v12 =	vmul.f32 $1.275000000e+02, v12;
	v1 =	vld.idx.msk [tilespmem:v1+s12+$0x0], $0xffff  }
0xf8: {  	v10 =	vtrunc.f32 v10;
	v11 =	vmul.f32 $1.275000000e+02, v53;
	v13 =	vmax.f32 v13, $0.0e+00;
	v6 =	vld.idx.msk [tilespmem:v6+s12+$0x0], $0xffff  }
0xf9: {  	v14 =	vcvt.f32.s32 v14;
	v13 =	vmin.f32 v13, $2.550000000e+02;
	v12 =	vmax.f32 v12, $0.0e+00;
	v5 =	vld.idx.msk [tilespmem:v5+s12+$0x0], $0xffff;
	[tilespmem:s22+$0x8080] =	vst v9  }
0xfa: {  	v4 =	vmul.f32 $1.275000000e+02, v4;
	v13 =	vtrunc.f32 v13;
	v12 =	vmin.f32 v12, $2.550000000e+02;
	[tilespmem:s22+$0x80C0] =	vst v3  }
0xfb: {  	v2 =	vmax.f32 v2, $0.0e+00;
	v57 =	vcvt.f32.s32 v13;
	v12 =	vtrunc.f32 v12;
	[tilespmem:s22+$0x80F0] =	vst v8  }
0xfc: {  	v60 =	vcvt.f32.s32 v10;
	v4 =	vmax.f32 v4, $0.0e+00;
	v59 =	vcvt.f32.s32 v12;
	[tilespmem:s22+$0x80D0] =	vst v7  }
0xfd: {  	v2 =	vmin.f32 v2, $2.550000000e+02;
	v58 =	vmax.f32 v11, $0.0e+00;
	v62 =	vmin.f32 v4, $2.550000000e+02;
	[tilespmem:s22+$0x8090] =	vst v1  }
0xfe: {  	v61 =	vtrunc.f32 v2;
	v2 =	vtrunc.f32 v62;
	v3 =	vmin.f32 v58, $2.550000000e+02;
	[tilespmem:s22+$0x80E0] =	vst v6  }
0xff: {  	v56 =	vmax.f32 v55, $0.0e+00;
	v2 =	vcvt.f32.s32 v2;
	v3 =	vtrunc.f32 v3;
	[tilespmem:s22+$0x80B0] =	vst v0  }
0x100: {  	v1 =	vmin.f32 v56, $2.550000000e+02;
	v3 =	vcvt.f32.s32 v3;
	[tilespmem:s22+$0x80A0] =	vst v5  }
0x101: {  	v0 =	vcvt.f32.s32 v61;
	v1 =	vtrunc.f32 v1;
	v63 =	vld.idx.msk [tilespmem:v57+s12+$0x0], $0xffff  }
0x102: {  	v1 =	vcvt.f32.s32 v1;
	v5 =	vld.idx.msk [tilespmem:v59+s12+$0x0], $0xffff  }
0x103: {  	v6 =	vld.idx.msk [tilespmem:v60+s12+$0x0], $0xffff  }
0x104: {  	v7 =	vld.idx.msk [tilespmem:v14+s12+$0x0], $0xffff  }
0x105: {  	v2 =	vld.idx.msk [tilespmem:v2+s12+$0x0], $0xffff  }
0x106: {  	v3 =	vld.idx.msk [tilespmem:v3+s12+$0x0], $0xffff  }
0x107: {  	v0 =	vld.idx.msk [tilespmem:v0+s12+$0x0], $0xffff  }
0x108: {  	v1 =	vld.idx.msk [tilespmem:v1+s12+$0x0], $0xffff;
	[tilespmem:s23+$0x8090] =	vst v6  }
0x109: {  	[tilespmem:s23+$0x8080] =	vst v7  }
0x10a: {  	[tilespmem:s23+$0x80A0] =	vst v2  }
0x10b: {  	[tilespmem:s23+$0x80B0] =	vst v5  }
0x10c: {  	s21 =	sadd.s32 s21, s6;
	[tilespmem:s23+$0x80D0] =	vst v63  }
0x10d: {  	s21 =	sadd.s32 $0x800, s21;
	[tilespmem:s23+$0x80C0] =	vst v3  }
0x10e: {  	s25 =	sadd.s32 $0x0, s21;
	[tilespmem:s23+$0x80F0] =	vst v0  }
0x10f: {  	s24 =	simm.s32 $0x8180;
	s22 =	simm.s32 $0x8080;
	[tilespmem:s23+$0x80E0] =	vst v1;
	s23 =	simm.s32 $0x10  }
.LBB2_19:
0x110: {  	[hbm4b:s25+s4] =	stream.linear.scatter [tilespmem:s22], [sflag:$0x4], $0x80, $0x38;
	[tilespmem:$0x10100] =	vst v63  }
0x111: {  	s25 =	smov.u32 s23;
	s22 =	smov.u32 s24;
	p0 =	sne.s32 s23, $0x7F0  }
.Ltmp11:
0x112: {  	s23 =	sadd.s32 $0x10, s23;
	(pc) =	sbr.rel @p0 .LBB2_19-.Ltmp11, $2  }
0x113: {  	_ =	sdelay $0x2  }
0x114: {  	s24 =	sadd.s32 $0x100, s24;
	s25 =	sadd.s32 s25, s21  }
0x115: {  	p0 =	seq.s32 s19, $0x3F  }
.Ltmp12:
0x116: {  	_ = 	snop;
	(pc) =	sbr.rel @p0 .LBB2_24-.Ltmp12, $2  }
0x117: {  	_ =	sdelay $0x2  }
0x118: {  	[hbm4b:s25+s4] =	stream.linear.scatter [tilespmem:s22], [sflag:$0x4], $0x80, $0x38;
	[tilespmem:$0x10100] =	vst v63  }
0x119: {  	s20 =	sadd.s32 s20, s10  }
0x11a: {  	s20 =	sshrl.u32 s20, $0x3  }
0x11b: {  	s21 =	simm.s32 $0x80;
	s20 =	sadd.s32 s2, s20  }
0x11c: {  	s22 =	simm.s32 $0x10;
	s23 =	simm.s32 $0x180;
	s24 =	sadd.s32 $0x0, s20  }
.LBB2_22:
0x11d: {  	[tilespmem:s21], [sflag:$0x2] =	stream.linear.gather [hbm4b:s24+s4], $0x80, $0x38;
	[tilespmem:$0x10100] =	vst v63  }
0x11e: {  	s24 =	smov.u32 s22;
	s21 =	smov.u32 s23;
	p0 =	sne.s32 s22, $0x7F0  }
.Ltmp13:
0x11f: {  	s22 =	sadd.s32 $0x10, s22;
	(pc) =	sbr.rel @p0 .LBB2_22-.Ltmp13, $2  }
0x120: {  	_ =	sdelay $0x2  }
0x121: {  	s23 =	sadd.s32 $0x100, s23;
	s24 =	sadd.s32 s24, s20  }
.Ltmp14:
0x122: {  	(pc) =	sbr.rel .LBB2_6-.Ltmp14, $3  }
0x123: {  	_ =	sdelay $0x1  }
0x124: {  	[tilespmem:s21], [sflag:$0x2] =	stream.linear.gather [hbm4b:s24+s4], $0x80, $0x38;
	[tilespmem:$0x10100] =	vst v63  }
0x125: {  	s19 =	sadd.s32 $0x1, s19  }
.LBB2_25:
0x126: {  	_ =	sfence.sel $0x180000  }
0x127: {  	[bflag:$0x0] =	sbarrier.arrive $0xFFFF  }
0x128: {  	p0 =	sne.s32 s1, $0x0;
	_ =	strace $0x9000004D  }
0x129: {  	s0 =	sadd.s32 @!p0 $0x100000, s0;
	[bflag:$0x2] =	sbarrier.arrive $0xFFFF  }
0x12a: {  	[sflag:s0] =	ssyncadd.tile.s32 @!p0 $0x1;
	_ =	shalt  }
.Lfunc_end2:
_tile_overlayer_lowered:
.L_overlay_start_2:
0x12b: {  	(tag) =	ssettag $0x2  }
0x12c: {  	s0 =	rddreg [dreg:$0x0];
	s2 =	stileid.u32  }
0x12d: {  	s1 =	rddreg [dreg:$0x1];
	p0 =	sne.s32 s2, $0x0  }
0x12e: {  	s3 =	rddreg [dreg:$0x2];
	[bflag:$0x3] =	sbarrier.arrive $0xFFFF;
	s2 =	simm.s32 @!p0 $0x1C05  }
0x12f: {  	[timem:s3], [sflag:s2] =	dma.local @!p0 [hbm:s0], s1  }
0x130: {  	s0 =	simm.s32 @!p0 $0x5  }
0x131: {  	_ =	swait.ge @!p0 [sflag:s0], s1  }
0x132: {  	s1 =	ssub.s32 @!p0 $0x0, s1;
	[sflag:s0] =	ssyncset.done @!p0 $0x0  }
0x133: {  	[sflag:s0] =	ssyncadd.s32 @!p0 s1  }
0x134: {  	[bflag:$0x3] =	sbarrier.arrive $0xFFFF  }
0x135: {  	_ =	shalt  }

// kernel: sparse-core-data-format-call.cloned.1.call-start
scs
called_computation_lowered:
.L_overlay_start_0:
0x0: {  	s2 =	sld [smem:$0x3FD9]  }
0x1: {  	s3 =	sld [smem:$0x3FFE];
	_ =	sdelay $0x1  }
0x2: {  	s1 =	srdreg.scid  }
0x3: {  	s0 =	sand.u32 $0x1, s1  }
0x4: {  	s19 =	sshll.u32 s0, $0xA;
	s2 =	sadd.s32 s3, s2  }
0x5: {  	s2 =	sadd.s32 s2, s19  }
0x6: {  	[smem:$0x3FC7] =	sst s2  }
0x7: {  	_ = 	snop  }
0x8: {  	s2 =	sld [smem:$0x3FC9]  }
0x9: {  	s20 =	sld [smem:$0x3FD0];
	(tm) =	ssettm $0x1  }
0xa: {  	s4 =	sld [smem:$0x3FFB];
	_ =	sdelay $0x3  }
0xb: {  	_ =	strace s4  }
0xc: {  	s4 =	sld [smem:$0x3FFC];
	_ =	sdelay $0x3  }
0xd: {  	_ =	strace s4  }
0xe: {  	s4 =	sld [smem:$0x3FFD];
	_ =	sdelay $0x3  }
0xf: {  	_ =	strace s4  }
0x10: {  	_ =	strace $0x8FFFFFFF  }
0x11: {  	s21 =	sld [smem:$0x3FDB];
	_ =	sdelay $0x1  }
0x12: {  	s5 =	simm.s32 $_scs_section_size  }
0x13: {  	s6 =	simm.s32 $_size__tile_overlayer_lowered;
	s7 =	simm.s32 $_tile_overlayer_lowered  }
0x14: {  	s24 =	simm.s32 $0x1BFF;
	s23 =	sshll.u32 s7, $0x1;
	s4 =	sadd.s32 s5, s21  }
0x15: {  	s8 =	simm.s32 $0x0;
	s22 =	sshll.u32 s6, $0x1;
	s6 =	sadd.s32 s23, s4  }
0x16: {  	[timem:s8], [sflag:s24] =	dma.local [hbm:s6], s22  }
0x17: {  	_ =	swait.ge [sflag:s24], s22  }
0x18: {  	s5 =	ssub.s32 $0x0, s22;
	[sflag:s24] =	ssyncset.done $0x0  }
0x19: {  	[sflag:s24] =	ssyncadd.s32 s5;
	_ =	sdelay $0x1  }
0x1a: {  	s25 =	simm.s32 $0x1B8B  }
0x1b: {  	_ =	swait.ge [sflag:s25], $0x1  }
0x1c: {  	[sflag:s25] =	ssyncset.done $0x0  }
0x1d: {  	s26 =	simm.s32 $0x1B8E;
	[sflag:s25] =	ssyncadd.s32 $0xFFFFFFFF  }
0x1e: {  	s27 =	simm.s32 $execute0_lowered;
	[smem:$0x3FD2] =	sst s26  }
0x1f: {  	s5 =	sshll.u32 s27, $0x1;
	_ =	strace $0x80000046;
	[dreg:$0x1] =	wrdreg $0xFFFFFFFF  }
0x20: {  	s28 =	simm.s32 $_size_execute0_lowered;
	s4 =	sadd.s32 s4, s5;
	[dreg:$0x0] =	wrdreg $0x0  }
0x21: {  	s5 =	sshll.u32 s28, $0x1;
	[dreg:$0x2] =	wrdreg s4  }
0x22: {  	[dreg:$0x3] =	wrdreg s5  }
0x23: {  	[dreg:$0x4] =	wrdreg $0xC0  }
0x24: {  	_ =	task [dreg:s8], $0x5FFFF  }
0x25: {  	[dreg:$0x1] =	wrdreg $0xFFFFFFFF  }
0x26: {  	[dreg:$0x0] =	wrdreg $0x60  }
0x27: {  	[dreg:$0x2] =	wrdreg s2  }
0x28: {  	[dreg:$0x3] =	wrdreg s20  }
0x29: {  	[dreg:$0x4] =	wrdreg $0x9  }
0x2a: {  	_ =	task.clear_ibuf [dreg:s8], $0x5FFFF;
	_ =	strace $0x90000046  }
0x2b: {  	s29 =	simm.s32 $0x9;
	_ =	strace $0x80000048  }
0x2c: {  	_ =	swait.ge [sflag:s29], $0x1  }
0x2d: {  	[sflag:s29] =	ssyncadd.s32 $0xFFFFFFFF  }
0x2e: {  	_ =	strace $0x90000048  }
0x2f: {  	_ =	sfence  }
0x30: {  	s30 =	sld [smem:$0x0];
	_ =	sdelay $0x2  }
0x31: {  	s31 =	sshll.u32 s1, $0xD;
	s1 =	sshrl.u32 s1, $0x2  }
0x32: {  	s3 =	sand.u32 $0x4000, s31;
	s1 =	sadd.s32 s1, s30  }
0x33: {  	s0 =	sor.u32 s3, s0;
	s1 =	sshll.u32 s1, $0x11  }
0x34: {  	s0 =	sor.u32 s1, s0  }
0x35: {  	s0 =	sadd.s32 $0x8F2B, s0  }
0x36: {  	[sflag:s0] =	ssyncadd.remote.s32 $0x1  }
0x37: {  	_ =	sfence.sel $0xFFFF  }
0x38: {  	[dreg:$0x0] =	wrdreg $0xFFFFFFFF;
	(pc) =	sbr.abs _section_cstart, $3  }
0x39: {  	[dreg:$0x1] =	wrdreg $0xFFFFFFFF  }
0x3a: {  	_ =	task.clear_ibuf [dreg:s8], $0x2FFFF;
	_ =	strace $0x9FFFFFFF  }
0x3b: {  	(tm) =	ssettm $0x7FFFFFFF  }
tec
execute0_lowered:
.L_overlay_start_1:
0x0: {  	(tag) =	ssettag $0x1  }
0x1: {  	s2 =	rddreg [dreg:$0x0]  }
0x2: {  	s3 =	rddreg [dreg:$0x1]  }
0x3: {  	s0 =	rddreg [dreg:$0x2];
	_ =	strace $0x80000047  }
0x4: {  	s4 =	srdreg.scid;
	s1 =	stileid.u32;
	s6 =	simm.s32 $0x2  }
.Ltmp0:
0x5: {  	s11 =	simm.s32 $0x0;
	p0 =	por $0x0, $0x0;
	(pc) =	sbr.rel .LBB1_1-.Ltmp0, $4  }
0x6: {  	s7 =	simm.s32 $0x2000;
	s12 =	simm.s32 $0x0;
	s5 =	sshll.u32 s4, $0x4  }
0x7: {  	s9 =	simm.s32 $0x0;
	s4 =	simm.s32 $0x1;
	s5 =	sand.u32 $0x10, s5  }
0x8: {  	s8 =	simm.s32 $0x0;
	[sflag:s4] =	ssyncpa.u1 $0x0;
	s5 =	sor.u32 s1, s5  }
0x9: {  	[sflag:s6] =	ssyncpa.u1 $0x0;
	s6 =	simm.s32 $0x800;
	s10 =	smov.u32 s5  }
.LBB1_7:
0xa: {  	s13 =	sadd.s32 $0x10, s9  }
0xb: {  	s11 =	sadd.s32 $0x20, s10;
	s15 =	smov.u32 s10;
	p2 =	sgt.s32 s13, $0x3F  }
0xc: {  	p1 =	slt.u32 s8, $0x2;
	s15 =	smov.u32 @p2 s11  }
0xd: {  	s8 =	sadd.s32 $0x1, s8;
	s13 =	simm.s32 @p2 $0x0;
	p2 =	sgt.s32 s15, $0x3FF  }
0xe: {  	s15 =	smov.u32 @p2 s5;
	p2 =	sne.s32 s8, $0x82  }
.Ltmp1:
0xf: {  	_ = 	snop;
	(pc) =	sbr.rel @!p2 .LBB1_8-.Ltmp1, $4  }
0x10: {  	s14 =	simm.s32 @!p1 $0x2  }
0x11: {  	s12 =	smov.u32 s10;
	_ =	swait.ge @!p1 [sflag:s14], $0x4000  }
0x12: {  	p0 =	por !p0, !p0;
	s11 =	smov.u32 s9;
	[sflag:s14] =	ssyncset.done @!p1 $0x0  }
0x13: {  	s9 =	smov.u32 s13;
	[sflag:s14] =	ssyncadd.s32 @!p1 $0xFFFFC000;
	s10 =	smov.u32 s15  }
.LBB1_1:
0x14: {  	p1 =	sgt.u32 s8, $0x7F  }
0x15: {  	s13 =	sxor.u32 @!p1 $0xFFFFFFFF, s8;
	s14 =	sshll.u32 @!p1 s10, $0xD  }
0x16: {  	s15 =	sshll.u32 @!p1 s9, $0x7;
	s13 =	sshll.u32 @!p1 s13, $0xE;
	s14 =	sadd.s32 @!p1 s2, s14  }
0x17: {  	s13 =	sand.u32 @!p1 $0x4000, s13;
	s14 =	sadd.s32 @!p1 s15, s14;
	s15 =	simm.s32 @!p1 $0x0  }
0x18: {  	[tilespmem:s13], [sflag:$0x1] =	stream.linear.gather @!p1 [hbm4b:s14+s15], $0x4000, $0x38;
	[tilespmem:$0x10000] =	vst v63  }
0x19: {  	p1 =	seq.s32 s8, $0x0  }
0x1a: {  	p2 =	seq.s32 @!p1 s8, $0x81  }
0x1b: {  	p1 =	por p1, p2  }
.Ltmp2:
0x1c: {  	_ = 	snop;
	(pc) =	sbr.rel @p1 .LBB1_7-.Ltmp2, $1  }
0x1d: {  	_ =	sdelay $0x3  }
0x1e: {  	s13 =	simm.s32 $0x1;
	_ =	swait.ge [sflag:s4], $0x4000;
	s16 =	sshll.u32 s8, $0xE  }
0x1f: {  	s13 =	simm.s32 @!p0 $0x0;
	[sflag:s4] =	ssyncset.done $0x0;
	s31 =	sand.u32 $0x4000, s16  }
0x20: {  	s16 =	simm.s32 $0x0;
	s14 =	sshll.u32 s13, $0xE;
	[sflag:s4] =	ssyncadd.s32 $0xFFFFC000  }
0x21: {  	s13 =	sor.u32 $0x8040, s14;
	s15 =	sor.u32 $0x40, s14;
	s14 =	sor.u32 $0x8000, s31  }
.LBB1_3:
0x22: {  	v0 =	vmov s15;
	_ =	sdelay $0x3  }
0x23: {  	s18 =	simm.s32 $0x0  }
0x24: {  	v6 =	vld.idx.msk [tilespmem:v0+s18+$0x30 ss:$0x1], $0xffff  }
0x25: {  	v7 =	vld.idx.msk [tilespmem:v0+s18+$0xFFFFFFC0 ss:$0x1], $0xffff  }
0x26: {  	v5 =	vld.idx.msk [tilespmem:v0+s18+$0xFFFFFFD0 ss:$0x1], $0xffff  }
0x27: {  	v4 =	vld.idx.msk [tilespmem:v0+s18+$0xFFFFFFE0 ss:$0x1], $0xffff  }
0x28: {  	v3 =	vld.idx.msk [tilespmem:v0+s18+$0xFFFFFFF0 ss:$0x1], $0xffff  }
0x29: {  	v1 =	vld.idx.msk [tilespmem:v0+s18+$0x0 ss:$0x1], $0xffff  }
0x2a: {  	v2 =	vld.idx.msk [tilespmem:v0+s18+$0x10 ss:$0x1], $0xffff;
	[tilespmem:s13+$0x30] =	vst v6  }
0x2b: {  	s17 =	simm.s32 $0x80;
	s19 =	simm.s32 $0x400;
	[tilespmem:s13+$0xFFFFFFC0] =	vst v7;
	v6 =	vld.idx.msk [tilespmem:v0+s18+$0x20 ss:$0x1], $0xffff;
	s18 =	smov.u32 s13  }
.LBB1_4:
0x2c: {  	p1 =	sne.s32 s19, $0xE00;
	v7 =	vld.idx.msk [tilespmem:v0+s17+$0x30 ss:$0x1], $0xffff;
	[tilespmem:s18+$0xFFFFFFD0] =	vst v5  }
0x2d: {  	v8 =	vld.idx.msk [tilespmem:v0+s17+$0xFFFFFFC0 ss:$0x1], $0xffff;
	[tilespmem:s18+$0xFFFFFFE0] =	vst v4  }
0x2e: {  	v5 =	vld.idx.msk [tilespmem:v0+s17+$0xFFFFFFD0 ss:$0x1], $0xffff;
	[tilespmem:s18+$0xFFFFFFF0] =	vst v3  }
.Ltmp3:
0x2f: {  	v4 =	vld.idx.msk [tilespmem:v0+s17+$0xFFFFFFE0 ss:$0x1], $0xffff;
	[tilespmem:s18+$0x0] =	vst v1;
	(pc) =	sbr.rel @p1 .LBB1_4-.Ltmp3, $4  }
0x30: {  	v3 =	vld.idx.msk [tilespmem:v0+s17+$0xFFFFFFF0 ss:$0x1], $0xffff;
	[tilespmem:s18+$0x10] =	vst v2  }
0x31: {  	v1 =	vld.idx.msk [tilespmem:v0+s17+$0x0 ss:$0x1], $0xffff;
	[tilespmem:s18+$0x20] =	vst v6;
	s18 =	sadd.s32 $0x800, s18  }
0x32: {  	v2 =	vld.idx.msk [tilespmem:v0+s17+$0x10 ss:$0x1], $0xffff;
	[tilespmem:s18+$0x30] =	vst v7  }
0x33: {  	[tilespmem:s18+$0xFFFFFFC0] =	vst v8;
	v6 =	vld.idx.msk [tilespmem:v0+s17+$0x20 ss:$0x1], $0xffff;
	s17 =	sshra.s32 s19, $0x2;
	s19 =	sadd.s32 $0x200, s19  }
0x34: {  	_ =	sdelay $0x2  }
0x35: {  	[tilespmem:s18+$0xFFFFFFD0] =	vst v5  }
0x36: {  	v56 =	vld.idx.msk [tilespmem:v0+s17+$0x30 ss:$0x1], $0xffff;
	[tilespmem:s18+$0xFFFFFFE0] =	vst v4  }
0x37: {  	v57 =	vld.idx.msk [tilespmem:v0+s17+$0xFFFFFFC0 ss:$0x1], $0xffff;
	[tilespmem:s18+$0xFFFFFFF0] =	vst v3  }
0x38: {  	v58 =	vld.idx.msk [tilespmem:v0+s17+$0xFFFFFFD0 ss:$0x1], $0xffff;
	[tilespmem:s18+$0x0] =	vst v1  }
0x39: {  	v59 =	vld.idx.msk [tilespmem:v0+s17+$0xFFFFFFE0 ss:$0x1], $0xffff;
	[tilespmem:s18+$0x10] =	vst v2  }
0x3a: {  	v60 =	vld.idx.msk [tilespmem:v0+s17+$0xFFFFFFF0 ss:$0x1], $0xffff;
	s31 =	sadd.s32 $0x800, s18;
	[tilespmem:s18+$0x20] =	vst v6  }
0x3b: {  	v61 =	vld.idx.msk [tilespmem:v0+s17+$0x0 ss:$0x1], $0xffff;
	[tilespmem:s31+$0x30] =	vst v56  }
0x3c: {  	v62 =	vld.idx.msk [tilespmem:v0+s17+$0x10 ss:$0x1], $0xffff;
	s16 =	sadd.s32 $0x1, s16;
	[tilespmem:s31+$0xFFFFFFC0] =	vst v57  }
0x3d: {  	v63 =	vld.idx.msk [tilespmem:v0+s17+$0x20 ss:$0x1], $0xffff;
	p1 =	sne.s32 s16, $0x10;
	[tilespmem:s31+$0xFFFFFFD0] =	vst v58  }
.Ltmp4:
0x3e: {  	[tilespmem:s31+$0xFFFFFFE0] =	vst v59;
	(pc) =	sbr.rel @p1 .LBB1_3-.Ltmp4, $4  }
0x3f: {  	[tilespmem:s31+$0xFFFFFFF0] =	vst v60  }
0x40: {  	[tilespmem:s31+$0x0] =	vst v61  }
0x41: {  	[tilespmem:s31+$0x10] =	vst v62  }
0x42: {  	s13 =	sadd.s32 $0x80, s13;
	s15 =	sadd.s32 $0x400, s15;
	[tilespmem:s31+$0x20] =	vst v63  }
.Ltmp5:
0x43: {  	(pc) =	sbr.rel .LBB1_7-.Ltmp5, $4  }
0x44: {  	s12 =	sshll.u32 s12, $0xD;
	s11 =	sshll.u32 s11, $0x4  }
0x45: {  	s11 =	sand.u32 $0x3F0, s11;
	s12 =	sadd.s32 s3, s12  }
0x46: {  	s11 =	sadd.s32 s11, s12  }
0x47: {  	[hbm4b:s11+s6] =	stream.strided.scatter [tilespmem:s14], [sflag:$0x2], $0x4000, s7, s6, $0x38;
	[tilespmem:$0x10000] =	vst v63  }
.LBB1_8:
0x48: {  	_ =	sfence.sel $0x180000  }
0x49: {  	s2 =	simm.s32 $0x1;
	[bflag:$0x0] =	sbarrier.arrive $0xFFFF  }
0x4a: {  	s31 =	simm.s32 $0x2;
	[sflag:s2] =	ssyncpa.u1 $0x1  }
0x4b: {  	[sflag:s31] =	ssyncpa.u1 $0x1  }
0x4c: {  	p0 =	sne.s32 s1, $0x0;
	_ =	strace $0x90000047  }
0x4d: {  	s0 =	sadd.s32 @!p0 $0x100000, s0;
	[bflag:$0x2] =	sbarrier.arrive $0xFFFF  }
0x4e: {  	[sflag:s0] =	ssyncadd.tile.s32 @!p0 $0x1;
	_ =	shalt  }
.Lfunc_end1:
_tile_overlayer_lowered:
.L_overlay_start_2:
0x4f: {  	(tag) =	ssettag $0x2  }
0x50: {  	s0 =	rddreg [dreg:$0x0];
	s2 =	stileid.u32  }
0x51: {  	s1 =	rddreg [dreg:$0x1];
	p0 =	sne.s32 s2, $0x0  }
0x52: {  	s3 =	rddreg [dreg:$0x2];
	[bflag:$0x3] =	sbarrier.arrive $0xFFFF;
	s2 =	simm.s32 @!p0 $0x1C01  }
0x53: {  	[timem:s3], [sflag:s2] =	dma.local @!p0 [hbm:s0], s1  }
0x54: {  	s0 =	simm.s32 @!p0 $0x1  }
0x55: {  	_ =	swait.ge @!p0 [sflag:s0], s1  }
0x56: {  	s1 =	ssub.s32 @!p0 $0x0, s1;
	[sflag:s0] =	ssyncset.done @!p0 $0x0  }
0x57: {  	[sflag:s0] =	ssyncadd.s32 @!p0 s1  }
0x58: {  	[bflag:$0x3] =	sbarrier.arrive $0xFFFF  }
0x59: {  	_ =	shalt  }

</sc_bundles>
